<compile_context>
chip_gen: v7x
topology: tpu7x:2x2x1
jax: 0.10.2.dev20260603
libtpu: 0.0.44.dev20260713+nightly
codegen_flags: <defaults>
</compile_context>

<pallas_src>
import functools

import jax
import jax.numpy as jnp
from jax import lax
from jax.experimental import pallas as pl
from jax.experimental.pallas import tpu as pltpu
from jax.experimental.pallas import tpu_sc as plsc

B = 256
K = 4096
H, W = 210, 160
HW = H * W
HP, WP = H + 2, W + 32
CPAD = HP * WP
HB = 30
NBLK = H // HB
HB2 = HB + 2
BW2 = HB2 * WP

NC, NS = 2, 16
NW = NC * NS
SPW = B // NW

_mesh = plsc.VectorSubcoreMesh(
    core_axis_name="c", subcore_axis_name="s", num_cores=NC, num_subcores=NS
)

BHALF = B // 2
SPWH = BHALF // NW


def _make_scatter(base):
    @functools.partial(
        pl.kernel,
        out_type=jax.ShapeDtypeStruct((NBLK * BHALF, BW2), jnp.float32),
        mesh=_mesh,
        compiler_params=pltpu.CompilerParams(needs_layout_passes=False),
        scratch_types=[
            pltpu.VMEM((K,), jnp.int32),
            pltpu.VMEM((K,), jnp.float32),
            pltpu.VMEM((K,), jnp.int32),
            pltpu.VMEM((K,), jnp.int32),
            pltpu.VMEM((CPAD,), jnp.float32),
            pltpu.VMEM((CPAD,), jnp.float32),
            pltpu.SemaphoreType.DMA,
            pltpu.SemaphoreType.DMA,
        ],
    )
    def _scatter_sc(
        idx_hbm, val_hbm, out_hbm, idx_v, val_v, pidx0, pidx1, can0, can1, sem0, sem1
    ):
        wid = lax.axis_index("s") * NC + lax.axis_index("c")
        zeros = jnp.zeros((16,), jnp.float32)
        canvases, pidxs, sems = (can0, can1), (pidx0, pidx1), (sem0, sem1)

        @pl.loop(0, CPAD // 16, unroll=8)
        def _zero0(i):
            can0[pl.ds(i * 16, 16)] = zeros

        @pl.loop(0, CPAD // 16, unroll=8)
        def _zero1(i):
            can1[pl.ds(i * 16, 16)] = zeros

        descs = [None, None]
        for j in range(SPWH):
            p = j % 2
            canvas_v, pidx_v, sem = canvases[p], pidxs[p], sems[p]
            sl = wid * SPWH + j
            pltpu.sync_copy(idx_hbm.at[base + sl, 0], idx_v)
            pltpu.sync_copy(val_hbm.at[base + sl, 0], val_v)

            if descs[p] is not None:
                for d in descs[p]:
                    d.wait()

                @pl.loop(0, K // 16, unroll=4)
                def _rezero(c):
                    pv = pidx_v[pl.ds(c * 16, 16)]
                    plsc.store_scatter(canvas_v, [pv], zeros)

            @pl.loop(0, K // 16, unroll=4)
            def _scat(c):
                iv = idx_v[pl.ds(c * 16, 16)]
                vv = val_v[pl.ds(c * 16, 16)]
                row = jnp.right_shift(iv * 26215, 22)
                pidx = iv + row * (WP - W) + (WP + 1)
                pidx_v[pl.ds(c * 16, 16)] = pidx
                plsc.store_scatter(canvas_v, [pidx], vv)

            descs[p] = [
                pltpu.async_copy(
                    canvas_v.at[pl.ds(i * HB * WP, BW2)],
                    out_hbm.at[i * BHALF + sl],
                    sem,
                )
                for i in range(NBLK)
            ]
        for p in range(2):
            if descs[p] is not None:
                for d in descs[p]:
                    d.wait()

    return _scatter_sc


_sc_h0 = _make_scatter(0)
_sc_h1 = _make_scatter(BHALF)


BH = 128


def _conv_compute(x_ref, w_ref, b_ref, o_ref, scr_ref):
    x = x_ref[...]
    t = jnp.transpose(x)
    r = t.reshape(HB2, WP, BH)
    for dx in (1, 2):
        scr_ref[dx - 1] = r[:, dx : dx + W, :]
    for o in range(3):
        acc = None
        for dy in range(3):
            for dx in range(3):
                src = r[:, 0:W, :] if dx == 0 else scr_ref[dx - 1]
                v = w_ref[o, dy, dx] * src[dy : dy + HB]
                acc = v if acc is None else acc + v
        acc = acc + b_ref[o]
        o_ref[o] = 1.0 / (1.0 + jnp.exp(-acc))


def _make_conv(h, aliased):
    in_specs = [
        pl.BlockSpec((BH, BW2), lambda i: (i, 0)),
        pl.BlockSpec(memory_space=pltpu.SMEM),
        pl.BlockSpec(memory_space=pltpu.SMEM),
    ]
    if aliased:
        in_specs.append(pl.BlockSpec(memory_space=pl.ANY))

        def body(x_ref, w_ref, b_ref, y_ref, o_ref, scr_ref):
            del y_ref
            _conv_compute(x_ref, w_ref, b_ref, o_ref, scr_ref)

    else:
        body = _conv_compute
    return pl.pallas_call(
        body,
        grid=(NBLK,),
        in_specs=in_specs,
        out_specs=pl.BlockSpec((3, HB, W, BH), lambda i: (0, i, 0, h)),
        out_shape=jax.ShapeDtypeStruct((3, H, W, B), jnp.float32),
        scratch_shapes=[pltpu.VMEM((2, HB2, W, BH), jnp.float32)],
        input_output_aliases={3: 0} if aliased else {},
    )


_conv_h0 = _make_conv(0, aliased=False)
_conv_h1 = _make_conv(1, aliased=True)


def kernel(top_k, idx, W_arr, b):
    w3 = W_arr.reshape(3, 3, 3)
    o1 = _sc_h0(idx, top_k)
    o2 = _sc_h1(idx, top_k)
    y1 = _conv_h0(o1, w3, b)
    y2 = _conv_h1(o2, w3, b, y1)
    return jnp.transpose(y2, (3, 0, 1, 2))

# --- scband reference (transcript-rebuilt; emitter-appended) ---
"""Pipeline reference for scband-autoencoder-dm-26302379721220 (READ-ONLY COPY).

The authoritative reference and input builder live on the scoring server;
editing this copy changes nothing except your own understanding.
"""

import jax, jax.numpy as jnp
import numpy as np

B = 256
K = 4096
HW = 210 * 160

def setup_inputs(seed: int = 0) -> dict:
    key = jax.random.key(seed)
    k1, k2, k3, k4 = jax.random.split(key, 4)
    top_k = jax.random.normal(k1, (B, 1, K), dtype=jnp.float32)
    idx = jax.random.randint(k2, (B, 1, K), 0, HW, dtype=jnp.int32)
    # decoder conv params: Conv2d(1 -> 3, kernel 3x3, stride 1, padding 1)
    W = jax.random.normal(k3, (3, 1, 3, 3), dtype=jnp.float32) * 0.1
    b = jax.random.normal(k4, (3,), dtype=jnp.float32) * 0.01
    return {"top_k": top_k, "idx": idx, "W": W, "b": b}

def reference(top_k, idx, W, b):
    batch_size = top_k.shape[0]
    res = jnp.zeros((batch_size, 1, HW), dtype=top_k.dtype)
    b_idx = jnp.arange(batch_size).reshape(batch_size, 1, 1)
    c_idx = jnp.zeros_like(idx)
    # torch scatter(dim=2, idx, top_k) -> overwrite scatter along last dim
    x = res.at[b_idx, c_idx, idx].set(top_k)
    x = x.reshape(batch_size, 1, 210, 160)
    y = jax.lax.conv_general_dilated(
        x, W, window_strides=(1, 1), padding='SAME',
        dimension_numbers=('NCHW', 'OIHW', 'NCHW'))
    y = y + b.reshape(1, 3, 1, 1)
    return jax.nn.sigmoid(y)

if __name__ == "__main__":
    import jax
    _d = setup_inputs()
    print(jax.jit(kernel)(*tuple(_d.values())))

</pallas_src>

<mosaic_0001>
#map = affine_map<(d0, d1) -> (0, 0, 0)>
#map1 = affine_map<(d0, d1) -> (0, 0)>
module attributes {stable_mosaic.version = 14 : i64} {
  func.func @_scatter_sc(%arg0: i32, %arg1: i32, %arg2: memref<256x1x4096xi32, #tpu.memory_space<hbm>>, %arg3: memref<256x1x4096xf32, #tpu.memory_space<hbm>>, %arg4: memref<896x6144xf32, #tpu.memory_space<hbm>>, %arg5: memref<4096xi32, #tpu.memory_space<vmem>>, %arg6: memref<4096xf32, #tpu.memory_space<vmem>>, %arg7: memref<4096xi32, #tpu.memory_space<vmem>>, %arg8: memref<4096xi32, #tpu.memory_space<vmem>>, %arg9: memref<40704xf32, #tpu.memory_space<vmem>>, %arg10: memref<40704xf32, #tpu.memory_space<vmem>>, %arg11: memref<!tpu.dma_semaphore, #tpu.memory_space<semaphore_mem>>, %arg12: memref<!tpu.dma_semaphore, #tpu.memory_space<semaphore_mem>>) attributes {dimension_semantics = [#tpu.dimension_semantics<core_parallel>, #tpu.dimension_semantics<subcore_parallel>], iteration_bounds = array<i64: 2, 16>, scalar_prefetch = 0 : i64, scratch_operands = 8 : i64, tpu.core_type = #tpu.core_type<sc_vector_subcore>, window_params = [{transform_indices = #map}, {transform_indices = #map}, {transform_indices = #map1}]} {
    %mul3A = arith.constant 2 : i32
    %mul3A_0 = arith.muli %arg1, %mul3A : i32
    %add3A = arith.addi %mul3A_0, %arg0 : i32
    %broadcast_in_dim3A = arith.constant 0.000000e+00 : f32
    %broadcast_in_dim3A_1 = vector.broadcast %broadcast_in_dim3A : f32 to vector<16xf32>
    %scan3A = arith.constant 0 : i32
    %scan3A_2 = arith.constant 2544 : i32
    %scan3A_3 = arith.addi %scan3A, %scan3A_2 : i32
    %scan3A_4 = arith.constant 8 : i32
    scf.for %scan3A_694 = %scan3A to %scan3A_3 step %scan3A_4  : i32 {
      %mul3A_695 = arith.constant 1 : i32
      %mul3A_696 = arith.muli %scan3A_694, %mul3A_695 : i32
      %add3A_697 = arith.constant 0 : i32
      %add3A_698 = arith.addi %add3A_697, %mul3A_696 : i32
      %mul3A_699 = arith.constant 16 : i32
      %mul3A_700 = arith.muli %add3A_698, %mul3A_699 : i32
      %swap3A = arith.index_cast %mul3A_700 : i32 to index
      %swap3A_701 = tpu.vector_load %arg9[%swap3A] {strides = array<i32>} : memref<40704xf32, #tpu.memory_space<vmem>>, vector<16xf32>,
      tpu.vector_store %arg9[%swap3A], %broadcast_in_dim3A_1 {strides = array<i32>} : memref<40704xf32, #tpu.memory_space<vmem>>, vector<16xf32>,
      %scan3A_702 = arith.constant 1 : i32
      %scan3A_703 = arith.addi %scan3A_694, %scan3A_702 : i32
      %mul3A_704 = arith.constant 1 : i32
      %mul3A_705 = arith.muli %scan3A_703, %mul3A_704 : i32
      %add3A_706 = arith.constant 0 : i32
      %add3A_707 = arith.addi %add3A_706, %mul3A_705 : i32
      %mul3A_708 = arith.constant 16 : i32
      %mul3A_709 = arith.muli %add3A_707, %mul3A_708 : i32
      %swap3A_710 = arith.index_cast %mul3A_709 : i32 to index
      %swap3A_711 = tpu.vector_load %arg9[%swap3A_710] {strides = array<i32>} : memref<40704xf32, #tpu.memory_space<vmem>>, vector<16xf32>,
      tpu.vector_store %arg9[%swap3A_710], %broadcast_in_dim3A_1 {strides = array<i32>} : memref<40704xf32, #tpu.memory_space<vmem>>, vector<16xf32>,
      %scan3A_712 = arith.constant 2 : i32
      %scan3A_713 = arith.addi %scan3A_694, %scan3A_712 : i32
      %mul3A_714 = arith.constant 1 : i32
      %mul3A_715 = arith.muli %scan3A_713, %mul3A_714 : i32
      %add3A_716 = arith.constant 0 : i32
      %add3A_717 = arith.addi %add3A_716, %mul3A_715 : i32
      %mul3A_718 = arith.constant 16 : i32
      %mul3A_719 = arith.muli %add3A_717, %mul3A_718 : i32
      %swap3A_720 = arith.index_cast %mul3A_719 : i32 to index
      %swap3A_721 = tpu.vector_load %arg9[%swap3A_720] {strides = array<i32>} : memref<40704xf32, #tpu.memory_space<vmem>>, vector<16xf32>,
      tpu.vector_store %arg9[%swap3A_720], %broadcast_in_dim3A_1 {strides = array<i32>} : memref<40704xf32, #tpu.memory_space<vmem>>, vector<16xf32>,
      %scan3A_722 = arith.constant 3 : i32
      %scan3A_723 = arith.addi %scan3A_694, %scan3A_722 : i32
      %mul3A_724 = arith.constant 1 : i32
      %mul3A_725 = arith.muli %scan3A_723, %mul3A_724 : i32
      %add3A_726 = arith.constant 0 : i32
      %add3A_727 = arith.addi %add3A_726, %mul3A_725 : i32
      %mul3A_728 = arith.constant 16 : i32
      %mul3A_729 = arith.muli %add3A_727, %mul3A_728 : i32
      %swap3A_730 = arith.index_cast %mul3A_729 : i32 to index
      %swap3A_731 = tpu.vector_load %arg9[%swap3A_730] {strides = array<i32>} : memref<40704xf32, #tpu.memory_space<vmem>>, vector<16xf32>,
      tpu.vector_store %arg9[%swap3A_730], %broadcast_in_dim3A_1 {strides = array<i32>} : memref<40704xf32, #tpu.memory_space<vmem>>, vector<16xf32>,
      %scan3A_732 = arith.constant 4 : i32
      %scan3A_733 = arith.addi %scan3A_694, %scan3A_732 : i32
      %mul3A_734 = arith.constant 1 : i32
      %mul3A_735 = arith.muli %scan3A_733, %mul3A_734 : i32
      %add3A_736 = arith.constant 0 : i32
      %add3A_737 = arith.addi %add3A_736, %mul3A_735 : i32
      %mul3A_738 = arith.constant 16 : i32
      %mul3A_739 = arith.muli %add3A_737, %mul3A_738 : i32
      %swap3A_740 = arith.index_cast %mul3A_739 : i32 to index
      %swap3A_741 = tpu.vector_load %arg9[%swap3A_740] {strides = array<i32>} : memref<40704xf32, #tpu.memory_space<vmem>>, vector<16xf32>,
      tpu.vector_store %arg9[%swap3A_740], %broadcast_in_dim3A_1 {strides = array<i32>} : memref<40704xf32, #tpu.memory_space<vmem>>, vector<16xf32>,
      %scan3A_742 = arith.constant 5 : i32
      %scan3A_743 = arith.addi %scan3A_694, %scan3A_742 : i32
      %mul3A_744 = arith.constant 1 : i32
      %mul3A_745 = arith.muli %scan3A_743, %mul3A_744 : i32
      %add3A_746 = arith.constant 0 : i32
      %add3A_747 = arith.addi %add3A_746, %mul3A_745 : i32
      %mul3A_748 = arith.constant 16 : i32
      %mul3A_749 = arith.muli %add3A_747, %mul3A_748 : i32
      %swap3A_750 = arith.index_cast %mul3A_749 : i32 to index
      %swap3A_751 = tpu.vector_load %arg9[%swap3A_750] {strides = array<i32>} : memref<40704xf32, #tpu.memory_space<vmem>>, vector<16xf32>,
      tpu.vector_store %arg9[%swap3A_750], %broadcast_in_dim3A_1 {strides = array<i32>} : memref<40704xf32, #tpu.memory_space<vmem>>, vector<16xf32>,
      %scan3A_752 = arith.constant 6 : i32
      %scan3A_753 = arith.addi %scan3A_694, %scan3A_752 : i32
      %mul3A_754 = arith.constant 1 : i32
      %mul3A_755 = arith.muli %scan3A_753, %mul3A_754 : i32
      %add3A_756 = arith.constant 0 : i32
      %add3A_757 = arith.addi %add3A_756, %mul3A_755 : i32
      %mul3A_758 = arith.constant 16 : i32
      %mul3A_759 = arith.muli %add3A_757, %mul3A_758 : i32
      %swap3A_760 = arith.index_cast %mul3A_759 : i32 to index
      %swap3A_761 = tpu.vector_load %arg9[%swap3A_760] {strides = array<i32>} : memref<40704xf32, #tpu.memory_space<vmem>>, vector<16xf32>,
      tpu.vector_store %arg9[%swap3A_760], %broadcast_in_dim3A_1 {strides = array<i32>} : memref<40704xf32, #tpu.memory_space<vmem>>, vector<16xf32>,
      %scan3A_762 = arith.constant 7 : i32
      %scan3A_763 = arith.addi %scan3A_694, %scan3A_762 : i32
      %mul3A_764 = arith.constant 1 : i32
      %mul3A_765 = arith.muli %scan3A_763, %mul3A_764 : i32
      %add3A_766 = arith.constant 0 : i32
      %add3A_767 = arith.addi %add3A_766, %mul3A_765 : i32
      %mul3A_768 = arith.constant 16 : i32
      %mul3A_769 = arith.muli %add3A_767, %mul3A_768 : i32
      %swap3A_770 = arith.index_cast %mul3A_769 : i32 to index
      %swap3A_771 = tpu.vector_load %arg9[%swap3A_770] {strides = array<i32>} : memref<40704xf32, #tpu.memory_space<vmem>>, vector<16xf32>,
      tpu.vector_store %arg9[%swap3A_770], %broadcast_in_dim3A_1 {strides = array<i32>} : memref<40704xf32, #tpu.memory_space<vmem>>, vector<16xf32>,
    }
    %scan3A_5 = arith.constant 2544 : i32
    %scan3A_6 = arith.constant 0 : i32
    %scan3A_7 = arith.constant 2544 : i32
    %scan3A_8 = arith.addi %scan3A_6, %scan3A_7 : i32
    %scan3A_9 = arith.constant 8 : i32
    scf.for %scan3A_694 = %scan3A_6 to %scan3A_8 step %scan3A_9  : i32 {
      %mul3A_695 = arith.constant 1 : i32
      %mul3A_696 = arith.muli %scan3A_694, %mul3A_695 : i32
      %add3A_697 = arith.constant 0 : i32
      %add3A_698 = arith.addi %add3A_697, %mul3A_696 : i32
      %mul3A_699 = arith.constant 16 : i32
      %mul3A_700 = arith.muli %add3A_698, %mul3A_699 : i32
      %swap3A = arith.index_cast %mul3A_700 : i32 to index
      %swap3A_701 = tpu.vector_load %arg10[%swap3A] {strides = array<i32>} : memref<40704xf32, #tpu.memory_space<vmem>>, vector<16xf32>,
      tpu.vector_store %arg10[%swap3A], %broadcast_in_dim3A_1 {strides = array<i32>} : memref<40704xf32, #tpu.memory_space<vmem>>, vector<16xf32>,
      %scan3A_702 = arith.constant 1 : i32
      %scan3A_703 = arith.addi %scan3A_694, %scan3A_702 : i32
      %mul3A_704 = arith.constant 1 : i32
      %mul3A_705 = arith.muli %scan3A_703, %mul3A_704 : i32
      %add3A_706 = arith.constant 0 : i32
      %add3A_707 = arith.addi %add3A_706, %mul3A_705 : i32
      %mul3A_708 = arith.constant 16 : i32
      %mul3A_709 = arith.muli %add3A_707, %mul3A_708 : i32
      %swap3A_710 = arith.index_cast %mul3A_709 : i32 to index
      %swap3A_711 = tpu.vector_load %arg10[%swap3A_710] {strides = array<i32>} : memref<40704xf32, #tpu.memory_space<vmem>>, vector<16xf32>,
      tpu.vector_store %arg10[%swap3A_710], %broadcast_in_dim3A_1 {strides = array<i32>} : memref<40704xf32, #tpu.memory_space<vmem>>, vector<16xf32>,
      %scan3A_712 = arith.constant 2 : i32
      %scan3A_713 = arith.addi %scan3A_694, %scan3A_712 : i32
      %mul3A_714 = arith.constant 1 : i32
      %mul3A_715 = arith.muli %scan3A_713, %mul3A_714 : i32
      %add3A_716 = arith.constant 0 : i32
      %add3A_717 = arith.addi %add3A_716, %mul3A_715 : i32
      %mul3A_718 = arith.constant 16 : i32
      %mul3A_719 = arith.muli %add3A_717, %mul3A_718 : i32
      %swap3A_720 = arith.index_cast %mul3A_719 : i32 to index
      %swap3A_721 = tpu.vector_load %arg10[%swap3A_720] {strides = array<i32>} : memref<40704xf32, #tpu.memory_space<vmem>>, vector<16xf32>,
      tpu.vector_store %arg10[%swap3A_720], %broadcast_in_dim3A_1 {strides = array<i32>} : memref<40704xf32, #tpu.memory_space<vmem>>, vector<16xf32>,
      %scan3A_722 = arith.constant 3 : i32
      %scan3A_723 = arith.addi %scan3A_694, %scan3A_722 : i32
      %mul3A_724 = arith.constant 1 : i32
      %mul3A_725 = arith.muli %scan3A_723, %mul3A_724 : i32
      %add3A_726 = arith.constant 0 : i32
      %add3A_727 = arith.addi %add3A_726, %mul3A_725 : i32
      %mul3A_728 = arith.constant 16 : i32
      %mul3A_729 = arith.muli %add3A_727, %mul3A_728 : i32
      %swap3A_730 = arith.index_cast %mul3A_729 : i32 to index
      %swap3A_731 = tpu.vector_load %arg10[%swap3A_730] {strides = array<i32>} : memref<40704xf32, #tpu.memory_space<vmem>>, vector<16xf32>,
      tpu.vector_store %arg10[%swap3A_730], %broadcast_in_dim3A_1 {strides = array<i32>} : memref<40704xf32, #tpu.memory_space<vmem>>, vector<16xf32>,
      %scan3A_732 = arith.constant 4 : i32
      %scan3A_733 = arith.addi %scan3A_694, %scan3A_732 : i32
      %mul3A_734 = arith.constant 1 : i32
      %mul3A_735 = arith.muli %scan3A_733, %mul3A_734 : i32
      %add3A_736 = arith.constant 0 : i32
      %add3A_737 = arith.addi %add3A_736, %mul3A_735 : i32
      %mul3A_738 = arith.constant 16 : i32
      %mul3A_739 = arith.muli %add3A_737, %mul3A_738 : i32
      %swap3A_740 = arith.index_cast %mul3A_739 : i32 to index
      %swap3A_741 = tpu.vector_load %arg10[%swap3A_740] {strides = array<i32>} : memref<40704xf32, #tpu.memory_space<vmem>>, vector<16xf32>,
      tpu.vector_store %arg10[%swap3A_740], %broadcast_in_dim3A_1 {strides = array<i32>} : memref<40704xf32, #tpu.memory_space<vmem>>, vector<16xf32>,
      %scan3A_742 = arith.constant 5 : i32
      %scan3A_743 = arith.addi %scan3A_694, %scan3A_742 : i32
      %mul3A_744 = arith.constant 1 : i32
      %mul3A_745 = arith.muli %scan3A_743, %mul3A_744 : i32
      %add3A_746 = arith.constant 0 : i32
      %add3A_747 = arith.addi %add3A_746, %mul3A_745 : i32
      %mul3A_748 = arith.constant 16 : i32
      %mul3A_749 = arith.muli %add3A_747, %mul3A_748 : i32
      %swap3A_750 = arith.index_cast %mul3A_749 : i32 to index
      %swap3A_751 = tpu.vector_load %arg10[%swap3A_750] {strides = array<i32>} : memref<40704xf32, #tpu.memory_space<vmem>>, vector<16xf32>,
      tpu.vector_store %arg10[%swap3A_750], %broadcast_in_dim3A_1 {strides = array<i32>} : memref<40704xf32, #tpu.memory_space<vmem>>, vector<16xf32>,
      %scan3A_752 = arith.constant 6 : i32
      %scan3A_753 = arith.addi %scan3A_694, %scan3A_752 : i32
      %mul3A_754 = arith.constant 1 : i32
      %mul3A_755 = arith.muli %scan3A_753, %mul3A_754 : i32
      %add3A_756 = arith.constant 0 : i32
      %add3A_757 = arith.addi %add3A_756, %mul3A_755 : i32
      %mul3A_758 = arith.constant 16 : i32
      %mul3A_759 = arith.muli %add3A_757, %mul3A_758 : i32
      %swap3A_760 = arith.index_cast %mul3A_759 : i32 to index
      %swap3A_761 = tpu.vector_load %arg10[%swap3A_760] {strides = array<i32>} : memref<40704xf32, #tpu.memory_space<vmem>>, vector<16xf32>,
      tpu.vector_store %arg10[%swap3A_760], %broadcast_in_dim3A_1 {strides = array<i32>} : memref<40704xf32, #tpu.memory_space<vmem>>, vector<16xf32>,
      %scan3A_762 = arith.constant 7 : i32
      %scan3A_763 = arith.addi %scan3A_694, %scan3A_762 : i32
      %mul3A_764 = arith.constant 1 : i32
      %mul3A_765 = arith.muli %scan3A_763, %mul3A_764 : i32
      %add3A_766 = arith.constant 0 : i32
      %add3A_767 = arith.addi %add3A_766, %mul3A_765 : i32
      %mul3A_768 = arith.constant 16 : i32
      %mul3A_769 = arith.muli %add3A_767, %mul3A_768 : i32
      %swap3A_770 = arith.index_cast %mul3A_769 : i32 to index
      %swap3A_771 = tpu.vector_load %arg10[%swap3A_770] {strides = array<i32>} : memref<40704xf32, #tpu.memory_space<vmem>>, vector<16xf32>,
      tpu.vector_store %arg10[%swap3A_770], %broadcast_in_dim3A_1 {strides = array<i32>} : memref<40704xf32, #tpu.memory_space<vmem>>, vector<16xf32>,
    }
    %scan3A_10 = arith.constant 2544 : i32
    %mul3A_11 = arith.constant 4 : i32
    %mul3A_12 = arith.muli %add3A, %mul3A_11 : i32
    %add3A_13 = arith.constant 0 : i32
    %add3A_14 = arith.addi %mul3A_12, %add3A_13 : i32
    %add3A_15 = arith.constant 128 : i32
    %add3A_16 = arith.addi %add3A_15, %add3A_14 : i32
    %run_scoped3A = arith.constant 0 : i32
    "tpu.region"() ({
      %run_scoped3A_694 = tpu.sem_alloc : memref<!tpu.dma_semaphore, #tpu.memory_space<semaphore_mem>>
      %dma_start3A_695 = arith.constant 0 : i32
      %dma_start3A_696 = tpu.memref_slice %arg2[%add3A_16, %run_scoped3A, %dma_start3A_695] : memref<256x1x4096xi32, #tpu.memory_space<hbm>> -> memref<1x1x4096xi32, #tpu.memory_space<hbm>>
      %dma_start3A_697 = tpu.memref_squeeze %dma_start3A_696 : memref<1x1x4096xi32, #tpu.memory_space<hbm>> -> memref<4096xi32, #tpu.memory_space<hbm>>
      %dma_start3A_698 = arith.constant 0 : i32
      %dma_start3A_699 = tpu.memref_slice %arg2[%add3A_16, %run_scoped3A, %dma_start3A_698] : memref<256x1x4096xi32, #tpu.memory_space<hbm>> -> memref<1x1x4096xi32, #tpu.memory_space<hbm>>
      %dma_start3A_700 = tpu.memref_squeeze %dma_start3A_699 : memref<1x1x4096xi32, #tpu.memory_space<hbm>> -> memref<4096xi32, #tpu.memory_space<hbm>>
      tpu.enqueue_dma source(%dma_start3A_700 : memref<4096xi32, #tpu.memory_space<hbm>>) target(%arg5 : memref<4096xi32, #tpu.memory_space<vmem>>) target_semaphore(%run_scoped3A_694 : memref<!tpu.dma_semaphore, #tpu.memory_space<semaphore_mem>>)
      %dma_wait3A_701 = arith.constant 0 : i32
      %dma_wait3A_702 = tpu.memref_slice %arg2[%add3A_16, %run_scoped3A, %dma_wait3A_701] : memref<256x1x4096xi32, #tpu.memory_space<hbm>> -> memref<1x1x4096xi32, #tpu.memory_space<hbm>>
      %dma_wait3A_703 = tpu.memref_squeeze %dma_wait3A_702 : memref<1x1x4096xi32, #tpu.memory_space<hbm>> -> memref<4096xi32, #tpu.memory_space<hbm>>
      %dma_wait3A_704 = arith.constant 0 : i32
      %dma_wait3A_705 = tpu.memref_slice %arg2[%add3A_16, %run_scoped3A, %dma_wait3A_704] : memref<256x1x4096xi32, #tpu.memory_space<hbm>> -> memref<1x1x4096xi32, #tpu.memory_space<hbm>>
      %dma_wait3A_706 = tpu.memref_squeeze %dma_wait3A_705 : memref<1x1x4096xi32, #tpu.memory_space<hbm>> -> memref<4096xi32, #tpu.memory_space<hbm>>
      tpu.wait_dma2 semaphore(%run_scoped3A_694 : memref<!tpu.dma_semaphore, #tpu.memory_space<semaphore_mem>>) src(%dma_wait3A_706 : memref<4096xi32, #tpu.memory_space<hbm>>) dst(%arg5 : memref<4096xi32, #tpu.memory_space<vmem>>)
      tpu.yield
    }) : () -> ()
    %add3A_17 = arith.constant 128 : i32
    %add3A_18 = arith.addi %add3A_17, %add3A_14 : i32
    %run_scoped3A_19 = arith.constant 0 : i32
    "tpu.region"() ({
      %run_scoped3A_694 = tpu.sem_alloc : memref<!tpu.dma_semaphore, #tpu.memory_space<semaphore_mem>>
      %dma_start3A_695 = arith.constant 0 : i32
      %dma_start3A_696 = tpu.memref_slice %arg3[%add3A_18, %run_scoped3A_19, %dma_start3A_695] : memref<256x1x4096xf32, #tpu.memory_space<hbm>> -> memref<1x1x4096xf32, #tpu.memory_space<hbm>>
      %dma_start3A_697 = tpu.memref_squeeze %dma_start3A_696 : memref<1x1x4096xf32, #tpu.memory_space<hbm>> -> memref<4096xf32, #tpu.memory_space<hbm>>
      %dma_start3A_698 = arith.constant 0 : i32
      %dma_start3A_699 = tpu.memref_slice %arg3[%add3A_18, %run_scoped3A_19, %dma_start3A_698] : memref<256x1x4096xf32, #tpu.memory_space<hbm>> -> memref<1x1x4096xf32, #tpu.memory_space<hbm>>
      %dma_start3A_700 = tpu.memref_squeeze %dma_start3A_699 : memref<1x1x4096xf32, #tpu.memory_space<hbm>> -> memref<4096xf32, #tpu.memory_space<hbm>>
      tpu.enqueue_dma source(%dma_start3A_700 : memref<4096xf32, #tpu.memory_space<hbm>>) target(%arg6 : memref<4096xf32, #tpu.memory_space<vmem>>) target_semaphore(%run_scoped3A_694 : memref<!tpu.dma_semaphore, #tpu.memory_space<semaphore_mem>>)
      %dma_wait3A_701 = arith.constant 0 : i32
      %dma_wait3A_702 = tpu.memref_slice %arg3[%add3A_18, %run_scoped3A_19, %dma_wait3A_701] : memref<256x1x4096xf32, #tpu.memory_space<hbm>> -> memref<1x1x4096xf32, #tpu.memory_space<hbm>>
      %dma_wait3A_703 = tpu.memref_squeeze %dma_wait3A_702 : memref<1x1x4096xf32, #tpu.memory_space<hbm>> -> memref<4096xf32, #tpu.memory_space<hbm>>
      %dma_wait3A_704 = arith.constant 0 : i32
      %dma_wait3A_705 = tpu.memref_slice %arg3[%add3A_18, %run_scoped3A_19, %dma_wait3A_704] : memref<256x1x4096xf32, #tpu.memory_space<hbm>> -> memref<1x1x4096xf32, #tpu.memory_space<hbm>>
      %dma_wait3A_706 = tpu.memref_squeeze %dma_wait3A_705 : memref<1x1x4096xf32, #tpu.memory_space<hbm>> -> memref<4096xf32, #tpu.memory_space<hbm>>
      tpu.wait_dma2 semaphore(%run_scoped3A_694 : memref<!tpu.dma_semaphore, #tpu.memory_space<semaphore_mem>>) src(%dma_wait3A_706 : memref<4096xf32, #tpu.memory_space<hbm>>) dst(%arg6 : memref<4096xf32, #tpu.memory_space<vmem>>)
      tpu.yield
    }) : () -> ()
    %scan3A_20 = arith.constant 0 : i32
    %scan3A_21 = arith.constant 256 : i32
    %scan3A_22 = arith.addi %scan3A_20, %scan3A_21 : i32
    %scan3A_23 = arith.constant 4 : i32
    scf.for %scan3A_694 = %scan3A_20 to %scan3A_22 step %scan3A_23  : i32 {
      %mul3A_695 = arith.constant 1 : i32
      %mul3A_696 = arith.muli %scan3A_694, %mul3A_695 : i32
      %add3A_697 = arith.constant 0 : i32
      %add3A_698 = arith.addi %add3A_697, %mul3A_696 : i32
      %mul3A_699 = arith.constant 16 : i32
      %mul3A_700 = arith.muli %add3A_698, %mul3A_699 : i32
      %get3A = arith.index_cast %mul3A_700 : i32 to index
      %get3A_701 = tpu.vector_load %arg5[%get3A] {strides = array<i32>} : memref<4096xi32, #tpu.memory_space<vmem>>, vector<16xi32>,
      %mul3A_702 = arith.constant 16 : i32
      %mul3A_703 = arith.muli %add3A_698, %mul3A_702 : i32
      %get3A_704 = arith.index_cast %mul3A_703 : i32 to index
      %get3A_705 = tpu.vector_load %arg6[%get3A_704] {strides = array<i32>} : memref<4096xf32, #tpu.memory_space<vmem>>, vector<16xf32>,
      %mul3A_706 = arith.constant 26215 : i32
      %mul3A_707 = vector.broadcast %mul3A_706 : i32 to vector<16xi32>
      %mul3A_708 = arith.muli %get3A_701, %mul3A_707 : vector<16xi32>
      %shift_right_arithmetic3A = arith.constant 22 : i32
      %shift_right_arithmetic3A_709 = vector.broadcast %shift_right_arithmetic3A : i32 to vector<16xi32>
      %shift_right_arithmetic3A_710 = arith.shrsi %mul3A_708, %shift_right_arithmetic3A_709 : vector<16xi32>
      %mul3A_711 = arith.constant 32 : i32
      %mul3A_712 = vector.broadcast %mul3A_711 : i32 to vector<16xi32>
      %mul3A_713 = arith.muli %shift_right_arithmetic3A_710, %mul3A_712 : vector<16xi32>
      %add3A_714 = arith.addi %get3A_701, %mul3A_713 : vector<16xi32>
      %add3A_715 = arith.constant 193 : i32
      %add3A_716 = vector.broadcast %add3A_715 : i32 to vector<16xi32>
      %add3A_717 = arith.addi %add3A_714, %add3A_716 : vector<16xi32>
      %mul3A_718 = arith.constant 16 : i32
      %mul3A_719 = arith.muli %add3A_698, %mul3A_718 : i32
      %swap3A = arith.index_cast %mul3A_719 : i32 to index
      %swap3A_720 = tpu.vector_load %arg7[%swap3A] {strides = array<i32>} : memref<4096xi32, #tpu.memory_space<vmem>>, vector<16xi32>,
      tpu.vector_store %arg7[%swap3A], %add3A_717 {strides = array<i32>} : memref<4096xi32, #tpu.memory_space<vmem>>, vector<16xi32>,
      tpu.vector_store_idx %arg9[%add3A_717], %get3A_705 : memref<40704xf32, #tpu.memory_space<vmem>>[vector<16xi32>], vector<16xf32>,
      %scan3A_721 = arith.constant 1 : i32
      %scan3A_722 = arith.addi %scan3A_694, %scan3A_721 : i32
      %mul3A_723 = arith.constant 1 : i32
      %mul3A_724 = arith.muli %scan3A_722, %mul3A_723 : i32
      %add3A_725 = arith.constant 0 : i32
      %add3A_726 = arith.addi %add3A_725, %mul3A_724 : i32
      %mul3A_727 = arith.constant 16 : i32
      %mul3A_728 = arith.muli %add3A_726, %mul3A_727 : i32
      %get3A_729 = arith.index_cast %mul3A_728 : i32 to index
      %get3A_730 = tpu.vector_load %arg5[%get3A_729] {strides = array<i32>} : memref<4096xi32, #tpu.memory_space<vmem>>, vector<16xi32>,
      %mul3A_731 = arith.constant 16 : i32
      %mul3A_732 = arith.muli %add3A_726, %mul3A_731 : i32
      %get3A_733 = arith.index_cast %mul3A_732 : i32 to index
      %get3A_734 = tpu.vector_load %arg6[%get3A_733] {strides = array<i32>} : memref<4096xf32, #tpu.memory_space<vmem>>, vector<16xf32>,
      %mul3A_735 = arith.constant 26215 : i32
      %mul3A_736 = vector.broadcast %mul3A_735 : i32 to vector<16xi32>
      %mul3A_737 = arith.muli %get3A_730, %mul3A_736 : vector<16xi32>
      %shift_right_arithmetic3A_738 = arith.constant 22 : i32
      %shift_right_arithmetic3A_739 = vector.broadcast %shift_right_arithmetic3A_738 : i32 to vector<16xi32>
      %shift_right_arithmetic3A_740 = arith.shrsi %mul3A_737, %shift_right_arithmetic3A_739 : vector<16xi32>
      %mul3A_741 = arith.constant 32 : i32
      %mul3A_742 = vector.broadcast %mul3A_741 : i32 to vector<16xi32>
      %mul3A_743 = arith.muli %shift_right_arithmetic3A_740, %mul3A_742 : vector<16xi32>
      %add3A_744 = arith.addi %get3A_730, %mul3A_743 : vector<16xi32>
      %add3A_745 = arith.constant 193 : i32
      %add3A_746 = vector.broadcast %add3A_745 : i32 to vector<16xi32>
      %add3A_747 = arith.addi %add3A_744, %add3A_746 : vector<16xi32>
      %mul3A_748 = arith.constant 16 : i32
      %mul3A_749 = arith.muli %add3A_726, %mul3A_748 : i32
      %swap3A_750 = arith.index_cast %mul3A_749 : i32 to index
      %swap3A_751 = tpu.vector_load %arg7[%swap3A_750] {strides = array<i32>} : memref<4096xi32, #tpu.memory_space<vmem>>, vector<16xi32>,
      tpu.vector_store %arg7[%swap3A_750], %add3A_747 {strides = array<i32>} : memref<4096xi32, #tpu.memory_space<vmem>>, vector<16xi32>,
      tpu.vector_store_idx %arg9[%add3A_747], %get3A_734 : memref<40704xf32, #tpu.memory_space<vmem>>[vector<16xi32>], vector<16xf32>,
      %scan3A_752 = arith.constant 2 : i32
      %scan3A_753 = arith.addi %scan3A_694, %scan3A_752 : i32
      %mul3A_754 = arith.constant 1 : i32
      %mul3A_755 = arith.muli %scan3A_753, %mul3A_754 : i32
      %add3A_756 = arith.constant 0 : i32
      %add3A_757 = arith.addi %add3A_756, %mul3A_755 : i32
      %mul3A_758 = arith.constant 16 : i32
      %mul3A_759 = arith.muli %add3A_757, %mul3A_758 : i32
      %get3A_760 = arith.index_cast %mul3A_759 : i32 to index
      %get3A_761 = tpu.vector_load %arg5[%get3A_760] {strides = array<i32>} : memref<4096xi32, #tpu.memory_space<vmem>>, vector<16xi32>,
      %mul3A_762 = arith.constant 16 : i32
      %mul3A_763 = arith.muli %add3A_757, %mul3A_762 : i32
      %get3A_764 = arith.index_cast %mul3A_763 : i32 to index
      %get3A_765 = tpu.vector_load %arg6[%get3A_764] {strides = array<i32>} : memref<4096xf32, #tpu.memory_space<vmem>>, vector<16xf32>,
      %mul3A_766 = arith.constant 26215 : i32
      %mul3A_767 = vector.broadcast %mul3A_766 : i32 to vector<16xi32>
      %mul3A_768 = arith.muli %get3A_761, %mul3A_767 : vector<16xi32>
      %shift_right_arithmetic3A_769 = arith.constant 22 : i32
      %shift_right_arithmetic3A_770 = vector.broadcast %shift_right_arithmetic3A_769 : i32 to vector<16xi32>
      %shift_right_arithmetic3A_771 = arith.shrsi %mul3A_768, %shift_right_arithmetic3A_770 : vector<16xi32>
      %mul3A_772 = arith.constant 32 : i32
      %mul3A_773 = vector.broadcast %mul3A_772 : i32 to vector<16xi32>
      %mul3A_774 = arith.muli %shift_right_arithmetic3A_771, %mul3A_773 : vector<16xi32>
      %add3A_775 = arith.addi %get3A_761, %mul3A_774 : vector<16xi32>
      %add3A_776 = arith.constant 193 : i32
      %add3A_777 = vector.broadcast %add3A_776 : i32 to vector<16xi32>
      %add3A_778 = arith.addi %add3A_775, %add3A_777 : vector<16xi32>
      %mul3A_779 = arith.constant 16 : i32
      %mul3A_780 = arith.muli %add3A_757, %mul3A_779 : i32
      %swap3A_781 = arith.index_cast %mul3A_780 : i32 to index
      %swap3A_782 = tpu.vector_load %arg7[%swap3A_781] {strides = array<i32>} : memref<4096xi32, #tpu.memory_space<vmem>>, vector<16xi32>,
      tpu.vector_store %arg7[%swap3A_781], %add3A_778 {strides = array<i32>} : memref<4096xi32, #tpu.memory_space<vmem>>, vector<16xi32>,
      tpu.vector_store_idx %arg9[%add3A_778], %get3A_765 : memref<40704xf32, #tpu.memory_space<vmem>>[vector<16xi32>], vector<16xf32>,
      %scan3A_783 = arith.constant 3 : i32
      %scan3A_784 = arith.addi %scan3A_694, %scan3A_783 : i32
      %mul3A_785 = arith.constant 1 : i32
      %mul3A_786 = arith.muli %scan3A_784, %mul3A_785 : i32
      %add3A_787 = arith.constant 0 : i32
      %add3A_788 = arith.addi %add3A_787, %mul3A_786 : i32
      %mul3A_789 = arith.constant 16 : i32
      %mul3A_790 = arith.muli %add3A_788, %mul3A_789 : i32
      %get3A_791 = arith.index_cast %mul3A_790 : i32 to index
      %get3A_792 = tpu.vector_load %arg5[%get3A_791] {strides = array<i32>} : memref<4096xi32, #tpu.memory_space<vmem>>, vector<16xi32>,
      %mul3A_793 = arith.constant 16 : i32
      %mul3A_794 = arith.muli %add3A_788, %mul3A_793 : i32
      %get3A_795 = arith.index_cast %mul3A_794 : i32 to index
      %get3A_796 = tpu.vector_load %arg6[%get3A_795] {strides = array<i32>} : memref<4096xf32, #tpu.memory_space<vmem>>, vector<16xf32>,
      %mul3A_797 = arith.constant 26215 : i32
      %mul3A_798 = vector.broadcast %mul3A_797 : i32 to vector<16xi32>
      %mul3A_799 = arith.muli %get3A_792, %mul3A_798 : vector<16xi32>
      %shift_right_arithmetic3A_800 = arith.constant 22 : i32
      %shift_right_arithmetic3A_801 = vector.broadcast %shift_right_arithmetic3A_800 : i32 to vector<16xi32>
      %shift_right_arithmetic3A_802 = arith.shrsi %mul3A_799, %shift_right_arithmetic3A_801 : vector<16xi32>
      %mul3A_803 = arith.constant 32 : i32
      %mul3A_804 = vector.broadcast %mul3A_803 : i32 to vector<16xi32>
      %mul3A_805 = arith.muli %shift_right_arithmetic3A_802, %mul3A_804 : vector<16xi32>
      %add3A_806 = arith.addi %get3A_792, %mul3A_805 : vector<16xi32>
      %add3A_807 = arith.constant 193 : i32
      %add3A_808 = vector.broadcast %add3A_807 : i32 to vector<16xi32>
      %add3A_809 = arith.addi %add3A_806, %add3A_808 : vector<16xi32>
      %mul3A_810 = arith.constant 16 : i32
      %mul3A_811 = arith.muli %add3A_788, %mul3A_810 : i32
      %swap3A_812 = arith.index_cast %mul3A_811 : i32 to index
      %swap3A_813 = tpu.vector_load %arg7[%swap3A_812] {strides = array<i32>} : memref<4096xi32, #tpu.memory_space<vmem>>, vector<16xi32>,
      tpu.vector_store %arg7[%swap3A_812], %add3A_809 {strides = array<i32>} : memref<4096xi32, #tpu.memory_space<vmem>>, vector<16xi32>,
      tpu.vector_store_idx %arg9[%add3A_809], %get3A_796 : memref<40704xf32, #tpu.memory_space<vmem>>[vector<16xi32>], vector<16xf32>,
    }
    %scan3A_24 = arith.constant 256 : i32
    %add3A_25 = arith.constant 0 : i32
    %add3A_26 = arith.addi %add3A_25, %add3A_14 : i32
    %dma_start3A = arith.constant 0 : i32
    %dma_start3A_27 = tpu.memref_slice %arg9[%dma_start3A] : memref<40704xf32, #tpu.memory_space<vmem>> -> memref<6144xf32, #tpu.memory_space<vmem>>
    %dma_start3A_28 = arith.constant 0 : i32
    %dma_start3A_29 = tpu.memref_slice %arg4[%add3A_26, %dma_start3A_28] : memref<896x6144xf32, #tpu.memory_space<hbm>> -> memref<1x6144xf32, #tpu.memory_space<hbm>>
    %dma_start3A_30 = tpu.memref_squeeze %dma_start3A_29 : memref<1x6144xf32, #tpu.memory_space<hbm>> -> memref<6144xf32, #tpu.memory_space<hbm>>
    %dma_start3A_31 = arith.constant 0 : i32
    %dma_start3A_32 = tpu.memref_slice %arg4[%add3A_26, %dma_start3A_31] : memref<896x6144xf32, #tpu.memory_space<hbm>> -> memref<1x6144xf32, #tpu.memory_space<hbm>>
    %dma_start3A_33 = tpu.memref_squeeze %dma_start3A_32 : memref<1x6144xf32, #tpu.memory_space<hbm>> -> memref<6144xf32, #tpu.memory_space<hbm>>
    %dma_start3A_34 = arith.constant 0 : i32
    %dma_start3A_35 = tpu.memref_slice %arg9[%dma_start3A_34] : memref<40704xf32, #tpu.memory_space<vmem>> -> memref<6144xf32, #tpu.memory_space<vmem>>
    tpu.enqueue_dma source(%dma_start3A_35 : memref<6144xf32, #tpu.memory_space<vmem>>) target(%dma_start3A_33 : memref<6144xf32, #tpu.memory_space<hbm>>) target_semaphore(%arg11 : memref<!tpu.dma_semaphore, #tpu.memory_space<semaphore_mem>>)
    %add3A_36 = arith.constant 128 : i32
    %add3A_37 = arith.addi %add3A_36, %add3A_14 : i32
    %dma_start3A_38 = arith.constant 5760 : i32
    %dma_start3A_39 = tpu.memref_slice %arg9[%dma_start3A_38] : memref<40704xf32, #tpu.memory_space<vmem>> -> memref<6144xf32, #tpu.memory_space<vmem>>
    %dma_start3A_40 = arith.constant 0 : i32
    %dma_start3A_41 = tpu.memref_slice %arg4[%add3A_37, %dma_start3A_40] : memref<896x6144xf32, #tpu.memory_space<hbm>> -> memref<1x6144xf32, #tpu.memory_space<hbm>>
    %dma_start3A_42 = tpu.memref_squeeze %dma_start3A_41 : memref<1x6144xf32, #tpu.memory_space<hbm>> -> memref<6144xf32, #tpu.memory_space<hbm>>
    %dma_start3A_43 = arith.constant 0 : i32
    %dma_start3A_44 = tpu.memref_slice %arg4[%add3A_37, %dma_start3A_43] : memref<896x6144xf32, #tpu.memory_space<hbm>> -> memref<1x6144xf32, #tpu.memory_space<hbm>>
    %dma_start3A_45 = tpu.memref_squeeze %dma_start3A_44 : memref<1x6144xf32, #tpu.memory_space<hbm>> -> memref<6144xf32, #tpu.memory_space<hbm>>
    %dma_start3A_46 = arith.constant 5760 : i32
    %dma_start3A_47 = tpu.memref_slice %arg9[%dma_start3A_46] : memref<40704xf32, #tpu.memory_space<vmem>> -> memref<6144xf32, #tpu.memory_space<vmem>>
    tpu.enqueue_dma source(%dma_start3A_47 : memref<6144xf32, #tpu.memory_space<vmem>>) target(%dma_start3A_45 : memref<6144xf32, #tpu.memory_space<hbm>>) target_semaphore(%arg11 : memref<!tpu.dma_semaphore, #tpu.memory_space<semaphore_mem>>)
    %add3A_48 = arith.constant 256 : i32
    %add3A_49 = arith.addi %add3A_48, %add3A_14 : i32
    %dma_start3A_50 = arith.constant 11520 : i32
    %dma_start3A_51 = tpu.memref_slice %arg9[%dma_start3A_50] : memref<40704xf32, #tpu.memory_space<vmem>> -> memref<6144xf32, #tpu.memory_space<vmem>>
    %dma_start3A_52 = arith.constant 0 : i32
    %dma_start3A_53 = tpu.memref_slice %arg4[%add3A_49, %dma_start3A_52] : memref<896x6144xf32, #tpu.memory_space<hbm>> -> memref<1x6144xf32, #tpu.memory_space<hbm>>
    %dma_start3A_54 = tpu.memref_squeeze %dma_start3A_53 : memref<1x6144xf32, #tpu.memory_space<hbm>> -> memref<6144xf32, #tpu.memory_space<hbm>>
    %dma_start3A_55 = arith.constant 0 : i32
    %dma_start3A_56 = tpu.memref_slice %arg4[%add3A_49, %dma_start3A_55] : memref<896x6144xf32, #tpu.memory_space<hbm>> -> memref<1x6144xf32, #tpu.memory_space<hbm>>
    %dma_start3A_57 = tpu.memref_squeeze %dma_start3A_56 : memref<1x6144xf32, #tpu.memory_space<hbm>> -> memref<6144xf32, #tpu.memory_space<hbm>>
    %dma_start3A_58 = arith.constant 11520 : i32
    %dma_start3A_59 = tpu.memref_slice %arg9[%dma_start3A_58] : memref<40704xf32, #tpu.memory_space<vmem>> -> memref<6144xf32, #tpu.memory_space<vmem>>
    tpu.enqueue_dma source(%dma_start3A_59 : memref<6144xf32, #tpu.memory_space<vmem>>) target(%dma_start3A_57 : memref<6144xf32, #tpu.memory_space<hbm>>) target_semaphore(%arg11 : memref<!tpu.dma_semaphore, #tpu.memory_space<semaphore_mem>>)
    %add3A_60 = arith.constant 384 : i32
    %add3A_61 = arith.addi %add3A_60, %add3A_14 : i32
    %dma_start3A_62 = arith.constant 17280 : i32
    %dma_start3A_63 = tpu.memref_slice %arg9[%dma_start3A_62] : memref<40704xf32, #tpu.memory_space<vmem>> -> memref<6144xf32, #tpu.memory_space<vmem>>
    %dma_start3A_64 = arith.constant 0 : i32
    %dma_start3A_65 = tpu.memref_slice %arg4[%add3A_61, %dma_start3A_64] : memref<896x6144xf32, #tpu.memory_space<hbm>> -> memref<1x6144xf32, #tpu.memory_space<hbm>>
    %dma_start3A_66 = tpu.memref_squeeze %dma_start3A_65 : memref<1x6144xf32, #tpu.memory_space<hbm>> -> memref<6144xf32, #tpu.memory_space<hbm>>
    %dma_start3A_67 = arith.constant 0 : i32
    %dma_start3A_68 = tpu.memref_slice %arg4[%add3A_61, %dma_start3A_67] : memref<896x6144xf32, #tpu.memory_space<hbm>> -> memref<1x6144xf32, #tpu.memory_space<hbm>>
    %dma_start3A_69 = tpu.memref_squeeze %dma_start3A_68 : memref<1x6144xf32, #tpu.memory_space<hbm>> -> memref<6144xf32, #tpu.memory_space<hbm>>
    %dma_start3A_70 = arith.constant 17280 : i32
    %dma_start3A_71 = tpu.memref_slice %arg9[%dma_start3A_70] : memref<40704xf32, #tpu.memory_space<vmem>> -> memref<6144xf32, #tpu.memory_space<vmem>>
    tpu.enqueue_dma source(%dma_start3A_71 : memref<6144xf32, #tpu.memory_space<vmem>>) target(%dma_start3A_69 : memref<6144xf32, #tpu.memory_space<hbm>>) target_semaphore(%arg11 : memref<!tpu.dma_semaphore, #tpu.memory_space<semaphore_mem>>)
    %add3A_72 = arith.constant 512 : i32
    %add3A_73 = arith.addi %add3A_72, %add3A_14 : i32
    %dma_start3A_74 = arith.constant 23040 : i32
    %dma_start3A_75 = tpu.memref_slice %arg9[%dma_start3A_74] : memref<40704xf32, #tpu.memory_space<vmem>> -> memref<6144xf32, #tpu.memory_space<vmem>>
    %dma_start3A_76 = arith.constant 0 : i32
    %dma_start3A_77 = tpu.memref_slice %arg4[%add3A_73, %dma_start3A_76] : memref<896x6144xf32, #tpu.memory_space<hbm>> -> memref<1x6144xf32, #tpu.memory_space<hbm>>
    %dma_start3A_78 = tpu.memref_squeeze %dma_start3A_77 : memref<1x6144xf32, #tpu.memory_space<hbm>> -> memref<6144xf32, #tpu.memory_space<hbm>>
    %dma_start3A_79 = arith.constant 0 : i32
    %dma_start3A_80 = tpu.memref_slice %arg4[%add3A_73, %dma_start3A_79] : memref<896x6144xf32, #tpu.memory_space<hbm>> -> memref<1x6144xf32, #tpu.memory_space<hbm>>
    %dma_start3A_81 = tpu.memref_squeeze %dma_start3A_80 : memref<1x6144xf32, #tpu.memory_space<hbm>> -> memref<6144xf32, #tpu.memory_space<hbm>>
    %dma_start3A_82 = arith.constant 23040 : i32
    %dma_start3A_83 = tpu.memref_slice %arg9[%dma_start3A_82] : memref<40704xf32, #tpu.memory_space<vmem>> -> memref<6144xf32, #tpu.memory_space<vmem>>
    tpu.enqueue_dma source(%dma_start3A_83 : memref<6144xf32, #tpu.memory_space<vmem>>) target(%dma_start3A_81 : memref<6144xf32, #tpu.memory_space<hbm>>) target_semaphore(%arg11 : memref<!tpu.dma_semaphore, #tpu.memory_space<semaphore_mem>>)
    %add3A_84 = arith.constant 640 : i32
    %add3A_85 = arith.addi %add3A_84, %add3A_14 : i32
    %dma_start3A_86 = arith.constant 28800 : i32
    %dma_start3A_87 = tpu.memref_slice %arg9[%dma_start3A_86] : memref<40704xf32, #tpu.memory_space<vmem>> -> memref<6144xf32, #tpu.memory_space<vmem>>
    %dma_start3A_88 = arith.constant 0 : i32
    %dma_start3A_89 = tpu.memref_slice %arg4[%add3A_85, %dma_start3A_88] : memref<896x6144xf32, #tpu.memory_space<hbm>> -> memref<1x6144xf32, #tpu.memory_space<hbm>>
    %dma_start3A_90 = tpu.memref_squeeze %dma_start3A_89 : memref<1x6144xf32, #tpu.memory_space<hbm>> -> memref<6144xf32, #tpu.memory_space<hbm>>
    %dma_start3A_91 = arith.constant 0 : i32
    %dma_start3A_92 = tpu.memref_slice %arg4[%add3A_85, %dma_start3A_91] : memref<896x6144xf32, #tpu.memory_space<hbm>> -> memref<1x6144xf32, #tpu.memory_space<hbm>>
    %dma_start3A_93 = tpu.memref_squeeze %dma_start3A_92 : memref<1x6144xf32, #tpu.memory_space<hbm>> -> memref<6144xf32, #tpu.memory_space<hbm>>
    %dma_start3A_94 = arith.constant 28800 : i32
    %dma_start3A_95 = tpu.memref_slice %arg9[%dma_start3A_94] : memref<40704xf32, #tpu.memory_space<vmem>> -> memref<6144xf32, #tpu.memory_space<vmem>>
    tpu.enqueue_dma source(%dma_start3A_95 : memref<6144xf32, #tpu.memory_space<vmem>>) target(%dma_start3A_93 : memref<6144xf32, #tpu.memory_space<hbm>>) target_semaphore(%arg11 : memref<!tpu.dma_semaphore, #tpu.memory_space<semaphore_mem>>)
    %add3A_96 = arith.constant 768 : i32
    %add3A_97 = arith.addi %add3A_96, %add3A_14 : i32
    %dma_start3A_98 = arith.constant 34560 : i32
    %dma_start3A_99 = tpu.memref_slice %arg9[%dma_start3A_98] : memref<40704xf32, #tpu.memory_space<vmem>> -> memref<6144xf32, #tpu.memory_space<vmem>>
    %dma_start3A_100 = arith.constant 0 : i32
    %dma_start3A_101 = tpu.memref_slice %arg4[%add3A_97, %dma_start3A_100] : memref<896x6144xf32, #tpu.memory_space<hbm>> -> memref<1x6144xf32, #tpu.memory_space<hbm>>
    %dma_start3A_102 = tpu.memref_squeeze %dma_start3A_101 : memref<1x6144xf32, #tpu.memory_space<hbm>> -> memref<6144xf32, #tpu.memory_space<hbm>>
    %dma_start3A_103 = arith.constant 0 : i32
    %dma_start3A_104 = tpu.memref_slice %arg4[%add3A_97, %dma_start3A_103] : memref<896x6144xf32, #tpu.memory_space<hbm>> -> memref<1x6144xf32, #tpu.memory_space<hbm>>
    %dma_start3A_105 = tpu.memref_squeeze %dma_start3A_104 : memref<1x6144xf32, #tpu.memory_space<hbm>> -> memref<6144xf32, #tpu.memory_space<hbm>>
    %dma_start3A_106 = arith.constant 34560 : i32
    %dma_start3A_107 = tpu.memref_slice %arg9[%dma_start3A_106] : memref<40704xf32, #tpu.memory_space<vmem>> -> memref<6144xf32, #tpu.memory_space<vmem>>
    tpu.enqueue_dma source(%dma_start3A_107 : memref<6144xf32, #tpu.memory_space<vmem>>) target(%dma_start3A_105 : memref<6144xf32, #tpu.memory_space<hbm>>) target_semaphore(%arg11 : memref<!tpu.dma_semaphore, #tpu.memory_space<semaphore_mem>>)
    %mul3A_108 = arith.constant 4 : i32
    %mul3A_109 = arith.muli %add3A, %mul3A_108 : i32
    %add3A_110 = arith.constant 1 : i32
    %add3A_111 = arith.addi %mul3A_109, %add3A_110 : i32
    %add3A_112 = arith.constant 128 : i32
    %add3A_113 = arith.addi %add3A_112, %add3A_111 : i32
    %run_scoped3A_114 = arith.constant 0 : i32
    "tpu.region"() ({
      %run_scoped3A_694 = tpu.sem_alloc : memref<!tpu.dma_semaphore, #tpu.memory_space<semaphore_mem>>
      %dma_start3A_695 = arith.constant 0 : i32
      %dma_start3A_696 = tpu.memref_slice %arg2[%add3A_113, %run_scoped3A_114, %dma_start3A_695] : memref<256x1x4096xi32, #tpu.memory_space<hbm>> -> memref<1x1x4096xi32, #tpu.memory_space<hbm>>
      %dma_start3A_697 = tpu.memref_squeeze %dma_start3A_696 : memref<1x1x4096xi32, #tpu.memory_space<hbm>> -> memref<4096xi32, #tpu.memory_space<hbm>>
      %dma_start3A_698 = arith.constant 0 : i32
      %dma_start3A_699 = tpu.memref_slice %arg2[%add3A_113, %run_scoped3A_114, %dma_start3A_698] : memref<256x1x4096xi32, #tpu.memory_space<hbm>> -> memref<1x1x4096xi32, #tpu.memory_space<hbm>>
      %dma_start3A_700 = tpu.memref_squeeze %dma_start3A_699 : memref<1x1x4096xi32, #tpu.memory_space<hbm>> -> memref<4096xi32, #tpu.memory_space<hbm>>
      tpu.enqueue_dma source(%dma_start3A_700 : memref<4096xi32, #tpu.memory_space<hbm>>) target(%arg5 : memref<4096xi32, #tpu.memory_space<vmem>>) target_semaphore(%run_scoped3A_694 : memref<!tpu.dma_semaphore, #tpu.memory_space<semaphore_mem>>)
      %dma_wait3A_701 = arith.constant 0 : i32
      %dma_wait3A_702 = tpu.memref_slice %arg2[%add3A_113, %run_scoped3A_114, %dma_wait3A_701] : memref<256x1x4096xi32, #tpu.memory_space<hbm>> -> memref<1x1x4096xi32, #tpu.memory_space<hbm>>
      %dma_wait3A_703 = tpu.memref_squeeze %dma_wait3A_702 : memref<1x1x4096xi32, #tpu.memory_space<hbm>> -> memref<4096xi32, #tpu.memory_space<hbm>>
      %dma_wait3A_704 = arith.constant 0 : i32
      %dma_wait3A_705 = tpu.memref_slice %arg2[%add3A_113, %run_scoped3A_114, %dma_wait3A_704] : memref<256x1x4096xi32, #tpu.memory_space<hbm>> -> memref<1x1x4096xi32, #tpu.memory_space<hbm>>
      %dma_wait3A_706 = tpu.memref_squeeze %dma_wait3A_705 : memref<1x1x4096xi32, #tpu.memory_space<hbm>> -> memref<4096xi32, #tpu.memory_space<hbm>>
      tpu.wait_dma2 semaphore(%run_scoped3A_694 : memref<!tpu.dma_semaphore, #tpu.memory_space<semaphore_mem>>) src(%dma_wait3A_706 : memref<4096xi32, #tpu.memory_space<hbm>>) dst(%arg5 : memref<4096xi32, #tpu.memory_space<vmem>>)
      tpu.yield
    }) : () -> ()
    %add3A_115 = arith.constant 128 : i32
    %add3A_116 = arith.addi %add3A_115, %add3A_111 : i32
    %run_scoped3A_117 = arith.constant 0 : i32
    "tpu.region"() ({
      %run_scoped3A_694 = tpu.sem_alloc : memref<!tpu.dma_semaphore, #tpu.memory_space<semaphore_mem>>
      %dma_start3A_695 = arith.constant 0 : i32
      %dma_start3A_696 = tpu.memref_slice %arg3[%add3A_116, %run_scoped3A_117, %dma_start3A_695] : memref<256x1x4096xf32, #tpu.memory_space<hbm>> -> memref<1x1x4096xf32, #tpu.memory_space<hbm>>
      %dma_start3A_697 = tpu.memref_squeeze %dma_start3A_696 : memref<1x1x4096xf32, #tpu.memory_space<hbm>> -> memref<4096xf32, #tpu.memory_space<hbm>>
      %dma_start3A_698 = arith.constant 0 : i32
      %dma_start3A_699 = tpu.memref_slice %arg3[%add3A_116, %run_scoped3A_117, %dma_start3A_698] : memref<256x1x4096xf32, #tpu.memory_space<hbm>> -> memref<1x1x4096xf32, #tpu.memory_space<hbm>>
      %dma_start3A_700 = tpu.memref_squeeze %dma_start3A_699 : memref<1x1x4096xf32, #tpu.memory_space<hbm>> -> memref<4096xf32, #tpu.memory_space<hbm>>
      tpu.enqueue_dma source(%dma_start3A_700 : memref<4096xf32, #tpu.memory_space<hbm>>) target(%arg6 : memref<4096xf32, #tpu.memory_space<vmem>>) target_semaphore(%run_scoped3A_694 : memref<!tpu.dma_semaphore, #tpu.memory_space<semaphore_mem>>)
      %dma_wait3A_701 = arith.constant 0 : i32
      %dma_wait3A_702 = tpu.memref_slice %arg3[%add3A_116, %run_scoped3A_117, %dma_wait3A_701] : memref<256x1x4096xf32, #tpu.memory_space<hbm>> -> memref<1x1x4096xf32, #tpu.memory_space<hbm>>
      %dma_wait3A_703 = tpu.memref_squeeze %dma_wait3A_702 : memref<1x1x4096xf32, #tpu.memory_space<hbm>> -> memref<4096xf32, #tpu.memory_space<hbm>>
      %dma_wait3A_704 = arith.constant 0 : i32
      %dma_wait3A_705 = tpu.memref_slice %arg3[%add3A_116, %run_scoped3A_117, %dma_wait3A_704] : memref<256x1x4096xf32, #tpu.memory_space<hbm>> -> memref<1x1x4096xf32, #tpu.memory_space<hbm>>
      %dma_wait3A_706 = tpu.memref_squeeze %dma_wait3A_705 : memref<1x1x4096xf32, #tpu.memory_space<hbm>> -> memref<4096xf32, #tpu.memory_space<hbm>>
      tpu.wait_dma2 semaphore(%run_scoped3A_694 : memref<!tpu.dma_semaphore, #tpu.memory_space<semaphore_mem>>) src(%dma_wait3A_706 : memref<4096xf32, #tpu.memory_space<hbm>>) dst(%arg6 : memref<4096xf32, #tpu.memory_space<vmem>>)
      tpu.yield
    }) : () -> ()
    %scan3A_118 = arith.constant 0 : i32
    %scan3A_119 = arith.constant 256 : i32
    %scan3A_120 = arith.addi %scan3A_118, %scan3A_119 : i32
    %scan3A_121 = arith.constant 4 : i32
    scf.for %scan3A_694 = %scan3A_118 to %scan3A_120 step %scan3A_121  : i32 {
      %mul3A_695 = arith.constant 1 : i32
      %mul3A_696 = arith.muli %scan3A_694, %mul3A_695 : i32
      %add3A_697 = arith.constant 0 : i32
      %add3A_698 = arith.addi %add3A_697, %mul3A_696 : i32
      %mul3A_699 = arith.constant 16 : i32
      %mul3A_700 = arith.muli %add3A_698, %mul3A_699 : i32
      %get3A = arith.index_cast %mul3A_700 : i32 to index
      %get3A_701 = tpu.vector_load %arg5[%get3A] {strides = array<i32>} : memref<4096xi32, #tpu.memory_space<vmem>>, vector<16xi32>,
      %mul3A_702 = arith.constant 16 : i32
      %mul3A_703 = arith.muli %add3A_698, %mul3A_702 : i32
      %get3A_704 = arith.index_cast %mul3A_703 : i32 to index
      %get3A_705 = tpu.vector_load %arg6[%get3A_704] {strides = array<i32>} : memref<4096xf32, #tpu.memory_space<vmem>>, vector<16xf32>,
      %mul3A_706 = arith.constant 26215 : i32
      %mul3A_707 = vector.broadcast %mul3A_706 : i32 to vector<16xi32>
      %mul3A_708 = arith.muli %get3A_701, %mul3A_707 : vector<16xi32>
      %shift_right_arithmetic3A = arith.constant 22 : i32
      %shift_right_arithmetic3A_709 = vector.broadcast %shift_right_arithmetic3A : i32 to vector<16xi32>
      %shift_right_arithmetic3A_710 = arith.shrsi %mul3A_708, %shift_right_arithmetic3A_709 : vector<16xi32>
      %mul3A_711 = arith.constant 32 : i32
      %mul3A_712 = vector.broadcast %mul3A_711 : i32 to vector<16xi32>
      %mul3A_713 = arith.muli %shift_right_arithmetic3A_710, %mul3A_712 : vector<16xi32>
      %add3A_714 = arith.addi %get3A_701, %mul3A_713 : vector<16xi32>
      %add3A_715 = arith.constant 193 : i32
      %add3A_716 = vector.broadcast %add3A_715 : i32 to vector<16xi32>
      %add3A_717 = arith.addi %add3A_714, %add3A_716 : vector<16xi32>
      %mul3A_718 = arith.constant 16 : i32
      %mul3A_719 = arith.muli %add3A_698, %mul3A_718 : i32
      %swap3A = arith.index_cast %mul3A_719 : i32 to index
      %swap3A_720 = tpu.vector_load %arg8[%swap3A] {strides = array<i32>} : memref<4096xi32, #tpu.memory_space<vmem>>, vector<16xi32>,
      tpu.vector_store %arg8[%swap3A], %add3A_717 {strides = array<i32>} : memref<4096xi32, #tpu.memory_space<vmem>>, vector<16xi32>,
      tpu.vector_store_idx %arg10[%add3A_717], %get3A_705 : memref<40704xf32, #tpu.memory_space<vmem>>[vector<16xi32>], vector<16xf32>,
      %scan3A_721 = arith.constant 1 : i32
      %scan3A_722 = arith.addi %scan3A_694, %scan3A_721 : i32
      %mul3A_723 = arith.constant 1 : i32
      %mul3A_724 = arith.muli %scan3A_722, %mul3A_723 : i32
      %add3A_725 = arith.constant 0 : i32
      %add3A_726 = arith.addi %add3A_725, %mul3A_724 : i32
      %mul3A_727 = arith.constant 16 : i32
      %mul3A_728 = arith.muli %add3A_726, %mul3A_727 : i32
      %get3A_729 = arith.index_cast %mul3A_728 : i32 to index
      %get3A_730 = tpu.vector_load %arg5[%get3A_729] {strides = array<i32>} : memref<4096xi32, #tpu.memory_space<vmem>>, vector<16xi32>,
      %mul3A_731 = arith.constant 16 : i32
      %mul3A_732 = arith.muli %add3A_726, %mul3A_731 : i32
      %get3A_733 = arith.index_cast %mul3A_732 : i32 to index
      %get3A_734 = tpu.vector_load %arg6[%get3A_733] {strides = array<i32>} : memref<4096xf32, #tpu.memory_space<vmem>>, vector<16xf32>,
      %mul3A_735 = arith.constant 26215 : i32
      %mul3A_736 = vector.broadcast %mul3A_735 : i32 to vector<16xi32>
      %mul3A_737 = arith.muli %get3A_730, %mul3A_736 : vector<16xi32>
      %shift_right_arithmetic3A_738 = arith.constant 22 : i32
      %shift_right_arithmetic3A_739 = vector.broadcast %shift_right_arithmetic3A_738 : i32 to vector<16xi32>
      %shift_right_arithmetic3A_740 = arith.shrsi %mul3A_737, %shift_right_arithmetic3A_739 : vector<16xi32>
      %mul3A_741 = arith.constant 32 : i32
      %mul3A_742 = vector.broadcast %mul3A_741 : i32 to vector<16xi32>
      %mul3A_743 = arith.muli %shift_right_arithmetic3A_740, %mul3A_742 : vector<16xi32>
      %add3A_744 = arith.addi %get3A_730, %mul3A_743 : vector<16xi32>
      %add3A_745 = arith.constant 193 : i32
      %add3A_746 = vector.broadcast %add3A_745 : i32 to vector<16xi32>
      %add3A_747 = arith.addi %add3A_744, %add3A_746 : vector<16xi32>
      %mul3A_748 = arith.constant 16 : i32
      %mul3A_749 = arith.muli %add3A_726, %mul3A_748 : i32
      %swap3A_750 = arith.index_cast %mul3A_749 : i32 to index
      %swap3A_751 = tpu.vector_load %arg8[%swap3A_750] {strides = array<i32>} : memref<4096xi32, #tpu.memory_space<vmem>>, vector<16xi32>,
      tpu.vector_store %arg8[%swap3A_750], %add3A_747 {strides = array<i32>} : memref<4096xi32, #tpu.memory_space<vmem>>, vector<16xi32>,
      tpu.vector_store_idx %arg10[%add3A_747], %get3A_734 : memref<40704xf32, #tpu.memory_space<vmem>>[vector<16xi32>], vector<16xf32>,
      %scan3A_752 = arith.constant 2 : i32
      %scan3A_753 = arith.addi %scan3A_694, %scan3A_752 : i32
      %mul3A_754 = arith.constant 1 : i32
      %mul3A_755 = arith.muli %scan3A_753, %mul3A_754 : i32
      %add3A_756 = arith.constant 0 : i32
      %add3A_757 = arith.addi %add3A_756, %mul3A_755 : i32
      %mul3A_758 = arith.constant 16 : i32
      %mul3A_759 = arith.muli %add3A_757, %mul3A_758 : i32
      %get3A_760 = arith.index_cast %mul3A_759 : i32 to index
      %get3A_761 = tpu.vector_load %arg5[%get3A_760] {strides = array<i32>} : memref<4096xi32, #tpu.memory_space<vmem>>, vector<16xi32>,
      %mul3A_762 = arith.constant 16 : i32
      %mul3A_763 = arith.muli %add3A_757, %mul3A_762 : i32
      %get3A_764 = arith.index_cast %mul3A_763 : i32 to index
      %get3A_765 = tpu.vector_load %arg6[%get3A_764] {strides = array<i32>} : memref<4096xf32, #tpu.memory_space<vmem>>, vector<16xf32>,
      %mul3A_766 = arith.constant 26215 : i32
      %mul3A_767 = vector.broadcast %mul3A_766 : i32 to vector<16xi32>
      %mul3A_768 = arith.muli %get3A_761, %mul3A_767 : vector<16xi32>
      %shift_right_arithmetic3A_769 = arith.constant 22 : i32
      %shift_right_arithmetic3A_770 = vector.broadcast %shift_right_arithmetic3A_769 : i32 to vector<16xi32>
      %shift_right_arithmetic3A_771 = arith.shrsi %mul3A_768, %shift_right_arithmetic3A_770 : vector<16xi32>
      %mul3A_772 = arith.constant 32 : i32
      %mul3A_773 = vector.broadcast %mul3A_772 : i32 to vector<16xi32>
      %mul3A_774 = arith.muli %shift_right_arithmetic3A_771, %mul3A_773 : vector<16xi32>
      %add3A_775 = arith.addi %get3A_761, %mul3A_774 : vector<16xi32>
      %add3A_776 = arith.constant 193 : i32
      %add3A_777 = vector.broadcast %add3A_776 : i32 to vector<16xi32>
      %add3A_778 = arith.addi %add3A_775, %add3A_777 : vector<16xi32>
      %mul3A_779 = arith.constant 16 : i32
      %mul3A_780 = arith.muli %add3A_757, %mul3A_779 : i32
      %swap3A_781 = arith.index_cast %mul3A_780 : i32 to index
      %swap3A_782 = tpu.vector_load %arg8[%swap3A_781] {strides = array<i32>} : memref<4096xi32, #tpu.memory_space<vmem>>, vector<16xi32>,
      tpu.vector_store %arg8[%swap3A_781], %add3A_778 {strides = array<i32>} : memref<4096xi32, #tpu.memory_space<vmem>>, vector<16xi32>,
      tpu.vector_store_idx %arg10[%add3A_778], %get3A_765 : memref<40704xf32, #tpu.memory_space<vmem>>[vector<16xi32>], vector<16xf32>,
      %scan3A_783 = arith.constant 3 : i32
      %scan3A_784 = arith.addi %scan3A_694, %scan3A_783 : i32
      %mul3A_785 = arith.constant 1 : i32
      %mul3A_786 = arith.muli %scan3A_784, %mul3A_785 : i32
      %add3A_787 = arith.constant 0 : i32
      %add3A_788 = arith.addi %add3A_787, %mul3A_786 : i32
      %mul3A_789 = arith.constant 16 : i32
      %mul3A_790 = arith.muli %add3A_788, %mul3A_789 : i32
      %get3A_791 = arith.index_cast %mul3A_790 : i32 to index
      %get3A_792 = tpu.vector_load %arg5[%get3A_791] {strides = array<i32>} : memref<4096xi32, #tpu.memory_space<vmem>>, vector<16xi32>,
      %mul3A_793 = arith.constant 16 : i32
      %mul3A_794 = arith.muli %add3A_788, %mul3A_793 : i32
      %get3A_795 = arith.index_cast %mul3A_794 : i32 to index
      %get3A_796 = tpu.vector_load %arg6[%get3A_795] {strides = array<i32>} : memref<4096xf32, #tpu.memory_space<vmem>>, vector<16xf32>,
      %mul3A_797 = arith.constant 26215 : i32
      %mul3A_798 = vector.broadcast %mul3A_797 : i32 to vector<16xi32>
      %mul3A_799 = arith.muli %get3A_792, %mul3A_798 : vector<16xi32>
      %shift_right_arithmetic3A_800 = arith.constant 22 : i32
      %shift_right_arithmetic3A_801 = vector.broadcast %shift_right_arithmetic3A_800 : i32 to vector<16xi32>
      %shift_right_arithmetic3A_802 = arith.shrsi %mul3A_799, %shift_right_arithmetic3A_801 : vector<16xi32>
      %mul3A_803 = arith.constant 32 : i32
      %mul3A_804 = vector.broadcast %mul3A_803 : i32 to vector<16xi32>
      %mul3A_805 = arith.muli %shift_right_arithmetic3A_802, %mul3A_804 : vector<16xi32>
      %add3A_806 = arith.addi %get3A_792, %mul3A_805 : vector<16xi32>
      %add3A_807 = arith.constant 193 : i32
      %add3A_808 = vector.broadcast %add3A_807 : i32 to vector<16xi32>
      %add3A_809 = arith.addi %add3A_806, %add3A_808 : vector<16xi32>
      %mul3A_810 = arith.constant 16 : i32
      %mul3A_811 = arith.muli %add3A_788, %mul3A_810 : i32
      %swap3A_812 = arith.index_cast %mul3A_811 : i32 to index
      %swap3A_813 = tpu.vector_load %arg8[%swap3A_812] {strides = array<i32>} : memref<4096xi32, #tpu.memory_space<vmem>>, vector<16xi32>,
      tpu.vector_store %arg8[%swap3A_812], %add3A_809 {strides = array<i32>} : memref<4096xi32, #tpu.memory_space<vmem>>, vector<16xi32>,
      tpu.vector_store_idx %arg10[%add3A_809], %get3A_796 : memref<40704xf32, #tpu.memory_space<vmem>>[vector<16xi32>], vector<16xf32>,
    }
    %scan3A_122 = arith.constant 256 : i32
    %add3A_123 = arith.constant 0 : i32
    %add3A_124 = arith.addi %add3A_123, %add3A_111 : i32
    %dma_start3A_125 = arith.constant 0 : i32
    %dma_start3A_126 = tpu.memref_slice %arg10[%dma_start3A_125] : memref<40704xf32, #tpu.memory_space<vmem>> -> memref<6144xf32, #tpu.memory_space<vmem>>
    %dma_start3A_127 = arith.constant 0 : i32
    %dma_start3A_128 = tpu.memref_slice %arg4[%add3A_124, %dma_start3A_127] : memref<896x6144xf32, #tpu.memory_space<hbm>> -> memref<1x6144xf32, #tpu.memory_space<hbm>>
    %dma_start3A_129 = tpu.memref_squeeze %dma_start3A_128 : memref<1x6144xf32, #tpu.memory_space<hbm>> -> memref<6144xf32, #tpu.memory_space<hbm>>
    %dma_start3A_130 = arith.constant 0 : i32
    %dma_start3A_131 = tpu.memref_slice %arg4[%add3A_124, %dma_start3A_130] : memref<896x6144xf32, #tpu.memory_space<hbm>> -> memref<1x6144xf32, #tpu.memory_space<hbm>>
    %dma_start3A_132 = tpu.memref_squeeze %dma_start3A_131 : memref<1x6144xf32, #tpu.memory_space<hbm>> -> memref<6144xf32, #tpu.memory_space<hbm>>
    %dma_start3A_133 = arith.constant 0 : i32
    %dma_start3A_134 = tpu.memref_slice %arg10[%dma_start3A_133] : memref<40704xf32, #tpu.memory_space<vmem>> -> memref<6144xf32, #tpu.memory_space<vmem>>
    tpu.enqueue_dma source(%dma_start3A_134 : memref<6144xf32, #tpu.memory_space<vmem>>) target(%dma_start3A_132 : memref<6144xf32, #tpu.memory_space<hbm>>) target_semaphore(%arg12 : memref<!tpu.dma_semaphore, #tpu.memory_space<semaphore_mem>>)
    %add3A_135 = arith.constant 128 : i32
    %add3A_136 = arith.addi %add3A_135, %add3A_111 : i32
    %dma_start3A_137 = arith.constant 5760 : i32
    %dma_start3A_138 = tpu.memref_slice %arg10[%dma_start3A_137] : memref<40704xf32, #tpu.memory_space<vmem>> -> memref<6144xf32, #tpu.memory_space<vmem>>
    %dma_start3A_139 = arith.constant 0 : i32
    %dma_start3A_140 = tpu.memref_slice %arg4[%add3A_136, %dma_start3A_139] : memref<896x6144xf32, #tpu.memory_space<hbm>> -> memref<1x6144xf32, #tpu.memory_space<hbm>>
    %dma_start3A_141 = tpu.memref_squeeze %dma_start3A_140 : memref<1x6144xf32, #tpu.memory_space<hbm>> -> memref<6144xf32, #tpu.memory_space<hbm>>
    %dma_start3A_142 = arith.constant 0 : i32
    %dma_start3A_143 = tpu.memref_slice %arg4[%add3A_136, %dma_start3A_142] : memref<896x6144xf32, #tpu.memory_space<hbm>> -> memref<1x6144xf32, #tpu.memory_space<hbm>>
    %dma_start3A_144 = tpu.memref_squeeze %dma_start3A_143 : memref<1x6144xf32, #tpu.memory_space<hbm>> -> memref<6144xf32, #tpu.memory_space<hbm>>
    %dma_start3A_145 = arith.constant 5760 : i32
    %dma_start3A_146 = tpu.memref_slice %arg10[%dma_start3A_145] : memref<40704xf32, #tpu.memory_space<vmem>> -> memref<6144xf32, #tpu.memory_space<vmem>>
    tpu.enqueue_dma source(%dma_start3A_146 : memref<6144xf32, #tpu.memory_space<vmem>>) target(%dma_start3A_144 : memref<6144xf32, #tpu.memory_space<hbm>>) target_semaphore(%arg12 : memref<!tpu.dma_semaphore, #tpu.memory_space<semaphore_mem>>)
    %add3A_147 = arith.constant 256 : i32
    %add3A_148 = arith.addi %add3A_147, %add3A_111 : i32
    %dma_start3A_149 = arith.constant 11520 : i32
    %dma_start3A_150 = tpu.memref_slice %arg10[%dma_start3A_149] : memref<40704xf32, #tpu.memory_space<vmem>> -> memref<6144xf32, #tpu.memory_space<vmem>>
    %dma_start3A_151 = arith.constant 0 : i32
    %dma_start3A_152 = tpu.memref_slice %arg4[%add3A_148, %dma_start3A_151] : memref<896x6144xf32, #tpu.memory_space<hbm>> -> memref<1x6144xf32, #tpu.memory_space<hbm>>
    %dma_start3A_153 = tpu.memref_squeeze %dma_start3A_152 : memref<1x6144xf32, #tpu.memory_space<hbm>> -> memref<6144xf32, #tpu.memory_space<hbm>>
    %dma_start3A_154 = arith.constant 0 : i32
    %dma_start3A_155 = tpu.memref_slice %arg4[%add3A_148, %dma_start3A_154] : memref<896x6144xf32, #tpu.memory_space<hbm>> -> memref<1x6144xf32, #tpu.memory_space<hbm>>
    %dma_start3A_156 = tpu.memref_squeeze %dma_start3A_155 : memref<1x6144xf32, #tpu.memory_space<hbm>> -> memref<6144xf32, #tpu.memory_space<hbm>>
    %dma_start3A_157 = arith.constant 11520 : i32
    %dma_start3A_158 = tpu.memref_slice %arg10[%dma_start3A_157] : memref<40704xf32, #tpu.memory_space<vmem>> -> memref<6144xf32, #tpu.memory_space<vmem>>
    tpu.enqueue_dma source(%dma_start3A_158 : memref<6144xf32, #tpu.memory_space<vmem>>) target(%dma_start3A_156 : memref<6144xf32, #tpu.memory_space<hbm>>) target_semaphore(%arg12 : memref<!tpu.dma_semaphore, #tpu.memory_space<semaphore_mem>>)
    %add3A_159 = arith.constant 384 : i32
    %add3A_160 = arith.addi %add3A_159, %add3A_111 : i32
    %dma_start3A_161 = arith.constant 17280 : i32
    %dma_start3A_162 = tpu.memref_slice %arg10[%dma_start3A_161] : memref<40704xf32, #tpu.memory_space<vmem>> -> memref<6144xf32, #tpu.memory_space<vmem>>
    %dma_start3A_163 = arith.constant 0 : i32
    %dma_start3A_164 = tpu.memref_slice %arg4[%add3A_160, %dma_start3A_163] : memref<896x6144xf32, #tpu.memory_space<hbm>> -> memref<1x6144xf32, #tpu.memory_space<hbm>>
    %dma_start3A_165 = tpu.memref_squeeze %dma_start3A_164 : memref<1x6144xf32, #tpu.memory_space<hbm>> -> memref<6144xf32, #tpu.memory_space<hbm>>
    %dma_start3A_166 = arith.constant 0 : i32
    %dma_start3A_167 = tpu.memref_slice %arg4[%add3A_160, %dma_start3A_166] : memref<896x6144xf32, #tpu.memory_space<hbm>> -> memref<1x6144xf32, #tpu.memory_space<hbm>>
    %dma_start3A_168 = tpu.memref_squeeze %dma_start3A_167 : memref<1x6144xf32, #tpu.memory_space<hbm>> -> memref<6144xf32, #tpu.memory_space<hbm>>
    %dma_start3A_169 = arith.constant 17280 : i32
    %dma_start3A_170 = tpu.memref_slice %arg10[%dma_start3A_169] : memref<40704xf32, #tpu.memory_space<vmem>> -> memref<6144xf32, #tpu.memory_space<vmem>>
    tpu.enqueue_dma source(%dma_start3A_170 : memref<6144xf32, #tpu.memory_space<vmem>>) target(%dma_start3A_168 : memref<6144xf32, #tpu.memory_space<hbm>>) target_semaphore(%arg12 : memref<!tpu.dma_semaphore, #tpu.memory_space<semaphore_mem>>)
    %add3A_171 = arith.constant 512 : i32
    %add3A_172 = arith.addi %add3A_171, %add3A_111 : i32
    %dma_start3A_173 = arith.constant 23040 : i32
    %dma_start3A_174 = tpu.memref_slice %arg10[%dma_start3A_173] : memref<40704xf32, #tpu.memory_space<vmem>> -> memref<6144xf32, #tpu.memory_space<vmem>>
    %dma_start3A_175 = arith.constant 0 : i32
    %dma_start3A_176 = tpu.memref_slice %arg4[%add3A_172, %dma_start3A_175] : memref<896x6144xf32, #tpu.memory_space<hbm>> -> memref<1x6144xf32, #tpu.memory_space<hbm>>
    %dma_start3A_177 = tpu.memref_squeeze %dma_start3A_176 : memref<1x6144xf32, #tpu.memory_space<hbm>> -> memref<6144xf32, #tpu.memory_space<hbm>>
    %dma_start3A_178 = arith.constant 0 : i32
    %dma_start3A_179 = tpu.memref_slice %arg4[%add3A_172, %dma_start3A_178] : memref<896x6144xf32, #tpu.memory_space<hbm>> -> memref<1x6144xf32, #tpu.memory_space<hbm>>
    %dma_start3A_180 = tpu.memref_squeeze %dma_start3A_179 : memref<1x6144xf32, #tpu.memory_space<hbm>> -> memref<6144xf32, #tpu.memory_space<hbm>>
    %dma_start3A_181 = arith.constant 23040 : i32
    %dma_start3A_182 = tpu.memref_slice %arg10[%dma_start3A_181] : memref<40704xf32, #tpu.memory_space<vmem>> -> memref<6144xf32, #tpu.memory_space<vmem>>
    tpu.enqueue_dma source(%dma_start3A_182 : memref<6144xf32, #tpu.memory_space<vmem>>) target(%dma_start3A_180 : memref<6144xf32, #tpu.memory_space<hbm>>) target_semaphore(%arg12 : memref<!tpu.dma_semaphore, #tpu.memory_space<semaphore_mem>>)
    %add3A_183 = arith.constant 640 : i32
    %add3A_184 = arith.addi %add3A_183, %add3A_111 : i32
    %dma_start3A_185 = arith.constant 28800 : i32
    %dma_start3A_186 = tpu.memref_slice %arg10[%dma_start3A_185] : memref<40704xf32, #tpu.memory_space<vmem>> -> memref<6144xf32, #tpu.memory_space<vmem>>
    %dma_start3A_187 = arith.constant 0 : i32
    %dma_start3A_188 = tpu.memref_slice %arg4[%add3A_184, %dma_start3A_187] : memref<896x6144xf32, #tpu.memory_space<hbm>> -> memref<1x6144xf32, #tpu.memory_space<hbm>>
    %dma_start3A_189 = tpu.memref_squeeze %dma_start3A_188 : memref<1x6144xf32, #tpu.memory_space<hbm>> -> memref<6144xf32, #tpu.memory_space<hbm>>
    %dma_start3A_190 = arith.constant 0 : i32
    %dma_start3A_191 = tpu.memref_slice %arg4[%add3A_184, %dma_start3A_190] : memref<896x6144xf32, #tpu.memory_space<hbm>> -> memref<1x6144xf32, #tpu.memory_space<hbm>>
    %dma_start3A_192 = tpu.memref_squeeze %dma_start3A_191 : memref<1x6144xf32, #tpu.memory_space<hbm>> -> memref<6144xf32, #tpu.memory_space<hbm>>
    %dma_start3A_193 = arith.constant 28800 : i32
    %dma_start3A_194 = tpu.memref_slice %arg10[%dma_start3A_193] : memref<40704xf32, #tpu.memory_space<vmem>> -> memref<6144xf32, #tpu.memory_space<vmem>>
    tpu.enqueue_dma source(%dma_start3A_194 : memref<6144xf32, #tpu.memory_space<vmem>>) target(%dma_start3A_192 : memref<6144xf32, #tpu.memory_space<hbm>>) target_semaphore(%arg12 : memref<!tpu.dma_semaphore, #tpu.memory_space<semaphore_mem>>)
    %add3A_195 = arith.constant 768 : i32
    %add3A_196 = arith.addi %add3A_195, %add3A_111 : i32
    %dma_start3A_197 = arith.constant 34560 : i32
    %dma_start3A_198 = tpu.memref_slice %arg10[%dma_start3A_197] : memref<40704xf32, #tpu.memory_space<vmem>> -> memref<6144xf32, #tpu.memory_space<vmem>>
    %dma_start3A_199 = arith.constant 0 : i32
    %dma_start3A_200 = tpu.memref_slice %arg4[%add3A_196, %dma_start3A_199] : memref<896x6144xf32, #tpu.memory_space<hbm>> -> memref<1x6144xf32, #tpu.memory_space<hbm>>
    %dma_start3A_201 = tpu.memref_squeeze %dma_start3A_200 : memref<1x6144xf32, #tpu.memory_space<hbm>> -> memref<6144xf32, #tpu.memory_space<hbm>>
    %dma_start3A_202 = arith.constant 0 : i32
    %dma_start3A_203 = tpu.memref_slice %arg4[%add3A_196, %dma_start3A_202] : memref<896x6144xf32, #tpu.memory_space<hbm>> -> memref<1x6144xf32, #tpu.memory_space<hbm>>
    %dma_start3A_204 = tpu.memref_squeeze %dma_start3A_203 : memref<1x6144xf32, #tpu.memory_space<hbm>> -> memref<6144xf32, #tpu.memory_space<hbm>>
    %dma_start3A_205 = arith.constant 34560 : i32
    %dma_start3A_206 = tpu.memref_slice %arg10[%dma_start3A_205] : memref<40704xf32, #tpu.memory_space<vmem>> -> memref<6144xf32, #tpu.memory_space<vmem>>
    tpu.enqueue_dma source(%dma_start3A_206 : memref<6144xf32, #tpu.memory_space<vmem>>) target(%dma_start3A_204 : memref<6144xf32, #tpu.memory_space<hbm>>) target_semaphore(%arg12 : memref<!tpu.dma_semaphore, #tpu.memory_space<semaphore_mem>>)
    %mul3A_207 = arith.constant 4 : i32
    %mul3A_208 = arith.muli %add3A, %mul3A_207 : i32
    %add3A_209 = arith.constant 2 : i32
    %add3A_210 = arith.addi %mul3A_208, %add3A_209 : i32
    %add3A_211 = arith.constant 128 : i32
    %add3A_212 = arith.addi %add3A_211, %add3A_210 : i32
    %run_scoped3A_213 = arith.constant 0 : i32
    "tpu.region"() ({
      %run_scoped3A_694 = tpu.sem_alloc : memref<!tpu.dma_semaphore, #tpu.memory_space<semaphore_mem>>
      %dma_start3A_695 = arith.constant 0 : i32
      %dma_start3A_696 = tpu.memref_slice %arg2[%add3A_212, %run_scoped3A_213, %dma_start3A_695] : memref<256x1x4096xi32, #tpu.memory_space<hbm>> -> memref<1x1x4096xi32, #tpu.memory_space<hbm>>
      %dma_start3A_697 = tpu.memref_squeeze %dma_start3A_696 : memref<1x1x4096xi32, #tpu.memory_space<hbm>> -> memref<4096xi32, #tpu.memory_space<hbm>>
      %dma_start3A_698 = arith.constant 0 : i32
      %dma_start3A_699 = tpu.memref_slice %arg2[%add3A_212, %run_scoped3A_213, %dma_start3A_698] : memref<256x1x4096xi32, #tpu.memory_space<hbm>> -> memref<1x1x4096xi32, #tpu.memory_space<hbm>>
      %dma_start3A_700 = tpu.memref_squeeze %dma_start3A_699 : memref<1x1x4096xi32, #tpu.memory_space<hbm>> -> memref<4096xi32, #tpu.memory_space<hbm>>
      tpu.enqueue_dma source(%dma_start3A_700 : memref<4096xi32, #tpu.memory_space<hbm>>) target(%arg5 : memref<4096xi32, #tpu.memory_space<vmem>>) target_semaphore(%run_scoped3A_694 : memref<!tpu.dma_semaphore, #tpu.memory_space<semaphore_mem>>)
      %dma_wait3A_701 = arith.constant 0 : i32
      %dma_wait3A_702 = tpu.memref_slice %arg2[%add3A_212, %run_scoped3A_213, %dma_wait3A_701] : memref<256x1x4096xi32, #tpu.memory_space<hbm>> -> memref<1x1x4096xi32, #tpu.memory_space<hbm>>
      %dma_wait3A_703 = tpu.memref_squeeze %dma_wait3A_702 : memref<1x1x4096xi32, #tpu.memory_space<hbm>> -> memref<4096xi32, #tpu.memory_space<hbm>>
      %dma_wait3A_704 = arith.constant 0 : i32
      %dma_wait3A_705 = tpu.memref_slice %arg2[%add3A_212, %run_scoped3A_213, %dma_wait3A_704] : memref<256x1x4096xi32, #tpu.memory_space<hbm>> -> memref<1x1x4096xi32, #tpu.memory_space<hbm>>
      %dma_wait3A_706 = tpu.memref_squeeze %dma_wait3A_705 : memref<1x1x4096xi32, #tpu.memory_space<hbm>> -> memref<4096xi32, #tpu.memory_space<hbm>>
      tpu.wait_dma2 semaphore(%run_scoped3A_694 : memref<!tpu.dma_semaphore, #tpu.memory_space<semaphore_mem>>) src(%dma_wait3A_706 : memref<4096xi32, #tpu.memory_space<hbm>>) dst(%arg5 : memref<4096xi32, #tpu.memory_space<vmem>>)
      tpu.yield
    }) : () -> ()
    %add3A_214 = arith.constant 128 : i32
    %add3A_215 = arith.addi %add3A_214, %add3A_210 : i32
    %run_scoped3A_216 = arith.constant 0 : i32
    "tpu.region"() ({
      %run_scoped3A_694 = tpu.sem_alloc : memref<!tpu.dma_semaphore, #tpu.memory_space<semaphore_mem>>
      %dma_start3A_695 = arith.constant 0 : i32
      %dma_start3A_696 = tpu.memref_slice %arg3[%add3A_215, %run_scoped3A_216, %dma_start3A_695] : memref<256x1x4096xf32, #tpu.memory_space<hbm>> -> memref<1x1x4096xf32, #tpu.memory_space<hbm>>
      %dma_start3A_697 = tpu.memref_squeeze %dma_start3A_696 : memref<1x1x4096xf32, #tpu.memory_space<hbm>> -> memref<4096xf32, #tpu.memory_space<hbm>>
      %dma_start3A_698 = arith.constant 0 : i32
      %dma_start3A_699 = tpu.memref_slice %arg3[%add3A_215, %run_scoped3A_216, %dma_start3A_698] : memref<256x1x4096xf32, #tpu.memory_space<hbm>> -> memref<1x1x4096xf32, #tpu.memory_space<hbm>>
      %dma_start3A_700 = tpu.memref_squeeze %dma_start3A_699 : memref<1x1x4096xf32, #tpu.memory_space<hbm>> -> memref<4096xf32, #tpu.memory_space<hbm>>
      tpu.enqueue_dma source(%dma_start3A_700 : memref<4096xf32, #tpu.memory_space<hbm>>) target(%arg6 : memref<4096xf32, #tpu.memory_space<vmem>>) target_semaphore(%run_scoped3A_694 : memref<!tpu.dma_semaphore, #tpu.memory_space<semaphore_mem>>)
      %dma_wait3A_701 = arith.constant 0 : i32
      %dma_wait3A_702 = tpu.memref_slice %arg3[%add3A_215, %run_scoped3A_216, %dma_wait3A_701] : memref<256x1x4096xf32, #tpu.memory_space<hbm>> -> memref<1x1x4096xf32, #tpu.memory_space<hbm>>
      %dma_wait3A_703 = tpu.memref_squeeze %dma_wait3A_702 : memref<1x1x4096xf32, #tpu.memory_space<hbm>> -> memref<4096xf32, #tpu.memory_space<hbm>>
      %dma_wait3A_704 = arith.constant 0 : i32
      %dma_wait3A_705 = tpu.memref_slice %arg3[%add3A_215, %run_scoped3A_216, %dma_wait3A_704] : memref<256x1x4096xf32, #tpu.memory_space<hbm>> -> memref<1x1x4096xf32, #tpu.memory_space<hbm>>
      %dma_wait3A_706 = tpu.memref_squeeze %dma_wait3A_705 : memref<1x1x4096xf32, #tpu.memory_space<hbm>> -> memref<4096xf32, #tpu.memory_space<hbm>>
      tpu.wait_dma2 semaphore(%run_scoped3A_694 : memref<!tpu.dma_semaphore, #tpu.memory_space<semaphore_mem>>) src(%dma_wait3A_706 : memref<4096xf32, #tpu.memory_space<hbm>>) dst(%arg6 : memref<4096xf32, #tpu.memory_space<vmem>>)
      tpu.yield
    }) : () -> ()
    %dma_wait3A = arith.constant 0 : i32
    %dma_wait3A_217 = tpu.memref_slice %arg9[%dma_wait3A] : memref<40704xf32, #tpu.memory_space<vmem>> -> memref<6144xf32, #tpu.memory_space<vmem>>
    %dma_wait3A_218 = arith.constant 0 : i32
    %dma_wait3A_219 = tpu.memref_slice %arg4[%add3A_26, %dma_wait3A_218] : memref<896x6144xf32, #tpu.memory_space<hbm>> -> memref<1x6144xf32, #tpu.memory_space<hbm>>
    %dma_wait3A_220 = tpu.memref_squeeze %dma_wait3A_219 : memref<1x6144xf32, #tpu.memory_space<hbm>> -> memref<6144xf32, #tpu.memory_space<hbm>>
    %dma_wait3A_221 = arith.constant 0 : i32
    %dma_wait3A_222 = tpu.memref_slice %arg4[%add3A_26, %dma_wait3A_221] : memref<896x6144xf32, #tpu.memory_space<hbm>> -> memref<1x6144xf32, #tpu.memory_space<hbm>>
    %dma_wait3A_223 = tpu.memref_squeeze %dma_wait3A_222 : memref<1x6144xf32, #tpu.memory_space<hbm>> -> memref<6144xf32, #tpu.memory_space<hbm>>
    %dma_wait3A_224 = arith.constant 0 : i32
    %dma_wait3A_225 = tpu.memref_slice %arg9[%dma_wait3A_224] : memref<40704xf32, #tpu.memory_space<vmem>> -> memref<6144xf32, #tpu.memory_space<vmem>>
    tpu.wait_dma2 semaphore(%arg11 : memref<!tpu.dma_semaphore, #tpu.memory_space<semaphore_mem>>) src(%dma_wait3A_225 : memref<6144xf32, #tpu.memory_space<vmem>>) dst(%dma_wait3A_223 : memref<6144xf32, #tpu.memory_space<hbm>>)
    %dma_wait3A_226 = arith.constant 5760 : i32
    %dma_wait3A_227 = tpu.memref_slice %arg9[%dma_wait3A_226] : memref<40704xf32, #tpu.memory_space<vmem>> -> memref<6144xf32, #tpu.memory_space<vmem>>
    %dma_wait3A_228 = arith.constant 0 : i32
    %dma_wait3A_229 = tpu.memref_slice %arg4[%add3A_37, %dma_wait3A_228] : memref<896x6144xf32, #tpu.memory_space<hbm>> -> memref<1x6144xf32, #tpu.memory_space<hbm>>
    %dma_wait3A_230 = tpu.memref_squeeze %dma_wait3A_229 : memref<1x6144xf32, #tpu.memory_space<hbm>> -> memref<6144xf32, #tpu.memory_space<hbm>>
    %dma_wait3A_231 = arith.constant 0 : i32
    %dma_wait3A_232 = tpu.memref_slice %arg4[%add3A_37, %dma_wait3A_231] : memref<896x6144xf32, #tpu.memory_space<hbm>> -> memref<1x6144xf32, #tpu.memory_space<hbm>>
    %dma_wait3A_233 = tpu.memref_squeeze %dma_wait3A_232 : memref<1x6144xf32, #tpu.memory_space<hbm>> -> memref<6144xf32, #tpu.memory_space<hbm>>
    %dma_wait3A_234 = arith.constant 5760 : i32
    %dma_wait3A_235 = tpu.memref_slice %arg9[%dma_wait3A_234] : memref<40704xf32, #tpu.memory_space<vmem>> -> memref<6144xf32, #tpu.memory_space<vmem>>
    tpu.wait_dma2 semaphore(%arg11 : memref<!tpu.dma_semaphore, #tpu.memory_space<semaphore_mem>>) src(%dma_wait3A_235 : memref<6144xf32, #tpu.memory_space<vmem>>) dst(%dma_wait3A_233 : memref<6144xf32, #tpu.memory_space<hbm>>)
    %dma_wait3A_236 = arith.constant 11520 : i32
    %dma_wait3A_237 = tpu.memref_slice %arg9[%dma_wait3A_236] : memref<40704xf32, #tpu.memory_space<vmem>> -> memref<6144xf32, #tpu.memory_space<vmem>>
    %dma_wait3A_238 = arith.constant 0 : i32
    %dma_wait3A_239 = tpu.memref_slice %arg4[%add3A_49, %dma_wait3A_238] : memref<896x6144xf32, #tpu.memory_space<hbm>> -> memref<1x6144xf32, #tpu.memory_space<hbm>>
    %dma_wait3A_240 = tpu.memref_squeeze %dma_wait3A_239 : memref<1x6144xf32, #tpu.memory_space<hbm>> -> memref<6144xf32, #tpu.memory_space<hbm>>
    %dma_wait3A_241 = arith.constant 0 : i32
    %dma_wait3A_242 = tpu.memref_slice %arg4[%add3A_49, %dma_wait3A_241] : memref<896x6144xf32, #tpu.memory_space<hbm>> -> memref<1x6144xf32, #tpu.memory_space<hbm>>
    %dma_wait3A_243 = tpu.memref_squeeze %dma_wait3A_242 : memref<1x6144xf32, #tpu.memory_space<hbm>> -> memref<6144xf32, #tpu.memory_space<hbm>>
    %dma_wait3A_244 = arith.constant 11520 : i32
    %dma_wait3A_245 = tpu.memref_slice %arg9[%dma_wait3A_244] : memref<40704xf32, #tpu.memory_space<vmem>> -> memref<6144xf32, #tpu.memory_space<vmem>>
    tpu.wait_dma2 semaphore(%arg11 : memref<!tpu.dma_semaphore, #tpu.memory_space<semaphore_mem>>) src(%dma_wait3A_245 : memref<6144xf32, #tpu.memory_space<vmem>>) dst(%dma_wait3A_243 : memref<6144xf32, #tpu.memory_space<hbm>>)
    %dma_wait3A_246 = arith.constant 17280 : i32
    %dma_wait3A_247 = tpu.memref_slice %arg9[%dma_wait3A_246] : memref<40704xf32, #tpu.memory_space<vmem>> -> memref<6144xf32, #tpu.memory_space<vmem>>
    %dma_wait3A_248 = arith.constant 0 : i32
    %dma_wait3A_249 = tpu.memref_slice %arg4[%add3A_61, %dma_wait3A_248] : memref<896x6144xf32, #tpu.memory_space<hbm>> -> memref<1x6144xf32, #tpu.memory_space<hbm>>
    %dma_wait3A_250 = tpu.memref_squeeze %dma_wait3A_249 : memref<1x6144xf32, #tpu.memory_space<hbm>> -> memref<6144xf32, #tpu.memory_space<hbm>>
    %dma_wait3A_251 = arith.constant 0 : i32
    %dma_wait3A_252 = tpu.memref_slice %arg4[%add3A_61, %dma_wait3A_251] : memref<896x6144xf32, #tpu.memory_space<hbm>> -> memref<1x6144xf32, #tpu.memory_space<hbm>>
    %dma_wait3A_253 = tpu.memref_squeeze %dma_wait3A_252 : memref<1x6144xf32, #tpu.memory_space<hbm>> -> memref<6144xf32, #tpu.memory_space<hbm>>
    %dma_wait3A_254 = arith.constant 17280 : i32
    %dma_wait3A_255 = tpu.memref_slice %arg9[%dma_wait3A_254] : memref<40704xf32, #tpu.memory_space<vmem>> -> memref<6144xf32, #tpu.memory_space<vmem>>
    tpu.wait_dma2 semaphore(%arg11 : memref<!tpu.dma_semaphore, #tpu.memory_space<semaphore_mem>>) src(%dma_wait3A_255 : memref<6144xf32, #tpu.memory_space<vmem>>) dst(%dma_wait3A_253 : memref<6144xf32, #tpu.memory_space<hbm>>)
    %dma_wait3A_256 = arith.constant 23040 : i32
    %dma_wait3A_257 = tpu.memref_slice %arg9[%dma_wait3A_256] : memref<40704xf32, #tpu.memory_space<vmem>> -> memref<6144xf32, #tpu.memory_space<vmem>>
    %dma_wait3A_258 = arith.constant 0 : i32
    %dma_wait3A_259 = tpu.memref_slice %arg4[%add3A_73, %dma_wait3A_258] : memref<896x6144xf32, #tpu.memory_space<hbm>> -> memref<1x6144xf32, #tpu.memory_space<hbm>>
    %dma_wait3A_260 = tpu.memref_squeeze %dma_wait3A_259 : memref<1x6144xf32, #tpu.memory_space<hbm>> -> memref<6144xf32, #tpu.memory_space<hbm>>
    %dma_wait3A_261 = arith.constant 0 : i32
    %dma_wait3A_262 = tpu.memref_slice %arg4[%add3A_73, %dma_wait3A_261] : memref<896x6144xf32, #tpu.memory_space<hbm>> -> memref<1x6144xf32, #tpu.memory_space<hbm>>
    %dma_wait3A_263 = tpu.memref_squeeze %dma_wait3A_262 : memref<1x6144xf32, #tpu.memory_space<hbm>> -> memref<6144xf32, #tpu.memory_space<hbm>>
    %dma_wait3A_264 = arith.constant 23040 : i32
    %dma_wait3A_265 = tpu.memref_slice %arg9[%dma_wait3A_264] : memref<40704xf32, #tpu.memory_space<vmem>> -> memref<6144xf32, #tpu.memory_space<vmem>>
    tpu.wait_dma2 semaphore(%arg11 : memref<!tpu.dma_semaphore, #tpu.memory_space<semaphore_mem>>) src(%dma_wait3A_265 : memref<6144xf32, #tpu.memory_space<vmem>>) dst(%dma_wait3A_263 : memref<6144xf32, #tpu.memory_space<hbm>>)
    %dma_wait3A_266 = arith.constant 28800 : i32
    %dma_wait3A_267 = tpu.memref_slice %arg9[%dma_wait3A_266] : memref<40704xf32, #tpu.memory_space<vmem>> -> memref<6144xf32, #tpu.memory_space<vmem>>
    %dma_wait3A_268 = arith.constant 0 : i32
    %dma_wait3A_269 = tpu.memref_slice %arg4[%add3A_85, %dma_wait3A_268] : memref<896x6144xf32, #tpu.memory_space<hbm>> -> memref<1x6144xf32, #tpu.memory_space<hbm>>
    %dma_wait3A_270 = tpu.memref_squeeze %dma_wait3A_269 : memref<1x6144xf32, #tpu.memory_space<hbm>> -> memref<6144xf32, #tpu.memory_space<hbm>>
    %dma_wait3A_271 = arith.constant 0 : i32
    %dma_wait3A_272 = tpu.memref_slice %arg4[%add3A_85, %dma_wait3A_271] : memref<896x6144xf32, #tpu.memory_space<hbm>> -> memref<1x6144xf32, #tpu.memory_space<hbm>>
    %dma_wait3A_273 = tpu.memref_squeeze %dma_wait3A_272 : memref<1x6144xf32, #tpu.memory_space<hbm>> -> memref<6144xf32, #tpu.memory_space<hbm>>
    %dma_wait3A_274 = arith.constant 28800 : i32
    %dma_wait3A_275 = tpu.memref_slice %arg9[%dma_wait3A_274] : memref<40704xf32, #tpu.memory_space<vmem>> -> memref<6144xf32, #tpu.memory_space<vmem>>
    tpu.wait_dma2 semaphore(%arg11 : memref<!tpu.dma_semaphore, #tpu.memory_space<semaphore_mem>>) src(%dma_wait3A_275 : memref<6144xf32, #tpu.memory_space<vmem>>) dst(%dma_wait3A_273 : memref<6144xf32, #tpu.memory_space<hbm>>)
    %dma_wait3A_276 = arith.constant 34560 : i32
    %dma_wait3A_277 = tpu.memref_slice %arg9[%dma_wait3A_276] : memref<40704xf32, #tpu.memory_space<vmem>> -> memref<6144xf32, #tpu.memory_space<vmem>>
    %dma_wait3A_278 = arith.constant 0 : i32
    %dma_wait3A_279 = tpu.memref_slice %arg4[%add3A_97, %dma_wait3A_278] : memref<896x6144xf32, #tpu.memory_space<hbm>> -> memref<1x6144xf32, #tpu.memory_space<hbm>>
    %dma_wait3A_280 = tpu.memref_squeeze %dma_wait3A_279 : memref<1x6144xf32, #tpu.memory_space<hbm>> -> memref<6144xf32, #tpu.memory_space<hbm>>
    %dma_wait3A_281 = arith.constant 0 : i32
    %dma_wait3A_282 = tpu.memref_slice %arg4[%add3A_97, %dma_wait3A_281] : memref<896x6144xf32, #tpu.memory_space<hbm>> -> memref<1x6144xf32, #tpu.memory_space<hbm>>
    %dma_wait3A_283 = tpu.memref_squeeze %dma_wait3A_282 : memref<1x6144xf32, #tpu.memory_space<hbm>> -> memref<6144xf32, #tpu.memory_space<hbm>>
    %dma_wait3A_284 = arith.constant 34560 : i32
    %dma_wait3A_285 = tpu.memref_slice %arg9[%dma_wait3A_284] : memref<40704xf32, #tpu.memory_space<vmem>> -> memref<6144xf32, #tpu.memory_space<vmem>>
    tpu.wait_dma2 semaphore(%arg11 : memref<!tpu.dma_semaphore, #tpu.memory_space<semaphore_mem>>) src(%dma_wait3A_285 : memref<6144xf32, #tpu.memory_space<vmem>>) dst(%dma_wait3A_283 : memref<6144xf32, #tpu.memory_space<hbm>>)
    %scan3A_286 = arith.constant 0 : i32
    %scan3A_287 = arith.constant 256 : i32
    %scan3A_288 = arith.addi %scan3A_286, %scan3A_287 : i32
    %scan3A_289 = arith.constant 4 : i32
    scf.for %scan3A_694 = %scan3A_286 to %scan3A_288 step %scan3A_289  : i32 {
      %mul3A_695 = arith.constant 1 : i32
      %mul3A_696 = arith.muli %scan3A_694, %mul3A_695 : i32
      %add3A_697 = arith.constant 0 : i32
      %add3A_698 = arith.addi %add3A_697, %mul3A_696 : i32
      %mul3A_699 = arith.constant 16 : i32
      %mul3A_700 = arith.muli %add3A_698, %mul3A_699 : i32
      %get3A = arith.index_cast %mul3A_700 : i32 to index
      %get3A_701 = tpu.vector_load %arg7[%get3A] {strides = array<i32>} : memref<4096xi32, #tpu.memory_space<vmem>>, vector<16xi32>,
      tpu.vector_store_idx %arg9[%get3A_701], %broadcast_in_dim3A_1 : memref<40704xf32, #tpu.memory_space<vmem>>[vector<16xi32>], vector<16xf32>,
      %scan3A_702 = arith.constant 1 : i32
      %scan3A_703 = arith.addi %scan3A_694, %scan3A_702 : i32
      %mul3A_704 = arith.constant 1 : i32
      %mul3A_705 = arith.muli %scan3A_703, %mul3A_704 : i32
      %add3A_706 = arith.constant 0 : i32
      %add3A_707 = arith.addi %add3A_706, %mul3A_705 : i32
      %mul3A_708 = arith.constant 16 : i32
      %mul3A_709 = arith.muli %add3A_707, %mul3A_708 : i32
      %get3A_710 = arith.index_cast %mul3A_709 : i32 to index
      %get3A_711 = tpu.vector_load %arg7[%get3A_710] {strides = array<i32>} : memref<4096xi32, #tpu.memory_space<vmem>>, vector<16xi32>,
      tpu.vector_store_idx %arg9[%get3A_711], %broadcast_in_dim3A_1 : memref<40704xf32, #tpu.memory_space<vmem>>[vector<16xi32>], vector<16xf32>,
      %scan3A_712 = arith.constant 2 : i32
      %scan3A_713 = arith.addi %scan3A_694, %scan3A_712 : i32
      %mul3A_714 = arith.constant 1 : i32
      %mul3A_715 = arith.muli %scan3A_713, %mul3A_714 : i32
      %add3A_716 = arith.constant 0 : i32
      %add3A_717 = arith.addi %add3A_716, %mul3A_715 : i32
      %mul3A_718 = arith.constant 16 : i32
      %mul3A_719 = arith.muli %add3A_717, %mul3A_718 : i32
      %get3A_720 = arith.index_cast %mul3A_719 : i32 to index
      %get3A_721 = tpu.vector_load %arg7[%get3A_720] {strides = array<i32>} : memref<4096xi32, #tpu.memory_space<vmem>>, vector<16xi32>,
      tpu.vector_store_idx %arg9[%get3A_721], %broadcast_in_dim3A_1 : memref<40704xf32, #tpu.memory_space<vmem>>[vector<16xi32>], vector<16xf32>,
      %scan3A_722 = arith.constant 3 : i32
      %scan3A_723 = arith.addi %scan3A_694, %scan3A_722 : i32
      %mul3A_724 = arith.constant 1 : i32
      %mul3A_725 = arith.muli %scan3A_723, %mul3A_724 : i32
      %add3A_726 = arith.constant 0 : i32
      %add3A_727 = arith.addi %add3A_726, %mul3A_725 : i32
      %mul3A_728 = arith.constant 16 : i32
      %mul3A_729 = arith.muli %add3A_727, %mul3A_728 : i32
      %get3A_730 = arith.index_cast %mul3A_729 : i32 to index
      %get3A_731 = tpu.vector_load %arg7[%get3A_730] {strides = array<i32>} : memref<4096xi32, #tpu.memory_space<vmem>>, vector<16xi32>,
      tpu.vector_store_idx %arg9[%get3A_731], %broadcast_in_dim3A_1 : memref<40704xf32, #tpu.memory_space<vmem>>[vector<16xi32>], vector<16xf32>,
    }
    %scan3A_290 = arith.constant 256 : i32
    %scan3A_291 = arith.constant 0 : i32
    %scan3A_292 = arith.constant 256 : i32
    %scan3A_293 = arith.addi %scan3A_291, %scan3A_292 : i32
    %scan3A_294 = arith.constant 4 : i32
    scf.for %scan3A_694 = %scan3A_291 to %scan3A_293 step %scan3A_294  : i32 {
      %mul3A_695 = arith.constant 1 : i32
      %mul3A_696 = arith.muli %scan3A_694, %mul3A_695 : i32
      %add3A_697 = arith.constant 0 : i32
      %add3A_698 = arith.addi %add3A_697, %mul3A_696 : i32
      %mul3A_699 = arith.constant 16 : i32
      %mul3A_700 = arith.muli %add3A_698, %mul3A_699 : i32
      %get3A = arith.index_cast %mul3A_700 : i32 to index
      %get3A_701 = tpu.vector_load %arg5[%get3A] {strides = array<i32>} : memref<4096xi32, #tpu.memory_space<vmem>>, vector<16xi32>,
      %mul3A_702 = arith.constant 16 : i32
      %mul3A_703 = arith.muli %add3A_698, %mul3A_702 : i32
      %get3A_704 = arith.index_cast %mul3A_703 : i32 to index
      %get3A_705 = tpu.vector_load %arg6[%get3A_704] {strides = array<i32>} : memref<4096xf32, #tpu.memory_space<vmem>>, vector<16xf32>,
      %mul3A_706 = arith.constant 26215 : i32
      %mul3A_707 = vector.broadcast %mul3A_706 : i32 to vector<16xi32>
      %mul3A_708 = arith.muli %get3A_701, %mul3A_707 : vector<16xi32>
      %shift_right_arithmetic3A = arith.constant 22 : i32
      %shift_right_arithmetic3A_709 = vector.broadcast %shift_right_arithmetic3A : i32 to vector<16xi32>
      %shift_right_arithmetic3A_710 = arith.shrsi %mul3A_708, %shift_right_arithmetic3A_709 : vector<16xi32>
      %mul3A_711 = arith.constant 32 : i32
      %mul3A_712 = vector.broadcast %mul3A_711 : i32 to vector<16xi32>
      %mul3A_713 = arith.muli %shift_right_arithmetic3A_710, %mul3A_712 : vector<16xi32>
      %add3A_714 = arith.addi %get3A_701, %mul3A_713 : vector<16xi32>
      %add3A_715 = arith.constant 193 : i32
      %add3A_716 = vector.broadcast %add3A_715 : i32 to vector<16xi32>
      %add3A_717 = arith.addi %add3A_714, %add3A_716 : vector<16xi32>
      %mul3A_718 = arith.constant 16 : i32
      %mul3A_719 = arith.muli %add3A_698, %mul3A_718 : i32
      %swap3A = arith.index_cast %mul3A_719 : i32 to index
      %swap3A_720 = tpu.vector_load %arg7[%swap3A] {strides = array<i32>} : memref<4096xi32, #tpu.memory_space<vmem>>, vector<16xi32>,
      tpu.vector_store %arg7[%swap3A], %add3A_717 {strides = array<i32>} : memref<4096xi32, #tpu.memory_space<vmem>>, vector<16xi32>,
      tpu.vector_store_idx %arg9[%add3A_717], %get3A_705 : memref<40704xf32, #tpu.memory_space<vmem>>[vector<16xi32>], vector<16xf32>,
      %scan3A_721 = arith.constant 1 : i32
      %scan3A_722 = arith.addi %scan3A_694, %scan3A_721 : i32
      %mul3A_723 = arith.constant 1 : i32
      %mul3A_724 = arith.muli %scan3A_722, %mul3A_723 : i32
      %add3A_725 = arith.constant 0 : i32
      %add3A_726 = arith.addi %add3A_725, %mul3A_724 : i32
      %mul3A_727 = arith.constant 16 : i32
      %mul3A_728 = arith.muli %add3A_726, %mul3A_727 : i32
      %get3A_729 = arith.index_cast %mul3A_728 : i32 to index
      %get3A_730 = tpu.vector_load %arg5[%get3A_729] {strides = array<i32>} : memref<4096xi32, #tpu.memory_space<vmem>>, vector<16xi32>,
      %mul3A_731 = arith.constant 16 : i32
      %mul3A_732 = arith.muli %add3A_726, %mul3A_731 : i32
      %get3A_733 = arith.index_cast %mul3A_732 : i32 to index
      %get3A_734 = tpu.vector_load %arg6[%get3A_733] {strides = array<i32>} : memref<4096xf32, #tpu.memory_space<vmem>>, vector<16xf32>,
      %mul3A_735 = arith.constant 26215 : i32
      %mul3A_736 = vector.broadcast %mul3A_735 : i32 to vector<16xi32>
      %mul3A_737 = arith.muli %get3A_730, %mul3A_736 : vector<16xi32>
      %shift_right_arithmetic3A_738 = arith.constant 22 : i32
      %shift_right_arithmetic3A_739 = vector.broadcast %shift_right_arithmetic3A_738 : i32 to vector<16xi32>
      %shift_right_arithmetic3A_740 = arith.shrsi %mul3A_737, %shift_right_arithmetic3A_739 : vector<16xi32>
      %mul3A_741 = arith.constant 32 : i32
      %mul3A_742 = vector.broadcast %mul3A_741 : i32 to vector<16xi32>
      %mul3A_743 = arith.muli %shift_right_arithmetic3A_740, %mul3A_742 : vector<16xi32>
      %add3A_744 = arith.addi %get3A_730, %mul3A_743 : vector<16xi32>
      %add3A_745 = arith.constant 193 : i32
      %add3A_746 = vector.broadcast %add3A_745 : i32 to vector<16xi32>
      %add3A_747 = arith.addi %add3A_744, %add3A_746 : vector<16xi32>
      %mul3A_748 = arith.constant 16 : i32
      %mul3A_749 = arith.muli %add3A_726, %mul3A_748 : i32
      %swap3A_750 = arith.index_cast %mul3A_749 : i32 to index
      %swap3A_751 = tpu.vector_load %arg7[%swap3A_750] {strides = array<i32>} : memref<4096xi32, #tpu.memory_space<vmem>>, vector<16xi32>,
      tpu.vector_store %arg7[%swap3A_750], %add3A_747 {strides = array<i32>} : memref<4096xi32, #tpu.memory_space<vmem>>, vector<16xi32>,
      tpu.vector_store_idx %arg9[%add3A_747], %get3A_734 : memref<40704xf32, #tpu.memory_space<vmem>>[vector<16xi32>], vector<16xf32>,
      %scan3A_752 = arith.constant 2 : i32
      %scan3A_753 = arith.addi %scan3A_694, %scan3A_752 : i32
      %mul3A_754 = arith.constant 1 : i32
      %mul3A_755 = arith.muli %scan3A_753, %mul3A_754 : i32
      %add3A_756 = arith.constant 0 : i32
      %add3A_757 = arith.addi %add3A_756, %mul3A_755 : i32
      %mul3A_758 = arith.constant 16 : i32
      %mul3A_759 = arith.muli %add3A_757, %mul3A_758 : i32
      %get3A_760 = arith.index_cast %mul3A_759 : i32 to index
      %get3A_761 = tpu.vector_load %arg5[%get3A_760] {strides = array<i32>} : memref<4096xi32, #tpu.memory_space<vmem>>, vector<16xi32>,
      %mul3A_762 = arith.constant 16 : i32
      %mul3A_763 = arith.muli %add3A_757, %mul3A_762 : i32
      %get3A_764 = arith.index_cast %mul3A_763 : i32 to index
      %get3A_765 = tpu.vector_load %arg6[%get3A_764] {strides = array<i32>} : memref<4096xf32, #tpu.memory_space<vmem>>, vector<16xf32>,
      %mul3A_766 = arith.constant 26215 : i32
      %mul3A_767 = vector.broadcast %mul3A_766 : i32 to vector<16xi32>
      %mul3A_768 = arith.muli %get3A_761, %mul3A_767 : vector<16xi32>
      %shift_right_arithmetic3A_769 = arith.constant 22 : i32
      %shift_right_arithmetic3A_770 = vector.broadcast %shift_right_arithmetic3A_769 : i32 to vector<16xi32>
      %shift_right_arithmetic3A_771 = arith.shrsi %mul3A_768, %shift_right_arithmetic3A_770 : vector<16xi32>
      %mul3A_772 = arith.constant 32 : i32
      %mul3A_773 = vector.broadcast %mul3A_772 : i32 to vector<16xi32>
      %mul3A_774 = arith.muli %shift_right_arithmetic3A_771, %mul3A_773 : vector<16xi32>
      %add3A_775 = arith.addi %get3A_761, %mul3A_774 : vector<16xi32>
      %add3A_776 = arith.constant 193 : i32
      %add3A_777 = vector.broadcast %add3A_776 : i32 to vector<16xi32>
      %add3A_778 = arith.addi %add3A_775, %add3A_777 : vector<16xi32>
      %mul3A_779 = arith.constant 16 : i32
      %mul3A_780 = arith.muli %add3A_757, %mul3A_779 : i32
      %swap3A_781 = arith.index_cast %mul3A_780 : i32 to index
      %swap3A_782 = tpu.vector_load %arg7[%swap3A_781] {strides = array<i32>} : memref<4096xi32, #tpu.memory_space<vmem>>, vector<16xi32>,
      tpu.vector_store %arg7[%swap3A_781], %add3A_778 {strides = array<i32>} : memref<4096xi32, #tpu.memory_space<vmem>>, vector<16xi32>,
      tpu.vector_store_idx %arg9[%add3A_778], %get3A_765 : memref<40704xf32, #tpu.memory_space<vmem>>[vector<16xi32>], vector<16xf32>,
      %scan3A_783 = arith.constant 3 : i32
      %scan3A_784 = arith.addi %scan3A_694, %scan3A_783 : i32
      %mul3A_785 = arith.constant 1 : i32
      %mul3A_786 = arith.muli %scan3A_784, %mul3A_785 : i32
      %add3A_787 = arith.constant 0 : i32
      %add3A_788 = arith.addi %add3A_787, %mul3A_786 : i32
      %mul3A_789 = arith.constant 16 : i32
      %mul3A_790 = arith.muli %add3A_788, %mul3A_789 : i32
      %get3A_791 = arith.index_cast %mul3A_790 : i32 to index
      %get3A_792 = tpu.vector_load %arg5[%get3A_791] {strides = array<i32>} : memref<4096xi32, #tpu.memory_space<vmem>>, vector<16xi32>,
      %mul3A_793 = arith.constant 16 : i32
      %mul3A_794 = arith.muli %add3A_788, %mul3A_793 : i32
      %get3A_795 = arith.index_cast %mul3A_794 : i32 to index
      %get3A_796 = tpu.vector_load %arg6[%get3A_795] {strides = array<i32>} : memref<4096xf32, #tpu.memory_space<vmem>>, vector<16xf32>,
      %mul3A_797 = arith.constant 26215 : i32
      %mul3A_798 = vector.broadcast %mul3A_797 : i32 to vector<16xi32>
      %mul3A_799 = arith.muli %get3A_792, %mul3A_798 : vector<16xi32>
      %shift_right_arithmetic3A_800 = arith.constant 22 : i32
      %shift_right_arithmetic3A_801 = vector.broadcast %shift_right_arithmetic3A_800 : i32 to vector<16xi32>
      %shift_right_arithmetic3A_802 = arith.shrsi %mul3A_799, %shift_right_arithmetic3A_801 : vector<16xi32>
      %mul3A_803 = arith.constant 32 : i32
      %mul3A_804 = vector.broadcast %mul3A_803 : i32 to vector<16xi32>
      %mul3A_805 = arith.muli %shift_right_arithmetic3A_802, %mul3A_804 : vector<16xi32>
      %add3A_806 = arith.addi %get3A_792, %mul3A_805 : vector<16xi32>
      %add3A_807 = arith.constant 193 : i32
      %add3A_808 = vector.broadcast %add3A_807 : i32 to vector<16xi32>
      %add3A_809 = arith.addi %add3A_806, %add3A_808 : vector<16xi32>
      %mul3A_810 = arith.constant 16 : i32
      %mul3A_811 = arith.muli %add3A_788, %mul3A_810 : i32
      %swap3A_812 = arith.index_cast %mul3A_811 : i32 to index
      %swap3A_813 = tpu.vector_load %arg7[%swap3A_812] {strides = array<i32>} : memref<4096xi32, #tpu.memory_space<vmem>>, vector<16xi32>,
      tpu.vector_store %arg7[%swap3A_812], %add3A_809 {strides = array<i32>} : memref<4096xi32, #tpu.memory_space<vmem>>, vector<16xi32>,
      tpu.vector_store_idx %arg9[%add3A_809], %get3A_796 : memref<40704xf32, #tpu.memory_space<vmem>>[vector<16xi32>], vector<16xf32>,
    }
    %scan3A_295 = arith.constant 256 : i32
    %add3A_296 = arith.constant 0 : i32
    %add3A_297 = arith.addi %add3A_296, %add3A_210 : i32
    %dma_start3A_298 = arith.constant 0 : i32
    %dma_start3A_299 = tpu.memref_slice %arg9[%dma_start3A_298] : memref<40704xf32, #tpu.memory_space<vmem>> -> memref<6144xf32, #tpu.memory_space<vmem>>
    %dma_start3A_300 = arith.constant 0 : i32
    %dma_start3A_301 = tpu.memref_slice %arg4[%add3A_297, %dma_start3A_300] : memref<896x6144xf32, #tpu.memory_space<hbm>> -> memref<1x6144xf32, #tpu.memory_space<hbm>>
    %dma_start3A_302 = tpu.memref_squeeze %dma_start3A_301 : memref<1x6144xf32, #tpu.memory_space<hbm>> -> memref<6144xf32, #tpu.memory_space<hbm>>
    %dma_start3A_303 = arith.constant 0 : i32
    %dma_start3A_304 = tpu.memref_slice %arg4[%add3A_297, %dma_start3A_303] : memref<896x6144xf32, #tpu.memory_space<hbm>> -> memref<1x6144xf32, #tpu.memory_space<hbm>>
    %dma_start3A_305 = tpu.memref_squeeze %dma_start3A_304 : memref<1x6144xf32, #tpu.memory_space<hbm>> -> memref<6144xf32, #tpu.memory_space<hbm>>
    %dma_start3A_306 = arith.constant 0 : i32
    %dma_start3A_307 = tpu.memref_slice %arg9[%dma_start3A_306] : memref<40704xf32, #tpu.memory_space<vmem>> -> memref<6144xf32, #tpu.memory_space<vmem>>
    tpu.enqueue_dma source(%dma_start3A_307 : memref<6144xf32, #tpu.memory_space<vmem>>) target(%dma_start3A_305 : memref<6144xf32, #tpu.memory_space<hbm>>) target_semaphore(%arg11 : memref<!tpu.dma_semaphore, #tpu.memory_space<semaphore_mem>>)
    %add3A_308 = arith.constant 128 : i32
    %add3A_309 = arith.addi %add3A_308, %add3A_210 : i32
    %dma_start3A_310 = arith.constant 5760 : i32
    %dma_start3A_311 = tpu.memref_slice %arg9[%dma_start3A_310] : memref<40704xf32, #tpu.memory_space<vmem>> -> memref<6144xf32, #tpu.memory_space<vmem>>
    %dma_start3A_312 = arith.constant 0 : i32
    %dma_start3A_313 = tpu.memref_slice %arg4[%add3A_309, %dma_start3A_312] : memref<896x6144xf32, #tpu.memory_space<hbm>> -> memref<1x6144xf32, #tpu.memory_space<hbm>>
    %dma_start3A_314 = tpu.memref_squeeze %dma_start3A_313 : memref<1x6144xf32, #tpu.memory_space<hbm>> -> memref<6144xf32, #tpu.memory_space<hbm>>
    %dma_start3A_315 = arith.constant 0 : i32
    %dma_start3A_316 = tpu.memref_slice %arg4[%add3A_309, %dma_start3A_315] : memref<896x6144xf32, #tpu.memory_space<hbm>> -> memref<1x6144xf32, #tpu.memory_space<hbm>>
    %dma_start3A_317 = tpu.memref_squeeze %dma_start3A_316 : memref<1x6144xf32, #tpu.memory_space<hbm>> -> memref<6144xf32, #tpu.memory_space<hbm>>
    %dma_start3A_318 = arith.constant 5760 : i32
    %dma_start3A_319 = tpu.memref_slice %arg9[%dma_start3A_318] : memref<40704xf32, #tpu.memory_space<vmem>> -> memref<6144xf32, #tpu.memory_space<vmem>>
    tpu.enqueue_dma source(%dma_start3A_319 : memref<6144xf32, #tpu.memory_space<vmem>>) target(%dma_start3A_317 : memref<6144xf32, #tpu.memory_space<hbm>>) target_semaphore(%arg11 : memref<!tpu.dma_semaphore, #tpu.memory_space<semaphore_mem>>)
    %add3A_320 = arith.constant 256 : i32
    %add3A_321 = arith.addi %add3A_320, %add3A_210 : i32
    %dma_start3A_322 = arith.constant 11520 : i32
    %dma_start3A_323 = tpu.memref_slice %arg9[%dma_start3A_322] : memref<40704xf32, #tpu.memory_space<vmem>> -> memref<6144xf32, #tpu.memory_space<vmem>>
    %dma_start3A_324 = arith.constant 0 : i32
    %dma_start3A_325 = tpu.memref_slice %arg4[%add3A_321, %dma_start3A_324] : memref<896x6144xf32, #tpu.memory_space<hbm>> -> memref<1x6144xf32, #tpu.memory_space<hbm>>
    %dma_start3A_326 = tpu.memref_squeeze %dma_start3A_325 : memref<1x6144xf32, #tpu.memory_space<hbm>> -> memref<6144xf32, #tpu.memory_space<hbm>>
    %dma_start3A_327 = arith.constant 0 : i32
    %dma_start3A_328 = tpu.memref_slice %arg4[%add3A_321, %dma_start3A_327] : memref<896x6144xf32, #tpu.memory_space<hbm>> -> memref<1x6144xf32, #tpu.memory_space<hbm>>
    %dma_start3A_329 = tpu.memref_squeeze %dma_start3A_328 : memref<1x6144xf32, #tpu.memory_space<hbm>> -> memref<6144xf32, #tpu.memory_space<hbm>>
    %dma_start3A_330 = arith.constant 11520 : i32
    %dma_start3A_331 = tpu.memref_slice %arg9[%dma_start3A_330] : memref<40704xf32, #tpu.memory_space<vmem>> -> memref<6144xf32, #tpu.memory_space<vmem>>
    tpu.enqueue_dma source(%dma_start3A_331 : memref<6144xf32, #tpu.memory_space<vmem>>) target(%dma_start3A_329 : memref<6144xf32, #tpu.memory_space<hbm>>) target_semaphore(%arg11 : memref<!tpu.dma_semaphore, #tpu.memory_space<semaphore_mem>>)
    %add3A_332 = arith.constant 384 : i32
    %add3A_333 = arith.addi %add3A_332, %add3A_210 : i32
    %dma_start3A_334 = arith.constant 17280 : i32
    %dma_start3A_335 = tpu.memref_slice %arg9[%dma_start3A_334] : memref<40704xf32, #tpu.memory_space<vmem>> -> memref<6144xf32, #tpu.memory_space<vmem>>
    %dma_start3A_336 = arith.constant 0 : i32
    %dma_start3A_337 = tpu.memref_slice %arg4[%add3A_333, %dma_start3A_336] : memref<896x6144xf32, #tpu.memory_space<hbm>> -> memref<1x6144xf32, #tpu.memory_space<hbm>>
    %dma_start3A_338 = tpu.memref_squeeze %dma_start3A_337 : memref<1x6144xf32, #tpu.memory_space<hbm>> -> memref<6144xf32, #tpu.memory_space<hbm>>
    %dma_start3A_339 = arith.constant 0 : i32
    %dma_start3A_340 = tpu.memref_slice %arg4[%add3A_333, %dma_start3A_339] : memref<896x6144xf32, #tpu.memory_space<hbm>> -> memref<1x6144xf32, #tpu.memory_space<hbm>>
    %dma_start3A_341 = tpu.memref_squeeze %dma_start3A_340 : memref<1x6144xf32, #tpu.memory_space<hbm>> -> memref<6144xf32, #tpu.memory_space<hbm>>
    %dma_start3A_342 = arith.constant 17280 : i32
    %dma_start3A_343 = tpu.memref_slice %arg9[%dma_start3A_342] : memref<40704xf32, #tpu.memory_space<vmem>> -> memref<6144xf32, #tpu.memory_space<vmem>>
    tpu.enqueue_dma source(%dma_start3A_343 : memref<6144xf32, #tpu.memory_space<vmem>>) target(%dma_start3A_341 : memref<6144xf32, #tpu.memory_space<hbm>>) target_semaphore(%arg11 : memref<!tpu.dma_semaphore, #tpu.memory_space<semaphore_mem>>)
    %add3A_344 = arith.constant 512 : i32
    %add3A_345 = arith.addi %add3A_344, %add3A_210 : i32
    %dma_start3A_346 = arith.constant 23040 : i32
    %dma_start3A_347 = tpu.memref_slice %arg9[%dma_start3A_346] : memref<40704xf32, #tpu.memory_space<vmem>> -> memref<6144xf32, #tpu.memory_space<vmem>>
    %dma_start3A_348 = arith.constant 0 : i32
    %dma_start3A_349 = tpu.memref_slice %arg4[%add3A_345, %dma_start3A_348] : memref<896x6144xf32, #tpu.memory_space<hbm>> -> memref<1x6144xf32, #tpu.memory_space<hbm>>
    %dma_start3A_350 = tpu.memref_squeeze %dma_start3A_349 : memref<1x6144xf32, #tpu.memory_space<hbm>> -> memref<6144xf32, #tpu.memory_space<hbm>>
    %dma_start3A_351 = arith.constant 0 : i32
    %dma_start3A_352 = tpu.memref_slice %arg4[%add3A_345, %dma_start3A_351] : memref<896x6144xf32, #tpu.memory_space<hbm>> -> memref<1x6144xf32, #tpu.memory_space<hbm>>
    %dma_start3A_353 = tpu.memref_squeeze %dma_start3A_352 : memref<1x6144xf32, #tpu.memory_space<hbm>> -> memref<6144xf32, #tpu.memory_space<hbm>>
    %dma_start3A_354 = arith.constant 23040 : i32
    %dma_start3A_355 = tpu.memref_slice %arg9[%dma_start3A_354] : memref<40704xf32, #tpu.memory_space<vmem>> -> memref<6144xf32, #tpu.memory_space<vmem>>
    tpu.enqueue_dma source(%dma_start3A_355 : memref<6144xf32, #tpu.memory_space<vmem>>) target(%dma_start3A_353 : memref<6144xf32, #tpu.memory_space<hbm>>) target_semaphore(%arg11 : memref<!tpu.dma_semaphore, #tpu.memory_space<semaphore_mem>>)
    %add3A_356 = arith.constant 640 : i32
    %add3A_357 = arith.addi %add3A_356, %add3A_210 : i32
    %dma_start3A_358 = arith.constant 28800 : i32
    %dma_start3A_359 = tpu.memref_slice %arg9[%dma_start3A_358] : memref<40704xf32, #tpu.memory_space<vmem>> -> memref<6144xf32, #tpu.memory_space<vmem>>
    %dma_start3A_360 = arith.constant 0 : i32
    %dma_start3A_361 = tpu.memref_slice %arg4[%add3A_357, %dma_start3A_360] : memref<896x6144xf32, #tpu.memory_space<hbm>> -> memref<1x6144xf32, #tpu.memory_space<hbm>>
    %dma_start3A_362 = tpu.memref_squeeze %dma_start3A_361 : memref<1x6144xf32, #tpu.memory_space<hbm>> -> memref<6144xf32, #tpu.memory_space<hbm>>
    %dma_start3A_363 = arith.constant 0 : i32
    %dma_start3A_364 = tpu.memref_slice %arg4[%add3A_357, %dma_start3A_363] : memref<896x6144xf32, #tpu.memory_space<hbm>> -> memref<1x6144xf32, #tpu.memory_space<hbm>>
    %dma_start3A_365 = tpu.memref_squeeze %dma_start3A_364 : memref<1x6144xf32, #tpu.memory_space<hbm>> -> memref<6144xf32, #tpu.memory_space<hbm>>
    %dma_start3A_366 = arith.constant 28800 : i32
    %dma_start3A_367 = tpu.memref_slice %arg9[%dma_start3A_366] : memref<40704xf32, #tpu.memory_space<vmem>> -> memref<6144xf32, #tpu.memory_space<vmem>>
    tpu.enqueue_dma source(%dma_start3A_367 : memref<6144xf32, #tpu.memory_space<vmem>>) target(%dma_start3A_365 : memref<6144xf32, #tpu.memory_space<hbm>>) target_semaphore(%arg11 : memref<!tpu.dma_semaphore, #tpu.memory_space<semaphore_mem>>)
    %add3A_368 = arith.constant 768 : i32
    %add3A_369 = arith.addi %add3A_368, %add3A_210 : i32
    %dma_start3A_370 = arith.constant 34560 : i32
    %dma_start3A_371 = tpu.memref_slice %arg9[%dma_start3A_370] : memref<40704xf32, #tpu.memory_space<vmem>> -> memref<6144xf32, #tpu.memory_space<vmem>>
    %dma_start3A_372 = arith.constant 0 : i32
    %dma_start3A_373 = tpu.memref_slice %arg4[%add3A_369, %dma_start3A_372] : memref<896x6144xf32, #tpu.memory_space<hbm>> -> memref<1x6144xf32, #tpu.memory_space<hbm>>
    %dma_start3A_374 = tpu.memref_squeeze %dma_start3A_373 : memref<1x6144xf32, #tpu.memory_space<hbm>> -> memref<6144xf32, #tpu.memory_space<hbm>>
    %dma_start3A_375 = arith.constant 0 : i32
    %dma_start3A_376 = tpu.memref_slice %arg4[%add3A_369, %dma_start3A_375] : memref<896x6144xf32, #tpu.memory_space<hbm>> -> memref<1x6144xf32, #tpu.memory_space<hbm>>
    %dma_start3A_377 = tpu.memref_squeeze %dma_start3A_376 : memref<1x6144xf32, #tpu.memory_space<hbm>> -> memref<6144xf32, #tpu.memory_space<hbm>>
    %dma_start3A_378 = arith.constant 34560 : i32
    %dma_start3A_379 = tpu.memref_slice %arg9[%dma_start3A_378] : memref<40704xf32, #tpu.memory_space<vmem>> -> memref<6144xf32, #tpu.memory_space<vmem>>
    tpu.enqueue_dma source(%dma_start3A_379 : memref<6144xf32, #tpu.memory_space<vmem>>) target(%dma_start3A_377 : memref<6144xf32, #tpu.memory_space<hbm>>) target_semaphore(%arg11 : memref<!tpu.dma_semaphore, #tpu.memory_space<semaphore_mem>>)
    %mul3A_380 = arith.constant 4 : i32
    %mul3A_381 = arith.muli %add3A, %mul3A_380 : i32
    %add3A_382 = arith.constant 3 : i32
    %add3A_383 = arith.addi %mul3A_381, %add3A_382 : i32
    %add3A_384 = arith.constant 128 : i32
    %add3A_385 = arith.addi %add3A_384, %add3A_383 : i32
    %run_scoped3A_386 = arith.constant 0 : i32
    "tpu.region"() ({
      %run_scoped3A_694 = tpu.sem_alloc : memref<!tpu.dma_semaphore, #tpu.memory_space<semaphore_mem>>
      %dma_start3A_695 = arith.constant 0 : i32
      %dma_start3A_696 = tpu.memref_slice %arg2[%add3A_385, %run_scoped3A_386, %dma_start3A_695] : memref<256x1x4096xi32, #tpu.memory_space<hbm>> -> memref<1x1x4096xi32, #tpu.memory_space<hbm>>
      %dma_start3A_697 = tpu.memref_squeeze %dma_start3A_696 : memref<1x1x4096xi32, #tpu.memory_space<hbm>> -> memref<4096xi32, #tpu.memory_space<hbm>>
      %dma_start3A_698 = arith.constant 0 : i32
      %dma_start3A_699 = tpu.memref_slice %arg2[%add3A_385, %run_scoped3A_386, %dma_start3A_698] : memref<256x1x4096xi32, #tpu.memory_space<hbm>> -> memref<1x1x4096xi32, #tpu.memory_space<hbm>>
      %dma_start3A_700 = tpu.memref_squeeze %dma_start3A_699 : memref<1x1x4096xi32, #tpu.memory_space<hbm>> -> memref<4096xi32, #tpu.memory_space<hbm>>
      tpu.enqueue_dma source(%dma_start3A_700 : memref<4096xi32, #tpu.memory_space<hbm>>) target(%arg5 : memref<4096xi32, #tpu.memory_space<vmem>>) target_semaphore(%run_scoped3A_694 : memref<!tpu.dma_semaphore, #tpu.memory_space<semaphore_mem>>)
      %dma_wait3A_701 = arith.constant 0 : i32
      %dma_wait3A_702 = tpu.memref_slice %arg2[%add3A_385, %run_scoped3A_386, %dma_wait3A_701] : memref<256x1x4096xi32, #tpu.memory_space<hbm>> -> memref<1x1x4096xi32, #tpu.memory_space<hbm>>
      %dma_wait3A_703 = tpu.memref_squeeze %dma_wait3A_702 : memref<1x1x4096xi32, #tpu.memory_space<hbm>> -> memref<4096xi32, #tpu.memory_space<hbm>>
      %dma_wait3A_704 = arith.constant 0 : i32
      %dma_wait3A_705 = tpu.memref_slice %arg2[%add3A_385, %run_scoped3A_386, %dma_wait3A_704] : memref<256x1x4096xi32, #tpu.memory_space<hbm>> -> memref<1x1x4096xi32, #tpu.memory_space<hbm>>
      %dma_wait3A_706 = tpu.memref_squeeze %dma_wait3A_705 : memref<1x1x4096xi32, #tpu.memory_space<hbm>> -> memref<4096xi32, #tpu.memory_space<hbm>>
      tpu.wait_dma2 semaphore(%run_scoped3A_694 : memref<!tpu.dma_semaphore, #tpu.memory_space<semaphore_mem>>) src(%dma_wait3A_706 : memref<4096xi32, #tpu.memory_space<hbm>>) dst(%arg5 : memref<4096xi32, #tpu.memory_space<vmem>>)
      tpu.yield
    }) : () -> ()
    %add3A_387 = arith.constant 128 : i32
    %add3A_388 = arith.addi %add3A_387, %add3A_383 : i32
    %run_scoped3A_389 = arith.constant 0 : i32
    "tpu.region"() ({
      %run_scoped3A_694 = tpu.sem_alloc : memref<!tpu.dma_semaphore, #tpu.memory_space<semaphore_mem>>
      %dma_start3A_695 = arith.constant 0 : i32
      %dma_start3A_696 = tpu.memref_slice %arg3[%add3A_388, %run_scoped3A_389, %dma_start3A_695] : memref<256x1x4096xf32, #tpu.memory_space<hbm>> -> memref<1x1x4096xf32, #tpu.memory_space<hbm>>
      %dma_start3A_697 = tpu.memref_squeeze %dma_start3A_696 : memref<1x1x4096xf32, #tpu.memory_space<hbm>> -> memref<4096xf32, #tpu.memory_space<hbm>>
      %dma_start3A_698 = arith.constant 0 : i32
      %dma_start3A_699 = tpu.memref_slice %arg3[%add3A_388, %run_scoped3A_389, %dma_start3A_698] : memref<256x1x4096xf32, #tpu.memory_space<hbm>> -> memref<1x1x4096xf32, #tpu.memory_space<hbm>>
      %dma_start3A_700 = tpu.memref_squeeze %dma_start3A_699 : memref<1x1x4096xf32, #tpu.memory_space<hbm>> -> memref<4096xf32, #tpu.memory_space<hbm>>
      tpu.enqueue_dma source(%dma_start3A_700 : memref<4096xf32, #tpu.memory_space<hbm>>) target(%arg6 : memref<4096xf32, #tpu.memory_space<vmem>>) target_semaphore(%run_scoped3A_694 : memref<!tpu.dma_semaphore, #tpu.memory_space<semaphore_mem>>)
      %dma_wait3A_701 = arith.constant 0 : i32
      %dma_wait3A_702 = tpu.memref_slice %arg3[%add3A_388, %run_scoped3A_389, %dma_wait3A_701] : memref<256x1x4096xf32, #tpu.memory_space<hbm>> -> memref<1x1x4096xf32, #tpu.memory_space<hbm>>
      %dma_wait3A_703 = tpu.memref_squeeze %dma_wait3A_702 : memref<1x1x4096xf32, #tpu.memory_space<hbm>> -> memref<4096xf32, #tpu.memory_space<hbm>>
      %dma_wait3A_704 = arith.constant 0 : i32
      %dma_wait3A_705 = tpu.memref_slice %arg3[%add3A_388, %run_scoped3A_389, %dma_wait3A_704] : memref<256x1x4096xf32, #tpu.memory_space<hbm>> -> memref<1x1x4096xf32, #tpu.memory_space<hbm>>
      %dma_wait3A_706 = tpu.memref_squeeze %dma_wait3A_705 : memref<1x1x4096xf32, #tpu.memory_space<hbm>> -> memref<4096xf32, #tpu.memory_space<hbm>>
      tpu.wait_dma2 semaphore(%run_scoped3A_694 : memref<!tpu.dma_semaphore, #tpu.memory_space<semaphore_mem>>) src(%dma_wait3A_706 : memref<4096xf32, #tpu.memory_space<hbm>>) dst(%arg6 : memref<4096xf32, #tpu.memory_space<vmem>>)
      tpu.yield
    }) : () -> ()
    %dma_wait3A_390 = arith.constant 0 : i32
    %dma_wait3A_391 = tpu.memref_slice %arg10[%dma_wait3A_390] : memref<40704xf32, #tpu.memory_space<vmem>> -> memref<6144xf32, #tpu.memory_space<vmem>>
    %dma_wait3A_392 = arith.constant 0 : i32
    %dma_wait3A_393 = tpu.memref_slice %arg4[%add3A_124, %dma_wait3A_392] : memref<896x6144xf32, #tpu.memory_space<hbm>> -> memref<1x6144xf32, #tpu.memory_space<hbm>>
    %dma_wait3A_394 = tpu.memref_squeeze %dma_wait3A_393 : memref<1x6144xf32, #tpu.memory_space<hbm>> -> memref<6144xf32, #tpu.memory_space<hbm>>
    %dma_wait3A_395 = arith.constant 0 : i32
    %dma_wait3A_396 = tpu.memref_slice %arg4[%add3A_124, %dma_wait3A_395] : memref<896x6144xf32, #tpu.memory_space<hbm>> -> memref<1x6144xf32, #tpu.memory_space<hbm>>
    %dma_wait3A_397 = tpu.memref_squeeze %dma_wait3A_396 : memref<1x6144xf32, #tpu.memory_space<hbm>> -> memref<6144xf32, #tpu.memory_space<hbm>>
    %dma_wait3A_398 = arith.constant 0 : i32
    %dma_wait3A_399 = tpu.memref_slice %arg10[%dma_wait3A_398] : memref<40704xf32, #tpu.memory_space<vmem>> -> memref<6144xf32, #tpu.memory_space<vmem>>
    tpu.wait_dma2 semaphore(%arg12 : memref<!tpu.dma_semaphore, #tpu.memory_space<semaphore_mem>>) src(%dma_wait3A_399 : memref<6144xf32, #tpu.memory_space<vmem>>) dst(%dma_wait3A_397 : memref<6144xf32, #tpu.memory_space<hbm>>)
    %dma_wait3A_400 = arith.constant 5760 : i32
    %dma_wait3A_401 = tpu.memref_slice %arg10[%dma_wait3A_400] : memref<40704xf32, #tpu.memory_space<vmem>> -> memref<6144xf32, #tpu.memory_space<vmem>>
    %dma_wait3A_402 = arith.constant 0 : i32
    %dma_wait3A_403 = tpu.memref_slice %arg4[%add3A_136, %dma_wait3A_402] : memref<896x6144xf32, #tpu.memory_space<hbm>> -> memref<1x6144xf32, #tpu.memory_space<hbm>>
    %dma_wait3A_404 = tpu.memref_squeeze %dma_wait3A_403 : memref<1x6144xf32, #tpu.memory_space<hbm>> -> memref<6144xf32, #tpu.memory_space<hbm>>
    %dma_wait3A_405 = arith.constant 0 : i32
    %dma_wait3A_406 = tpu.memref_slice %arg4[%add3A_136, %dma_wait3A_405] : memref<896x6144xf32, #tpu.memory_space<hbm>> -> memref<1x6144xf32, #tpu.memory_space<hbm>>
    %dma_wait3A_407 = tpu.memref_squeeze %dma_wait3A_406 : memref<1x6144xf32, #tpu.memory_space<hbm>> -> memref<6144xf32, #tpu.memory_space<hbm>>
    %dma_wait3A_408 = arith.constant 5760 : i32
    %dma_wait3A_409 = tpu.memref_slice %arg10[%dma_wait3A_408] : memref<40704xf32, #tpu.memory_space<vmem>> -> memref<6144xf32, #tpu.memory_space<vmem>>
    tpu.wait_dma2 semaphore(%arg12 : memref<!tpu.dma_semaphore, #tpu.memory_space<semaphore_mem>>) src(%dma_wait3A_409 : memref<6144xf32, #tpu.memory_space<vmem>>) dst(%dma_wait3A_407 : memref<6144xf32, #tpu.memory_space<hbm>>)
    %dma_wait3A_410 = arith.constant 11520 : i32
    %dma_wait3A_411 = tpu.memref_slice %arg10[%dma_wait3A_410] : memref<40704xf32, #tpu.memory_space<vmem>> -> memref<6144xf32, #tpu.memory_space<vmem>>
    %dma_wait3A_412 = arith.constant 0 : i32
    %dma_wait3A_413 = tpu.memref_slice %arg4[%add3A_148, %dma_wait3A_412] : memref<896x6144xf32, #tpu.memory_space<hbm>> -> memref<1x6144xf32, #tpu.memory_space<hbm>>
    %dma_wait3A_414 = tpu.memref_squeeze %dma_wait3A_413 : memref<1x6144xf32, #tpu.memory_space<hbm>> -> memref<6144xf32, #tpu.memory_space<hbm>>
    %dma_wait3A_415 = arith.constant 0 : i32
    %dma_wait3A_416 = tpu.memref_slice %arg4[%add3A_148, %dma_wait3A_415] : memref<896x6144xf32, #tpu.memory_space<hbm>> -> memref<1x6144xf32, #tpu.memory_space<hbm>>
    %dma_wait3A_417 = tpu.memref_squeeze %dma_wait3A_416 : memref<1x6144xf32, #tpu.memory_space<hbm>> -> memref<6144xf32, #tpu.memory_space<hbm>>
    %dma_wait3A_418 = arith.constant 11520 : i32
    %dma_wait3A_419 = tpu.memref_slice %arg10[%dma_wait3A_418] : memref<40704xf32, #tpu.memory_space<vmem>> -> memref<6144xf32, #tpu.memory_space<vmem>>
    tpu.wait_dma2 semaphore(%arg12 : memref<!tpu.dma_semaphore, #tpu.memory_space<semaphore_mem>>) src(%dma_wait3A_419 : memref<6144xf32, #tpu.memory_space<vmem>>) dst(%dma_wait3A_417 : memref<6144xf32, #tpu.memory_space<hbm>>)
    %dma_wait3A_420 = arith.constant 17280 : i32
    %dma_wait3A_421 = tpu.memref_slice %arg10[%dma_wait3A_420] : memref<40704xf32, #tpu.memory_space<vmem>> -> memref<6144xf32, #tpu.memory_space<vmem>>
    %dma_wait3A_422 = arith.constant 0 : i32
    %dma_wait3A_423 = tpu.memref_slice %arg4[%add3A_160, %dma_wait3A_422] : memref<896x6144xf32, #tpu.memory_space<hbm>> -> memref<1x6144xf32, #tpu.memory_space<hbm>>
    %dma_wait3A_424 = tpu.memref_squeeze %dma_wait3A_423 : memref<1x6144xf32, #tpu.memory_space<hbm>> -> memref<6144xf32, #tpu.memory_space<hbm>>
    %dma_wait3A_425 = arith.constant 0 : i32
    %dma_wait3A_426 = tpu.memref_slice %arg4[%add3A_160, %dma_wait3A_425] : memref<896x6144xf32, #tpu.memory_space<hbm>> -> memref<1x6144xf32, #tpu.memory_space<hbm>>
    %dma_wait3A_427 = tpu.memref_squeeze %dma_wait3A_426 : memref<1x6144xf32, #tpu.memory_space<hbm>> -> memref<6144xf32, #tpu.memory_space<hbm>>
    %dma_wait3A_428 = arith.constant 17280 : i32
    %dma_wait3A_429 = tpu.memref_slice %arg10[%dma_wait3A_428] : memref<40704xf32, #tpu.memory_space<vmem>> -> memref<6144xf32, #tpu.memory_space<vmem>>
    tpu.wait_dma2 semaphore(%arg12 : memref<!tpu.dma_semaphore, #tpu.memory_space<semaphore_mem>>) src(%dma_wait3A_429 : memref<6144xf32, #tpu.memory_space<vmem>>) dst(%dma_wait3A_427 : memref<6144xf32, #tpu.memory_space<hbm>>)
    %dma_wait3A_430 = arith.constant 23040 : i32
    %dma_wait3A_431 = tpu.memref_slice %arg10[%dma_wait3A_430] : memref<40704xf32, #tpu.memory_space<vmem>> -> memref<6144xf32, #tpu.memory_space<vmem>>
    %dma_wait3A_432 = arith.constant 0 : i32
    %dma_wait3A_433 = tpu.memref_slice %arg4[%add3A_172, %dma_wait3A_432] : memref<896x6144xf32, #tpu.memory_space<hbm>> -> memref<1x6144xf32, #tpu.memory_space<hbm>>
    %dma_wait3A_434 = tpu.memref_squeeze %dma_wait3A_433 : memref<1x6144xf32, #tpu.memory_space<hbm>> -> memref<6144xf32, #tpu.memory_space<hbm>>
    %dma_wait3A_435 = arith.constant 0 : i32
    %dma_wait3A_436 = tpu.memref_slice %arg4[%add3A_172, %dma_wait3A_435] : memref<896x6144xf32, #tpu.memory_space<hbm>> -> memref<1x6144xf32, #tpu.memory_space<hbm>>
    %dma_wait3A_437 = tpu.memref_squeeze %dma_wait3A_436 : memref<1x6144xf32, #tpu.memory_space<hbm>> -> memref<6144xf32, #tpu.memory_space<hbm>>
    %dma_wait3A_438 = arith.constant 23040 : i32
    %dma_wait3A_439 = tpu.memref_slice %arg10[%dma_wait3A_438] : memref<40704xf32, #tpu.memory_space<vmem>> -> memref<6144xf32, #tpu.memory_space<vmem>>
    tpu.wait_dma2 semaphore(%arg12 : memref<!tpu.dma_semaphore, #tpu.memory_space<semaphore_mem>>) src(%dma_wait3A_439 : memref<6144xf32, #tpu.memory_space<vmem>>) dst(%dma_wait3A_437 : memref<6144xf32, #tpu.memory_space<hbm>>)
    %dma_wait3A_440 = arith.constant 28800 : i32
    %dma_wait3A_441 = tpu.memref_slice %arg10[%dma_wait3A_440] : memref<40704xf32, #tpu.memory_space<vmem>> -> memref<6144xf32, #tpu.memory_space<vmem>>
    %dma_wait3A_442 = arith.constant 0 : i32
    %dma_wait3A_443 = tpu.memref_slice %arg4[%add3A_184, %dma_wait3A_442] : memref<896x6144xf32, #tpu.memory_space<hbm>> -> memref<1x6144xf32, #tpu.memory_space<hbm>>
    %dma_wait3A_444 = tpu.memref_squeeze %dma_wait3A_443 : memref<1x6144xf32, #tpu.memory_space<hbm>> -> memref<6144xf32, #tpu.memory_space<hbm>>
    %dma_wait3A_445 = arith.constant 0 : i32
    %dma_wait3A_446 = tpu.memref_slice %arg4[%add3A_184, %dma_wait3A_445] : memref<896x6144xf32, #tpu.memory_space<hbm>> -> memref<1x6144xf32, #tpu.memory_space<hbm>>
    %dma_wait3A_447 = tpu.memref_squeeze %dma_wait3A_446 : memref<1x6144xf32, #tpu.memory_space<hbm>> -> memref<6144xf32, #tpu.memory_space<hbm>>
    %dma_wait3A_448 = arith.constant 28800 : i32
    %dma_wait3A_449 = tpu.memref_slice %arg10[%dma_wait3A_448] : memref<40704xf32, #tpu.memory_space<vmem>> -> memref<6144xf32, #tpu.memory_space<vmem>>
    tpu.wait_dma2 semaphore(%arg12 : memref<!tpu.dma_semaphore, #tpu.memory_space<semaphore_mem>>) src(%dma_wait3A_449 : memref<6144xf32, #tpu.memory_space<vmem>>) dst(%dma_wait3A_447 : memref<6144xf32, #tpu.memory_space<hbm>>)
    %dma_wait3A_450 = arith.constant 34560 : i32
    %dma_wait3A_451 = tpu.memref_slice %arg10[%dma_wait3A_450] : memref<40704xf32, #tpu.memory_space<vmem>> -> memref<6144xf32, #tpu.memory_space<vmem>>
    %dma_wait3A_452 = arith.constant 0 : i32
    %dma_wait3A_453 = tpu.memref_slice %arg4[%add3A_196, %dma_wait3A_452] : memref<896x6144xf32, #tpu.memory_space<hbm>> -> memref<1x6144xf32, #tpu.memory_space<hbm>>
    %dma_wait3A_454 = tpu.memref_squeeze %dma_wait3A_453 : memref<1x6144xf32, #tpu.memory_space<hbm>> -> memref<6144xf32, #tpu.memory_space<hbm>>
    %dma_wait3A_455 = arith.constant 0 : i32
    %dma_wait3A_456 = tpu.memref_slice %arg4[%add3A_196, %dma_wait3A_455] : memref<896x6144xf32, #tpu.memory_space<hbm>> -> memref<1x6144xf32, #tpu.memory_space<hbm>>
    %dma_wait3A_457 = tpu.memref_squeeze %dma_wait3A_456 : memref<1x6144xf32, #tpu.memory_space<hbm>> -> memref<6144xf32, #tpu.memory_space<hbm>>
    %dma_wait3A_458 = arith.constant 34560 : i32
    %dma_wait3A_459 = tpu.memref_slice %arg10[%dma_wait3A_458] : memref<40704xf32, #tpu.memory_space<vmem>> -> memref<6144xf32, #tpu.memory_space<vmem>>
    tpu.wait_dma2 semaphore(%arg12 : memref<!tpu.dma_semaphore, #tpu.memory_space<semaphore_mem>>) src(%dma_wait3A_459 : memref<6144xf32, #tpu.memory_space<vmem>>) dst(%dma_wait3A_457 : memref<6144xf32, #tpu.memory_space<hbm>>)
    %scan3A_460 = arith.constant 0 : i32
    %scan3A_461 = arith.constant 256 : i32
    %scan3A_462 = arith.addi %scan3A_460, %scan3A_461 : i32
    %scan3A_463 = arith.constant 4 : i32
    scf.for %scan3A_694 = %scan3A_460 to %scan3A_462 step %scan3A_463  : i32 {
      %mul3A_695 = arith.constant 1 : i32
      %mul3A_696 = arith.muli %scan3A_694, %mul3A_695 : i32
      %add3A_697 = arith.constant 0 : i32
      %add3A_698 = arith.addi %add3A_697, %mul3A_696 : i32
      %mul3A_699 = arith.constant 16 : i32
      %mul3A_700 = arith.muli %add3A_698, %mul3A_699 : i32
      %get3A = arith.index_cast %mul3A_700 : i32 to index
      %get3A_701 = tpu.vector_load %arg8[%get3A] {strides = array<i32>} : memref<4096xi32, #tpu.memory_space<vmem>>, vector<16xi32>,
      tpu.vector_store_idx %arg10[%get3A_701], %broadcast_in_dim3A_1 : memref<40704xf32, #tpu.memory_space<vmem>>[vector<16xi32>], vector<16xf32>,
      %scan3A_702 = arith.constant 1 : i32
      %scan3A_703 = arith.addi %scan3A_694, %scan3A_702 : i32
      %mul3A_704 = arith.constant 1 : i32
      %mul3A_705 = arith.muli %scan3A_703, %mul3A_704 : i32
      %add3A_706 = arith.constant 0 : i32
      %add3A_707 = arith.addi %add3A_706, %mul3A_705 : i32
      %mul3A_708 = arith.constant 16 : i32
      %mul3A_709 = arith.muli %add3A_707, %mul3A_708 : i32
      %get3A_710 = arith.index_cast %mul3A_709 : i32 to index
      %get3A_711 = tpu.vector_load %arg8[%get3A_710] {strides = array<i32>} : memref<4096xi32, #tpu.memory_space<vmem>>, vector<16xi32>,
      tpu.vector_store_idx %arg10[%get3A_711], %broadcast_in_dim3A_1 : memref<40704xf32, #tpu.memory_space<vmem>>[vector<16xi32>], vector<16xf32>,
      %scan3A_712 = arith.constant 2 : i32
      %scan3A_713 = arith.addi %scan3A_694, %scan3A_712 : i32
      %mul3A_714 = arith.constant 1 : i32
      %mul3A_715 = arith.muli %scan3A_713, %mul3A_714 : i32
      %add3A_716 = arith.constant 0 : i32
      %add3A_717 = arith.addi %add3A_716, %mul3A_715 : i32
      %mul3A_718 = arith.constant 16 : i32
      %mul3A_719 = arith.muli %add3A_717, %mul3A_718 : i32
      %get3A_720 = arith.index_cast %mul3A_719 : i32 to index
      %get3A_721 = tpu.vector_load %arg8[%get3A_720] {strides = array<i32>} : memref<4096xi32, #tpu.memory_space<vmem>>, vector<16xi32>,
      tpu.vector_store_idx %arg10[%get3A_721], %broadcast_in_dim3A_1 : memref<40704xf32, #tpu.memory_space<vmem>>[vector<16xi32>], vector<16xf32>,
      %scan3A_722 = arith.constant 3 : i32
      %scan3A_723 = arith.addi %scan3A_694, %scan3A_722 : i32
      %mul3A_724 = arith.constant 1 : i32
      %mul3A_725 = arith.muli %scan3A_723, %mul3A_724 : i32
      %add3A_726 = arith.constant 0 : i32
      %add3A_727 = arith.addi %add3A_726, %mul3A_725 : i32
      %mul3A_728 = arith.constant 16 : i32
      %mul3A_729 = arith.muli %add3A_727, %mul3A_728 : i32
      %get3A_730 = arith.index_cast %mul3A_729 : i32 to index
      %get3A_731 = tpu.vector_load %arg8[%get3A_730] {strides = array<i32>} : memref<4096xi32, #tpu.memory_space<vmem>>, vector<16xi32>,
      tpu.vector_store_idx %arg10[%get3A_731], %broadcast_in_dim3A_1 : memref<40704xf32, #tpu.memory_space<vmem>>[vector<16xi32>], vector<16xf32>,
    }
    %scan3A_464 = arith.constant 256 : i32
    %scan3A_465 = arith.constant 0 : i32
    %scan3A_466 = arith.constant 256 : i32
    %scan3A_467 = arith.addi %scan3A_465, %scan3A_466 : i32
    %scan3A_468 = arith.constant 4 : i32
    scf.for %scan3A_694 = %scan3A_465 to %scan3A_467 step %scan3A_468  : i32 {
      %mul3A_695 = arith.constant 1 : i32
      %mul3A_696 = arith.muli %scan3A_694, %mul3A_695 : i32
      %add3A_697 = arith.constant 0 : i32
      %add3A_698 = arith.addi %add3A_697, %mul3A_696 : i32
      %mul3A_699 = arith.constant 16 : i32
      %mul3A_700 = arith.muli %add3A_698, %mul3A_699 : i32
      %get3A = arith.index_cast %mul3A_700 : i32 to index
      %get3A_701 = tpu.vector_load %arg5[%get3A] {strides = array<i32>} : memref<4096xi32, #tpu.memory_space<vmem>>, vector<16xi32>,
      %mul3A_702 = arith.constant 16 : i32
      %mul3A_703 = arith.muli %add3A_698, %mul3A_702 : i32
      %get3A_704 = arith.index_cast %mul3A_703 : i32 to index
      %get3A_705 = tpu.vector_load %arg6[%get3A_704] {strides = array<i32>} : memref<4096xf32, #tpu.memory_space<vmem>>, vector<16xf32>,
      %mul3A_706 = arith.constant 26215 : i32
      %mul3A_707 = vector.broadcast %mul3A_706 : i32 to vector<16xi32>
      %mul3A_708 = arith.muli %get3A_701, %mul3A_707 : vector<16xi32>
      %shift_right_arithmetic3A = arith.constant 22 : i32
      %shift_right_arithmetic3A_709 = vector.broadcast %shift_right_arithmetic3A : i32 to vector<16xi32>
      %shift_right_arithmetic3A_710 = arith.shrsi %mul3A_708, %shift_right_arithmetic3A_709 : vector<16xi32>
      %mul3A_711 = arith.constant 32 : i32
      %mul3A_712 = vector.broadcast %mul3A_711 : i32 to vector<16xi32>
      %mul3A_713 = arith.muli %shift_right_arithmetic3A_710, %mul3A_712 : vector<16xi32>
      %add3A_714 = arith.addi %get3A_701, %mul3A_713 : vector<16xi32>
      %add3A_715 = arith.constant 193 : i32
      %add3A_716 = vector.broadcast %add3A_715 : i32 to vector<16xi32>
      %add3A_717 = arith.addi %add3A_714, %add3A_716 : vector<16xi32>
      %mul3A_718 = arith.constant 16 : i32
      %mul3A_719 = arith.muli %add3A_698, %mul3A_718 : i32
      %swap3A = arith.index_cast %mul3A_719 : i32 to index
      %swap3A_720 = tpu.vector_load %arg8[%swap3A] {strides = array<i32>} : memref<4096xi32, #tpu.memory_space<vmem>>, vector<16xi32>,
      tpu.vector_store %arg8[%swap3A], %add3A_717 {strides = array<i32>} : memref<4096xi32, #tpu.memory_space<vmem>>, vector<16xi32>,
      tpu.vector_store_idx %arg10[%add3A_717], %get3A_705 : memref<40704xf32, #tpu.memory_space<vmem>>[vector<16xi32>], vector<16xf32>,
      %scan3A_721 = arith.constant 1 : i32
      %scan3A_722 = arith.addi %scan3A_694, %scan3A_721 : i32
      %mul3A_723 = arith.constant 1 : i32
      %mul3A_724 = arith.muli %scan3A_722, %mul3A_723 : i32
      %add3A_725 = arith.constant 0 : i32
      %add3A_726 = arith.addi %add3A_725, %mul3A_724 : i32
      %mul3A_727 = arith.constant 16 : i32
      %mul3A_728 = arith.muli %add3A_726, %mul3A_727 : i32
      %get3A_729 = arith.index_cast %mul3A_728 : i32 to index
      %get3A_730 = tpu.vector_load %arg5[%get3A_729] {strides = array<i32>} : memref<4096xi32, #tpu.memory_space<vmem>>, vector<16xi32>,
      %mul3A_731 = arith.constant 16 : i32
      %mul3A_732 = arith.muli %add3A_726, %mul3A_731 : i32
      %get3A_733 = arith.index_cast %mul3A_732 : i32 to index
      %get3A_734 = tpu.vector_load %arg6[%get3A_733] {strides = array<i32>} : memref<4096xf32, #tpu.memory_space<vmem>>, vector<16xf32>,
      %mul3A_735 = arith.constant 26215 : i32
      %mul3A_736 = vector.broadcast %mul3A_735 : i32 to vector<16xi32>
      %mul3A_737 = arith.muli %get3A_730, %mul3A_736 : vector<16xi32>
      %shift_right_arithmetic3A_738 = arith.constant 22 : i32
      %shift_right_arithmetic3A_739 = vector.broadcast %shift_right_arithmetic3A_738 : i32 to vector<16xi32>
      %shift_right_arithmetic3A_740 = arith.shrsi %mul3A_737, %shift_right_arithmetic3A_739 : vector<16xi32>
      %mul3A_741 = arith.constant 32 : i32
      %mul3A_742 = vector.broadcast %mul3A_741 : i32 to vector<16xi32>
      %mul3A_743 = arith.muli %shift_right_arithmetic3A_740, %mul3A_742 : vector<16xi32>
      %add3A_744 = arith.addi %get3A_730, %mul3A_743 : vector<16xi32>
      %add3A_745 = arith.constant 193 : i32
      %add3A_746 = vector.broadcast %add3A_745 : i32 to vector<16xi32>
      %add3A_747 = arith.addi %add3A_744, %add3A_746 : vector<16xi32>
      %mul3A_748 = arith.constant 16 : i32
      %mul3A_749 = arith.muli %add3A_726, %mul3A_748 : i32
      %swap3A_750 = arith.index_cast %mul3A_749 : i32 to index
      %swap3A_751 = tpu.vector_load %arg8[%swap3A_750] {strides = array<i32>} : memref<4096xi32, #tpu.memory_space<vmem>>, vector<16xi32>,
      tpu.vector_store %arg8[%swap3A_750], %add3A_747 {strides = array<i32>} : memref<4096xi32, #tpu.memory_space<vmem>>, vector<16xi32>,
      tpu.vector_store_idx %arg10[%add3A_747], %get3A_734 : memref<40704xf32, #tpu.memory_space<vmem>>[vector<16xi32>], vector<16xf32>,
      %scan3A_752 = arith.constant 2 : i32
      %scan3A_753 = arith.addi %scan3A_694, %scan3A_752 : i32
      %mul3A_754 = arith.constant 1 : i32
      %mul3A_755 = arith.muli %scan3A_753, %mul3A_754 : i32
      %add3A_756 = arith.constant 0 : i32
      %add3A_757 = arith.addi %add3A_756, %mul3A_755 : i32
      %mul3A_758 = arith.constant 16 : i32
      %mul3A_759 = arith.muli %add3A_757, %mul3A_758 : i32
      %get3A_760 = arith.index_cast %mul3A_759 : i32 to index
      %get3A_761 = tpu.vector_load %arg5[%get3A_760] {strides = array<i32>} : memref<4096xi32, #tpu.memory_space<vmem>>, vector<16xi32>,
      %mul3A_762 = arith.constant 16 : i32
      %mul3A_763 = arith.muli %add3A_757, %mul3A_762 : i32
      %get3A_764 = arith.index_cast %mul3A_763 : i32 to index
      %get3A_765 = tpu.vector_load %arg6[%get3A_764] {strides = array<i32>} : memref<4096xf32, #tpu.memory_space<vmem>>, vector<16xf32>,
      %mul3A_766 = arith.constant 26215 : i32
      %mul3A_767 = vector.broadcast %mul3A_766 : i32 to vector<16xi32>
      %mul3A_768 = arith.muli %get3A_761, %mul3A_767 : vector<16xi32>
      %shift_right_arithmetic3A_769 = arith.constant 22 : i32
      %shift_right_arithmetic3A_770 = vector.broadcast %shift_right_arithmetic3A_769 : i32 to vector<16xi32>
      %shift_right_arithmetic3A_771 = arith.shrsi %mul3A_768, %shift_right_arithmetic3A_770 : vector<16xi32>
      %mul3A_772 = arith.constant 32 : i32
      %mul3A_773 = vector.broadcast %mul3A_772 : i32 to vector<16xi32>
      %mul3A_774 = arith.muli %shift_right_arithmetic3A_771, %mul3A_773 : vector<16xi32>
      %add3A_775 = arith.addi %get3A_761, %mul3A_774 : vector<16xi32>
      %add3A_776 = arith.constant 193 : i32
      %add3A_777 = vector.broadcast %add3A_776 : i32 to vector<16xi32>
      %add3A_778 = arith.addi %add3A_775, %add3A_777 : vector<16xi32>
      %mul3A_779 = arith.constant 16 : i32
      %mul3A_780 = arith.muli %add3A_757, %mul3A_779 : i32
      %swap3A_781 = arith.index_cast %mul3A_780 : i32 to index
      %swap3A_782 = tpu.vector_load %arg8[%swap3A_781] {strides = array<i32>} : memref<4096xi32, #tpu.memory_space<vmem>>, vector<16xi32>,
      tpu.vector_store %arg8[%swap3A_781], %add3A_778 {strides = array<i32>} : memref<4096xi32, #tpu.memory_space<vmem>>, vector<16xi32>,
      tpu.vector_store_idx %arg10[%add3A_778], %get3A_765 : memref<40704xf32, #tpu.memory_space<vmem>>[vector<16xi32>], vector<16xf32>,
      %scan3A_783 = arith.constant 3 : i32
      %scan3A_784 = arith.addi %scan3A_694, %scan3A_783 : i32
      %mul3A_785 = arith.constant 1 : i32
      %mul3A_786 = arith.muli %scan3A_784, %mul3A_785 : i32
      %add3A_787 = arith.constant 0 : i32
      %add3A_788 = arith.addi %add3A_787, %mul3A_786 : i32
      %mul3A_789 = arith.constant 16 : i32
      %mul3A_790 = arith.muli %add3A_788, %mul3A_789 : i32
      %get3A_791 = arith.index_cast %mul3A_790 : i32 to index
      %get3A_792 = tpu.vector_load %arg5[%get3A_791] {strides = array<i32>} : memref<4096xi32, #tpu.memory_space<vmem>>, vector<16xi32>,
      %mul3A_793 = arith.constant 16 : i32
      %mul3A_794 = arith.muli %add3A_788, %mul3A_793 : i32
      %get3A_795 = arith.index_cast %mul3A_794 : i32 to index
      %get3A_796 = tpu.vector_load %arg6[%get3A_795] {strides = array<i32>} : memref<4096xf32, #tpu.memory_space<vmem>>, vector<16xf32>,
      %mul3A_797 = arith.constant 26215 : i32
      %mul3A_798 = vector.broadcast %mul3A_797 : i32 to vector<16xi32>
      %mul3A_799 = arith.muli %get3A_792, %mul3A_798 : vector<16xi32>
      %shift_right_arithmetic3A_800 = arith.constant 22 : i32
      %shift_right_arithmetic3A_801 = vector.broadcast %shift_right_arithmetic3A_800 : i32 to vector<16xi32>
      %shift_right_arithmetic3A_802 = arith.shrsi %mul3A_799, %shift_right_arithmetic3A_801 : vector<16xi32>
      %mul3A_803 = arith.constant 32 : i32
      %mul3A_804 = vector.broadcast %mul3A_803 : i32 to vector<16xi32>
      %mul3A_805 = arith.muli %shift_right_arithmetic3A_802, %mul3A_804 : vector<16xi32>
      %add3A_806 = arith.addi %get3A_792, %mul3A_805 : vector<16xi32>
      %add3A_807 = arith.constant 193 : i32
      %add3A_808 = vector.broadcast %add3A_807 : i32 to vector<16xi32>
      %add3A_809 = arith.addi %add3A_806, %add3A_808 : vector<16xi32>
      %mul3A_810 = arith.constant 16 : i32
      %mul3A_811 = arith.muli %add3A_788, %mul3A_810 : i32
      %swap3A_812 = arith.index_cast %mul3A_811 : i32 to index
      %swap3A_813 = tpu.vector_load %arg8[%swap3A_812] {strides = array<i32>} : memref<4096xi32, #tpu.memory_space<vmem>>, vector<16xi32>,
      tpu.vector_store %arg8[%swap3A_812], %add3A_809 {strides = array<i32>} : memref<4096xi32, #tpu.memory_space<vmem>>, vector<16xi32>,
      tpu.vector_store_idx %arg10[%add3A_809], %get3A_796 : memref<40704xf32, #tpu.memory_space<vmem>>[vector<16xi32>], vector<16xf32>,
    }
    %scan3A_469 = arith.constant 256 : i32
    %add3A_470 = arith.constant 0 : i32
    %add3A_471 = arith.addi %add3A_470, %add3A_383 : i32
    %dma_start3A_472 = arith.constant 0 : i32
    %dma_start3A_473 = tpu.memref_slice %arg10[%dma_start3A_472] : memref<40704xf32, #tpu.memory_space<vmem>> -> memref<6144xf32, #tpu.memory_space<vmem>>
    %dma_start3A_474 = arith.constant 0 : i32
    %dma_start3A_475 = tpu.memref_slice %arg4[%add3A_471, %dma_start3A_474] : memref<896x6144xf32, #tpu.memory_space<hbm>> -> memref<1x6144xf32, #tpu.memory_space<hbm>>
    %dma_start3A_476 = tpu.memref_squeeze %dma_start3A_475 : memref<1x6144xf32, #tpu.memory_space<hbm>> -> memref<6144xf32, #tpu.memory_space<hbm>>
    %dma_start3A_477 = arith.constant 0 : i32
    %dma_start3A_478 = tpu.memref_slice %arg4[%add3A_471, %dma_start3A_477] : memref<896x6144xf32, #tpu.memory_space<hbm>> -> memref<1x6144xf32, #tpu.memory_space<hbm>>
    %dma_start3A_479 = tpu.memref_squeeze %dma_start3A_478 : memref<1x6144xf32, #tpu.memory_space<hbm>> -> memref<6144xf32, #tpu.memory_space<hbm>>
    %dma_start3A_480 = arith.constant 0 : i32
    %dma_start3A_481 = tpu.memref_slice %arg10[%dma_start3A_480] : memref<40704xf32, #tpu.memory_space<vmem>> -> memref<6144xf32, #tpu.memory_space<vmem>>
    tpu.enqueue_dma source(%dma_start3A_481 : memref<6144xf32, #tpu.memory_space<vmem>>) target(%dma_start3A_479 : memref<6144xf32, #tpu.memory_space<hbm>>) target_semaphore(%arg12 : memref<!tpu.dma_semaphore, #tpu.memory_space<semaphore_mem>>)
    %add3A_482 = arith.constant 128 : i32
    %add3A_483 = arith.addi %add3A_482, %add3A_383 : i32
    %dma_start3A_484 = arith.constant 5760 : i32
    %dma_start3A_485 = tpu.memref_slice %arg10[%dma_start3A_484] : memref<40704xf32, #tpu.memory_space<vmem>> -> memref<6144xf32, #tpu.memory_space<vmem>>
    %dma_start3A_486 = arith.constant 0 : i32
    %dma_start3A_487 = tpu.memref_slice %arg4[%add3A_483, %dma_start3A_486] : memref<896x6144xf32, #tpu.memory_space<hbm>> -> memref<1x6144xf32, #tpu.memory_space<hbm>>
    %dma_start3A_488 = tpu.memref_squeeze %dma_start3A_487 : memref<1x6144xf32, #tpu.memory_space<hbm>> -> memref<6144xf32, #tpu.memory_space<hbm>>
    %dma_start3A_489 = arith.constant 0 : i32
    %dma_start3A_490 = tpu.memref_slice %arg4[%add3A_483, %dma_start3A_489] : memref<896x6144xf32, #tpu.memory_space<hbm>> -> memref<1x6144xf32, #tpu.memory_space<hbm>>
    %dma_start3A_491 = tpu.memref_squeeze %dma_start3A_490 : memref<1x6144xf32, #tpu.memory_space<hbm>> -> memref<6144xf32, #tpu.memory_space<hbm>>
    %dma_start3A_492 = arith.constant 5760 : i32
    %dma_start3A_493 = tpu.memref_slice %arg10[%dma_start3A_492] : memref<40704xf32, #tpu.memory_space<vmem>> -> memref<6144xf32, #tpu.memory_space<vmem>>
    tpu.enqueue_dma source(%dma_start3A_493 : memref<6144xf32, #tpu.memory_space<vmem>>) target(%dma_start3A_491 : memref<6144xf32, #tpu.memory_space<hbm>>) target_semaphore(%arg12 : memref<!tpu.dma_semaphore, #tpu.memory_space<semaphore_mem>>)
    %add3A_494 = arith.constant 256 : i32
    %add3A_495 = arith.addi %add3A_494, %add3A_383 : i32
    %dma_start3A_496 = arith.constant 11520 : i32
    %dma_start3A_497 = tpu.memref_slice %arg10[%dma_start3A_496] : memref<40704xf32, #tpu.memory_space<vmem>> -> memref<6144xf32, #tpu.memory_space<vmem>>
    %dma_start3A_498 = arith.constant 0 : i32
    %dma_start3A_499 = tpu.memref_slice %arg4[%add3A_495, %dma_start3A_498] : memref<896x6144xf32, #tpu.memory_space<hbm>> -> memref<1x6144xf32, #tpu.memory_space<hbm>>
    %dma_start3A_500 = tpu.memref_squeeze %dma_start3A_499 : memref<1x6144xf32, #tpu.memory_space<hbm>> -> memref<6144xf32, #tpu.memory_space<hbm>>
    %dma_start3A_501 = arith.constant 0 : i32
    %dma_start3A_502 = tpu.memref_slice %arg4[%add3A_495, %dma_start3A_501] : memref<896x6144xf32, #tpu.memory_space<hbm>> -> memref<1x6144xf32, #tpu.memory_space<hbm>>
    %dma_start3A_503 = tpu.memref_squeeze %dma_start3A_502 : memref<1x6144xf32, #tpu.memory_space<hbm>> -> memref<6144xf32, #tpu.memory_space<hbm>>
    %dma_start3A_504 = arith.constant 11520 : i32
    %dma_start3A_505 = tpu.memref_slice %arg10[%dma_start3A_504] : memref<40704xf32, #tpu.memory_space<vmem>> -> memref<6144xf32, #tpu.memory_space<vmem>>
    tpu.enqueue_dma source(%dma_start3A_505 : memref<6144xf32, #tpu.memory_space<vmem>>) target(%dma_start3A_503 : memref<6144xf32, #tpu.memory_space<hbm>>) target_semaphore(%arg12 : memref<!tpu.dma_semaphore, #tpu.memory_space<semaphore_mem>>)
    %add3A_506 = arith.constant 384 : i32
    %add3A_507 = arith.addi %add3A_506, %add3A_383 : i32
    %dma_start3A_508 = arith.constant 17280 : i32
    %dma_start3A_509 = tpu.memref_slice %arg10[%dma_start3A_508] : memref<40704xf32, #tpu.memory_space<vmem>> -> memref<6144xf32, #tpu.memory_space<vmem>>
    %dma_start3A_510 = arith.constant 0 : i32
    %dma_start3A_511 = tpu.memref_slice %arg4[%add3A_507, %dma_start3A_510] : memref<896x6144xf32, #tpu.memory_space<hbm>> -> memref<1x6144xf32, #tpu.memory_space<hbm>>
    %dma_start3A_512 = tpu.memref_squeeze %dma_start3A_511 : memref<1x6144xf32, #tpu.memory_space<hbm>> -> memref<6144xf32, #tpu.memory_space<hbm>>
    %dma_start3A_513 = arith.constant 0 : i32
    %dma_start3A_514 = tpu.memref_slice %arg4[%add3A_507, %dma_start3A_513] : memref<896x6144xf32, #tpu.memory_space<hbm>> -> memref<1x6144xf32, #tpu.memory_space<hbm>>
    %dma_start3A_515 = tpu.memref_squeeze %dma_start3A_514 : memref<1x6144xf32, #tpu.memory_space<hbm>> -> memref<6144xf32, #tpu.memory_space<hbm>>
    %dma_start3A_516 = arith.constant 17280 : i32
    %dma_start3A_517 = tpu.memref_slice %arg10[%dma_start3A_516] : memref<40704xf32, #tpu.memory_space<vmem>> -> memref<6144xf32, #tpu.memory_space<vmem>>
    tpu.enqueue_dma source(%dma_start3A_517 : memref<6144xf32, #tpu.memory_space<vmem>>) target(%dma_start3A_515 : memref<6144xf32, #tpu.memory_space<hbm>>) target_semaphore(%arg12 : memref<!tpu.dma_semaphore, #tpu.memory_space<semaphore_mem>>)
    %add3A_518 = arith.constant 512 : i32
    %add3A_519 = arith.addi %add3A_518, %add3A_383 : i32
    %dma_start3A_520 = arith.constant 23040 : i32
    %dma_start3A_521 = tpu.memref_slice %arg10[%dma_start3A_520] : memref<40704xf32, #tpu.memory_space<vmem>> -> memref<6144xf32, #tpu.memory_space<vmem>>
    %dma_start3A_522 = arith.constant 0 : i32
    %dma_start3A_523 = tpu.memref_slice %arg4[%add3A_519, %dma_start3A_522] : memref<896x6144xf32, #tpu.memory_space<hbm>> -> memref<1x6144xf32, #tpu.memory_space<hbm>>
    %dma_start3A_524 = tpu.memref_squeeze %dma_start3A_523 : memref<1x6144xf32, #tpu.memory_space<hbm>> -> memref<6144xf32, #tpu.memory_space<hbm>>
    %dma_start3A_525 = arith.constant 0 : i32
    %dma_start3A_526 = tpu.memref_slice %arg4[%add3A_519, %dma_start3A_525] : memref<896x6144xf32, #tpu.memory_space<hbm>> -> memref<1x6144xf32, #tpu.memory_space<hbm>>
    %dma_start3A_527 = tpu.memref_squeeze %dma_start3A_526 : memref<1x6144xf32, #tpu.memory_space<hbm>> -> memref<6144xf32, #tpu.memory_space<hbm>>
    %dma_start3A_528 = arith.constant 23040 : i32
    %dma_start3A_529 = tpu.memref_slice %arg10[%dma_start3A_528] : memref<40704xf32, #tpu.memory_space<vmem>> -> memref<6144xf32, #tpu.memory_space<vmem>>
    tpu.enqueue_dma source(%dma_start3A_529 : memref<6144xf32, #tpu.memory_space<vmem>>) target(%dma_start3A_527 : memref<6144xf32, #tpu.memory_space<hbm>>) target_semaphore(%arg12 : memref<!tpu.dma_semaphore, #tpu.memory_space<semaphore_mem>>)
    %add3A_530 = arith.constant 640 : i32
    %add3A_531 = arith.addi %add3A_530, %add3A_383 : i32
    %dma_start3A_532 = arith.constant 28800 : i32
    %dma_start3A_533 = tpu.memref_slice %arg10[%dma_start3A_532] : memref<40704xf32, #tpu.memory_space<vmem>> -> memref<6144xf32, #tpu.memory_space<vmem>>
    %dma_start3A_534 = arith.constant 0 : i32
    %dma_start3A_535 = tpu.memref_slice %arg4[%add3A_531, %dma_start3A_534] : memref<896x6144xf32, #tpu.memory_space<hbm>> -> memref<1x6144xf32, #tpu.memory_space<hbm>>
    %dma_start3A_536 = tpu.memref_squeeze %dma_start3A_535 : memref<1x6144xf32, #tpu.memory_space<hbm>> -> memref<6144xf32, #tpu.memory_space<hbm>>
    %dma_start3A_537 = arith.constant 0 : i32
    %dma_start3A_538 = tpu.memref_slice %arg4[%add3A_531, %dma_start3A_537] : memref<896x6144xf32, #tpu.memory_space<hbm>> -> memref<1x6144xf32, #tpu.memory_space<hbm>>
    %dma_start3A_539 = tpu.memref_squeeze %dma_start3A_538 : memref<1x6144xf32, #tpu.memory_space<hbm>> -> memref<6144xf32, #tpu.memory_space<hbm>>
    %dma_start3A_540 = arith.constant 28800 : i32
    %dma_start3A_541 = tpu.memref_slice %arg10[%dma_start3A_540] : memref<40704xf32, #tpu.memory_space<vmem>> -> memref<6144xf32, #tpu.memory_space<vmem>>
    tpu.enqueue_dma source(%dma_start3A_541 : memref<6144xf32, #tpu.memory_space<vmem>>) target(%dma_start3A_539 : memref<6144xf32, #tpu.memory_space<hbm>>) target_semaphore(%arg12 : memref<!tpu.dma_semaphore, #tpu.memory_space<semaphore_mem>>)
    %add3A_542 = arith.constant 768 : i32
    %add3A_543 = arith.addi %add3A_542, %add3A_383 : i32
    %dma_start3A_544 = arith.constant 34560 : i32
    %dma_start3A_545 = tpu.memref_slice %arg10[%dma_start3A_544] : memref<40704xf32, #tpu.memory_space<vmem>> -> memref<6144xf32, #tpu.memory_space<vmem>>
    %dma_start3A_546 = arith.constant 0 : i32
    %dma_start3A_547 = tpu.memref_slice %arg4[%add3A_543, %dma_start3A_546] : memref<896x6144xf32, #tpu.memory_space<hbm>> -> memref<1x6144xf32, #tpu.memory_space<hbm>>
    %dma_start3A_548 = tpu.memref_squeeze %dma_start3A_547 : memref<1x6144xf32, #tpu.memory_space<hbm>> -> memref<6144xf32, #tpu.memory_space<hbm>>
    %dma_start3A_549 = arith.constant 0 : i32
    %dma_start3A_550 = tpu.memref_slice %arg4[%add3A_543, %dma_start3A_549] : memref<896x6144xf32, #tpu.memory_space<hbm>> -> memref<1x6144xf32, #tpu.memory_space<hbm>>
    %dma_start3A_551 = tpu.memref_squeeze %dma_start3A_550 : memref<1x6144xf32, #tpu.memory_space<hbm>> -> memref<6144xf32, #tpu.memory_space<hbm>>
    %dma_start3A_552 = arith.constant 34560 : i32
    %dma_start3A_553 = tpu.memref_slice %arg10[%dma_start3A_552] : memref<40704xf32, #tpu.memory_space<vmem>> -> memref<6144xf32, #tpu.memory_space<vmem>>
    tpu.enqueue_dma source(%dma_start3A_553 : memref<6144xf32, #tpu.memory_space<vmem>>) target(%dma_start3A_551 : memref<6144xf32, #tpu.memory_space<hbm>>) target_semaphore(%arg12 : memref<!tpu.dma_semaphore, #tpu.memory_space<semaphore_mem>>)
    %dma_wait3A_554 = arith.constant 0 : i32
    %dma_wait3A_555 = tpu.memref_slice %arg9[%dma_wait3A_554] : memref<40704xf32, #tpu.memory_space<vmem>> -> memref<6144xf32, #tpu.memory_space<vmem>>
    %dma_wait3A_556 = arith.constant 0 : i32
    %dma_wait3A_557 = tpu.memref_slice %arg4[%add3A_297, %dma_wait3A_556] : memref<896x6144xf32, #tpu.memory_space<hbm>> -> memref<1x6144xf32, #tpu.memory_space<hbm>>
    %dma_wait3A_558 = tpu.memref_squeeze %dma_wait3A_557 : memref<1x6144xf32, #tpu.memory_space<hbm>> -> memref<6144xf32, #tpu.memory_space<hbm>>
    %dma_wait3A_559 = arith.constant 0 : i32
    %dma_wait3A_560 = tpu.memref_slice %arg4[%add3A_297, %dma_wait3A_559] : memref<896x6144xf32, #tpu.memory_space<hbm>> -> memref<1x6144xf32, #tpu.memory_space<hbm>>
    %dma_wait3A_561 = tpu.memref_squeeze %dma_wait3A_560 : memref<1x6144xf32, #tpu.memory_space<hbm>> -> memref<6144xf32, #tpu.memory_space<hbm>>
    %dma_wait3A_562 = arith.constant 0 : i32
    %dma_wait3A_563 = tpu.memref_slice %arg9[%dma_wait3A_562] : memref<40704xf32, #tpu.memory_space<vmem>> -> memref<6144xf32, #tpu.memory_space<vmem>>
    tpu.wait_dma2 semaphore(%arg11 : memref<!tpu.dma_semaphore, #tpu.memory_space<semaphore_mem>>) src(%dma_wait3A_563 : memref<6144xf32, #tpu.memory_space<vmem>>) dst(%dma_wait3A_561 : memref<6144xf32, #tpu.memory_space<hbm>>)
    %dma_wait3A_564 = arith.constant 5760 : i32
    %dma_wait3A_565 = tpu.memref_slice %arg9[%dma_wait3A_564] : memref<40704xf32, #tpu.memory_space<vmem>> -> memref<6144xf32, #tpu.memory_space<vmem>>
    %dma_wait3A_566 = arith.constant 0 : i32
    %dma_wait3A_567 = tpu.memref_slice %arg4[%add3A_309, %dma_wait3A_566] : memref<896x6144xf32, #tpu.memory_space<hbm>> -> memref<1x6144xf32, #tpu.memory_space<hbm>>
    %dma_wait3A_568 = tpu.memref_squeeze %dma_wait3A_567 : memref<1x6144xf32, #tpu.memory_space<hbm>> -> memref<6144xf32, #tpu.memory_space<hbm>>
    %dma_wait3A_569 = arith.constant 0 : i32
    %dma_wait3A_570 = tpu.memref_slice %arg4[%add3A_309, %dma_wait3A_569] : memref<896x6144xf32, #tpu.memory_space<hbm>> -> memref<1x6144xf32, #tpu.memory_space<hbm>>
    %dma_wait3A_571 = tpu.memref_squeeze %dma_wait3A_570 : memref<1x6144xf32, #tpu.memory_space<hbm>> -> memref<6144xf32, #tpu.memory_space<hbm>>
    %dma_wait3A_572 = arith.constant 5760 : i32
    %dma_wait3A_573 = tpu.memref_slice %arg9[%dma_wait3A_572] : memref<40704xf32, #tpu.memory_space<vmem>> -> memref<6144xf32, #tpu.memory_space<vmem>>
    tpu.wait_dma2 semaphore(%arg11 : memref<!tpu.dma_semaphore, #tpu.memory_space<semaphore_mem>>) src(%dma_wait3A_573 : memref<6144xf32, #tpu.memory_space<vmem>>) dst(%dma_wait3A_571 : memref<6144xf32, #tpu.memory_space<hbm>>)
    %dma_wait3A_574 = arith.constant 11520 : i32
    %dma_wait3A_575 = tpu.memref_slice %arg9[%dma_wait3A_574] : memref<40704xf32, #tpu.memory_space<vmem>> -> memref<6144xf32, #tpu.memory_space<vmem>>
    %dma_wait3A_576 = arith.constant 0 : i32
    %dma_wait3A_577 = tpu.memref_slice %arg4[%add3A_321, %dma_wait3A_576] : memref<896x6144xf32, #tpu.memory_space<hbm>> -> memref<1x6144xf32, #tpu.memory_space<hbm>>
    %dma_wait3A_578 = tpu.memref_squeeze %dma_wait3A_577 : memref<1x6144xf32, #tpu.memory_space<hbm>> -> memref<6144xf32, #tpu.memory_space<hbm>>
    %dma_wait3A_579 = arith.constant 0 : i32
    %dma_wait3A_580 = tpu.memref_slice %arg4[%add3A_321, %dma_wait3A_579] : memref<896x6144xf32, #tpu.memory_space<hbm>> -> memref<1x6144xf32, #tpu.memory_space<hbm>>
    %dma_wait3A_581 = tpu.memref_squeeze %dma_wait3A_580 : memref<1x6144xf32, #tpu.memory_space<hbm>> -> memref<6144xf32, #tpu.memory_space<hbm>>
    %dma_wait3A_582 = arith.constant 11520 : i32
    %dma_wait3A_583 = tpu.memref_slice %arg9[%dma_wait3A_582] : memref<40704xf32, #tpu.memory_space<vmem>> -> memref<6144xf32, #tpu.memory_space<vmem>>
    tpu.wait_dma2 semaphore(%arg11 : memref<!tpu.dma_semaphore, #tpu.memory_space<semaphore_mem>>) src(%dma_wait3A_583 : memref<6144xf32, #tpu.memory_space<vmem>>) dst(%dma_wait3A_581 : memref<6144xf32, #tpu.memory_space<hbm>>)
    %dma_wait3A_584 = arith.constant 17280 : i32
    %dma_wait3A_585 = tpu.memref_slice %arg9[%dma_wait3A_584] : memref<40704xf32, #tpu.memory_space<vmem>> -> memref<6144xf32, #tpu.memory_space<vmem>>
    %dma_wait3A_586 = arith.constant 0 : i32
    %dma_wait3A_587 = tpu.memref_slice %arg4[%add3A_333, %dma_wait3A_586] : memref<896x6144xf32, #tpu.memory_space<hbm>> -> memref<1x6144xf32, #tpu.memory_space<hbm>>
    %dma_wait3A_588 = tpu.memref_squeeze %dma_wait3A_587 : memref<1x6144xf32, #tpu.memory_space<hbm>> -> memref<6144xf32, #tpu.memory_space<hbm>>
    %dma_wait3A_589 = arith.constant 0 : i32
    %dma_wait3A_590 = tpu.memref_slice %arg4[%add3A_333, %dma_wait3A_589] : memref<896x6144xf32, #tpu.memory_space<hbm>> -> memref<1x6144xf32, #tpu.memory_space<hbm>>
    %dma_wait3A_591 = tpu.memref_squeeze %dma_wait3A_590 : memref<1x6144xf32, #tpu.memory_space<hbm>> -> memref<6144xf32, #tpu.memory_space<hbm>>
    %dma_wait3A_592 = arith.constant 17280 : i32
    %dma_wait3A_593 = tpu.memref_slice %arg9[%dma_wait3A_592] : memref<40704xf32, #tpu.memory_space<vmem>> -> memref<6144xf32, #tpu.memory_space<vmem>>
    tpu.wait_dma2 semaphore(%arg11 : memref<!tpu.dma_semaphore, #tpu.memory_space<semaphore_mem>>) src(%dma_wait3A_593 : memref<6144xf32, #tpu.memory_space<vmem>>) dst(%dma_wait3A_591 : memref<6144xf32, #tpu.memory_space<hbm>>)
    %dma_wait3A_594 = arith.constant 23040 : i32
    %dma_wait3A_595 = tpu.memref_slice %arg9[%dma_wait3A_594] : memref<40704xf32, #tpu.memory_space<vmem>> -> memref<6144xf32, #tpu.memory_space<vmem>>
    %dma_wait3A_596 = arith.constant 0 : i32
    %dma_wait3A_597 = tpu.memref_slice %arg4[%add3A_345, %dma_wait3A_596] : memref<896x6144xf32, #tpu.memory_space<hbm>> -> memref<1x6144xf32, #tpu.memory_space<hbm>>
    %dma_wait3A_598 = tpu.memref_squeeze %dma_wait3A_597 : memref<1x6144xf32, #tpu.memory_space<hbm>> -> memref<6144xf32, #tpu.memory_space<hbm>>
    %dma_wait3A_599 = arith.constant 0 : i32
    %dma_wait3A_600 = tpu.memref_slice %arg4[%add3A_345, %dma_wait3A_599] : memref<896x6144xf32, #tpu.memory_space<hbm>> -> memref<1x6144xf32, #tpu.memory_space<hbm>>
    %dma_wait3A_601 = tpu.memref_squeeze %dma_wait3A_600 : memref<1x6144xf32, #tpu.memory_space<hbm>> -> memref<6144xf32, #tpu.memory_space<hbm>>
    %dma_wait3A_602 = arith.constant 23040 : i32
    %dma_wait3A_603 = tpu.memref_slice %arg9[%dma_wait3A_602] : memref<40704xf32, #tpu.memory_space<vmem>> -> memref<6144xf32, #tpu.memory_space<vmem>>
    tpu.wait_dma2 semaphore(%arg11 : memref<!tpu.dma_semaphore, #tpu.memory_space<semaphore_mem>>) src(%dma_wait3A_603 : memref<6144xf32, #tpu.memory_space<vmem>>) dst(%dma_wait3A_601 : memref<6144xf32, #tpu.memory_space<hbm>>)
    %dma_wait3A_604 = arith.constant 28800 : i32
    %dma_wait3A_605 = tpu.memref_slice %arg9[%dma_wait3A_604] : memref<40704xf32, #tpu.memory_space<vmem>> -> memref<6144xf32, #tpu.memory_space<vmem>>
    %dma_wait3A_606 = arith.constant 0 : i32
    %dma_wait3A_607 = tpu.memref_slice %arg4[%add3A_357, %dma_wait3A_606] : memref<896x6144xf32, #tpu.memory_space<hbm>> -> memref<1x6144xf32, #tpu.memory_space<hbm>>
    %dma_wait3A_608 = tpu.memref_squeeze %dma_wait3A_607 : memref<1x6144xf32, #tpu.memory_space<hbm>> -> memref<6144xf32, #tpu.memory_space<hbm>>
    %dma_wait3A_609 = arith.constant 0 : i32
    %dma_wait3A_610 = tpu.memref_slice %arg4[%add3A_357, %dma_wait3A_609] : memref<896x6144xf32, #tpu.memory_space<hbm>> -> memref<1x6144xf32, #tpu.memory_space<hbm>>
    %dma_wait3A_611 = tpu.memref_squeeze %dma_wait3A_610 : memref<1x6144xf32, #tpu.memory_space<hbm>> -> memref<6144xf32, #tpu.memory_space<hbm>>
    %dma_wait3A_612 = arith.constant 28800 : i32
    %dma_wait3A_613 = tpu.memref_slice %arg9[%dma_wait3A_612] : memref<40704xf32, #tpu.memory_space<vmem>> -> memref<6144xf32, #tpu.memory_space<vmem>>
    tpu.wait_dma2 semaphore(%arg11 : memref<!tpu.dma_semaphore, #tpu.memory_space<semaphore_mem>>) src(%dma_wait3A_613 : memref<6144xf32, #tpu.memory_space<vmem>>) dst(%dma_wait3A_611 : memref<6144xf32, #tpu.memory_space<hbm>>)
    %dma_wait3A_614 = arith.constant 34560 : i32
    %dma_wait3A_615 = tpu.memref_slice %arg9[%dma_wait3A_614] : memref<40704xf32, #tpu.memory_space<vmem>> -> memref<6144xf32, #tpu.memory_space<vmem>>
    %dma_wait3A_616 = arith.constant 0 : i32
    %dma_wait3A_617 = tpu.memref_slice %arg4[%add3A_369, %dma_wait3A_616] : memref<896x6144xf32, #tpu.memory_space<hbm>> -> memref<1x6144xf32, #tpu.memory_space<hbm>>
    %dma_wait3A_618 = tpu.memref_squeeze %dma_wait3A_617 : memref<1x6144xf32, #tpu.memory_space<hbm>> -> memref<6144xf32, #tpu.memory_space<hbm>>
    %dma_wait3A_619 = arith.constant 0 : i32
    %dma_wait3A_620 = tpu.memref_slice %arg4[%add3A_369, %dma_wait3A_619] : memref<896x6144xf32, #tpu.memory_space<hbm>> -> memref<1x6144xf32, #tpu.memory_space<hbm>>
    %dma_wait3A_621 = tpu.memref_squeeze %dma_wait3A_620 : memref<1x6144xf32, #tpu.memory_space<hbm>> -> memref<6144xf32, #tpu.memory_space<hbm>>
    %dma_wait3A_622 = arith.constant 34560 : i32
    %dma_wait3A_623 = tpu.memref_slice %arg9[%dma_wait3A_622] : memref<40704xf32, #tpu.memory_space<vmem>> -> memref<6144xf32, #tpu.memory_space<vmem>>
    tpu.wait_dma2 semaphore(%arg11 : memref<!tpu.dma_semaphore, #tpu.memory_space<semaphore_mem>>) src(%dma_wait3A_623 : memref<6144xf32, #tpu.memory_space<vmem>>) dst(%dma_wait3A_621 : memref<6144xf32, #tpu.memory_space<hbm>>)
    %dma_wait3A_624 = arith.constant 0 : i32
    %dma_wait3A_625 = tpu.memref_slice %arg10[%dma_wait3A_624] : memref<40704xf32, #tpu.memory_space<vmem>> -> memref<6144xf32, #tpu.memory_space<vmem>>
    %dma_wait3A_626 = arith.constant 0 : i32
    %dma_wait3A_627 = tpu.memref_slice %arg4[%add3A_471, %dma_wait3A_626] : memref<896x6144xf32, #tpu.memory_space<hbm>> -> memref<1x6144xf32, #tpu.memory_space<hbm>>
    %dma_wait3A_628 = tpu.memref_squeeze %dma_wait3A_627 : memref<1x6144xf32, #tpu.memory_space<hbm>> -> memref<6144xf32, #tpu.memory_space<hbm>>
    %dma_wait3A_629 = arith.constant 0 : i32
    %dma_wait3A_630 = tpu.memref_slice %arg4[%add3A_471, %dma_wait3A_629] : memref<896x6144xf32, #tpu.memory_space<hbm>> -> memref<1x6144xf32, #tpu.memory_space<hbm>>
    %dma_wait3A_631 = tpu.memref_squeeze %dma_wait3A_630 : memref<1x6144xf32, #tpu.memory_space<hbm>> -> memref<6144xf32, #tpu.memory_space<hbm>>
    %dma_wait3A_632 = arith.constant 0 : i32
    %dma_wait3A_633 = tpu.memref_slice %arg10[%dma_wait3A_632] : memref<40704xf32, #tpu.memory_space<vmem>> -> memref<6144xf32, #tpu.memory_space<vmem>>
    tpu.wait_dma2 semaphore(%arg12 : memref<!tpu.dma_semaphore, #tpu.memory_space<semaphore_mem>>) src(%dma_wait3A_633 : memref<6144xf32, #tpu.memory_space<vmem>>) dst(%dma_wait3A_631 : memref<6144xf32, #tpu.memory_space<hbm>>)
    %dma_wait3A_634 = arith.constant 5760 : i32
    %dma_wait3A_635 = tpu.memref_slice %arg10[%dma_wait3A_634] : memref<40704xf32, #tpu.memory_space<vmem>> -> memref<6144xf32, #tpu.memory_space<vmem>>
    %dma_wait3A_636 = arith.constant 0 : i32
    %dma_wait3A_637 = tpu.memref_slice %arg4[%add3A_483, %dma_wait3A_636] : memref<896x6144xf32, #tpu.memory_space<hbm>> -> memref<1x6144xf32, #tpu.memory_space<hbm>>
    %dma_wait3A_638 = tpu.memref_squeeze %dma_wait3A_637 : memref<1x6144xf32, #tpu.memory_space<hbm>> -> memref<6144xf32, #tpu.memory_space<hbm>>
    %dma_wait3A_639 = arith.constant 0 : i32
    %dma_wait3A_640 = tpu.memref_slice %arg4[%add3A_483, %dma_wait3A_639] : memref<896x6144xf32, #tpu.memory_space<hbm>> -> memref<1x6144xf32, #tpu.memory_space<hbm>>
    %dma_wait3A_641 = tpu.memref_squeeze %dma_wait3A_640 : memref<1x6144xf32, #tpu.memory_space<hbm>> -> memref<6144xf32, #tpu.memory_space<hbm>>
    %dma_wait3A_642 = arith.constant 5760 : i32
    %dma_wait3A_643 = tpu.memref_slice %arg10[%dma_wait3A_642] : memref<40704xf32, #tpu.memory_space<vmem>> -> memref<6144xf32, #tpu.memory_space<vmem>>
    tpu.wait_dma2 semaphore(%arg12 : memref<!tpu.dma_semaphore, #tpu.memory_space<semaphore_mem>>) src(%dma_wait3A_643 : memref<6144xf32, #tpu.memory_space<vmem>>) dst(%dma_wait3A_641 : memref<6144xf32, #tpu.memory_space<hbm>>)
    %dma_wait3A_644 = arith.constant 11520 : i32
    %dma_wait3A_645 = tpu.memref_slice %arg10[%dma_wait3A_644] : memref<40704xf32, #tpu.memory_space<vmem>> -> memref<6144xf32, #tpu.memory_space<vmem>>
    %dma_wait3A_646 = arith.constant 0 : i32
    %dma_wait3A_647 = tpu.memref_slice %arg4[%add3A_495, %dma_wait3A_646] : memref<896x6144xf32, #tpu.memory_space<hbm>> -> memref<1x6144xf32, #tpu.memory_space<hbm>>
    %dma_wait3A_648 = tpu.memref_squeeze %dma_wait3A_647 : memref<1x6144xf32, #tpu.memory_space<hbm>> -> memref<6144xf32, #tpu.memory_space<hbm>>
    %dma_wait3A_649 = arith.constant 0 : i32
    %dma_wait3A_650 = tpu.memref_slice %arg4[%add3A_495, %dma_wait3A_649] : memref<896x6144xf32, #tpu.memory_space<hbm>> -> memref<1x6144xf32, #tpu.memory_space<hbm>>
    %dma_wait3A_651 = tpu.memref_squeeze %dma_wait3A_650 : memref<1x6144xf32, #tpu.memory_space<hbm>> -> memref<6144xf32, #tpu.memory_space<hbm>>
    %dma_wait3A_652 = arith.constant 11520 : i32
    %dma_wait3A_653 = tpu.memref_slice %arg10[%dma_wait3A_652] : memref<40704xf32, #tpu.memory_space<vmem>> -> memref<6144xf32, #tpu.memory_space<vmem>>
    tpu.wait_dma2 semaphore(%arg12 : memref<!tpu.dma_semaphore, #tpu.memory_space<semaphore_mem>>) src(%dma_wait3A_653 : memref<6144xf32, #tpu.memory_space<vmem>>) dst(%dma_wait3A_651 : memref<6144xf32, #tpu.memory_space<hbm>>)
    %dma_wait3A_654 = arith.constant 17280 : i32
    %dma_wait3A_655 = tpu.memref_slice %arg10[%dma_wait3A_654] : memref<40704xf32, #tpu.memory_space<vmem>> -> memref<6144xf32, #tpu.memory_space<vmem>>
    %dma_wait3A_656 = arith.constant 0 : i32
    %dma_wait3A_657 = tpu.memref_slice %arg4[%add3A_507, %dma_wait3A_656] : memref<896x6144xf32, #tpu.memory_space<hbm>> -> memref<1x6144xf32, #tpu.memory_space<hbm>>
    %dma_wait3A_658 = tpu.memref_squeeze %dma_wait3A_657 : memref<1x6144xf32, #tpu.memory_space<hbm>> -> memref<6144xf32, #tpu.memory_space<hbm>>
    %dma_wait3A_659 = arith.constant 0 : i32
    %dma_wait3A_660 = tpu.memref_slice %arg4[%add3A_507, %dma_wait3A_659] : memref<896x6144xf32, #tpu.memory_space<hbm>> -> memref<1x6144xf32, #tpu.memory_space<hbm>>
    %dma_wait3A_661 = tpu.memref_squeeze %dma_wait3A_660 : memref<1x6144xf32, #tpu.memory_space<hbm>> -> memref<6144xf32, #tpu.memory_space<hbm>>
    %dma_wait3A_662 = arith.constant 17280 : i32
    %dma_wait3A_663 = tpu.memref_slice %arg10[%dma_wait3A_662] : memref<40704xf32, #tpu.memory_space<vmem>> -> memref<6144xf32, #tpu.memory_space<vmem>>
    tpu.wait_dma2 semaphore(%arg12 : memref<!tpu.dma_semaphore, #tpu.memory_space<semaphore_mem>>) src(%dma_wait3A_663 : memref<6144xf32, #tpu.memory_space<vmem>>) dst(%dma_wait3A_661 : memref<6144xf32, #tpu.memory_space<hbm>>)
    %dma_wait3A_664 = arith.constant 23040 : i32
    %dma_wait3A_665 = tpu.memref_slice %arg10[%dma_wait3A_664] : memref<40704xf32, #tpu.memory_space<vmem>> -> memref<6144xf32, #tpu.memory_space<vmem>>
    %dma_wait3A_666 = arith.constant 0 : i32
    %dma_wait3A_667 = tpu.memref_slice %arg4[%add3A_519, %dma_wait3A_666] : memref<896x6144xf32, #tpu.memory_space<hbm>> -> memref<1x6144xf32, #tpu.memory_space<hbm>>
    %dma_wait3A_668 = tpu.memref_squeeze %dma_wait3A_667 : memref<1x6144xf32, #tpu.memory_space<hbm>> -> memref<6144xf32, #tpu.memory_space<hbm>>
    %dma_wait3A_669 = arith.constant 0 : i32
    %dma_wait3A_670 = tpu.memref_slice %arg4[%add3A_519, %dma_wait3A_669] : memref<896x6144xf32, #tpu.memory_space<hbm>> -> memref<1x6144xf32, #tpu.memory_space<hbm>>
    %dma_wait3A_671 = tpu.memref_squeeze %dma_wait3A_670 : memref<1x6144xf32, #tpu.memory_space<hbm>> -> memref<6144xf32, #tpu.memory_space<hbm>>
    %dma_wait3A_672 = arith.constant 23040 : i32
    %dma_wait3A_673 = tpu.memref_slice %arg10[%dma_wait3A_672] : memref<40704xf32, #tpu.memory_space<vmem>> -> memref<6144xf32, #tpu.memory_space<vmem>>
    tpu.wait_dma2 semaphore(%arg12 : memref<!tpu.dma_semaphore, #tpu.memory_space<semaphore_mem>>) src(%dma_wait3A_673 : memref<6144xf32, #tpu.memory_space<vmem>>) dst(%dma_wait3A_671 : memref<6144xf32, #tpu.memory_space<hbm>>)
    %dma_wait3A_674 = arith.constant 28800 : i32
    %dma_wait3A_675 = tpu.memref_slice %arg10[%dma_wait3A_674] : memref<40704xf32, #tpu.memory_space<vmem>> -> memref<6144xf32, #tpu.memory_space<vmem>>
    %dma_wait3A_676 = arith.constant 0 : i32
    %dma_wait3A_677 = tpu.memref_slice %arg4[%add3A_531, %dma_wait3A_676] : memref<896x6144xf32, #tpu.memory_space<hbm>> -> memref<1x6144xf32, #tpu.memory_space<hbm>>
    %dma_wait3A_678 = tpu.memref_squeeze %dma_wait3A_677 : memref<1x6144xf32, #tpu.memory_space<hbm>> -> memref<6144xf32, #tpu.memory_space<hbm>>
    %dma_wait3A_679 = arith.constant 0 : i32
    %dma_wait3A_680 = tpu.memref_slice %arg4[%add3A_531, %dma_wait3A_679] : memref<896x6144xf32, #tpu.memory_space<hbm>> -> memref<1x6144xf32, #tpu.memory_space<hbm>>
    %dma_wait3A_681 = tpu.memref_squeeze %dma_wait3A_680 : memref<1x6144xf32, #tpu.memory_space<hbm>> -> memref<6144xf32, #tpu.memory_space<hbm>>
    %dma_wait3A_682 = arith.constant 28800 : i32
    %dma_wait3A_683 = tpu.memref_slice %arg10[%dma_wait3A_682] : memref<40704xf32, #tpu.memory_space<vmem>> -> memref<6144xf32, #tpu.memory_space<vmem>>
    tpu.wait_dma2 semaphore(%arg12 : memref<!tpu.dma_semaphore, #tpu.memory_space<semaphore_mem>>) src(%dma_wait3A_683 : memref<6144xf32, #tpu.memory_space<vmem>>) dst(%dma_wait3A_681 : memref<6144xf32, #tpu.memory_space<hbm>>)
    %dma_wait3A_684 = arith.constant 34560 : i32
    %dma_wait3A_685 = tpu.memref_slice %arg10[%dma_wait3A_684] : memref<40704xf32, #tpu.memory_space<vmem>> -> memref<6144xf32, #tpu.memory_space<vmem>>
    %dma_wait3A_686 = arith.constant 0 : i32
    %dma_wait3A_687 = tpu.memref_slice %arg4[%add3A_543, %dma_wait3A_686] : memref<896x6144xf32, #tpu.memory_space<hbm>> -> memref<1x6144xf32, #tpu.memory_space<hbm>>
    %dma_wait3A_688 = tpu.memref_squeeze %dma_wait3A_687 : memref<1x6144xf32, #tpu.memory_space<hbm>> -> memref<6144xf32, #tpu.memory_space<hbm>>
    %dma_wait3A_689 = arith.constant 0 : i32
    %dma_wait3A_690 = tpu.memref_slice %arg4[%add3A_543, %dma_wait3A_689] : memref<896x6144xf32, #tpu.memory_space<hbm>> -> memref<1x6144xf32, #tpu.memory_space<hbm>>
    %dma_wait3A_691 = tpu.memref_squeeze %dma_wait3A_690 : memref<1x6144xf32, #tpu.memory_space<hbm>> -> memref<6144xf32, #tpu.memory_space<hbm>>
    %dma_wait3A_692 = arith.constant 34560 : i32
    %dma_wait3A_693 = tpu.memref_slice %arg10[%dma_wait3A_692] : memref<40704xf32, #tpu.memory_space<vmem>> -> memref<6144xf32, #tpu.memory_space<vmem>>
    tpu.wait_dma2 semaphore(%arg12 : memref<!tpu.dma_semaphore, #tpu.memory_space<semaphore_mem>>) src(%dma_wait3A_693 : memref<6144xf32, #tpu.memory_space<vmem>>) dst(%dma_wait3A_691 : memref<6144xf32, #tpu.memory_space<hbm>>)
    return
  }
}

#map = affine_map<(d0, d1) -> (0, 0, 0)>
#map1 = affine_map<(d0, d1) -> (0, 0)>
module attributes {stable_mosaic.version = 14 : i64} {
  func.func @_scatter_sc(%arg0: i32, %arg1: i32, %arg2: memref<256x1x4096xi32, #tpu.memory_space<hbm>>, %arg3: memref<256x1x4096xf32, #tpu.memory_space<hbm>>, %arg4: memref<896x6144xf32, #tpu.memory_space<hbm>>, %arg5: memref<4096xi32, #tpu.memory_space<vmem>>, %arg6: memref<4096xf32, #tpu.memory_space<vmem>>, %arg7: memref<4096xi32, #tpu.memory_space<vmem>>, %arg8: memref<4096xi32, #tpu.memory_space<vmem>>, %arg9: memref<40704xf32, #tpu.memory_space<vmem>>, %arg10: memref<40704xf32, #tpu.memory_space<vmem>>, %arg11: memref<!tpu.dma_semaphore, #tpu.memory_space<semaphore_mem>>, %arg12: memref<!tpu.dma_semaphore, #tpu.memory_space<semaphore_mem>>) attributes {dimension_semantics = [#tpu.dimension_semantics<core_parallel>, #tpu.dimension_semantics<subcore_parallel>], iteration_bounds = array<i64: 2, 16>, scalar_prefetch = 0 : i64, scratch_operands = 8 : i64, tpu.core_type = #tpu.core_type<sc_vector_subcore>, window_params = [{transform_indices = #map}, {transform_indices = #map}, {transform_indices = #map1}]} {
    %mul3A = arith.constant 2 : i32
    %mul3A_0 = arith.muli %arg1, %mul3A : i32
    %add3A = arith.addi %mul3A_0, %arg0 : i32
    %broadcast_in_dim3A = arith.constant 0.000000e+00 : f32
    %broadcast_in_dim3A_1 = vector.broadcast %broadcast_in_dim3A : f32 to vector<16xf32>
    %scan3A = arith.constant 0 : i32
    %scan3A_2 = arith.constant 2544 : i32
    %scan3A_3 = arith.addi %scan3A, %scan3A_2 : i32
    %scan3A_4 = arith.constant 8 : i32
    scf.for %scan3A_694 = %scan3A to %scan3A_3 step %scan3A_4  : i32 {
      %mul3A_695 = arith.constant 1 : i32
      %mul3A_696 = arith.muli %scan3A_694, %mul3A_695 : i32
      %add3A_697 = arith.constant 0 : i32
      %add3A_698 = arith.addi %add3A_697, %mul3A_696 : i32
      %mul3A_699 = arith.constant 16 : i32
      %mul3A_700 = arith.muli %add3A_698, %mul3A_699 : i32
      %swap3A = arith.index_cast %mul3A_700 : i32 to index
      %swap3A_701 = tpu.vector_load %arg9[%swap3A] {strides = array<i32>} : memref<40704xf32, #tpu.memory_space<vmem>>, vector<16xf32>,
      tpu.vector_store %arg9[%swap3A], %broadcast_in_dim3A_1 {strides = array<i32>} : memref<40704xf32, #tpu.memory_space<vmem>>, vector<16xf32>,
      %scan3A_702 = arith.constant 1 : i32
      %scan3A_703 = arith.addi %scan3A_694, %scan3A_702 : i32
      %mul3A_704 = arith.constant 1 : i32
      %mul3A_705 = arith.muli %scan3A_703, %mul3A_704 : i32
      %add3A_706 = arith.constant 0 : i32
      %add3A_707 = arith.addi %add3A_706, %mul3A_705 : i32
      %mul3A_708 = arith.constant 16 : i32
      %mul3A_709 = arith.muli %add3A_707, %mul3A_708 : i32
      %swap3A_710 = arith.index_cast %mul3A_709 : i32 to index
      %swap3A_711 = tpu.vector_load %arg9[%swap3A_710] {strides = array<i32>} : memref<40704xf32, #tpu.memory_space<vmem>>, vector<16xf32>,
      tpu.vector_store %arg9[%swap3A_710], %broadcast_in_dim3A_1 {strides = array<i32>} : memref<40704xf32, #tpu.memory_space<vmem>>, vector<16xf32>,
      %scan3A_712 = arith.constant 2 : i32
      %scan3A_713 = arith.addi %scan3A_694, %scan3A_712 : i32
      %mul3A_714 = arith.constant 1 : i32
      %mul3A_715 = arith.muli %scan3A_713, %mul3A_714 : i32
      %add3A_716 = arith.constant 0 : i32
      %add3A_717 = arith.addi %add3A_716, %mul3A_715 : i32
      %mul3A_718 = arith.constant 16 : i32
      %mul3A_719 = arith.muli %add3A_717, %mul3A_718 : i32
      %swap3A_720 = arith.index_cast %mul3A_719 : i32 to index
      %swap3A_721 = tpu.vector_load %arg9[%swap3A_720] {strides = array<i32>} : memref<40704xf32, #tpu.memory_space<vmem>>, vector<16xf32>,
      tpu.vector_store %arg9[%swap3A_720], %broadcast_in_dim3A_1 {strides = array<i32>} : memref<40704xf32, #tpu.memory_space<vmem>>, vector<16xf32>,
      %scan3A_722 = arith.constant 3 : i32
      %scan3A_723 = arith.addi %scan3A_694, %scan3A_722 : i32
      %mul3A_724 = arith.constant 1 : i32
      %mul3A_725 = arith.muli %scan3A_723, %mul3A_724 : i32
      %add3A_726 = arith.constant 0 : i32
      %add3A_727 = arith.addi %add3A_726, %mul3A_725 : i32
      %mul3A_728 = arith.constant 16 : i32
      %mul3A_729 = arith.muli %add3A_727, %mul3A_728 : i32
      %swap3A_730 = arith.index_cast %mul3A_729 : i32 to index
      %swap3A_731 = tpu.vector_load %arg9[%swap3A_730] {strides = array<i32>} : memref<40704xf32, #tpu.memory_space<vmem>>, vector<16xf32>,
      tpu.vector_store %arg9[%swap3A_730], %broadcast_in_dim3A_1 {strides = array<i32>} : memref<40704xf32, #tpu.memory_space<vmem>>, vector<16xf32>,
      %scan3A_732 = arith.constant 4 : i32
      %scan3A_733 = arith.addi %scan3A_694, %scan3A_732 : i32
      %mul3A_734 = arith.constant 1 : i32
      %mul3A_735 = arith.muli %scan3A_733, %mul3A_734 : i32
      %add3A_736 = arith.constant 0 : i32
      %add3A_737 = arith.addi %add3A_736, %mul3A_735 : i32
      %mul3A_738 = arith.constant 16 : i32
      %mul3A_739 = arith.muli %add3A_737, %mul3A_738 : i32
      %swap3A_740 = arith.index_cast %mul3A_739 : i32 to index
      %swap3A_741 = tpu.vector_load %arg9[%swap3A_740] {strides = array<i32>} : memref<40704xf32, #tpu.memory_space<vmem>>, vector<16xf32>,
      tpu.vector_store %arg9[%swap3A_740], %broadcast_in_dim3A_1 {strides = array<i32>} : memref<40704xf32, #tpu.memory_space<vmem>>, vector<16xf32>,
      %scan3A_742 = arith.constant 5 : i32
      %scan3A_743 = arith.addi %scan3A_694, %scan3A_742 : i32
      %mul3A_744 = arith.constant 1 : i32
      %mul3A_745 = arith.muli %scan3A_743, %mul3A_744 : i32
      %add3A_746 = arith.constant 0 : i32
      %add3A_747 = arith.addi %add3A_746, %mul3A_745 : i32
      %mul3A_748 = arith.constant 16 : i32
      %mul3A_749 = arith.muli %add3A_747, %mul3A_748 : i32
      %swap3A_750 = arith.index_cast %mul3A_749 : i32 to index
      %swap3A_751 = tpu.vector_load %arg9[%swap3A_750] {strides = array<i32>} : memref<40704xf32, #tpu.memory_space<vmem>>, vector<16xf32>,
      tpu.vector_store %arg9[%swap3A_750], %broadcast_in_dim3A_1 {strides = array<i32>} : memref<40704xf32, #tpu.memory_space<vmem>>, vector<16xf32>,
      %scan3A_752 = arith.constant 6 : i32
      %scan3A_753 = arith.addi %scan3A_694, %scan3A_752 : i32
      %mul3A_754 = arith.constant 1 : i32
      %mul3A_755 = arith.muli %scan3A_753, %mul3A_754 : i32
      %add3A_756 = arith.constant 0 : i32
      %add3A_757 = arith.addi %add3A_756, %mul3A_755 : i32
      %mul3A_758 = arith.constant 16 : i32
      %mul3A_759 = arith.muli %add3A_757, %mul3A_758 : i32
      %swap3A_760 = arith.index_cast %mul3A_759 : i32 to index
      %swap3A_761 = tpu.vector_load %arg9[%swap3A_760] {strides = array<i32>} : memref<40704xf32, #tpu.memory_space<vmem>>, vector<16xf32>,
      tpu.vector_store %arg9[%swap3A_760], %broadcast_in_dim3A_1 {strides = array<i32>} : memref<40704xf32, #tpu.memory_space<vmem>>, vector<16xf32>,
      %scan3A_762 = arith.constant 7 : i32
      %scan3A_763 = arith.addi %scan3A_694, %scan3A_762 : i32
      %mul3A_764 = arith.constant 1 : i32
      %mul3A_765 = arith.muli %scan3A_763, %mul3A_764 : i32
      %add3A_766 = arith.constant 0 : i32
      %add3A_767 = arith.addi %add3A_766, %mul3A_765 : i32
      %mul3A_768 = arith.constant 16 : i32
      %mul3A_769 = arith.muli %add3A_767, %mul3A_768 : i32
      %swap3A_770 = arith.index_cast %mul3A_769 : i32 to index
      %swap3A_771 = tpu.vector_load %arg9[%swap3A_770] {strides = array<i32>} : memref<40704xf32, #tpu.memory_space<vmem>>, vector<16xf32>,
      tpu.vector_store %arg9[%swap3A_770], %broadcast_in_dim3A_1 {strides = array<i32>} : memref<40704xf32, #tpu.memory_space<vmem>>, vector<16xf32>,
    }
    %scan3A_5 = arith.constant 2544 : i32
    %scan3A_6 = arith.constant 0 : i32
    %scan3A_7 = arith.constant 2544 : i32
    %scan3A_8 = arith.addi %scan3A_6, %scan3A_7 : i32
    %scan3A_9 = arith.constant 8 : i32
    scf.for %scan3A_694 = %scan3A_6 to %scan3A_8 step %scan3A_9  : i32 {
      %mul3A_695 = arith.constant 1 : i32
      %mul3A_696 = arith.muli %scan3A_694, %mul3A_695 : i32
      %add3A_697 = arith.constant 0 : i32
      %add3A_698 = arith.addi %add3A_697, %mul3A_696 : i32
      %mul3A_699 = arith.constant 16 : i32
      %mul3A_700 = arith.muli %add3A_698, %mul3A_699 : i32
      %swap3A = arith.index_cast %mul3A_700 : i32 to index
      %swap3A_701 = tpu.vector_load %arg10[%swap3A] {strides = array<i32>} : memref<40704xf32, #tpu.memory_space<vmem>>, vector<16xf32>,
      tpu.vector_store %arg10[%swap3A], %broadcast_in_dim3A_1 {strides = array<i32>} : memref<40704xf32, #tpu.memory_space<vmem>>, vector<16xf32>,
      %scan3A_702 = arith.constant 1 : i32
      %scan3A_703 = arith.addi %scan3A_694, %scan3A_702 : i32
      %mul3A_704 = arith.constant 1 : i32
      %mul3A_705 = arith.muli %scan3A_703, %mul3A_704 : i32
      %add3A_706 = arith.constant 0 : i32
      %add3A_707 = arith.addi %add3A_706, %mul3A_705 : i32
      %mul3A_708 = arith.constant 16 : i32
      %mul3A_709 = arith.muli %add3A_707, %mul3A_708 : i32
      %swap3A_710 = arith.index_cast %mul3A_709 : i32 to index
      %swap3A_711 = tpu.vector_load %arg10[%swap3A_710] {strides = array<i32>} : memref<40704xf32, #tpu.memory_space<vmem>>, vector<16xf32>,
      tpu.vector_store %arg10[%swap3A_710], %broadcast_in_dim3A_1 {strides = array<i32>} : memref<40704xf32, #tpu.memory_space<vmem>>, vector<16xf32>,
      %scan3A_712 = arith.constant 2 : i32
      %scan3A_713 = arith.addi %scan3A_694, %scan3A_712 : i32
      %mul3A_714 = arith.constant 1 : i32
      %mul3A_715 = arith.muli %scan3A_713, %mul3A_714 : i32
      %add3A_716 = arith.constant 0 : i32
      %add3A_717 = arith.addi %add3A_716, %mul3A_715 : i32
      %mul3A_718 = arith.constant 16 : i32
      %mul3A_719 = arith.muli %add3A_717, %mul3A_718 : i32
      %swap3A_720 = arith.index_cast %mul3A_719 : i32 to index
      %swap3A_721 = tpu.vector_load %arg10[%swap3A_720] {strides = array<i32>} : memref<40704xf32, #tpu.memory_space<vmem>>, vector<16xf32>,
      tpu.vector_store %arg10[%swap3A_720], %broadcast_in_dim3A_1 {strides = array<i32>} : memref<40704xf32, #tpu.memory_space<vmem>>, vector<16xf32>,
      %scan3A_722 = arith.constant 3 : i32
      %scan3A_723 = arith.addi %scan3A_694, %scan3A_722 : i32
      %mul3A_724 = arith.constant 1 : i32
      %mul3A_725 = arith.muli %scan3A_723, %mul3A_724 : i32
      %add3A_726 = arith.constant 0 : i32
      %add3A_727 = arith.addi %add3A_726, %mul3A_725 : i32
      %mul3A_728 = arith.constant 16 : i32
      %mul3A_729 = arith.muli %add3A_727, %mul3A_728 : i32
      %swap3A_730 = arith.index_cast %mul3A_729 : i32 to index
      %swap3A_731 = tpu.vector_load %arg10[%swap3A_730] {strides = array<i32>} : memref<40704xf32, #tpu.memory_space<vmem>>, vector<16xf32>,
      tpu.vector_store %arg10[%swap3A_730], %broadcast_in_dim3A_1 {strides = array<i32>} : memref<40704xf32, #tpu.memory_space<vmem>>, vector<16xf32>,
      %scan3A_732 = arith.constant 4 : i32
      %scan3A_733 = arith.addi %scan3A_694, %scan3A_732 : i32
      %mul3A_734 = arith.constant 1 : i32
      %mul3A_735 = arith.muli %scan3A_733, %mul3A_734 : i32
      %add3A_736 = arith.constant 0 : i32
      %add3A_737 = arith.addi %add3A_736, %mul3A_735 : i32
      %mul3A_738 = arith.constant 16 : i32
      %mul3A_739 = arith.muli %add3A_737, %mul3A_738 : i32
      %swap3A_740 = arith.index_cast %mul3A_739 : i32 to index
      %swap3A_741 = tpu.vector_load %arg10[%swap3A_740] {strides = array<i32>} : memref<40704xf32, #tpu.memory_space<vmem>>, vector<16xf32>,
      tpu.vector_store %arg10[%swap3A_740], %broadcast_in_dim3A_1 {strides = array<i32>} : memref<40704xf32, #tpu.memory_space<vmem>>, vector<16xf32>,
      %scan3A_742 = arith.constant 5 : i32
      %scan3A_743 = arith.addi %scan3A_694, %scan3A_742 : i32
      %mul3A_744 = arith.constant 1 : i32
      %mul3A_745 = arith.muli %scan3A_743, %mul3A_744 : i32
      %add3A_746 = arith.constant 0 : i32
      %add3A_747 = arith.addi %add3A_746, %mul3A_745 : i32
      %mul3A_748 = arith.constant 16 : i32
      %mul3A_749 = arith.muli %add3A_747, %mul3A_748 : i32
      %swap3A_750 = arith.index_cast %mul3A_749 : i32 to index
      %swap3A_751 = tpu.vector_load %arg10[%swap3A_750] {strides = array<i32>} : memref<40704xf32, #tpu.memory_space<vmem>>, vector<16xf32>,
      tpu.vector_store %arg10[%swap3A_750], %broadcast_in_dim3A_1 {strides = array<i32>} : memref<40704xf32, #tpu.memory_space<vmem>>, vector<16xf32>,
      %scan3A_752 = arith.constant 6 : i32
      %scan3A_753 = arith.addi %scan3A_694, %scan3A_752 : i32
      %mul3A_754 = arith.constant 1 : i32
      %mul3A_755 = arith.muli %scan3A_753, %mul3A_754 : i32
      %add3A_756 = arith.constant 0 : i32
      %add3A_757 = arith.addi %add3A_756, %mul3A_755 : i32
      %mul3A_758 = arith.constant 16 : i32
      %mul3A_759 = arith.muli %add3A_757, %mul3A_758 : i32
      %swap3A_760 = arith.index_cast %mul3A_759 : i32 to index
      %swap3A_761 = tpu.vector_load %arg10[%swap3A_760] {strides = array<i32>} : memref<40704xf32, #tpu.memory_space<vmem>>, vector<16xf32>,
      tpu.vector_store %arg10[%swap3A_760], %broadcast_in_dim3A_1 {strides = array<i32>} : memref<40704xf32, #tpu.memory_space<vmem>>, vector<16xf32>,
      %scan3A_762 = arith.constant 7 : i32
      %scan3A_763 = arith.addi %scan3A_694, %scan3A_762 : i32
      %mul3A_764 = arith.constant 1 : i32
      %mul3A_765 = arith.muli %scan3A_763, %mul3A_764 : i32
      %add3A_766 = arith.constant 0 : i32
      %add3A_767 = arith.addi %add3A_766, %mul3A_765 : i32
      %mul3A_768 = arith.constant 16 : i32
      %mul3A_769 = arith.muli %add3A_767, %mul3A_768 : i32
      %swap3A_770 = arith.index_cast %mul3A_769 : i32 to index
      %swap3A_771 = tpu.vector_load %arg10[%swap3A_770] {strides = array<i32>} : memref<40704xf32, #tpu.memory_space<vmem>>, vector<16xf32>,
      tpu.vector_store %arg10[%swap3A_770], %broadcast_in_dim3A_1 {strides = array<i32>} : memref<40704xf32, #tpu.memory_space<vmem>>, vector<16xf32>,
    }
    %scan3A_10 = arith.constant 2544 : i32
    %mul3A_11 = arith.constant 4 : i32
    %mul3A_12 = arith.muli %add3A, %mul3A_11 : i32
    %add3A_13 = arith.constant 0 : i32
    %add3A_14 = arith.addi %mul3A_12, %add3A_13 : i32
    %add3A_15 = arith.constant 0 : i32
    %add3A_16 = arith.addi %add3A_15, %add3A_14 : i32
    %run_scoped3A = arith.constant 0 : i32
    "tpu.region"() ({
      %run_scoped3A_694 = tpu.sem_alloc : memref<!tpu.dma_semaphore, #tpu.memory_space<semaphore_mem>>
      %dma_start3A_695 = arith.constant 0 : i32
      %dma_start3A_696 = tpu.memref_slice %arg2[%add3A_16, %run_scoped3A, %dma_start3A_695] : memref<256x1x4096xi32, #tpu.memory_space<hbm>> -> memref<1x1x4096xi32, #tpu.memory_space<hbm>>
      %dma_start3A_697 = tpu.memref_squeeze %dma_start3A_696 : memref<1x1x4096xi32, #tpu.memory_space<hbm>> -> memref<4096xi32, #tpu.memory_space<hbm>>
      %dma_start3A_698 = arith.constant 0 : i32
      %dma_start3A_699 = tpu.memref_slice %arg2[%add3A_16, %run_scoped3A, %dma_start3A_698] : memref<256x1x4096xi32, #tpu.memory_space<hbm>> -> memref<1x1x4096xi32, #tpu.memory_space<hbm>>
      %dma_start3A_700 = tpu.memref_squeeze %dma_start3A_699 : memref<1x1x4096xi32, #tpu.memory_space<hbm>> -> memref<4096xi32, #tpu.memory_space<hbm>>
      tpu.enqueue_dma source(%dma_start3A_700 : memref<4096xi32, #tpu.memory_space<hbm>>) target(%arg5 : memref<4096xi32, #tpu.memory_space<vmem>>) target_semaphore(%run_scoped3A_694 : memref<!tpu.dma_semaphore, #tpu.memory_space<semaphore_mem>>)
      %dma_wait3A_701 = arith.constant 0 : i32
      %dma_wait3A_702 = tpu.memref_slice %arg2[%add3A_16, %run_scoped3A, %dma_wait3A_701] : memref<256x1x4096xi32, #tpu.memory_space<hbm>> -> memref<1x1x4096xi32, #tpu.memory_space<hbm>>
      %dma_wait3A_703 = tpu.memref_squeeze %dma_wait3A_702 : memref<1x1x4096xi32, #tpu.memory_space<hbm>> -> memref<4096xi32, #tpu.memory_space<hbm>>
      %dma_wait3A_704 = arith.constant 0 : i32
      %dma_wait3A_705 = tpu.memref_slice %arg2[%add3A_16, %run_scoped3A, %dma_wait3A_704] : memref<256x1x4096xi32, #tpu.memory_space<hbm>> -> memref<1x1x4096xi32, #tpu.memory_space<hbm>>
      %dma_wait3A_706 = tpu.memref_squeeze %dma_wait3A_705 : memref<1x1x4096xi32, #tpu.memory_space<hbm>> -> memref<4096xi32, #tpu.memory_space<hbm>>
      tpu.wait_dma2 semaphore(%run_scoped3A_694 : memref<!tpu.dma_semaphore, #tpu.memory_space<semaphore_mem>>) src(%dma_wait3A_706 : memref<4096xi32, #tpu.memory_space<hbm>>) dst(%arg5 : memref<4096xi32, #tpu.memory_space<vmem>>)
      tpu.yield
    }) : () -> ()
    %add3A_17 = arith.constant 0 : i32
    %add3A_18 = arith.addi %add3A_17, %add3A_14 : i32
    %run_scoped3A_19 = arith.constant 0 : i32
    "tpu.region"() ({
      %run_scoped3A_694 = tpu.sem_alloc : memref<!tpu.dma_semaphore, #tpu.memory_space<semaphore_mem>>
      %dma_start3A_695 = arith.constant 0 : i32
      %dma_start3A_696 = tpu.memref_slice %arg3[%add3A_18, %run_scoped3A_19, %dma_start3A_695] : memref<256x1x4096xf32, #tpu.memory_space<hbm>> -> memref<1x1x4096xf32, #tpu.memory_space<hbm>>
      %dma_start3A_697 = tpu.memref_squeeze %dma_start3A_696 : memref<1x1x4096xf32, #tpu.memory_space<hbm>> -> memref<4096xf32, #tpu.memory_space<hbm>>
      %dma_start3A_698 = arith.constant 0 : i32
      %dma_start3A_699 = tpu.memref_slice %arg3[%add3A_18, %run_scoped3A_19, %dma_start3A_698] : memref<256x1x4096xf32, #tpu.memory_space<hbm>> -> memref<1x1x4096xf32, #tpu.memory_space<hbm>>
      %dma_start3A_700 = tpu.memref_squeeze %dma_start3A_699 : memref<1x1x4096xf32, #tpu.memory_space<hbm>> -> memref<4096xf32, #tpu.memory_space<hbm>>
      tpu.enqueue_dma source(%dma_start3A_700 : memref<4096xf32, #tpu.memory_space<hbm>>) target(%arg6 : memref<4096xf32, #tpu.memory_space<vmem>>) target_semaphore(%run_scoped3A_694 : memref<!tpu.dma_semaphore, #tpu.memory_space<semaphore_mem>>)
      %dma_wait3A_701 = arith.constant 0 : i32
      %dma_wait3A_702 = tpu.memref_slice %arg3[%add3A_18, %run_scoped3A_19, %dma_wait3A_701] : memref<256x1x4096xf32, #tpu.memory_space<hbm>> -> memref<1x1x4096xf32, #tpu.memory_space<hbm>>
      %dma_wait3A_703 = tpu.memref_squeeze %dma_wait3A_702 : memref<1x1x4096xf32, #tpu.memory_space<hbm>> -> memref<4096xf32, #tpu.memory_space<hbm>>
      %dma_wait3A_704 = arith.constant 0 : i32
      %dma_wait3A_705 = tpu.memref_slice %arg3[%add3A_18, %run_scoped3A_19, %dma_wait3A_704] : memref<256x1x4096xf32, #tpu.memory_space<hbm>> -> memref<1x1x4096xf32, #tpu.memory_space<hbm>>
      %dma_wait3A_706 = tpu.memref_squeeze %dma_wait3A_705 : memref<1x1x4096xf32, #tpu.memory_space<hbm>> -> memref<4096xf32, #tpu.memory_space<hbm>>
      tpu.wait_dma2 semaphore(%run_scoped3A_694 : memref<!tpu.dma_semaphore, #tpu.memory_space<semaphore_mem>>) src(%dma_wait3A_706 : memref<4096xf32, #tpu.memory_space<hbm>>) dst(%arg6 : memref<4096xf32, #tpu.memory_space<vmem>>)
      tpu.yield
    }) : () -> ()
    %scan3A_20 = arith.constant 0 : i32
    %scan3A_21 = arith.constant 256 : i32
    %scan3A_22 = arith.addi %scan3A_20, %scan3A_21 : i32
    %scan3A_23 = arith.constant 4 : i32
    scf.for %scan3A_694 = %scan3A_20 to %scan3A_22 step %scan3A_23  : i32 {
      %mul3A_695 = arith.constant 1 : i32
      %mul3A_696 = arith.muli %scan3A_694, %mul3A_695 : i32
      %add3A_697 = arith.constant 0 : i32
      %add3A_698 = arith.addi %add3A_697, %mul3A_696 : i32
      %mul3A_699 = arith.constant 16 : i32
      %mul3A_700 = arith.muli %add3A_698, %mul3A_699 : i32
      %get3A = arith.index_cast %mul3A_700 : i32 to index
      %get3A_701 = tpu.vector_load %arg5[%get3A] {strides = array<i32>} : memref<4096xi32, #tpu.memory_space<vmem>>, vector<16xi32>,
      %mul3A_702 = arith.constant 16 : i32
      %mul3A_703 = arith.muli %add3A_698, %mul3A_702 : i32
      %get3A_704 = arith.index_cast %mul3A_703 : i32 to index
      %get3A_705 = tpu.vector_load %arg6[%get3A_704] {strides = array<i32>} : memref<4096xf32, #tpu.memory_space<vmem>>, vector<16xf32>,
      %mul3A_706 = arith.constant 26215 : i32
      %mul3A_707 = vector.broadcast %mul3A_706 : i32 to vector<16xi32>
      %mul3A_708 = arith.muli %get3A_701, %mul3A_707 : vector<16xi32>
      %shift_right_arithmetic3A = arith.constant 22 : i32
      %shift_right_arithmetic3A_709 = vector.broadcast %shift_right_arithmetic3A : i32 to vector<16xi32>
      %shift_right_arithmetic3A_710 = arith.shrsi %mul3A_708, %shift_right_arithmetic3A_709 : vector<16xi32>
      %mul3A_711 = arith.constant 32 : i32
      %mul3A_712 = vector.broadcast %mul3A_711 : i32 to vector<16xi32>
      %mul3A_713 = arith.muli %shift_right_arithmetic3A_710, %mul3A_712 : vector<16xi32>
      %add3A_714 = arith.addi %get3A_701, %mul3A_713 : vector<16xi32>
      %add3A_715 = arith.constant 193 : i32
      %add3A_716 = vector.broadcast %add3A_715 : i32 to vector<16xi32>
      %add3A_717 = arith.addi %add3A_714, %add3A_716 : vector<16xi32>
      %mul3A_718 = arith.constant 16 : i32
      %mul3A_719 = arith.muli %add3A_698, %mul3A_718 : i32
      %swap3A = arith.index_cast %mul3A_719 : i32 to index
      %swap3A_720 = tpu.vector_load %arg7[%swap3A] {strides = array<i32>} : memref<4096xi32, #tpu.memory_space<vmem>>, vector<16xi32>,
      tpu.vector_store %arg7[%swap3A], %add3A_717 {strides = array<i32>} : memref<4096xi32, #tpu.memory_space<vmem>>, vector<16xi32>,
      tpu.vector_store_idx %arg9[%add3A_717], %get3A_705 : memref<40704xf32, #tpu.memory_space<vmem>>[vector<16xi32>], vector<16xf32>,
      %scan3A_721 = arith.constant 1 : i32
      %scan3A_722 = arith.addi %scan3A_694, %scan3A_721 : i32
      %mul3A_723 = arith.constant 1 : i32
      %mul3A_724 = arith.muli %scan3A_722, %mul3A_723 : i32
      %add3A_725 = arith.constant 0 : i32
      %add3A_726 = arith.addi %add3A_725, %mul3A_724 : i32
      %mul3A_727 = arith.constant 16 : i32
      %mul3A_728 = arith.muli %add3A_726, %mul3A_727 : i32
      %get3A_729 = arith.index_cast %mul3A_728 : i32 to index
      %get3A_730 = tpu.vector_load %arg5[%get3A_729] {strides = array<i32>} : memref<4096xi32, #tpu.memory_space<vmem>>, vector<16xi32>,
      %mul3A_731 = arith.constant 16 : i32
      %mul3A_732 = arith.muli %add3A_726, %mul3A_731 : i32
      %get3A_733 = arith.index_cast %mul3A_732 : i32 to index
      %get3A_734 = tpu.vector_load %arg6[%get3A_733] {strides = array<i32>} : memref<4096xf32, #tpu.memory_space<vmem>>, vector<16xf32>,
      %mul3A_735 = arith.constant 26215 : i32
      %mul3A_736 = vector.broadcast %mul3A_735 : i32 to vector<16xi32>
      %mul3A_737 = arith.muli %get3A_730, %mul3A_736 : vector<16xi32>
      %shift_right_arithmetic3A_738 = arith.constant 22 : i32
      %shift_right_arithmetic3A_739 = vector.broadcast %shift_right_arithmetic3A_738 : i32 to vector<16xi32>
      %shift_right_arithmetic3A_740 = arith.shrsi %mul3A_737, %shift_right_arithmetic3A_739 : vector<16xi32>
      %mul3A_741 = arith.constant 32 : i32
      %mul3A_742 = vector.broadcast %mul3A_741 : i32 to vector<16xi32>
      %mul3A_743 = arith.muli %shift_right_arithmetic3A_740, %mul3A_742 : vector<16xi32>
      %add3A_744 = arith.addi %get3A_730, %mul3A_743 : vector<16xi32>
      %add3A_745 = arith.constant 193 : i32
      %add3A_746 = vector.broadcast %add3A_745 : i32 to vector<16xi32>
      %add3A_747 = arith.addi %add3A_744, %add3A_746 : vector<16xi32>
      %mul3A_748 = arith.constant 16 : i32
      %mul3A_749 = arith.muli %add3A_726, %mul3A_748 : i32
      %swap3A_750 = arith.index_cast %mul3A_749 : i32 to index
      %swap3A_751 = tpu.vector_load %arg7[%swap3A_750] {strides = array<i32>} : memref<4096xi32, #tpu.memory_space<vmem>>, vector<16xi32>,
      tpu.vector_store %arg7[%swap3A_750], %add3A_747 {strides = array<i32>} : memref<4096xi32, #tpu.memory_space<vmem>>, vector<16xi32>,
      tpu.vector_store_idx %arg9[%add3A_747], %get3A_734 : memref<40704xf32, #tpu.memory_space<vmem>>[vector<16xi32>], vector<16xf32>,
      %scan3A_752 = arith.constant 2 : i32
      %scan3A_753 = arith.addi %scan3A_694, %scan3A_752 : i32
      %mul3A_754 = arith.constant 1 : i32
      %mul3A_755 = arith.muli %scan3A_753, %mul3A_754 : i32
      %add3A_756 = arith.constant 0 : i32
      %add3A_757 = arith.addi %add3A_756, %mul3A_755 : i32
      %mul3A_758 = arith.constant 16 : i32
      %mul3A_759 = arith.muli %add3A_757, %mul3A_758 : i32
      %get3A_760 = arith.index_cast %mul3A_759 : i32 to index
      %get3A_761 = tpu.vector_load %arg5[%get3A_760] {strides = array<i32>} : memref<4096xi32, #tpu.memory_space<vmem>>, vector<16xi32>,
      %mul3A_762 = arith.constant 16 : i32
      %mul3A_763 = arith.muli %add3A_757, %mul3A_762 : i32
      %get3A_764 = arith.index_cast %mul3A_763 : i32 to index
      %get3A_765 = tpu.vector_load %arg6[%get3A_764] {strides = array<i32>} : memref<4096xf32, #tpu.memory_space<vmem>>, vector<16xf32>,
      %mul3A_766 = arith.constant 26215 : i32
      %mul3A_767 = vector.broadcast %mul3A_766 : i32 to vector<16xi32>
      %mul3A_768 = arith.muli %get3A_761, %mul3A_767 : vector<16xi32>
      %shift_right_arithmetic3A_769 = arith.constant 22 : i32
      %shift_right_arithmetic3A_770 = vector.broadcast %shift_right_arithmetic3A_769 : i32 to vector<16xi32>
      %shift_right_arithmetic3A_771 = arith.shrsi %mul3A_768, %shift_right_arithmetic3A_770 : vector<16xi32>
      %mul3A_772 = arith.constant 32 : i32
      %mul3A_773 = vector.broadcast %mul3A_772 : i32 to vector<16xi32>
      %mul3A_774 = arith.muli %shift_right_arithmetic3A_771, %mul3A_773 : vector<16xi32>
      %add3A_775 = arith.addi %get3A_761, %mul3A_774 : vector<16xi32>
      %add3A_776 = arith.constant 193 : i32
      %add3A_777 = vector.broadcast %add3A_776 : i32 to vector<16xi32>
      %add3A_778 = arith.addi %add3A_775, %add3A_777 : vector<16xi32>
      %mul3A_779 = arith.constant 16 : i32
      %mul3A_780 = arith.muli %add3A_757, %mul3A_779 : i32
      %swap3A_781 = arith.index_cast %mul3A_780 : i32 to index
      %swap3A_782 = tpu.vector_load %arg7[%swap3A_781] {strides = array<i32>} : memref<4096xi32, #tpu.memory_space<vmem>>, vector<16xi32>,
      tpu.vector_store %arg7[%swap3A_781], %add3A_778 {strides = array<i32>} : memref<4096xi32, #tpu.memory_space<vmem>>, vector<16xi32>,
      tpu.vector_store_idx %arg9[%add3A_778], %get3A_765 : memref<40704xf32, #tpu.memory_space<vmem>>[vector<16xi32>], vector<16xf32>,
      %scan3A_783 = arith.constant 3 : i32
      %scan3A_784 = arith.addi %scan3A_694, %scan3A_783 : i32
      %mul3A_785 = arith.constant 1 : i32
      %mul3A_786 = arith.muli %scan3A_784, %mul3A_785 : i32
      %add3A_787 = arith.constant 0 : i32
      %add3A_788 = arith.addi %add3A_787, %mul3A_786 : i32
      %mul3A_789 = arith.constant 16 : i32
      %mul3A_790 = arith.muli %add3A_788, %mul3A_789 : i32
      %get3A_791 = arith.index_cast %mul3A_790 : i32 to index
      %get3A_792 = tpu.vector_load %arg5[%get3A_791] {strides = array<i32>} : memref<4096xi32, #tpu.memory_space<vmem>>, vector<16xi32>,
      %mul3A_793 = arith.constant 16 : i32
      %mul3A_794 = arith.muli %add3A_788, %mul3A_793 : i32
      %get3A_795 = arith.index_cast %mul3A_794 : i32 to index
      %get3A_796 = tpu.vector_load %arg6[%get3A_795] {strides = array<i32>} : memref<4096xf32, #tpu.memory_space<vmem>>, vector<16xf32>,
      %mul3A_797 = arith.constant 26215 : i32
      %mul3A_798 = vector.broadcast %mul3A_797 : i32 to vector<16xi32>
      %mul3A_799 = arith.muli %get3A_792, %mul3A_798 : vector<16xi32>
      %shift_right_arithmetic3A_800 = arith.constant 22 : i32
      %shift_right_arithmetic3A_801 = vector.broadcast %shift_right_arithmetic3A_800 : i32 to vector<16xi32>
      %shift_right_arithmetic3A_802 = arith.shrsi %mul3A_799, %shift_right_arithmetic3A_801 : vector<16xi32>
      %mul3A_803 = arith.constant 32 : i32
      %mul3A_804 = vector.broadcast %mul3A_803 : i32 to vector<16xi32>
      %mul3A_805 = arith.muli %shift_right_arithmetic3A_802, %mul3A_804 : vector<16xi32>
      %add3A_806 = arith.addi %get3A_792, %mul3A_805 : vector<16xi32>
      %add3A_807 = arith.constant 193 : i32
      %add3A_808 = vector.broadcast %add3A_807 : i32 to vector<16xi32>
      %add3A_809 = arith.addi %add3A_806, %add3A_808 : vector<16xi32>
      %mul3A_810 = arith.constant 16 : i32
      %mul3A_811 = arith.muli %add3A_788, %mul3A_810 : i32
      %swap3A_812 = arith.index_cast %mul3A_811 : i32 to index
      %swap3A_813 = tpu.vector_load %arg7[%swap3A_812] {strides = array<i32>} : memref<4096xi32, #tpu.memory_space<vmem>>, vector<16xi32>,
      tpu.vector_store %arg7[%swap3A_812], %add3A_809 {strides = array<i32>} : memref<4096xi32, #tpu.memory_space<vmem>>, vector<16xi32>,
      tpu.vector_store_idx %arg9[%add3A_809], %get3A_796 : memref<40704xf32, #tpu.memory_space<vmem>>[vector<16xi32>], vector<16xf32>,
    }
    %scan3A_24 = arith.constant 256 : i32
    %add3A_25 = arith.constant 0 : i32
    %add3A_26 = arith.addi %add3A_25, %add3A_14 : i32
    %dma_start3A = arith.constant 0 : i32
    %dma_start3A_27 = tpu.memref_slice %arg9[%dma_start3A] : memref<40704xf32, #tpu.memory_space<vmem>> -> memref<6144xf32, #tpu.memory_space<vmem>>
    %dma_start3A_28 = arith.constant 0 : i32
    %dma_start3A_29 = tpu.memref_slice %arg4[%add3A_26, %dma_start3A_28] : memref<896x6144xf32, #tpu.memory_space<hbm>> -> memref<1x6144xf32, #tpu.memory_space<hbm>>
    %dma_start3A_30 = tpu.memref_squeeze %dma_start3A_29 : memref<1x6144xf32, #tpu.memory_space<hbm>> -> memref<6144xf32, #tpu.memory_space<hbm>>
    %dma_start3A_31 = arith.constant 0 : i32
    %dma_start3A_32 = tpu.memref_slice %arg4[%add3A_26, %dma_start3A_31] : memref<896x6144xf32, #tpu.memory_space<hbm>> -> memref<1x6144xf32, #tpu.memory_space<hbm>>
    %dma_start3A_33 = tpu.memref_squeeze %dma_start3A_32 : memref<1x6144xf32, #tpu.memory_space<hbm>> -> memref<6144xf32, #tpu.memory_space<hbm>>
    %dma_start3A_34 = arith.constant 0 : i32
    %dma_start3A_35 = tpu.memref_slice %arg9[%dma_start3A_34] : memref<40704xf32, #tpu.memory_space<vmem>> -> memref<6144xf32, #tpu.memory_space<vmem>>
    tpu.enqueue_dma source(%dma_start3A_35 : memref<6144xf32, #tpu.memory_space<vmem>>) target(%dma_start3A_33 : memref<6144xf32, #tpu.memory_space<hbm>>) target_semaphore(%arg11 : memref<!tpu.dma_semaphore, #tpu.memory_space<semaphore_mem>>)
    %add3A_36 = arith.constant 128 : i32
    %add3A_37 = arith.addi %add3A_36, %add3A_14 : i32
    %dma_start3A_38 = arith.constant 5760 : i32
    %dma_start3A_39 = tpu.memref_slice %arg9[%dma_start3A_38] : memref<40704xf32, #tpu.memory_space<vmem>> -> memref<6144xf32, #tpu.memory_space<vmem>>
    %dma_start3A_40 = arith.constant 0 : i32
    %dma_start3A_41 = tpu.memref_slice %arg4[%add3A_37, %dma_start3A_40] : memref<896x6144xf32, #tpu.memory_space<hbm>> -> memref<1x6144xf32, #tpu.memory_space<hbm>>
    %dma_start3A_42 = tpu.memref_squeeze %dma_start3A_41 : memref<1x6144xf32, #tpu.memory_space<hbm>> -> memref<6144xf32, #tpu.memory_space<hbm>>
    %dma_start3A_43 = arith.constant 0 : i32
    %dma_start3A_44 = tpu.memref_slice %arg4[%add3A_37, %dma_start3A_43] : memref<896x6144xf32, #tpu.memory_space<hbm>> -> memref<1x6144xf32, #tpu.memory_space<hbm>>
    %dma_start3A_45 = tpu.memref_squeeze %dma_start3A_44 : memref<1x6144xf32, #tpu.memory_space<hbm>> -> memref<6144xf32, #tpu.memory_space<hbm>>
    %dma_start3A_46 = arith.constant 5760 : i32
    %dma_start3A_47 = tpu.memref_slice %arg9[%dma_start3A_46] : memref<40704xf32, #tpu.memory_space<vmem>> -> memref<6144xf32, #tpu.memory_space<vmem>>
    tpu.enqueue_dma source(%dma_start3A_47 : memref<6144xf32, #tpu.memory_space<vmem>>) target(%dma_start3A_45 : memref<6144xf32, #tpu.memory_space<hbm>>) target_semaphore(%arg11 : memref<!tpu.dma_semaphore, #tpu.memory_space<semaphore_mem>>)
    %add3A_48 = arith.constant 256 : i32
    %add3A_49 = arith.addi %add3A_48, %add3A_14 : i32
    %dma_start3A_50 = arith.constant 11520 : i32
    %dma_start3A_51 = tpu.memref_slice %arg9[%dma_start3A_50] : memref<40704xf32, #tpu.memory_space<vmem>> -> memref<6144xf32, #tpu.memory_space<vmem>>
    %dma_start3A_52 = arith.constant 0 : i32
    %dma_start3A_53 = tpu.memref_slice %arg4[%add3A_49, %dma_start3A_52] : memref<896x6144xf32, #tpu.memory_space<hbm>> -> memref<1x6144xf32, #tpu.memory_space<hbm>>
    %dma_start3A_54 = tpu.memref_squeeze %dma_start3A_53 : memref<1x6144xf32, #tpu.memory_space<hbm>> -> memref<6144xf32, #tpu.memory_space<hbm>>
    %dma_start3A_55 = arith.constant 0 : i32
    %dma_start3A_56 = tpu.memref_slice %arg4[%add3A_49, %dma_start3A_55] : memref<896x6144xf32, #tpu.memory_space<hbm>> -> memref<1x6144xf32, #tpu.memory_space<hbm>>
    %dma_start3A_57 = tpu.memref_squeeze %dma_start3A_56 : memref<1x6144xf32, #tpu.memory_space<hbm>> -> memref<6144xf32, #tpu.memory_space<hbm>>
    %dma_start3A_58 = arith.constant 11520 : i32
    %dma_start3A_59 = tpu.memref_slice %arg9[%dma_start3A_58] : memref<40704xf32, #tpu.memory_space<vmem>> -> memref<6144xf32, #tpu.memory_space<vmem>>
    tpu.enqueue_dma source(%dma_start3A_59 : memref<6144xf32, #tpu.memory_space<vmem>>) target(%dma_start3A_57 : memref<6144xf32, #tpu.memory_space<hbm>>) target_semaphore(%arg11 : memref<!tpu.dma_semaphore, #tpu.memory_space<semaphore_mem>>)
    %add3A_60 = arith.constant 384 : i32
    %add3A_61 = arith.addi %add3A_60, %add3A_14 : i32
    %dma_start3A_62 = arith.constant 17280 : i32
    %dma_start3A_63 = tpu.memref_slice %arg9[%dma_start3A_62] : memref<40704xf32, #tpu.memory_space<vmem>> -> memref<6144xf32, #tpu.memory_space<vmem>>
    %dma_start3A_64 = arith.constant 0 : i32
    %dma_start3A_65 = tpu.memref_slice %arg4[%add3A_61, %dma_start3A_64] : memref<896x6144xf32, #tpu.memory_space<hbm>> -> memref<1x6144xf32, #tpu.memory_space<hbm>>
    %dma_start3A_66 = tpu.memref_squeeze %dma_start3A_65 : memref<1x6144xf32, #tpu.memory_space<hbm>> -> memref<6144xf32, #tpu.memory_space<hbm>>
    %dma_start3A_67 = arith.constant 0 : i32
    %dma_start3A_68 = tpu.memref_slice %arg4[%add3A_61, %dma_start3A_67] : memref<896x6144xf32, #tpu.memory_space<hbm>> -> memref<1x6144xf32, #tpu.memory_space<hbm>>
    %dma_start3A_69 = tpu.memref_squeeze %dma_start3A_68 : memref<1x6144xf32, #tpu.memory_space<hbm>> -> memref<6144xf32, #tpu.memory_space<hbm>>
    %dma_start3A_70 = arith.constant 17280 : i32
    %dma_start3A_71 = tpu.memref_slice %arg9[%dma_start3A_70] : memref<40704xf32, #tpu.memory_space<vmem>> -> memref<6144xf32, #tpu.memory_space<vmem>>
    tpu.enqueue_dma source(%dma_start3A_71 : memref<6144xf32, #tpu.memory_space<vmem>>) target(%dma_start3A_69 : memref<6144xf32, #tpu.memory_space<hbm>>) target_semaphore(%arg11 : memref<!tpu.dma_semaphore, #tpu.memory_space<semaphore_mem>>)
    %add3A_72 = arith.constant 512 : i32
    %add3A_73 = arith.addi %add3A_72, %add3A_14 : i32
    %dma_start3A_74 = arith.constant 23040 : i32
    %dma_start3A_75 = tpu.memref_slice %arg9[%dma_start3A_74] : memref<40704xf32, #tpu.memory_space<vmem>> -> memref<6144xf32, #tpu.memory_space<vmem>>
    %dma_start3A_76 = arith.constant 0 : i32
    %dma_start3A_77 = tpu.memref_slice %arg4[%add3A_73, %dma_start3A_76] : memref<896x6144xf32, #tpu.memory_space<hbm>> -> memref<1x6144xf32, #tpu.memory_space<hbm>>
    %dma_start3A_78 = tpu.memref_squeeze %dma_start3A_77 : memref<1x6144xf32, #tpu.memory_space<hbm>> -> memref<6144xf32, #tpu.memory_space<hbm>>
    %dma_start3A_79 = arith.constant 0 : i32
    %dma_start3A_80 = tpu.memref_slice %arg4[%add3A_73, %dma_start3A_79] : memref<896x6144xf32, #tpu.memory_space<hbm>> -> memref<1x6144xf32, #tpu.memory_space<hbm>>
    %dma_start3A_81 = tpu.memref_squeeze %dma_start3A_80 : memref<1x6144xf32, #tpu.memory_space<hbm>> -> memref<6144xf32, #tpu.memory_space<hbm>>
    %dma_start3A_82 = arith.constant 23040 : i32
    %dma_start3A_83 = tpu.memref_slice %arg9[%dma_start3A_82] : memref<40704xf32, #tpu.memory_space<vmem>> -> memref<6144xf32, #tpu.memory_space<vmem>>
    tpu.enqueue_dma source(%dma_start3A_83 : memref<6144xf32, #tpu.memory_space<vmem>>) target(%dma_start3A_81 : memref<6144xf32, #tpu.memory_space<hbm>>) target_semaphore(%arg11 : memref<!tpu.dma_semaphore, #tpu.memory_space<semaphore_mem>>)
    %add3A_84 = arith.constant 640 : i32
    %add3A_85 = arith.addi %add3A_84, %add3A_14 : i32
    %dma_start3A_86 = arith.constant 28800 : i32
    %dma_start3A_87 = tpu.memref_slice %arg9[%dma_start3A_86] : memref<40704xf32, #tpu.memory_space<vmem>> -> memref<6144xf32, #tpu.memory_space<vmem>>
    %dma_start3A_88 = arith.constant 0 : i32
    %dma_start3A_89 = tpu.memref_slice %arg4[%add3A_85, %dma_start3A_88] : memref<896x6144xf32, #tpu.memory_space<hbm>> -> memref<1x6144xf32, #tpu.memory_space<hbm>>
    %dma_start3A_90 = tpu.memref_squeeze %dma_start3A_89 : memref<1x6144xf32, #tpu.memory_space<hbm>> -> memref<6144xf32, #tpu.memory_space<hbm>>
    %dma_start3A_91 = arith.constant 0 : i32
    %dma_start3A_92 = tpu.memref_slice %arg4[%add3A_85, %dma_start3A_91] : memref<896x6144xf32, #tpu.memory_space<hbm>> -> memref<1x6144xf32, #tpu.memory_space<hbm>>
    %dma_start3A_93 = tpu.memref_squeeze %dma_start3A_92 : memref<1x6144xf32, #tpu.memory_space<hbm>> -> memref<6144xf32, #tpu.memory_space<hbm>>
    %dma_start3A_94 = arith.constant 28800 : i32
    %dma_start3A_95 = tpu.memref_slice %arg9[%dma_start3A_94] : memref<40704xf32, #tpu.memory_space<vmem>> -> memref<6144xf32, #tpu.memory_space<vmem>>
    tpu.enqueue_dma source(%dma_start3A_95 : memref<6144xf32, #tpu.memory_space<vmem>>) target(%dma_start3A_93 : memref<6144xf32, #tpu.memory_space<hbm>>) target_semaphore(%arg11 : memref<!tpu.dma_semaphore, #tpu.memory_space<semaphore_mem>>)
    %add3A_96 = arith.constant 768 : i32
    %add3A_97 = arith.addi %add3A_96, %add3A_14 : i32
    %dma_start3A_98 = arith.constant 34560 : i32
    %dma_start3A_99 = tpu.memref_slice %arg9[%dma_start3A_98] : memref<40704xf32, #tpu.memory_space<vmem>> -> memref<6144xf32, #tpu.memory_space<vmem>>
    %dma_start3A_100 = arith.constant 0 : i32
    %dma_start3A_101 = tpu.memref_slice %arg4[%add3A_97, %dma_start3A_100] : memref<896x6144xf32, #tpu.memory_space<hbm>> -> memref<1x6144xf32, #tpu.memory_space<hbm>>
    %dma_start3A_102 = tpu.memref_squeeze %dma_start3A_101 : memref<1x6144xf32, #tpu.memory_space<hbm>> -> memref<6144xf32, #tpu.memory_space<hbm>>
    %dma_start3A_103 = arith.constant 0 : i32
    %dma_start3A_104 = tpu.memref_slice %arg4[%add3A_97, %dma_start3A_103] : memref<896x6144xf32, #tpu.memory_space<hbm>> -> memref<1x6144xf32, #tpu.memory_space<hbm>>
    %dma_start3A_105 = tpu.memref_squeeze %dma_start3A_104 : memref<1x6144xf32, #tpu.memory_space<hbm>> -> memref<6144xf32, #tpu.memory_space<hbm>>
    %dma_start3A_106 = arith.constant 34560 : i32
    %dma_start3A_107 = tpu.memref_slice %arg9[%dma_start3A_106] : memref<40704xf32, #tpu.memory_space<vmem>> -> memref<6144xf32, #tpu.memory_space<vmem>>
    tpu.enqueue_dma source(%dma_start3A_107 : memref<6144xf32, #tpu.memory_space<vmem>>) target(%dma_start3A_105 : memref<6144xf32, #tpu.memory_space<hbm>>) target_semaphore(%arg11 : memref<!tpu.dma_semaphore, #tpu.memory_space<semaphore_mem>>)
    %mul3A_108 = arith.constant 4 : i32
    %mul3A_109 = arith.muli %add3A, %mul3A_108 : i32
    %add3A_110 = arith.constant 1 : i32
    %add3A_111 = arith.addi %mul3A_109, %add3A_110 : i32
    %add3A_112 = arith.constant 0 : i32
    %add3A_113 = arith.addi %add3A_112, %add3A_111 : i32
    %run_scoped3A_114 = arith.constant 0 : i32
    "tpu.region"() ({
      %run_scoped3A_694 = tpu.sem_alloc : memref<!tpu.dma_semaphore, #tpu.memory_space<semaphore_mem>>
      %dma_start3A_695 = arith.constant 0 : i32
      %dma_start3A_696 = tpu.memref_slice %arg2[%add3A_113, %run_scoped3A_114, %dma_start3A_695] : memref<256x1x4096xi32, #tpu.memory_space<hbm>> -> memref<1x1x4096xi32, #tpu.memory_space<hbm>>
      %dma_start3A_697 = tpu.memref_squeeze %dma_start3A_696 : memref<1x1x4096xi32, #tpu.memory_space<hbm>> -> memref<4096xi32, #tpu.memory_space<hbm>>
      %dma_start3A_698 = arith.constant 0 : i32
      %dma_start3A_699 = tpu.memref_slice %arg2[%add3A_113, %run_scoped3A_114, %dma_start3A_698] : memref<256x1x4096xi32, #tpu.memory_space<hbm>> -> memref<1x1x4096xi32, #tpu.memory_space<hbm>>
      %dma_start3A_700 = tpu.memref_squeeze %dma_start3A_699 : memref<1x1x4096xi32, #tpu.memory_space<hbm>> -> memref<4096xi32, #tpu.memory_space<hbm>>
      tpu.enqueue_dma source(%dma_start3A_700 : memref<4096xi32, #tpu.memory_space<hbm>>) target(%arg5 : memref<4096xi32, #tpu.memory_space<vmem>>) target_semaphore(%run_scoped3A_694 : memref<!tpu.dma_semaphore, #tpu.memory_space<semaphore_mem>>)
      %dma_wait3A_701 = arith.constant 0 : i32
      %dma_wait3A_702 = tpu.memref_slice %arg2[%add3A_113, %run_scoped3A_114, %dma_wait3A_701] : memref<256x1x4096xi32, #tpu.memory_space<hbm>> -> memref<1x1x4096xi32, #tpu.memory_space<hbm>>
      %dma_wait3A_703 = tpu.memref_squeeze %dma_wait3A_702 : memref<1x1x4096xi32, #tpu.memory_space<hbm>> -> memref<4096xi32, #tpu.memory_space<hbm>>
      %dma_wait3A_704 = arith.constant 0 : i32
      %dma_wait3A_705 = tpu.memref_slice %arg2[%add3A_113, %run_scoped3A_114, %dma_wait3A_704] : memref<256x1x4096xi32, #tpu.memory_space<hbm>> -> memref<1x1x4096xi32, #tpu.memory_space<hbm>>
      %dma_wait3A_706 = tpu.memref_squeeze %dma_wait3A_705 : memref<1x1x4096xi32, #tpu.memory_space<hbm>> -> memref<4096xi32, #tpu.memory_space<hbm>>
      tpu.wait_dma2 semaphore(%run_scoped3A_694 : memref<!tpu.dma_semaphore, #tpu.memory_space<semaphore_mem>>) src(%dma_wait3A_706 : memref<4096xi32, #tpu.memory_space<hbm>>) dst(%arg5 : memref<4096xi32, #tpu.memory_space<vmem>>)
      tpu.yield
    }) : () -> ()
    %add3A_115 = arith.constant 0 : i32
    %add3A_116 = arith.addi %add3A_115, %add3A_111 : i32
    %run_scoped3A_117 = arith.constant 0 : i32
    "tpu.region"() ({
      %run_scoped3A_694 = tpu.sem_alloc : memref<!tpu.dma_semaphore, #tpu.memory_space<semaphore_mem>>
      %dma_start3A_695 = arith.constant 0 : i32
      %dma_start3A_696 = tpu.memref_slice %arg3[%add3A_116, %run_scoped3A_117, %dma_start3A_695] : memref<256x1x4096xf32, #tpu.memory_space<hbm>> -> memref<1x1x4096xf32, #tpu.memory_space<hbm>>
      %dma_start3A_697 = tpu.memref_squeeze %dma_start3A_696 : memref<1x1x4096xf32, #tpu.memory_space<hbm>> -> memref<4096xf32, #tpu.memory_space<hbm>>
      %dma_start3A_698 = arith.constant 0 : i32
      %dma_start3A_699 = tpu.memref_slice %arg3[%add3A_116, %run_scoped3A_117, %dma_start3A_698] : memref<256x1x4096xf32, #tpu.memory_space<hbm>> -> memref<1x1x4096xf32, #tpu.memory_space<hbm>>
      %dma_start3A_700 = tpu.memref_squeeze %dma_start3A_699 : memref<1x1x4096xf32, #tpu.memory_space<hbm>> -> memref<4096xf32, #tpu.memory_space<hbm>>
      tpu.enqueue_dma source(%dma_start3A_700 : memref<4096xf32, #tpu.memory_space<hbm>>) target(%arg6 : memref<4096xf32, #tpu.memory_space<vmem>>) target_semaphore(%run_scoped3A_694 : memref<!tpu.dma_semaphore, #tpu.memory_space<semaphore_mem>>)
      %dma_wait3A_701 = arith.constant 0 : i32
      %dma_wait3A_702 = tpu.memref_slice %arg3[%add3A_116, %run_scoped3A_117, %dma_wait3A_701] : memref<256x1x4096xf32, #tpu.memory_space<hbm>> -> memref<1x1x4096xf32, #tpu.memory_space<hbm>>
      %dma_wait3A_703 = tpu.memref_squeeze %dma_wait3A_702 : memref<1x1x4096xf32, #tpu.memory_space<hbm>> -> memref<4096xf32, #tpu.memory_space<hbm>>
      %dma_wait3A_704 = arith.constant 0 : i32
      %dma_wait3A_705 = tpu.memref_slice %arg3[%add3A_116, %run_scoped3A_117, %dma_wait3A_704] : memref<256x1x4096xf32, #tpu.memory_space<hbm>> -> memref<1x1x4096xf32, #tpu.memory_space<hbm>>
      %dma_wait3A_706 = tpu.memref_squeeze %dma_wait3A_705 : memref<1x1x4096xf32, #tpu.memory_space<hbm>> -> memref<4096xf32, #tpu.memory_space<hbm>>
      tpu.wait_dma2 semaphore(%run_scoped3A_694 : memref<!tpu.dma_semaphore, #tpu.memory_space<semaphore_mem>>) src(%dma_wait3A_706 : memref<4096xf32, #tpu.memory_space<hbm>>) dst(%arg6 : memref<4096xf32, #tpu.memory_space<vmem>>)
      tpu.yield
    }) : () -> ()
    %scan3A_118 = arith.constant 0 : i32
    %scan3A_119 = arith.constant 256 : i32
    %scan3A_120 = arith.addi %scan3A_118, %scan3A_119 : i32
    %scan3A_121 = arith.constant 4 : i32
    scf.for %scan3A_694 = %scan3A_118 to %scan3A_120 step %scan3A_121  : i32 {
      %mul3A_695 = arith.constant 1 : i32
      %mul3A_696 = arith.muli %scan3A_694, %mul3A_695 : i32
      %add3A_697 = arith.constant 0 : i32
      %add3A_698 = arith.addi %add3A_697, %mul3A_696 : i32
      %mul3A_699 = arith.constant 16 : i32
      %mul3A_700 = arith.muli %add3A_698, %mul3A_699 : i32
      %get3A = arith.index_cast %mul3A_700 : i32 to index
      %get3A_701 = tpu.vector_load %arg5[%get3A] {strides = array<i32>} : memref<4096xi32, #tpu.memory_space<vmem>>, vector<16xi32>,
      %mul3A_702 = arith.constant 16 : i32
      %mul3A_703 = arith.muli %add3A_698, %mul3A_702 : i32
      %get3A_704 = arith.index_cast %mul3A_703 : i32 to index
      %get3A_705 = tpu.vector_load %arg6[%get3A_704] {strides = array<i32>} : memref<4096xf32, #tpu.memory_space<vmem>>, vector<16xf32>,
      %mul3A_706 = arith.constant 26215 : i32
      %mul3A_707 = vector.broadcast %mul3A_706 : i32 to vector<16xi32>
      %mul3A_708 = arith.muli %get3A_701, %mul3A_707 : vector<16xi32>
      %shift_right_arithmetic3A = arith.constant 22 : i32
      %shift_right_arithmetic3A_709 = vector.broadcast %shift_right_arithmetic3A : i32 to vector<16xi32>
      %shift_right_arithmetic3A_710 = arith.shrsi %mul3A_708, %shift_right_arithmetic3A_709 : vector<16xi32>
      %mul3A_711 = arith.constant 32 : i32
      %mul3A_712 = vector.broadcast %mul3A_711 : i32 to vector<16xi32>
      %mul3A_713 = arith.muli %shift_right_arithmetic3A_710, %mul3A_712 : vector<16xi32>
      %add3A_714 = arith.addi %get3A_701, %mul3A_713 : vector<16xi32>
      %add3A_715 = arith.constant 193 : i32
      %add3A_716 = vector.broadcast %add3A_715 : i32 to vector<16xi32>
      %add3A_717 = arith.addi %add3A_714, %add3A_716 : vector<16xi32>
      %mul3A_718 = arith.constant 16 : i32
      %mul3A_719 = arith.muli %add3A_698, %mul3A_718 : i32
      %swap3A = arith.index_cast %mul3A_719 : i32 to index
      %swap3A_720 = tpu.vector_load %arg8[%swap3A] {strides = array<i32>} : memref<4096xi32, #tpu.memory_space<vmem>>, vector<16xi32>,
      tpu.vector_store %arg8[%swap3A], %add3A_717 {strides = array<i32>} : memref<4096xi32, #tpu.memory_space<vmem>>, vector<16xi32>,
      tpu.vector_store_idx %arg10[%add3A_717], %get3A_705 : memref<40704xf32, #tpu.memory_space<vmem>>[vector<16xi32>], vector<16xf32>,
      %scan3A_721 = arith.constant 1 : i32
      %scan3A_722 = arith.addi %scan3A_694, %scan3A_721 : i32
      %mul3A_723 = arith.constant 1 : i32
      %mul3A_724 = arith.muli %scan3A_722, %mul3A_723 : i32
      %add3A_725 = arith.constant 0 : i32
      %add3A_726 = arith.addi %add3A_725, %mul3A_724 : i32
      %mul3A_727 = arith.constant 16 : i32
      %mul3A_728 = arith.muli %add3A_726, %mul3A_727 : i32
      %get3A_729 = arith.index_cast %mul3A_728 : i32 to index
      %get3A_730 = tpu.vector_load %arg5[%get3A_729] {strides = array<i32>} : memref<4096xi32, #tpu.memory_space<vmem>>, vector<16xi32>,
      %mul3A_731 = arith.constant 16 : i32
      %mul3A_732 = arith.muli %add3A_726, %mul3A_731 : i32
      %get3A_733 = arith.index_cast %mul3A_732 : i32 to index
      %get3A_734 = tpu.vector_load %arg6[%get3A_733] {strides = array<i32>} : memref<4096xf32, #tpu.memory_space<vmem>>, vector<16xf32>,
      %mul3A_735 = arith.constant 26215 : i32
      %mul3A_736 = vector.broadcast %mul3A_735 : i32 to vector<16xi32>
      %mul3A_737 = arith.muli %get3A_730, %mul3A_736 : vector<16xi32>
      %shift_right_arithmetic3A_738 = arith.constant 22 : i32
      %shift_right_arithmetic3A_739 = vector.broadcast %shift_right_arithmetic3A_738 : i32 to vector<16xi32>
      %shift_right_arithmetic3A_740 = arith.shrsi %mul3A_737, %shift_right_arithmetic3A_739 : vector<16xi32>
      %mul3A_741 = arith.constant 32 : i32
      %mul3A_742 = vector.broadcast %mul3A_741 : i32 to vector<16xi32>
      %mul3A_743 = arith.muli %shift_right_arithmetic3A_740, %mul3A_742 : vector<16xi32>
      %add3A_744 = arith.addi %get3A_730, %mul3A_743 : vector<16xi32>
      %add3A_745 = arith.constant 193 : i32
      %add3A_746 = vector.broadcast %add3A_745 : i32 to vector<16xi32>
      %add3A_747 = arith.addi %add3A_744, %add3A_746 : vector<16xi32>
      %mul3A_748 = arith.constant 16 : i32
      %mul3A_749 = arith.muli %add3A_726, %mul3A_748 : i32
      %swap3A_750 = arith.index_cast %mul3A_749 : i32 to index
      %swap3A_751 = tpu.vector_load %arg8[%swap3A_750] {strides = array<i32>} : memref<4096xi32, #tpu.memory_space<vmem>>, vector<16xi32>,
      tpu.vector_store %arg8[%swap3A_750], %add3A_747 {strides = array<i32>} : memref<4096xi32, #tpu.memory_space<vmem>>, vector<16xi32>,
      tpu.vector_store_idx %arg10[%add3A_747], %get3A_734 : memref<40704xf32, #tpu.memory_space<vmem>>[vector<16xi32>], vector<16xf32>,
      %scan3A_752 = arith.constant 2 : i32
      %scan3A_753 = arith.addi %scan3A_694, %scan3A_752 : i32
      %mul3A_754 = arith.constant 1 : i32
      %mul3A_755 = arith.muli %scan3A_753, %mul3A_754 : i32
      %add3A_756 = arith.constant 0 : i32
      %add3A_757 = arith.addi %add3A_756, %mul3A_755 : i32
      %mul3A_758 = arith.constant 16 : i32
      %mul3A_759 = arith.muli %add3A_757, %mul3A_758 : i32
      %get3A_760 = arith.index_cast %mul3A_759 : i32 to index
      %get3A_761 = tpu.vector_load %arg5[%get3A_760] {strides = array<i32>} : memref<4096xi32, #tpu.memory_space<vmem>>, vector<16xi32>,
      %mul3A_762 = arith.constant 16 : i32
      %mul3A_763 = arith.muli %add3A_757, %mul3A_762 : i32
      %get3A_764 = arith.index_cast %mul3A_763 : i32 to index
      %get3A_765 = tpu.vector_load %arg6[%get3A_764] {strides = array<i32>} : memref<4096xf32, #tpu.memory_space<vmem>>, vector<16xf32>,
      %mul3A_766 = arith.constant 26215 : i32
      %mul3A_767 = vector.broadcast %mul3A_766 : i32 to vector<16xi32>
      %mul3A_768 = arith.muli %get3A_761, %mul3A_767 : vector<16xi32>
      %shift_right_arithmetic3A_769 = arith.constant 22 : i32
      %shift_right_arithmetic3A_770 = vector.broadcast %shift_right_arithmetic3A_769 : i32 to vector<16xi32>
      %shift_right_arithmetic3A_771 = arith.shrsi %mul3A_768, %shift_right_arithmetic3A_770 : vector<16xi32>
      %mul3A_772 = arith.constant 32 : i32
      %mul3A_773 = vector.broadcast %mul3A_772 : i32 to vector<16xi32>
      %mul3A_774 = arith.muli %shift_right_arithmetic3A_771, %mul3A_773 : vector<16xi32>
      %add3A_775 = arith.addi %get3A_761, %mul3A_774 : vector<16xi32>
      %add3A_776 = arith.constant 193 : i32
      %add3A_777 = vector.broadcast %add3A_776 : i32 to vector<16xi32>
      %add3A_778 = arith.addi %add3A_775, %add3A_777 : vector<16xi32>
      %mul3A_779 = arith.constant 16 : i32
      %mul3A_780 = arith.muli %add3A_757, %mul3A_779 : i32
      %swap3A_781 = arith.index_cast %mul3A_780 : i32 to index
      %swap3A_782 = tpu.vector_load %arg8[%swap3A_781] {strides = array<i32>} : memref<4096xi32, #tpu.memory_space<vmem>>, vector<16xi32>,
      tpu.vector_store %arg8[%swap3A_781], %add3A_778 {strides = array<i32>} : memref<4096xi32, #tpu.memory_space<vmem>>, vector<16xi32>,
      tpu.vector_store_idx %arg10[%add3A_778], %get3A_765 : memref<40704xf32, #tpu.memory_space<vmem>>[vector<16xi32>], vector<16xf32>,
      %scan3A_783 = arith.constant 3 : i32
      %scan3A_784 = arith.addi %scan3A_694, %scan3A_783 : i32
      %mul3A_785 = arith.constant 1 : i32
      %mul3A_786 = arith.muli %scan3A_784, %mul3A_785 : i32
      %add3A_787 = arith.constant 0 : i32
      %add3A_788 = arith.addi %add3A_787, %mul3A_786 : i32
      %mul3A_789 = arith.constant 16 : i32
      %mul3A_790 = arith.muli %add3A_788, %mul3A_789 : i32
      %get3A_791 = arith.index_cast %mul3A_790 : i32 to index
      %get3A_792 = tpu.vector_load %arg5[%get3A_791] {strides = array<i32>} : memref<4096xi32, #tpu.memory_space<vmem>>, vector<16xi32>,
      %mul3A_793 = arith.constant 16 : i32
      %mul3A_794 = arith.muli %add3A_788, %mul3A_793 : i32
      %get3A_795 = arith.index_cast %mul3A_794 : i32 to index
      %get3A_796 = tpu.vector_load %arg6[%get3A_795] {strides = array<i32>} : memref<4096xf32, #tpu.memory_space<vmem>>, vector<16xf32>,
      %mul3A_797 = arith.constant 26215 : i32
      %mul3A_798 = vector.broadcast %mul3A_797 : i32 to vector<16xi32>
      %mul3A_799 = arith.muli %get3A_792, %mul3A_798 : vector<16xi32>
      %shift_right_arithmetic3A_800 = arith.constant 22 : i32
      %shift_right_arithmetic3A_801 = vector.broadcast %shift_right_arithmetic3A_800 : i32 to vector<16xi32>
      %shift_right_arithmetic3A_802 = arith.shrsi %mul3A_799, %shift_right_arithmetic3A_801 : vector<16xi32>
      %mul3A_803 = arith.constant 32 : i32
      %mul3A_804 = vector.broadcast %mul3A_803 : i32 to vector<16xi32>
      %mul3A_805 = arith.muli %shift_right_arithmetic3A_802, %mul3A_804 : vector<16xi32>
      %add3A_806 = arith.addi %get3A_792, %mul3A_805 : vector<16xi32>
      %add3A_807 = arith.constant 193 : i32
      %add3A_808 = vector.broadcast %add3A_807 : i32 to vector<16xi32>
      %add3A_809 = arith.addi %add3A_806, %add3A_808 : vector<16xi32>
      %mul3A_810 = arith.constant 16 : i32
      %mul3A_811 = arith.muli %add3A_788, %mul3A_810 : i32
      %swap3A_812 = arith.index_cast %mul3A_811 : i32 to index
      %swap3A_813 = tpu.vector_load %arg8[%swap3A_812] {strides = array<i32>} : memref<4096xi32, #tpu.memory_space<vmem>>, vector<16xi32>,
      tpu.vector_store %arg8[%swap3A_812], %add3A_809 {strides = array<i32>} : memref<4096xi32, #tpu.memory_space<vmem>>, vector<16xi32>,
      tpu.vector_store_idx %arg10[%add3A_809], %get3A_796 : memref<40704xf32, #tpu.memory_space<vmem>>[vector<16xi32>], vector<16xf32>,
    }
    %scan3A_122 = arith.constant 256 : i32
    %add3A_123 = arith.constant 0 : i32
    %add3A_124 = arith.addi %add3A_123, %add3A_111 : i32
    %dma_start3A_125 = arith.constant 0 : i32
    %dma_start3A_126 = tpu.memref_slice %arg10[%dma_start3A_125] : memref<40704xf32, #tpu.memory_space<vmem>> -> memref<6144xf32, #tpu.memory_space<vmem>>
    %dma_start3A_127 = arith.constant 0 : i32
    %dma_start3A_128 = tpu.memref_slice %arg4[%add3A_124, %dma_start3A_127] : memref<896x6144xf32, #tpu.memory_space<hbm>> -> memref<1x6144xf32, #tpu.memory_space<hbm>>
    %dma_start3A_129 = tpu.memref_squeeze %dma_start3A_128 : memref<1x6144xf32, #tpu.memory_space<hbm>> -> memref<6144xf32, #tpu.memory_space<hbm>>
    %dma_start3A_130 = arith.constant 0 : i32
    %dma_start3A_131 = tpu.memref_slice %arg4[%add3A_124, %dma_start3A_130] : memref<896x6144xf32, #tpu.memory_space<hbm>> -> memref<1x6144xf32, #tpu.memory_space<hbm>>
    %dma_start3A_132 = tpu.memref_squeeze %dma_start3A_131 : memref<1x6144xf32, #tpu.memory_space<hbm>> -> memref<6144xf32, #tpu.memory_space<hbm>>
    %dma_start3A_133 = arith.constant 0 : i32
    %dma_start3A_134 = tpu.memref_slice %arg10[%dma_start3A_133] : memref<40704xf32, #tpu.memory_space<vmem>> -> memref<6144xf32, #tpu.memory_space<vmem>>
    tpu.enqueue_dma source(%dma_start3A_134 : memref<6144xf32, #tpu.memory_space<vmem>>) target(%dma_start3A_132 : memref<6144xf32, #tpu.memory_space<hbm>>) target_semaphore(%arg12 : memref<!tpu.dma_semaphore, #tpu.memory_space<semaphore_mem>>)
    %add3A_135 = arith.constant 128 : i32
    %add3A_136 = arith.addi %add3A_135, %add3A_111 : i32
    %dma_start3A_137 = arith.constant 5760 : i32
    %dma_start3A_138 = tpu.memref_slice %arg10[%dma_start3A_137] : memref<40704xf32, #tpu.memory_space<vmem>> -> memref<6144xf32, #tpu.memory_space<vmem>>
    %dma_start3A_139 = arith.constant 0 : i32
    %dma_start3A_140 = tpu.memref_slice %arg4[%add3A_136, %dma_start3A_139] : memref<896x6144xf32, #tpu.memory_space<hbm>> -> memref<1x6144xf32, #tpu.memory_space<hbm>>
    %dma_start3A_141 = tpu.memref_squeeze %dma_start3A_140 : memref<1x6144xf32, #tpu.memory_space<hbm>> -> memref<6144xf32, #tpu.memory_space<hbm>>
    %dma_start3A_142 = arith.constant 0 : i32
    %dma_start3A_143 = tpu.memref_slice %arg4[%add3A_136, %dma_start3A_142] : memref<896x6144xf32, #tpu.memory_space<hbm>> -> memref<1x6144xf32, #tpu.memory_space<hbm>>
    %dma_start3A_144 = tpu.memref_squeeze %dma_start3A_143 : memref<1x6144xf32, #tpu.memory_space<hbm>> -> memref<6144xf32, #tpu.memory_space<hbm>>
    %dma_start3A_145 = arith.constant 5760 : i32
    %dma_start3A_146 = tpu.memref_slice %arg10[%dma_start3A_145] : memref<40704xf32, #tpu.memory_space<vmem>> -> memref<6144xf32, #tpu.memory_space<vmem>>
    tpu.enqueue_dma source(%dma_start3A_146 : memref<6144xf32, #tpu.memory_space<vmem>>) target(%dma_start3A_144 : memref<6144xf32, #tpu.memory_space<hbm>>) target_semaphore(%arg12 : memref<!tpu.dma_semaphore, #tpu.memory_space<semaphore_mem>>)
    %add3A_147 = arith.constant 256 : i32
    %add3A_148 = arith.addi %add3A_147, %add3A_111 : i32
    %dma_start3A_149 = arith.constant 11520 : i32
    %dma_start3A_150 = tpu.memref_slice %arg10[%dma_start3A_149] : memref<40704xf32, #tpu.memory_space<vmem>> -> memref<6144xf32, #tpu.memory_space<vmem>>
    %dma_start3A_151 = arith.constant 0 : i32
    %dma_start3A_152 = tpu.memref_slice %arg4[%add3A_148, %dma_start3A_151] : memref<896x6144xf32, #tpu.memory_space<hbm>> -> memref<1x6144xf32, #tpu.memory_space<hbm>>
    %dma_start3A_153 = tpu.memref_squeeze %dma_start3A_152 : memref<1x6144xf32, #tpu.memory_space<hbm>> -> memref<6144xf32, #tpu.memory_space<hbm>>
    %dma_start3A_154 = arith.constant 0 : i32
    %dma_start3A_155 = tpu.memref_slice %arg4[%add3A_148, %dma_start3A_154] : memref<896x6144xf32, #tpu.memory_space<hbm>> -> memref<1x6144xf32, #tpu.memory_space<hbm>>
    %dma_start3A_156 = tpu.memref_squeeze %dma_start3A_155 : memref<1x6144xf32, #tpu.memory_space<hbm>> -> memref<6144xf32, #tpu.memory_space<hbm>>
    %dma_start3A_157 = arith.constant 11520 : i32
    %dma_start3A_158 = tpu.memref_slice %arg10[%dma_start3A_157] : memref<40704xf32, #tpu.memory_space<vmem>> -> memref<6144xf32, #tpu.memory_space<vmem>>
    tpu.enqueue_dma source(%dma_start3A_158 : memref<6144xf32, #tpu.memory_space<vmem>>) target(%dma_start3A_156 : memref<6144xf32, #tpu.memory_space<hbm>>) target_semaphore(%arg12 : memref<!tpu.dma_semaphore, #tpu.memory_space<semaphore_mem>>)
    %add3A_159 = arith.constant 384 : i32
    %add3A_160 = arith.addi %add3A_159, %add3A_111 : i32
    %dma_start3A_161 = arith.constant 17280 : i32
    %dma_start3A_162 = tpu.memref_slice %arg10[%dma_start3A_161] : memref<40704xf32, #tpu.memory_space<vmem>> -> memref<6144xf32, #tpu.memory_space<vmem>>
    %dma_start3A_163 = arith.constant 0 : i32
    %dma_start3A_164 = tpu.memref_slice %arg4[%add3A_160, %dma_start3A_163] : memref<896x6144xf32, #tpu.memory_space<hbm>> -> memref<1x6144xf32, #tpu.memory_space<hbm>>
    %dma_start3A_165 = tpu.memref_squeeze %dma_start3A_164 : memref<1x6144xf32, #tpu.memory_space<hbm>> -> memref<6144xf32, #tpu.memory_space<hbm>>
    %dma_start3A_166 = arith.constant 0 : i32
    %dma_start3A_167 = tpu.memref_slice %arg4[%add3A_160, %dma_start3A_166] : memref<896x6144xf32, #tpu.memory_space<hbm>> -> memref<1x6144xf32, #tpu.memory_space<hbm>>
    %dma_start3A_168 = tpu.memref_squeeze %dma_start3A_167 : memref<1x6144xf32, #tpu.memory_space<hbm>> -> memref<6144xf32, #tpu.memory_space<hbm>>
    %dma_start3A_169 = arith.constant 17280 : i32
    %dma_start3A_170 = tpu.memref_slice %arg10[%dma_start3A_169] : memref<40704xf32, #tpu.memory_space<vmem>> -> memref<6144xf32, #tpu.memory_space<vmem>>
    tpu.enqueue_dma source(%dma_start3A_170 : memref<6144xf32, #tpu.memory_space<vmem>>) target(%dma_start3A_168 : memref<6144xf32, #tpu.memory_space<hbm>>) target_semaphore(%arg12 : memref<!tpu.dma_semaphore, #tpu.memory_space<semaphore_mem>>)
    %add3A_171 = arith.constant 512 : i32
    %add3A_172 = arith.addi %add3A_171, %add3A_111 : i32
    %dma_start3A_173 = arith.constant 23040 : i32
    %dma_start3A_174 = tpu.memref_slice %arg10[%dma_start3A_173] : memref<40704xf32, #tpu.memory_space<vmem>> -> memref<6144xf32, #tpu.memory_space<vmem>>
    %dma_start3A_175 = arith.constant 0 : i32
    %dma_start3A_176 = tpu.memref_slice %arg4[%add3A_172, %dma_start3A_175] : memref<896x6144xf32, #tpu.memory_space<hbm>> -> memref<1x6144xf32, #tpu.memory_space<hbm>>
    %dma_start3A_177 = tpu.memref_squeeze %dma_start3A_176 : memref<1x6144xf32, #tpu.memory_space<hbm>> -> memref<6144xf32, #tpu.memory_space<hbm>>
    %dma_start3A_178 = arith.constant 0 : i32
    %dma_start3A_179 = tpu.memref_slice %arg4[%add3A_172, %dma_start3A_178] : memref<896x6144xf32, #tpu.memory_space<hbm>> -> memref<1x6144xf32, #tpu.memory_space<hbm>>
    %dma_start3A_180 = tpu.memref_squeeze %dma_start3A_179 : memref<1x6144xf32, #tpu.memory_space<hbm>> -> memref<6144xf32, #tpu.memory_space<hbm>>
    %dma_start3A_181 = arith.constant 23040 : i32
    %dma_start3A_182 = tpu.memref_slice %arg10[%dma_start3A_181] : memref<40704xf32, #tpu.memory_space<vmem>> -> memref<6144xf32, #tpu.memory_space<vmem>>
    tpu.enqueue_dma source(%dma_start3A_182 : memref<6144xf32, #tpu.memory_space<vmem>>) target(%dma_start3A_180 : memref<6144xf32, #tpu.memory_space<hbm>>) target_semaphore(%arg12 : memref<!tpu.dma_semaphore, #tpu.memory_space<semaphore_mem>>)
    %add3A_183 = arith.constant 640 : i32
    %add3A_184 = arith.addi %add3A_183, %add3A_111 : i32
    %dma_start3A_185 = arith.constant 28800 : i32
    %dma_start3A_186 = tpu.memref_slice %arg10[%dma_start3A_185] : memref<40704xf32, #tpu.memory_space<vmem>> -> memref<6144xf32, #tpu.memory_space<vmem>>
    %dma_start3A_187 = arith.constant 0 : i32
    %dma_start3A_188 = tpu.memref_slice %arg4[%add3A_184, %dma_start3A_187] : memref<896x6144xf32, #tpu.memory_space<hbm>> -> memref<1x6144xf32, #tpu.memory_space<hbm>>
    %dma_start3A_189 = tpu.memref_squeeze %dma_start3A_188 : memref<1x6144xf32, #tpu.memory_space<hbm>> -> memref<6144xf32, #tpu.memory_space<hbm>>
    %dma_start3A_190 = arith.constant 0 : i32
    %dma_start3A_191 = tpu.memref_slice %arg4[%add3A_184, %dma_start3A_190] : memref<896x6144xf32, #tpu.memory_space<hbm>> -> memref<1x6144xf32, #tpu.memory_space<hbm>>
    %dma_start3A_192 = tpu.memref_squeeze %dma_start3A_191 : memref<1x6144xf32, #tpu.memory_space<hbm>> -> memref<6144xf32, #tpu.memory_space<hbm>>
    %dma_start3A_193 = arith.constant 28800 : i32
    %dma_start3A_194 = tpu.memref_slice %arg10[%dma_start3A_193] : memref<40704xf32, #tpu.memory_space<vmem>> -> memref<6144xf32, #tpu.memory_space<vmem>>
    tpu.enqueue_dma source(%dma_start3A_194 : memref<6144xf32, #tpu.memory_space<vmem>>) target(%dma_start3A_192 : memref<6144xf32, #tpu.memory_space<hbm>>) target_semaphore(%arg12 : memref<!tpu.dma_semaphore, #tpu.memory_space<semaphore_mem>>)
    %add3A_195 = arith.constant 768 : i32
    %add3A_196 = arith.addi %add3A_195, %add3A_111 : i32
    %dma_start3A_197 = arith.constant 34560 : i32
    %dma_start3A_198 = tpu.memref_slice %arg10[%dma_start3A_197] : memref<40704xf32, #tpu.memory_space<vmem>> -> memref<6144xf32, #tpu.memory_space<vmem>>
    %dma_start3A_199 = arith.constant 0 : i32
    %dma_start3A_200 = tpu.memref_slice %arg4[%add3A_196, %dma_start3A_199] : memref<896x6144xf32, #tpu.memory_space<hbm>> -> memref<1x6144xf32, #tpu.memory_space<hbm>>
    %dma_start3A_201 = tpu.memref_squeeze %dma_start3A_200 : memref<1x6144xf32, #tpu.memory_space<hbm>> -> memref<6144xf32, #tpu.memory_space<hbm>>
    %dma_start3A_202 = arith.constant 0 : i32
    %dma_start3A_203 = tpu.memref_slice %arg4[%add3A_196, %dma_start3A_202] : memref<896x6144xf32, #tpu.memory_space<hbm>> -> memref<1x6144xf32, #tpu.memory_space<hbm>>
    %dma_start3A_204 = tpu.memref_squeeze %dma_start3A_203 : memref<1x6144xf32, #tpu.memory_space<hbm>> -> memref<6144xf32, #tpu.memory_space<hbm>>
    %dma_start3A_205 = arith.constant 34560 : i32
    %dma_start3A_206 = tpu.memref_slice %arg10[%dma_start3A_205] : memref<40704xf32, #tpu.memory_space<vmem>> -> memref<6144xf32, #tpu.memory_space<vmem>>
    tpu.enqueue_dma source(%dma_start3A_206 : memref<6144xf32, #tpu.memory_space<vmem>>) target(%dma_start3A_204 : memref<6144xf32, #tpu.memory_space<hbm>>) target_semaphore(%arg12 : memref<!tpu.dma_semaphore, #tpu.memory_space<semaphore_mem>>)
    %mul3A_207 = arith.constant 4 : i32
    %mul3A_208 = arith.muli %add3A, %mul3A_207 : i32
    %add3A_209 = arith.constant 2 : i32
    %add3A_210 = arith.addi %mul3A_208, %add3A_209 : i32
    %add3A_211 = arith.constant 0 : i32
    %add3A_212 = arith.addi %add3A_211, %add3A_210 : i32
    %run_scoped3A_213 = arith.constant 0 : i32
    "tpu.region"() ({
      %run_scoped3A_694 = tpu.sem_alloc : memref<!tpu.dma_semaphore, #tpu.memory_space<semaphore_mem>>
      %dma_start3A_695 = arith.constant 0 : i32
      %dma_start3A_696 = tpu.memref_slice %arg2[%add3A_212, %run_scoped3A_213, %dma_start3A_695] : memref<256x1x4096xi32, #tpu.memory_space<hbm>> -> memref<1x1x4096xi32, #tpu.memory_space<hbm>>
      %dma_start3A_697 = tpu.memref_squeeze %dma_start3A_696 : memref<1x1x4096xi32, #tpu.memory_space<hbm>> -> memref<4096xi32, #tpu.memory_space<hbm>>
      %dma_start3A_698 = arith.constant 0 : i32
      %dma_start3A_699 = tpu.memref_slice %arg2[%add3A_212, %run_scoped3A_213, %dma_start3A_698] : memref<256x1x4096xi32, #tpu.memory_space<hbm>> -> memref<1x1x4096xi32, #tpu.memory_space<hbm>>
      %dma_start3A_700 = tpu.memref_squeeze %dma_start3A_699 : memref<1x1x4096xi32, #tpu.memory_space<hbm>> -> memref<4096xi32, #tpu.memory_space<hbm>>
      tpu.enqueue_dma source(%dma_start3A_700 : memref<4096xi32, #tpu.memory_space<hbm>>) target(%arg5 : memref<4096xi32, #tpu.memory_space<vmem>>) target_semaphore(%run_scoped3A_694 : memref<!tpu.dma_semaphore, #tpu.memory_space<semaphore_mem>>)
      %dma_wait3A_701 = arith.constant 0 : i32
      %dma_wait3A_702 = tpu.memref_slice %arg2[%add3A_212, %run_scoped3A_213, %dma_wait3A_701] : memref<256x1x4096xi32, #tpu.memory_space<hbm>> -> memref<1x1x4096xi32, #tpu.memory_space<hbm>>
      %dma_wait3A_703 = tpu.memref_squeeze %dma_wait3A_702 : memref<1x1x4096xi32, #tpu.memory_space<hbm>> -> memref<4096xi32, #tpu.memory_space<hbm>>
      %dma_wait3A_704 = arith.constant 0 : i32
      %dma_wait3A_705 = tpu.memref_slice %arg2[%add3A_212, %run_scoped3A_213, %dma_wait3A_704] : memref<256x1x4096xi32, #tpu.memory_space<hbm>> -> memref<1x1x4096xi32, #tpu.memory_space<hbm>>
      %dma_wait3A_706 = tpu.memref_squeeze %dma_wait3A_705 : memref<1x1x4096xi32, #tpu.memory_space<hbm>> -> memref<4096xi32, #tpu.memory_space<hbm>>
      tpu.wait_dma2 semaphore(%run_scoped3A_694 : memref<!tpu.dma_semaphore, #tpu.memory_space<semaphore_mem>>) src(%dma_wait3A_706 : memref<4096xi32, #tpu.memory_space<hbm>>) dst(%arg5 : memref<4096xi32, #tpu.memory_space<vmem>>)
      tpu.yield
    }) : () -> ()
    %add3A_214 = arith.constant 0 : i32
    %add3A_215 = arith.addi %add3A_214, %add3A_210 : i32
    %run_scoped3A_216 = arith.constant 0 : i32
    "tpu.region"() ({
      %run_scoped3A_694 = tpu.sem_alloc : memref<!tpu.dma_semaphore, #tpu.memory_space<semaphore_mem>>
      %dma_start3A_695 = arith.constant 0 : i32
      %dma_start3A_696 = tpu.memref_slice %arg3[%add3A_215, %run_scoped3A_216, %dma_start3A_695] : memref<256x1x4096xf32, #tpu.memory_space<hbm>> -> memref<1x1x4096xf32, #tpu.memory_space<hbm>>
      %dma_start3A_697 = tpu.memref_squeeze %dma_start3A_696 : memref<1x1x4096xf32, #tpu.memory_space<hbm>> -> memref<4096xf32, #tpu.memory_space<hbm>>
      %dma_start3A_698 = arith.constant 0 : i32
      %dma_start3A_699 = tpu.memref_slice %arg3[%add3A_215, %run_scoped3A_216, %dma_start3A_698] : memref<256x1x4096xf32, #tpu.memory_space<hbm>> -> memref<1x1x4096xf32, #tpu.memory_space<hbm>>
      %dma_start3A_700 = tpu.memref_squeeze %dma_start3A_699 : memref<1x1x4096xf32, #tpu.memory_space<hbm>> -> memref<4096xf32, #tpu.memory_space<hbm>>
      tpu.enqueue_dma source(%dma_start3A_700 : memref<4096xf32, #tpu.memory_space<hbm>>) target(%arg6 : memref<4096xf32, #tpu.memory_space<vmem>>) target_semaphore(%run_scoped3A_694 : memref<!tpu.dma_semaphore, #tpu.memory_space<semaphore_mem>>)
      %dma_wait3A_701 = arith.constant 0 : i32
      %dma_wait3A_702 = tpu.memref_slice %arg3[%add3A_215, %run_scoped3A_216, %dma_wait3A_701] : memref<256x1x4096xf32, #tpu.memory_space<hbm>> -> memref<1x1x4096xf32, #tpu.memory_space<hbm>>
      %dma_wait3A_703 = tpu.memref_squeeze %dma_wait3A_702 : memref<1x1x4096xf32, #tpu.memory_space<hbm>> -> memref<4096xf32, #tpu.memory_space<hbm>>
      %dma_wait3A_704 = arith.constant 0 : i32
      %dma_wait3A_705 = tpu.memref_slice %arg3[%add3A_215, %run_scoped3A_216, %dma_wait3A_704] : memref<256x1x4096xf32, #tpu.memory_space<hbm>> -> memref<1x1x4096xf32, #tpu.memory_space<hbm>>
      %dma_wait3A_706 = tpu.memref_squeeze %dma_wait3A_705 : memref<1x1x4096xf32, #tpu.memory_space<hbm>> -> memref<4096xf32, #tpu.memory_space<hbm>>
      tpu.wait_dma2 semaphore(%run_scoped3A_694 : memref<!tpu.dma_semaphore, #tpu.memory_space<semaphore_mem>>) src(%dma_wait3A_706 : memref<4096xf32, #tpu.memory_space<hbm>>) dst(%arg6 : memref<4096xf32, #tpu.memory_space<vmem>>)
      tpu.yield
    }) : () -> ()
    %dma_wait3A = arith.constant 0 : i32
    %dma_wait3A_217 = tpu.memref_slice %arg9[%dma_wait3A] : memref<40704xf32, #tpu.memory_space<vmem>> -> memref<6144xf32, #tpu.memory_space<vmem>>
    %dma_wait3A_218 = arith.constant 0 : i32
    %dma_wait3A_219 = tpu.memref_slice %arg4[%add3A_26, %dma_wait3A_218] : memref<896x6144xf32, #tpu.memory_space<hbm>> -> memref<1x6144xf32, #tpu.memory_space<hbm>>
    %dma_wait3A_220 = tpu.memref_squeeze %dma_wait3A_219 : memref<1x6144xf32, #tpu.memory_space<hbm>> -> memref<6144xf32, #tpu.memory_space<hbm>>
    %dma_wait3A_221 = arith.constant 0 : i32
    %dma_wait3A_222 = tpu.memref_slice %arg4[%add3A_26, %dma_wait3A_221] : memref<896x6144xf32, #tpu.memory_space<hbm>> -> memref<1x6144xf32, #tpu.memory_space<hbm>>
    %dma_wait3A_223 = tpu.memref_squeeze %dma_wait3A_222 : memref<1x6144xf32, #tpu.memory_space<hbm>> -> memref<6144xf32, #tpu.memory_space<hbm>>
    %dma_wait3A_224 = arith.constant 0 : i32
    %dma_wait3A_225 = tpu.memref_slice %arg9[%dma_wait3A_224] : memref<40704xf32, #tpu.memory_space<vmem>> -> memref<6144xf32, #tpu.memory_space<vmem>>
    tpu.wait_dma2 semaphore(%arg11 : memref<!tpu.dma_semaphore, #tpu.memory_space<semaphore_mem>>) src(%dma_wait3A_225 : memref<6144xf32, #tpu.memory_space<vmem>>) dst(%dma_wait3A_223 : memref<6144xf32, #tpu.memory_space<hbm>>)
    %dma_wait3A_226 = arith.constant 5760 : i32
    %dma_wait3A_227 = tpu.memref_slice %arg9[%dma_wait3A_226] : memref<40704xf32, #tpu.memory_space<vmem>> -> memref<6144xf32, #tpu.memory_space<vmem>>
    %dma_wait3A_228 = arith.constant 0 : i32
    %dma_wait3A_229 = tpu.memref_slice %arg4[%add3A_37, %dma_wait3A_228] : memref<896x6144xf32, #tpu.memory_space<hbm>> -> memref<1x6144xf32, #tpu.memory_space<hbm>>
    %dma_wait3A_230 = tpu.memref_squeeze %dma_wait3A_229 : memref<1x6144xf32, #tpu.memory_space<hbm>> -> memref<6144xf32, #tpu.memory_space<hbm>>
    %dma_wait3A_231 = arith.constant 0 : i32
    %dma_wait3A_232 = tpu.memref_slice %arg4[%add3A_37, %dma_wait3A_231] : memref<896x6144xf32, #tpu.memory_space<hbm>> -> memref<1x6144xf32, #tpu.memory_space<hbm>>
    %dma_wait3A_233 = tpu.memref_squeeze %dma_wait3A_232 : memref<1x6144xf32, #tpu.memory_space<hbm>> -> memref<6144xf32, #tpu.memory_space<hbm>>
    %dma_wait3A_234 = arith.constant 5760 : i32
    %dma_wait3A_235 = tpu.memref_slice %arg9[%dma_wait3A_234] : memref<40704xf32, #tpu.memory_space<vmem>> -> memref<6144xf32, #tpu.memory_space<vmem>>
    tpu.wait_dma2 semaphore(%arg11 : memref<!tpu.dma_semaphore, #tpu.memory_space<semaphore_mem>>) src(%dma_wait3A_235 : memref<6144xf32, #tpu.memory_space<vmem>>) dst(%dma_wait3A_233 : memref<6144xf32, #tpu.memory_space<hbm>>)
    %dma_wait3A_236 = arith.constant 11520 : i32
    %dma_wait3A_237 = tpu.memref_slice %arg9[%dma_wait3A_236] : memref<40704xf32, #tpu.memory_space<vmem>> -> memref<6144xf32, #tpu.memory_space<vmem>>
    %dma_wait3A_238 = arith.constant 0 : i32
    %dma_wait3A_239 = tpu.memref_slice %arg4[%add3A_49, %dma_wait3A_238] : memref<896x6144xf32, #tpu.memory_space<hbm>> -> memref<1x6144xf32, #tpu.memory_space<hbm>>
    %dma_wait3A_240 = tpu.memref_squeeze %dma_wait3A_239 : memref<1x6144xf32, #tpu.memory_space<hbm>> -> memref<6144xf32, #tpu.memory_space<hbm>>
    %dma_wait3A_241 = arith.constant 0 : i32
    %dma_wait3A_242 = tpu.memref_slice %arg4[%add3A_49, %dma_wait3A_241] : memref<896x6144xf32, #tpu.memory_space<hbm>> -> memref<1x6144xf32, #tpu.memory_space<hbm>>
    %dma_wait3A_243 = tpu.memref_squeeze %dma_wait3A_242 : memref<1x6144xf32, #tpu.memory_space<hbm>> -> memref<6144xf32, #tpu.memory_space<hbm>>
    %dma_wait3A_244 = arith.constant 11520 : i32
    %dma_wait3A_245 = tpu.memref_slice %arg9[%dma_wait3A_244] : memref<40704xf32, #tpu.memory_space<vmem>> -> memref<6144xf32, #tpu.memory_space<vmem>>
    tpu.wait_dma2 semaphore(%arg11 : memref<!tpu.dma_semaphore, #tpu.memory_space<semaphore_mem>>) src(%dma_wait3A_245 : memref<6144xf32, #tpu.memory_space<vmem>>) dst(%dma_wait3A_243 : memref<6144xf32, #tpu.memory_space<hbm>>)
    %dma_wait3A_246 = arith.constant 17280 : i32
    %dma_wait3A_247 = tpu.memref_slice %arg9[%dma_wait3A_246] : memref<40704xf32, #tpu.memory_space<vmem>> -> memref<6144xf32, #tpu.memory_space<vmem>>
    %dma_wait3A_248 = arith.constant 0 : i32
    %dma_wait3A_249 = tpu.memref_slice %arg4[%add3A_61, %dma_wait3A_248] : memref<896x6144xf32, #tpu.memory_space<hbm>> -> memref<1x6144xf32, #tpu.memory_space<hbm>>
    %dma_wait3A_250 = tpu.memref_squeeze %dma_wait3A_249 : memref<1x6144xf32, #tpu.memory_space<hbm>> -> memref<6144xf32, #tpu.memory_space<hbm>>
    %dma_wait3A_251 = arith.constant 0 : i32
    %dma_wait3A_252 = tpu.memref_slice %arg4[%add3A_61, %dma_wait3A_251] : memref<896x6144xf32, #tpu.memory_space<hbm>> -> memref<1x6144xf32, #tpu.memory_space<hbm>>
    %dma_wait3A_253 = tpu.memref_squeeze %dma_wait3A_252 : memref<1x6144xf32, #tpu.memory_space<hbm>> -> memref<6144xf32, #tpu.memory_space<hbm>>
    %dma_wait3A_254 = arith.constant 17280 : i32
    %dma_wait3A_255 = tpu.memref_slice %arg9[%dma_wait3A_254] : memref<40704xf32, #tpu.memory_space<vmem>> -> memref<6144xf32, #tpu.memory_space<vmem>>
    tpu.wait_dma2 semaphore(%arg11 : memref<!tpu.dma_semaphore, #tpu.memory_space<semaphore_mem>>) src(%dma_wait3A_255 : memref<6144xf32, #tpu.memory_space<vmem>>) dst(%dma_wait3A_253 : memref<6144xf32, #tpu.memory_space<hbm>>)
    %dma_wait3A_256 = arith.constant 23040 : i32
    %dma_wait3A_257 = tpu.memref_slice %arg9[%dma_wait3A_256] : memref<40704xf32, #tpu.memory_space<vmem>> -> memref<6144xf32, #tpu.memory_space<vmem>>
    %dma_wait3A_258 = arith.constant 0 : i32
    %dma_wait3A_259 = tpu.memref_slice %arg4[%add3A_73, %dma_wait3A_258] : memref<896x6144xf32, #tpu.memory_space<hbm>> -> memref<1x6144xf32, #tpu.memory_space<hbm>>
    %dma_wait3A_260 = tpu.memref_squeeze %dma_wait3A_259 : memref<1x6144xf32, #tpu.memory_space<hbm>> -> memref<6144xf32, #tpu.memory_space<hbm>>
    %dma_wait3A_261 = arith.constant 0 : i32
    %dma_wait3A_262 = tpu.memref_slice %arg4[%add3A_73, %dma_wait3A_261] : memref<896x6144xf32, #tpu.memory_space<hbm>> -> memref<1x6144xf32, #tpu.memory_space<hbm>>
    %dma_wait3A_263 = tpu.memref_squeeze %dma_wait3A_262 : memref<1x6144xf32, #tpu.memory_space<hbm>> -> memref<6144xf32, #tpu.memory_space<hbm>>
    %dma_wait3A_264 = arith.constant 23040 : i32
    %dma_wait3A_265 = tpu.memref_slice %arg9[%dma_wait3A_264] : memref<40704xf32, #tpu.memory_space<vmem>> -> memref<6144xf32, #tpu.memory_space<vmem>>
    tpu.wait_dma2 semaphore(%arg11 : memref<!tpu.dma_semaphore, #tpu.memory_space<semaphore_mem>>) src(%dma_wait3A_265 : memref<6144xf32, #tpu.memory_space<vmem>>) dst(%dma_wait3A_263 : memref<6144xf32, #tpu.memory_space<hbm>>)
    %dma_wait3A_266 = arith.constant 28800 : i32
    %dma_wait3A_267 = tpu.memref_slice %arg9[%dma_wait3A_266] : memref<40704xf32, #tpu.memory_space<vmem>> -> memref<6144xf32, #tpu.memory_space<vmem>>
    %dma_wait3A_268 = arith.constant 0 : i32
    %dma_wait3A_269 = tpu.memref_slice %arg4[%add3A_85, %dma_wait3A_268] : memref<896x6144xf32, #tpu.memory_space<hbm>> -> memref<1x6144xf32, #tpu.memory_space<hbm>>
    %dma_wait3A_270 = tpu.memref_squeeze %dma_wait3A_269 : memref<1x6144xf32, #tpu.memory_space<hbm>> -> memref<6144xf32, #tpu.memory_space<hbm>>
    %dma_wait3A_271 = arith.constant 0 : i32
    %dma_wait3A_272 = tpu.memref_slice %arg4[%add3A_85, %dma_wait3A_271] : memref<896x6144xf32, #tpu.memory_space<hbm>> -> memref<1x6144xf32, #tpu.memory_space<hbm>>
    %dma_wait3A_273 = tpu.memref_squeeze %dma_wait3A_272 : memref<1x6144xf32, #tpu.memory_space<hbm>> -> memref<6144xf32, #tpu.memory_space<hbm>>
    %dma_wait3A_274 = arith.constant 28800 : i32
    %dma_wait3A_275 = tpu.memref_slice %arg9[%dma_wait3A_274] : memref<40704xf32, #tpu.memory_space<vmem>> -> memref<6144xf32, #tpu.memory_space<vmem>>
    tpu.wait_dma2 semaphore(%arg11 : memref<!tpu.dma_semaphore, #tpu.memory_space<semaphore_mem>>) src(%dma_wait3A_275 : memref<6144xf32, #tpu.memory_space<vmem>>) dst(%dma_wait3A_273 : memref<6144xf32, #tpu.memory_space<hbm>>)
    %dma_wait3A_276 = arith.constant 34560 : i32
    %dma_wait3A_277 = tpu.memref_slice %arg9[%dma_wait3A_276] : memref<40704xf32, #tpu.memory_space<vmem>> -> memref<6144xf32, #tpu.memory_space<vmem>>
    %dma_wait3A_278 = arith.constant 0 : i32
    %dma_wait3A_279 = tpu.memref_slice %arg4[%add3A_97, %dma_wait3A_278] : memref<896x6144xf32, #tpu.memory_space<hbm>> -> memref<1x6144xf32, #tpu.memory_space<hbm>>
    %dma_wait3A_280 = tpu.memref_squeeze %dma_wait3A_279 : memref<1x6144xf32, #tpu.memory_space<hbm>> -> memref<6144xf32, #tpu.memory_space<hbm>>
    %dma_wait3A_281 = arith.constant 0 : i32
    %dma_wait3A_282 = tpu.memref_slice %arg4[%add3A_97, %dma_wait3A_281] : memref<896x6144xf32, #tpu.memory_space<hbm>> -> memref<1x6144xf32, #tpu.memory_space<hbm>>
    %dma_wait3A_283 = tpu.memref_squeeze %dma_wait3A_282 : memref<1x6144xf32, #tpu.memory_space<hbm>> -> memref<6144xf32, #tpu.memory_space<hbm>>
    %dma_wait3A_284 = arith.constant 34560 : i32
    %dma_wait3A_285 = tpu.memref_slice %arg9[%dma_wait3A_284] : memref<40704xf32, #tpu.memory_space<vmem>> -> memref<6144xf32, #tpu.memory_space<vmem>>
    tpu.wait_dma2 semaphore(%arg11 : memref<!tpu.dma_semaphore, #tpu.memory_space<semaphore_mem>>) src(%dma_wait3A_285 : memref<6144xf32, #tpu.memory_space<vmem>>) dst(%dma_wait3A_283 : memref<6144xf32, #tpu.memory_space<hbm>>)
    %scan3A_286 = arith.constant 0 : i32
    %scan3A_287 = arith.constant 256 : i32
    %scan3A_288 = arith.addi %scan3A_286, %scan3A_287 : i32
    %scan3A_289 = arith.constant 4 : i32
    scf.for %scan3A_694 = %scan3A_286 to %scan3A_288 step %scan3A_289  : i32 {
      %mul3A_695 = arith.constant 1 : i32
      %mul3A_696 = arith.muli %scan3A_694, %mul3A_695 : i32
      %add3A_697 = arith.constant 0 : i32
      %add3A_698 = arith.addi %add3A_697, %mul3A_696 : i32
      %mul3A_699 = arith.constant 16 : i32
      %mul3A_700 = arith.muli %add3A_698, %mul3A_699 : i32
      %get3A = arith.index_cast %mul3A_700 : i32 to index
      %get3A_701 = tpu.vector_load %arg7[%get3A] {strides = array<i32>} : memref<4096xi32, #tpu.memory_space<vmem>>, vector<16xi32>,
      tpu.vector_store_idx %arg9[%get3A_701], %broadcast_in_dim3A_1 : memref<40704xf32, #tpu.memory_space<vmem>>[vector<16xi32>], vector<16xf32>,
      %scan3A_702 = arith.constant 1 : i32
      %scan3A_703 = arith.addi %scan3A_694, %scan3A_702 : i32
      %mul3A_704 = arith.constant 1 : i32
      %mul3A_705 = arith.muli %scan3A_703, %mul3A_704 : i32
      %add3A_706 = arith.constant 0 : i32
      %add3A_707 = arith.addi %add3A_706, %mul3A_705 : i32
      %mul3A_708 = arith.constant 16 : i32
      %mul3A_709 = arith.muli %add3A_707, %mul3A_708 : i32
      %get3A_710 = arith.index_cast %mul3A_709 : i32 to index
      %get3A_711 = tpu.vector_load %arg7[%get3A_710] {strides = array<i32>} : memref<4096xi32, #tpu.memory_space<vmem>>, vector<16xi32>,
      tpu.vector_store_idx %arg9[%get3A_711], %broadcast_in_dim3A_1 : memref<40704xf32, #tpu.memory_space<vmem>>[vector<16xi32>], vector<16xf32>,
      %scan3A_712 = arith.constant 2 : i32
      %scan3A_713 = arith.addi %scan3A_694, %scan3A_712 : i32
      %mul3A_714 = arith.constant 1 : i32
      %mul3A_715 = arith.muli %scan3A_713, %mul3A_714 : i32
      %add3A_716 = arith.constant 0 : i32
      %add3A_717 = arith.addi %add3A_716, %mul3A_715 : i32
      %mul3A_718 = arith.constant 16 : i32
      %mul3A_719 = arith.muli %add3A_717, %mul3A_718 : i32
      %get3A_720 = arith.index_cast %mul3A_719 : i32 to index
      %get3A_721 = tpu.vector_load %arg7[%get3A_720] {strides = array<i32>} : memref<4096xi32, #tpu.memory_space<vmem>>, vector<16xi32>,
      tpu.vector_store_idx %arg9[%get3A_721], %broadcast_in_dim3A_1 : memref<40704xf32, #tpu.memory_space<vmem>>[vector<16xi32>], vector<16xf32>,
      %scan3A_722 = arith.constant 3 : i32
      %scan3A_723 = arith.addi %scan3A_694, %scan3A_722 : i32
      %mul3A_724 = arith.constant 1 : i32
      %mul3A_725 = arith.muli %scan3A_723, %mul3A_724 : i32
      %add3A_726 = arith.constant 0 : i32
      %add3A_727 = arith.addi %add3A_726, %mul3A_725 : i32
      %mul3A_728 = arith.constant 16 : i32
      %mul3A_729 = arith.muli %add3A_727, %mul3A_728 : i32
      %get3A_730 = arith.index_cast %mul3A_729 : i32 to index
      %get3A_731 = tpu.vector_load %arg7[%get3A_730] {strides = array<i32>} : memref<4096xi32, #tpu.memory_space<vmem>>, vector<16xi32>,
      tpu.vector_store_idx %arg9[%get3A_731], %broadcast_in_dim3A_1 : memref<40704xf32, #tpu.memory_space<vmem>>[vector<16xi32>], vector<16xf32>,
    }
    %scan3A_290 = arith.constant 256 : i32
    %scan3A_291 = arith.constant 0 : i32
    %scan3A_292 = arith.constant 256 : i32
    %scan3A_293 = arith.addi %scan3A_291, %scan3A_292 : i32
    %scan3A_294 = arith.constant 4 : i32
    scf.for %scan3A_694 = %scan3A_291 to %scan3A_293 step %scan3A_294  : i32 {
      %mul3A_695 = arith.constant 1 : i32
      %mul3A_696 = arith.muli %scan3A_694, %mul3A_695 : i32
      %add3A_697 = arith.constant 0 : i32
      %add3A_698 = arith.addi %add3A_697, %mul3A_696 : i32
      %mul3A_699 = arith.constant 16 : i32
      %mul3A_700 = arith.muli %add3A_698, %mul3A_699 : i32
      %get3A = arith.index_cast %mul3A_700 : i32 to index
      %get3A_701 = tpu.vector_load %arg5[%get3A] {strides = array<i32>} : memref<4096xi32, #tpu.memory_space<vmem>>, vector<16xi32>,
      %mul3A_702 = arith.constant 16 : i32
      %mul3A_703 = arith.muli %add3A_698, %mul3A_702 : i32
      %get3A_704 = arith.index_cast %mul3A_703 : i32 to index
      %get3A_705 = tpu.vector_load %arg6[%get3A_704] {strides = array<i32>} : memref<4096xf32, #tpu.memory_space<vmem>>, vector<16xf32>,
      %mul3A_706 = arith.constant 26215 : i32
      %mul3A_707 = vector.broadcast %mul3A_706 : i32 to vector<16xi32>
      %mul3A_708 = arith.muli %get3A_701, %mul3A_707 : vector<16xi32>
      %shift_right_arithmetic3A = arith.constant 22 : i32
      %shift_right_arithmetic3A_709 = vector.broadcast %shift_right_arithmetic3A : i32 to vector<16xi32>
      %shift_right_arithmetic3A_710 = arith.shrsi %mul3A_708, %shift_right_arithmetic3A_709 : vector<16xi32>
      %mul3A_711 = arith.constant 32 : i32
      %mul3A_712 = vector.broadcast %mul3A_711 : i32 to vector<16xi32>
      %mul3A_713 = arith.muli %shift_right_arithmetic3A_710, %mul3A_712 : vector<16xi32>
      %add3A_714 = arith.addi %get3A_701, %mul3A_713 : vector<16xi32>
      %add3A_715 = arith.constant 193 : i32
      %add3A_716 = vector.broadcast %add3A_715 : i32 to vector<16xi32>
      %add3A_717 = arith.addi %add3A_714, %add3A_716 : vector<16xi32>
      %mul3A_718 = arith.constant 16 : i32
      %mul3A_719 = arith.muli %add3A_698, %mul3A_718 : i32
      %swap3A = arith.index_cast %mul3A_719 : i32 to index
      %swap3A_720 = tpu.vector_load %arg7[%swap3A] {strides = array<i32>} : memref<4096xi32, #tpu.memory_space<vmem>>, vector<16xi32>,
      tpu.vector_store %arg7[%swap3A], %add3A_717 {strides = array<i32>} : memref<4096xi32, #tpu.memory_space<vmem>>, vector<16xi32>,
      tpu.vector_store_idx %arg9[%add3A_717], %get3A_705 : memref<40704xf32, #tpu.memory_space<vmem>>[vector<16xi32>], vector<16xf32>,
      %scan3A_721 = arith.constant 1 : i32
      %scan3A_722 = arith.addi %scan3A_694, %scan3A_721 : i32
      %mul3A_723 = arith.constant 1 : i32
      %mul3A_724 = arith.muli %scan3A_722, %mul3A_723 : i32
      %add3A_725 = arith.constant 0 : i32
      %add3A_726 = arith.addi %add3A_725, %mul3A_724 : i32
      %mul3A_727 = arith.constant 16 : i32
      %mul3A_728 = arith.muli %add3A_726, %mul3A_727 : i32
      %get3A_729 = arith.index_cast %mul3A_728 : i32 to index
      %get3A_730 = tpu.vector_load %arg5[%get3A_729] {strides = array<i32>} : memref<4096xi32, #tpu.memory_space<vmem>>, vector<16xi32>,
      %mul3A_731 = arith.constant 16 : i32
      %mul3A_732 = arith.muli %add3A_726, %mul3A_731 : i32
      %get3A_733 = arith.index_cast %mul3A_732 : i32 to index
      %get3A_734 = tpu.vector_load %arg6[%get3A_733] {strides = array<i32>} : memref<4096xf32, #tpu.memory_space<vmem>>, vector<16xf32>,
      %mul3A_735 = arith.constant 26215 : i32
      %mul3A_736 = vector.broadcast %mul3A_735 : i32 to vector<16xi32>
      %mul3A_737 = arith.muli %get3A_730, %mul3A_736 : vector<16xi32>
      %shift_right_arithmetic3A_738 = arith.constant 22 : i32
      %shift_right_arithmetic3A_739 = vector.broadcast %shift_right_arithmetic3A_738 : i32 to vector<16xi32>
      %shift_right_arithmetic3A_740 = arith.shrsi %mul3A_737, %shift_right_arithmetic3A_739 : vector<16xi32>
      %mul3A_741 = arith.constant 32 : i32
      %mul3A_742 = vector.broadcast %mul3A_741 : i32 to vector<16xi32>
      %mul3A_743 = arith.muli %shift_right_arithmetic3A_740, %mul3A_742 : vector<16xi32>
      %add3A_744 = arith.addi %get3A_730, %mul3A_743 : vector<16xi32>
      %add3A_745 = arith.constant 193 : i32
      %add3A_746 = vector.broadcast %add3A_745 : i32 to vector<16xi32>
      %add3A_747 = arith.addi %add3A_744, %add3A_746 : vector<16xi32>
      %mul3A_748 = arith.constant 16 : i32
      %mul3A_749 = arith.muli %add3A_726, %mul3A_748 : i32
      %swap3A_750 = arith.index_cast %mul3A_749 : i32 to index
      %swap3A_751 = tpu.vector_load %arg7[%swap3A_750] {strides = array<i32>} : memref<4096xi32, #tpu.memory_space<vmem>>, vector<16xi32>,
      tpu.vector_store %arg7[%swap3A_750], %add3A_747 {strides = array<i32>} : memref<4096xi32, #tpu.memory_space<vmem>>, vector<16xi32>,
      tpu.vector_store_idx %arg9[%add3A_747], %get3A_734 : memref<40704xf32, #tpu.memory_space<vmem>>[vector<16xi32>], vector<16xf32>,
      %scan3A_752 = arith.constant 2 : i32
      %scan3A_753 = arith.addi %scan3A_694, %scan3A_752 : i32
      %mul3A_754 = arith.constant 1 : i32
      %mul3A_755 = arith.muli %scan3A_753, %mul3A_754 : i32
      %add3A_756 = arith.constant 0 : i32
      %add3A_757 = arith.addi %add3A_756, %mul3A_755 : i32
      %mul3A_758 = arith.constant 16 : i32
      %mul3A_759 = arith.muli %add3A_757, %mul3A_758 : i32
      %get3A_760 = arith.index_cast %mul3A_759 : i32 to index
      %get3A_761 = tpu.vector_load %arg5[%get3A_760] {strides = array<i32>} : memref<4096xi32, #tpu.memory_space<vmem>>, vector<16xi32>,
      %mul3A_762 = arith.constant 16 : i32
      %mul3A_763 = arith.muli %add3A_757, %mul3A_762 : i32
      %get3A_764 = arith.index_cast %mul3A_763 : i32 to index
      %get3A_765 = tpu.vector_load %arg6[%get3A_764] {strides = array<i32>} : memref<4096xf32, #tpu.memory_space<vmem>>, vector<16xf32>,
      %mul3A_766 = arith.constant 26215 : i32
      %mul3A_767 = vector.broadcast %mul3A_766 : i32 to vector<16xi32>
      %mul3A_768 = arith.muli %get3A_761, %mul3A_767 : vector<16xi32>
      %shift_right_arithmetic3A_769 = arith.constant 22 : i32
      %shift_right_arithmetic3A_770 = vector.broadcast %shift_right_arithmetic3A_769 : i32 to vector<16xi32>
      %shift_right_arithmetic3A_771 = arith.shrsi %mul3A_768, %shift_right_arithmetic3A_770 : vector<16xi32>
      %mul3A_772 = arith.constant 32 : i32
      %mul3A_773 = vector.broadcast %mul3A_772 : i32 to vector<16xi32>
      %mul3A_774 = arith.muli %shift_right_arithmetic3A_771, %mul3A_773 : vector<16xi32>
      %add3A_775 = arith.addi %get3A_761, %mul3A_774 : vector<16xi32>
      %add3A_776 = arith.constant 193 : i32
      %add3A_777 = vector.broadcast %add3A_776 : i32 to vector<16xi32>
      %add3A_778 = arith.addi %add3A_775, %add3A_777 : vector<16xi32>
      %mul3A_779 = arith.constant 16 : i32
      %mul3A_780 = arith.muli %add3A_757, %mul3A_779 : i32
      %swap3A_781 = arith.index_cast %mul3A_780 : i32 to index
      %swap3A_782 = tpu.vector_load %arg7[%swap3A_781] {strides = array<i32>} : memref<4096xi32, #tpu.memory_space<vmem>>, vector<16xi32>,
      tpu.vector_store %arg7[%swap3A_781], %add3A_778 {strides = array<i32>} : memref<4096xi32, #tpu.memory_space<vmem>>, vector<16xi32>,
      tpu.vector_store_idx %arg9[%add3A_778], %get3A_765 : memref<40704xf32, #tpu.memory_space<vmem>>[vector<16xi32>], vector<16xf32>,
      %scan3A_783 = arith.constant 3 : i32
      %scan3A_784 = arith.addi %scan3A_694, %scan3A_783 : i32
      %mul3A_785 = arith.constant 1 : i32
      %mul3A_786 = arith.muli %scan3A_784, %mul3A_785 : i32
      %add3A_787 = arith.constant 0 : i32
      %add3A_788 = arith.addi %add3A_787, %mul3A_786 : i32
      %mul3A_789 = arith.constant 16 : i32
      %mul3A_790 = arith.muli %add3A_788, %mul3A_789 : i32
      %get3A_791 = arith.index_cast %mul3A_790 : i32 to index
      %get3A_792 = tpu.vector_load %arg5[%get3A_791] {strides = array<i32>} : memref<4096xi32, #tpu.memory_space<vmem>>, vector<16xi32>,
      %mul3A_793 = arith.constant 16 : i32
      %mul3A_794 = arith.muli %add3A_788, %mul3A_793 : i32
      %get3A_795 = arith.index_cast %mul3A_794 : i32 to index
      %get3A_796 = tpu.vector_load %arg6[%get3A_795] {strides = array<i32>} : memref<4096xf32, #tpu.memory_space<vmem>>, vector<16xf32>,
      %mul3A_797 = arith.constant 26215 : i32
      %mul3A_798 = vector.broadcast %mul3A_797 : i32 to vector<16xi32>
      %mul3A_799 = arith.muli %get3A_792, %mul3A_798 : vector<16xi32>
      %shift_right_arithmetic3A_800 = arith.constant 22 : i32
      %shift_right_arithmetic3A_801 = vector.broadcast %shift_right_arithmetic3A_800 : i32 to vector<16xi32>
      %shift_right_arithmetic3A_802 = arith.shrsi %mul3A_799, %shift_right_arithmetic3A_801 : vector<16xi32>
      %mul3A_803 = arith.constant 32 : i32
      %mul3A_804 = vector.broadcast %mul3A_803 : i32 to vector<16xi32>
      %mul3A_805 = arith.muli %shift_right_arithmetic3A_802, %mul3A_804 : vector<16xi32>
      %add3A_806 = arith.addi %get3A_792, %mul3A_805 : vector<16xi32>
      %add3A_807 = arith.constant 193 : i32
      %add3A_808 = vector.broadcast %add3A_807 : i32 to vector<16xi32>
      %add3A_809 = arith.addi %add3A_806, %add3A_808 : vector<16xi32>
      %mul3A_810 = arith.constant 16 : i32
      %mul3A_811 = arith.muli %add3A_788, %mul3A_810 : i32
      %swap3A_812 = arith.index_cast %mul3A_811 : i32 to index
      %swap3A_813 = tpu.vector_load %arg7[%swap3A_812] {strides = array<i32>} : memref<4096xi32, #tpu.memory_space<vmem>>, vector<16xi32>,
      tpu.vector_store %arg7[%swap3A_812], %add3A_809 {strides = array<i32>} : memref<4096xi32, #tpu.memory_space<vmem>>, vector<16xi32>,
      tpu.vector_store_idx %arg9[%add3A_809], %get3A_796 : memref<40704xf32, #tpu.memory_space<vmem>>[vector<16xi32>], vector<16xf32>,
    }
    %scan3A_295 = arith.constant 256 : i32
    %add3A_296 = arith.constant 0 : i32
    %add3A_297 = arith.addi %add3A_296, %add3A_210 : i32
    %dma_start3A_298 = arith.constant 0 : i32
    %dma_start3A_299 = tpu.memref_slice %arg9[%dma_start3A_298] : memref<40704xf32, #tpu.memory_space<vmem>> -> memref<6144xf32, #tpu.memory_space<vmem>>
    %dma_start3A_300 = arith.constant 0 : i32
    %dma_start3A_301 = tpu.memref_slice %arg4[%add3A_297, %dma_start3A_300] : memref<896x6144xf32, #tpu.memory_space<hbm>> -> memref<1x6144xf32, #tpu.memory_space<hbm>>
    %dma_start3A_302 = tpu.memref_squeeze %dma_start3A_301 : memref<1x6144xf32, #tpu.memory_space<hbm>> -> memref<6144xf32, #tpu.memory_space<hbm>>
    %dma_start3A_303 = arith.constant 0 : i32
    %dma_start3A_304 = tpu.memref_slice %arg4[%add3A_297, %dma_start3A_303] : memref<896x6144xf32, #tpu.memory_space<hbm>> -> memref<1x6144xf32, #tpu.memory_space<hbm>>
    %dma_start3A_305 = tpu.memref_squeeze %dma_start3A_304 : memref<1x6144xf32, #tpu.memory_space<hbm>> -> memref<6144xf32, #tpu.memory_space<hbm>>
    %dma_start3A_306 = arith.constant 0 : i32
    %dma_start3A_307 = tpu.memref_slice %arg9[%dma_start3A_306] : memref<40704xf32, #tpu.memory_space<vmem>> -> memref<6144xf32, #tpu.memory_space<vmem>>
    tpu.enqueue_dma source(%dma_start3A_307 : memref<6144xf32, #tpu.memory_space<vmem>>) target(%dma_start3A_305 : memref<6144xf32, #tpu.memory_space<hbm>>) target_semaphore(%arg11 : memref<!tpu.dma_semaphore, #tpu.memory_space<semaphore_mem>>)
    %add3A_308 = arith.constant 128 : i32
    %add3A_309 = arith.addi %add3A_308, %add3A_210 : i32
    %dma_start3A_310 = arith.constant 5760 : i32
    %dma_start3A_311 = tpu.memref_slice %arg9[%dma_start3A_310] : memref<40704xf32, #tpu.memory_space<vmem>> -> memref<6144xf32, #tpu.memory_space<vmem>>
    %dma_start3A_312 = arith.constant 0 : i32
    %dma_start3A_313 = tpu.memref_slice %arg4[%add3A_309, %dma_start3A_312] : memref<896x6144xf32, #tpu.memory_space<hbm>> -> memref<1x6144xf32, #tpu.memory_space<hbm>>
    %dma_start3A_314 = tpu.memref_squeeze %dma_start3A_313 : memref<1x6144xf32, #tpu.memory_space<hbm>> -> memref<6144xf32, #tpu.memory_space<hbm>>
    %dma_start3A_315 = arith.constant 0 : i32
    %dma_start3A_316 = tpu.memref_slice %arg4[%add3A_309, %dma_start3A_315] : memref<896x6144xf32, #tpu.memory_space<hbm>> -> memref<1x6144xf32, #tpu.memory_space<hbm>>
    %dma_start3A_317 = tpu.memref_squeeze %dma_start3A_316 : memref<1x6144xf32, #tpu.memory_space<hbm>> -> memref<6144xf32, #tpu.memory_space<hbm>>
    %dma_start3A_318 = arith.constant 5760 : i32
    %dma_start3A_319 = tpu.memref_slice %arg9[%dma_start3A_318] : memref<40704xf32, #tpu.memory_space<vmem>> -> memref<6144xf32, #tpu.memory_space<vmem>>
    tpu.enqueue_dma source(%dma_start3A_319 : memref<6144xf32, #tpu.memory_space<vmem>>) target(%dma_start3A_317 : memref<6144xf32, #tpu.memory_space<hbm>>) target_semaphore(%arg11 : memref<!tpu.dma_semaphore, #tpu.memory_space<semaphore_mem>>)
    %add3A_320 = arith.constant 256 : i32
    %add3A_321 = arith.addi %add3A_320, %add3A_210 : i32
    %dma_start3A_322 = arith.constant 11520 : i32
    %dma_start3A_323 = tpu.memref_slice %arg9[%dma_start3A_322] : memref<40704xf32, #tpu.memory_space<vmem>> -> memref<6144xf32, #tpu.memory_space<vmem>>
    %dma_start3A_324 = arith.constant 0 : i32
    %dma_start3A_325 = tpu.memref_slice %arg4[%add3A_321, %dma_start3A_324] : memref<896x6144xf32, #tpu.memory_space<hbm>> -> memref<1x6144xf32, #tpu.memory_space<hbm>>
    %dma_start3A_326 = tpu.memref_squeeze %dma_start3A_325 : memref<1x6144xf32, #tpu.memory_space<hbm>> -> memref<6144xf32, #tpu.memory_space<hbm>>
    %dma_start3A_327 = arith.constant 0 : i32
    %dma_start3A_328 = tpu.memref_slice %arg4[%add3A_321, %dma_start3A_327] : memref<896x6144xf32, #tpu.memory_space<hbm>> -> memref<1x6144xf32, #tpu.memory_space<hbm>>
    %dma_start3A_329 = tpu.memref_squeeze %dma_start3A_328 : memref<1x6144xf32, #tpu.memory_space<hbm>> -> memref<6144xf32, #tpu.memory_space<hbm>>
    %dma_start3A_330 = arith.constant 11520 : i32
    %dma_start3A_331 = tpu.memref_slice %arg9[%dma_start3A_330] : memref<40704xf32, #tpu.memory_space<vmem>> -> memref<6144xf32, #tpu.memory_space<vmem>>
    tpu.enqueue_dma source(%dma_start3A_331 : memref<6144xf32, #tpu.memory_space<vmem>>) target(%dma_start3A_329 : memref<6144xf32, #tpu.memory_space<hbm>>) target_semaphore(%arg11 : memref<!tpu.dma_semaphore, #tpu.memory_space<semaphore_mem>>)
    %add3A_332 = arith.constant 384 : i32
    %add3A_333 = arith.addi %add3A_332, %add3A_210 : i32
    %dma_start3A_334 = arith.constant 17280 : i32
    %dma_start3A_335 = tpu.memref_slice %arg9[%dma_start3A_334] : memref<40704xf32, #tpu.memory_space<vmem>> -> memref<6144xf32, #tpu.memory_space<vmem>>
    %dma_start3A_336 = arith.constant 0 : i32
    %dma_start3A_337 = tpu.memref_slice %arg4[%add3A_333, %dma_start3A_336] : memref<896x6144xf32, #tpu.memory_space<hbm>> -> memref<1x6144xf32, #tpu.memory_space<hbm>>
    %dma_start3A_338 = tpu.memref_squeeze %dma_start3A_337 : memref<1x6144xf32, #tpu.memory_space<hbm>> -> memref<6144xf32, #tpu.memory_space<hbm>>
    %dma_start3A_339 = arith.constant 0 : i32
    %dma_start3A_340 = tpu.memref_slice %arg4[%add3A_333, %dma_start3A_339] : memref<896x6144xf32, #tpu.memory_space<hbm>> -> memref<1x6144xf32, #tpu.memory_space<hbm>>
    %dma_start3A_341 = tpu.memref_squeeze %dma_start3A_340 : memref<1x6144xf32, #tpu.memory_space<hbm>> -> memref<6144xf32, #tpu.memory_space<hbm>>
    %dma_start3A_342 = arith.constant 17280 : i32
    %dma_start3A_343 = tpu.memref_slice %arg9[%dma_start3A_342] : memref<40704xf32, #tpu.memory_space<vmem>> -> memref<6144xf32, #tpu.memory_space<vmem>>
    tpu.enqueue_dma source(%dma_start3A_343 : memref<6144xf32, #tpu.memory_space<vmem>>) target(%dma_start3A_341 : memref<6144xf32, #tpu.memory_space<hbm>>) target_semaphore(%arg11 : memref<!tpu.dma_semaphore, #tpu.memory_space<semaphore_mem>>)
    %add3A_344 = arith.constant 512 : i32
    %add3A_345 = arith.addi %add3A_344, %add3A_210 : i32
    %dma_start3A_346 = arith.constant 23040 : i32
    %dma_start3A_347 = tpu.memref_slice %arg9[%dma_start3A_346] : memref<40704xf32, #tpu.memory_space<vmem>> -> memref<6144xf32, #tpu.memory_space<vmem>>
    %dma_start3A_348 = arith.constant 0 : i32
    %dma_start3A_349 = tpu.memref_slice %arg4[%add3A_345, %dma_start3A_348] : memref<896x6144xf32, #tpu.memory_space<hbm>> -> memref<1x6144xf32, #tpu.memory_space<hbm>>
    %dma_start3A_350 = tpu.memref_squeeze %dma_start3A_349 : memref<1x6144xf32, #tpu.memory_space<hbm>> -> memref<6144xf32, #tpu.memory_space<hbm>>
    %dma_start3A_351 = arith.constant 0 : i32
    %dma_start3A_352 = tpu.memref_slice %arg4[%add3A_345, %dma_start3A_351] : memref<896x6144xf32, #tpu.memory_space<hbm>> -> memref<1x6144xf32, #tpu.memory_space<hbm>>
    %dma_start3A_353 = tpu.memref_squeeze %dma_start3A_352 : memref<1x6144xf32, #tpu.memory_space<hbm>> -> memref<6144xf32, #tpu.memory_space<hbm>>
    %dma_start3A_354 = arith.constant 23040 : i32
    %dma_start3A_355 = tpu.memref_slice %arg9[%dma_start3A_354] : memref<40704xf32, #tpu.memory_space<vmem>> -> memref<6144xf32, #tpu.memory_space<vmem>>
    tpu.enqueue_dma source(%dma_start3A_355 : memref<6144xf32, #tpu.memory_space<vmem>>) target(%dma_start3A_353 : memref<6144xf32, #tpu.memory_space<hbm>>) target_semaphore(%arg11 : memref<!tpu.dma_semaphore, #tpu.memory_space<semaphore_mem>>)
    %add3A_356 = arith.constant 640 : i32
    %add3A_357 = arith.addi %add3A_356, %add3A_210 : i32
    %dma_start3A_358 = arith.constant 28800 : i32
    %dma_start3A_359 = tpu.memref_slice %arg9[%dma_start3A_358] : memref<40704xf32, #tpu.memory_space<vmem>> -> memref<6144xf32, #tpu.memory_space<vmem>>
    %dma_start3A_360 = arith.constant 0 : i32
    %dma_start3A_361 = tpu.memref_slice %arg4[%add3A_357, %dma_start3A_360] : memref<896x6144xf32, #tpu.memory_space<hbm>> -> memref<1x6144xf32, #tpu.memory_space<hbm>>
    %dma_start3A_362 = tpu.memref_squeeze %dma_start3A_361 : memref<1x6144xf32, #tpu.memory_space<hbm>> -> memref<6144xf32, #tpu.memory_space<hbm>>
    %dma_start3A_363 = arith.constant 0 : i32
    %dma_start3A_364 = tpu.memref_slice %arg4[%add3A_357, %dma_start3A_363] : memref<896x6144xf32, #tpu.memory_space<hbm>> -> memref<1x6144xf32, #tpu.memory_space<hbm>>
    %dma_start3A_365 = tpu.memref_squeeze %dma_start3A_364 : memref<1x6144xf32, #tpu.memory_space<hbm>> -> memref<6144xf32, #tpu.memory_space<hbm>>
    %dma_start3A_366 = arith.constant 28800 : i32
    %dma_start3A_367 = tpu.memref_slice %arg9[%dma_start3A_366] : memref<40704xf32, #tpu.memory_space<vmem>> -> memref<6144xf32, #tpu.memory_space<vmem>>
    tpu.enqueue_dma source(%dma_start3A_367 : memref<6144xf32, #tpu.memory_space<vmem>>) target(%dma_start3A_365 : memref<6144xf32, #tpu.memory_space<hbm>>) target_semaphore(%arg11 : memref<!tpu.dma_semaphore, #tpu.memory_space<semaphore_mem>>)
    %add3A_368 = arith.constant 768 : i32
    %add3A_369 = arith.addi %add3A_368, %add3A_210 : i32
    %dma_start3A_370 = arith.constant 34560 : i32
    %dma_start3A_371 = tpu.memref_slice %arg9[%dma_start3A_370] : memref<40704xf32, #tpu.memory_space<vmem>> -> memref<6144xf32, #tpu.memory_space<vmem>>
    %dma_start3A_372 = arith.constant 0 : i32
    %dma_start3A_373 = tpu.memref_slice %arg4[%add3A_369, %dma_start3A_372] : memref<896x6144xf32, #tpu.memory_space<hbm>> -> memref<1x6144xf32, #tpu.memory_space<hbm>>
    %dma_start3A_374 = tpu.memref_squeeze %dma_start3A_373 : memref<1x6144xf32, #tpu.memory_space<hbm>> -> memref<6144xf32, #tpu.memory_space<hbm>>
    %dma_start3A_375 = arith.constant 0 : i32
    %dma_start3A_376 = tpu.memref_slice %arg4[%add3A_369, %dma_start3A_375] : memref<896x6144xf32, #tpu.memory_space<hbm>> -> memref<1x6144xf32, #tpu.memory_space<hbm>>
    %dma_start3A_377 = tpu.memref_squeeze %dma_start3A_376 : memref<1x6144xf32, #tpu.memory_space<hbm>> -> memref<6144xf32, #tpu.memory_space<hbm>>
    %dma_start3A_378 = arith.constant 34560 : i32
    %dma_start3A_379 = tpu.memref_slice %arg9[%dma_start3A_378] : memref<40704xf32, #tpu.memory_space<vmem>> -> memref<6144xf32, #tpu.memory_space<vmem>>
    tpu.enqueue_dma source(%dma_start3A_379 : memref<6144xf32, #tpu.memory_space<vmem>>) target(%dma_start3A_377 : memref<6144xf32, #tpu.memory_space<hbm>>) target_semaphore(%arg11 : memref<!tpu.dma_semaphore, #tpu.memory_space<semaphore_mem>>)
    %mul3A_380 = arith.constant 4 : i32
    %mul3A_381 = arith.muli %add3A, %mul3A_380 : i32
    %add3A_382 = arith.constant 3 : i32
    %add3A_383 = arith.addi %mul3A_381, %add3A_382 : i32
    %add3A_384 = arith.constant 0 : i32
    %add3A_385 = arith.addi %add3A_384, %add3A_383 : i32
    %run_scoped3A_386 = arith.constant 0 : i32
    "tpu.region"() ({
      %run_scoped3A_694 = tpu.sem_alloc : memref<!tpu.dma_semaphore, #tpu.memory_space<semaphore_mem>>
      %dma_start3A_695 = arith.constant 0 : i32
      %dma_start3A_696 = tpu.memref_slice %arg2[%add3A_385, %run_scoped3A_386, %dma_start3A_695] : memref<256x1x4096xi32, #tpu.memory_space<hbm>> -> memref<1x1x4096xi32, #tpu.memory_space<hbm>>
      %dma_start3A_697 = tpu.memref_squeeze %dma_start3A_696 : memref<1x1x4096xi32, #tpu.memory_space<hbm>> -> memref<4096xi32, #tpu.memory_space<hbm>>
      %dma_start3A_698 = arith.constant 0 : i32
      %dma_start3A_699 = tpu.memref_slice %arg2[%add3A_385, %run_scoped3A_386, %dma_start3A_698] : memref<256x1x4096xi32, #tpu.memory_space<hbm>> -> memref<1x1x4096xi32, #tpu.memory_space<hbm>>
      %dma_start3A_700 = tpu.memref_squeeze %dma_start3A_699 : memref<1x1x4096xi32, #tpu.memory_space<hbm>> -> memref<4096xi32, #tpu.memory_space<hbm>>
      tpu.enqueue_dma source(%dma_start3A_700 : memref<4096xi32, #tpu.memory_space<hbm>>) target(%arg5 : memref<4096xi32, #tpu.memory_space<vmem>>) target_semaphore(%run_scoped3A_694 : memref<!tpu.dma_semaphore, #tpu.memory_space<semaphore_mem>>)
      %dma_wait3A_701 = arith.constant 0 : i32
      %dma_wait3A_702 = tpu.memref_slice %arg2[%add3A_385, %run_scoped3A_386, %dma_wait3A_701] : memref<256x1x4096xi32, #tpu.memory_space<hbm>> -> memref<1x1x4096xi32, #tpu.memory_space<hbm>>
      %dma_wait3A_703 = tpu.memref_squeeze %dma_wait3A_702 : memref<1x1x4096xi32, #tpu.memory_space<hbm>> -> memref<4096xi32, #tpu.memory_space<hbm>>
      %dma_wait3A_704 = arith.constant 0 : i32
      %dma_wait3A_705 = tpu.memref_slice %arg2[%add3A_385, %run_scoped3A_386, %dma_wait3A_704] : memref<256x1x4096xi32, #tpu.memory_space<hbm>> -> memref<1x1x4096xi32, #tpu.memory_space<hbm>>
      %dma_wait3A_706 = tpu.memref_squeeze %dma_wait3A_705 : memref<1x1x4096xi32, #tpu.memory_space<hbm>> -> memref<4096xi32, #tpu.memory_space<hbm>>
      tpu.wait_dma2 semaphore(%run_scoped3A_694 : memref<!tpu.dma_semaphore, #tpu.memory_space<semaphore_mem>>) src(%dma_wait3A_706 : memref<4096xi32, #tpu.memory_space<hbm>>) dst(%arg5 : memref<4096xi32, #tpu.memory_space<vmem>>)
      tpu.yield
    }) : () -> ()
    %add3A_387 = arith.constant 0 : i32
    %add3A_388 = arith.addi %add3A_387, %add3A_383 : i32
    %run_scoped3A_389 = arith.constant 0 : i32
    "tpu.region"() ({
      %run_scoped3A_694 = tpu.sem_alloc : memref<!tpu.dma_semaphore, #tpu.memory_space<semaphore_mem>>
      %dma_start3A_695 = arith.constant 0 : i32
      %dma_start3A_696 = tpu.memref_slice %arg3[%add3A_388, %run_scoped3A_389, %dma_start3A_695] : memref<256x1x4096xf32, #tpu.memory_space<hbm>> -> memref<1x1x4096xf32, #tpu.memory_space<hbm>>
      %dma_start3A_697 = tpu.memref_squeeze %dma_start3A_696 : memref<1x1x4096xf32, #tpu.memory_space<hbm>> -> memref<4096xf32, #tpu.memory_space<hbm>>
      %dma_start3A_698 = arith.constant 0 : i32
      %dma_start3A_699 = tpu.memref_slice %arg3[%add3A_388, %run_scoped3A_389, %dma_start3A_698] : memref<256x1x4096xf32, #tpu.memory_space<hbm>> -> memref<1x1x4096xf32, #tpu.memory_space<hbm>>
      %dma_start3A_700 = tpu.memref_squeeze %dma_start3A_699 : memref<1x1x4096xf32, #tpu.memory_space<hbm>> -> memref<4096xf32, #tpu.memory_space<hbm>>
      tpu.enqueue_dma source(%dma_start3A_700 : memref<4096xf32, #tpu.memory_space<hbm>>) target(%arg6 : memref<4096xf32, #tpu.memory_space<vmem>>) target_semaphore(%run_scoped3A_694 : memref<!tpu.dma_semaphore, #tpu.memory_space<semaphore_mem>>)
      %dma_wait3A_701 = arith.constant 0 : i32
      %dma_wait3A_702 = tpu.memref_slice %arg3[%add3A_388, %run_scoped3A_389, %dma_wait3A_701] : memref<256x1x4096xf32, #tpu.memory_space<hbm>> -> memref<1x1x4096xf32, #tpu.memory_space<hbm>>
      %dma_wait3A_703 = tpu.memref_squeeze %dma_wait3A_702 : memref<1x1x4096xf32, #tpu.memory_space<hbm>> -> memref<4096xf32, #tpu.memory_space<hbm>>
      %dma_wait3A_704 = arith.constant 0 : i32
      %dma_wait3A_705 = tpu.memref_slice %arg3[%add3A_388, %run_scoped3A_389, %dma_wait3A_704] : memref<256x1x4096xf32, #tpu.memory_space<hbm>> -> memref<1x1x4096xf32, #tpu.memory_space<hbm>>
      %dma_wait3A_706 = tpu.memref_squeeze %dma_wait3A_705 : memref<1x1x4096xf32, #tpu.memory_space<hbm>> -> memref<4096xf32, #tpu.memory_space<hbm>>
      tpu.wait_dma2 semaphore(%run_scoped3A_694 : memref<!tpu.dma_semaphore, #tpu.memory_space<semaphore_mem>>) src(%dma_wait3A_706 : memref<4096xf32, #tpu.memory_space<hbm>>) dst(%arg6 : memref<4096xf32, #tpu.memory_space<vmem>>)
      tpu.yield
    }) : () -> ()
    %dma_wait3A_390 = arith.constant 0 : i32
    %dma_wait3A_391 = tpu.memref_slice %arg10[%dma_wait3A_390] : memref<40704xf32, #tpu.memory_space<vmem>> -> memref<6144xf32, #tpu.memory_space<vmem>>
    %dma_wait3A_392 = arith.constant 0 : i32
    %dma_wait3A_393 = tpu.memref_slice %arg4[%add3A_124, %dma_wait3A_392] : memref<896x6144xf32, #tpu.memory_space<hbm>> -> memref<1x6144xf32, #tpu.memory_space<hbm>>
    %dma_wait3A_394 = tpu.memref_squeeze %dma_wait3A_393 : memref<1x6144xf32, #tpu.memory_space<hbm>> -> memref<6144xf32, #tpu.memory_space<hbm>>
    %dma_wait3A_395 = arith.constant 0 : i32
    %dma_wait3A_396 = tpu.memref_slice %arg4[%add3A_124, %dma_wait3A_395] : memref<896x6144xf32, #tpu.memory_space<hbm>> -> memref<1x6144xf32, #tpu.memory_space<hbm>>
    %dma_wait3A_397 = tpu.memref_squeeze %dma_wait3A_396 : memref<1x6144xf32, #tpu.memory_space<hbm>> -> memref<6144xf32, #tpu.memory_space<hbm>>
    %dma_wait3A_398 = arith.constant 0 : i32
    %dma_wait3A_399 = tpu.memref_slice %arg10[%dma_wait3A_398] : memref<40704xf32, #tpu.memory_space<vmem>> -> memref<6144xf32, #tpu.memory_space<vmem>>
    tpu.wait_dma2 semaphore(%arg12 : memref<!tpu.dma_semaphore, #tpu.memory_space<semaphore_mem>>) src(%dma_wait3A_399 : memref<6144xf32, #tpu.memory_space<vmem>>) dst(%dma_wait3A_397 : memref<6144xf32, #tpu.memory_space<hbm>>)
    %dma_wait3A_400 = arith.constant 5760 : i32
    %dma_wait3A_401 = tpu.memref_slice %arg10[%dma_wait3A_400] : memref<40704xf32, #tpu.memory_space<vmem>> -> memref<6144xf32, #tpu.memory_space<vmem>>
    %dma_wait3A_402 = arith.constant 0 : i32
    %dma_wait3A_403 = tpu.memref_slice %arg4[%add3A_136, %dma_wait3A_402] : memref<896x6144xf32, #tpu.memory_space<hbm>> -> memref<1x6144xf32, #tpu.memory_space<hbm>>
    %dma_wait3A_404 = tpu.memref_squeeze %dma_wait3A_403 : memref<1x6144xf32, #tpu.memory_space<hbm>> -> memref<6144xf32, #tpu.memory_space<hbm>>
    %dma_wait3A_405 = arith.constant 0 : i32
    %dma_wait3A_406 = tpu.memref_slice %arg4[%add3A_136, %dma_wait3A_405] : memref<896x6144xf32, #tpu.memory_space<hbm>> -> memref<1x6144xf32, #tpu.memory_space<hbm>>
    %dma_wait3A_407 = tpu.memref_squeeze %dma_wait3A_406 : memref<1x6144xf32, #tpu.memory_space<hbm>> -> memref<6144xf32, #tpu.memory_space<hbm>>
    %dma_wait3A_408 = arith.constant 5760 : i32
    %dma_wait3A_409 = tpu.memref_slice %arg10[%dma_wait3A_408] : memref<40704xf32, #tpu.memory_space<vmem>> -> memref<6144xf32, #tpu.memory_space<vmem>>
    tpu.wait_dma2 semaphore(%arg12 : memref<!tpu.dma_semaphore, #tpu.memory_space<semaphore_mem>>) src(%dma_wait3A_409 : memref<6144xf32, #tpu.memory_space<vmem>>) dst(%dma_wait3A_407 : memref<6144xf32, #tpu.memory_space<hbm>>)
    %dma_wait3A_410 = arith.constant 11520 : i32
    %dma_wait3A_411 = tpu.memref_slice %arg10[%dma_wait3A_410] : memref<40704xf32, #tpu.memory_space<vmem>> -> memref<6144xf32, #tpu.memory_space<vmem>>
    %dma_wait3A_412 = arith.constant 0 : i32
    %dma_wait3A_413 = tpu.memref_slice %arg4[%add3A_148, %dma_wait3A_412] : memref<896x6144xf32, #tpu.memory_space<hbm>> -> memref<1x6144xf32, #tpu.memory_space<hbm>>
    %dma_wait3A_414 = tpu.memref_squeeze %dma_wait3A_413 : memref<1x6144xf32, #tpu.memory_space<hbm>> -> memref<6144xf32, #tpu.memory_space<hbm>>
    %dma_wait3A_415 = arith.constant 0 : i32
    %dma_wait3A_416 = tpu.memref_slice %arg4[%add3A_148, %dma_wait3A_415] : memref<896x6144xf32, #tpu.memory_space<hbm>> -> memref<1x6144xf32, #tpu.memory_space<hbm>>
    %dma_wait3A_417 = tpu.memref_squeeze %dma_wait3A_416 : memref<1x6144xf32, #tpu.memory_space<hbm>> -> memref<6144xf32, #tpu.memory_space<hbm>>
    %dma_wait3A_418 = arith.constant 11520 : i32
    %dma_wait3A_419 = tpu.memref_slice %arg10[%dma_wait3A_418] : memref<40704xf32, #tpu.memory_space<vmem>> -> memref<6144xf32, #tpu.memory_space<vmem>>
    tpu.wait_dma2 semaphore(%arg12 : memref<!tpu.dma_semaphore, #tpu.memory_space<semaphore_mem>>) src(%dma_wait3A_419 : memref<6144xf32, #tpu.memory_space<vmem>>) dst(%dma_wait3A_417 : memref<6144xf32, #tpu.memory_space<hbm>>)
    %dma_wait3A_420 = arith.constant 17280 : i32
    %dma_wait3A_421 = tpu.memref_slice %arg10[%dma_wait3A_420] : memref<40704xf32, #tpu.memory_space<vmem>> -> memref<6144xf32, #tpu.memory_space<vmem>>
    %dma_wait3A_422 = arith.constant 0 : i32
    %dma_wait3A_423 = tpu.memref_slice %arg4[%add3A_160, %dma_wait3A_422] : memref<896x6144xf32, #tpu.memory_space<hbm>> -> memref<1x6144xf32, #tpu.memory_space<hbm>>
    %dma_wait3A_424 = tpu.memref_squeeze %dma_wait3A_423 : memref<1x6144xf32, #tpu.memory_space<hbm>> -> memref<6144xf32, #tpu.memory_space<hbm>>
    %dma_wait3A_425 = arith.constant 0 : i32
    %dma_wait3A_426 = tpu.memref_slice %arg4[%add3A_160, %dma_wait3A_425] : memref<896x6144xf32, #tpu.memory_space<hbm>> -> memref<1x6144xf32, #tpu.memory_space<hbm>>
    %dma_wait3A_427 = tpu.memref_squeeze %dma_wait3A_426 : memref<1x6144xf32, #tpu.memory_space<hbm>> -> memref<6144xf32, #tpu.memory_space<hbm>>
    %dma_wait3A_428 = arith.constant 17280 : i32
    %dma_wait3A_429 = tpu.memref_slice %arg10[%dma_wait3A_428] : memref<40704xf32, #tpu.memory_space<vmem>> -> memref<6144xf32, #tpu.memory_space<vmem>>
    tpu.wait_dma2 semaphore(%arg12 : memref<!tpu.dma_semaphore, #tpu.memory_space<semaphore_mem>>) src(%dma_wait3A_429 : memref<6144xf32, #tpu.memory_space<vmem>>) dst(%dma_wait3A_427 : memref<6144xf32, #tpu.memory_space<hbm>>)
    %dma_wait3A_430 = arith.constant 23040 : i32
    %dma_wait3A_431 = tpu.memref_slice %arg10[%dma_wait3A_430] : memref<40704xf32, #tpu.memory_space<vmem>> -> memref<6144xf32, #tpu.memory_space<vmem>>
    %dma_wait3A_432 = arith.constant 0 : i32
    %dma_wait3A_433 = tpu.memref_slice %arg4[%add3A_172, %dma_wait3A_432] : memref<896x6144xf32, #tpu.memory_space<hbm>> -> memref<1x6144xf32, #tpu.memory_space<hbm>>
    %dma_wait3A_434 = tpu.memref_squeeze %dma_wait3A_433 : memref<1x6144xf32, #tpu.memory_space<hbm>> -> memref<6144xf32, #tpu.memory_space<hbm>>
    %dma_wait3A_435 = arith.constant 0 : i32
    %dma_wait3A_436 = tpu.memref_slice %arg4[%add3A_172, %dma_wait3A_435] : memref<896x6144xf32, #tpu.memory_space<hbm>> -> memref<1x6144xf32, #tpu.memory_space<hbm>>
    %dma_wait3A_437 = tpu.memref_squeeze %dma_wait3A_436 : memref<1x6144xf32, #tpu.memory_space<hbm>> -> memref<6144xf32, #tpu.memory_space<hbm>>
    %dma_wait3A_438 = arith.constant 23040 : i32
    %dma_wait3A_439 = tpu.memref_slice %arg10[%dma_wait3A_438] : memref<40704xf32, #tpu.memory_space<vmem>> -> memref<6144xf32, #tpu.memory_space<vmem>>
    tpu.wait_dma2 semaphore(%arg12 : memref<!tpu.dma_semaphore, #tpu.memory_space<semaphore_mem>>) src(%dma_wait3A_439 : memref<6144xf32, #tpu.memory_space<vmem>>) dst(%dma_wait3A_437 : memref<6144xf32, #tpu.memory_space<hbm>>)
    %dma_wait3A_440 = arith.constant 28800 : i32
    %dma_wait3A_441 = tpu.memref_slice %arg10[%dma_wait3A_440] : memref<40704xf32, #tpu.memory_space<vmem>> -> memref<6144xf32, #tpu.memory_space<vmem>>
    %dma_wait3A_442 = arith.constant 0 : i32
    %dma_wait3A_443 = tpu.memref_slice %arg4[%add3A_184, %dma_wait3A_442] : memref<896x6144xf32, #tpu.memory_space<hbm>> -> memref<1x6144xf32, #tpu.memory_space<hbm>>
    %dma_wait3A_444 = tpu.memref_squeeze %dma_wait3A_443 : memref<1x6144xf32, #tpu.memory_space<hbm>> -> memref<6144xf32, #tpu.memory_space<hbm>>
    %dma_wait3A_445 = arith.constant 0 : i32
    %dma_wait3A_446 = tpu.memref_slice %arg4[%add3A_184, %dma_wait3A_445] : memref<896x6144xf32, #tpu.memory_space<hbm>> -> memref<1x6144xf32, #tpu.memory_space<hbm>>
    %dma_wait3A_447 = tpu.memref_squeeze %dma_wait3A_446 : memref<1x6144xf32, #tpu.memory_space<hbm>> -> memref<6144xf32, #tpu.memory_space<hbm>>
    %dma_wait3A_448 = arith.constant 28800 : i32
    %dma_wait3A_449 = tpu.memref_slice %arg10[%dma_wait3A_448] : memref<40704xf32, #tpu.memory_space<vmem>> -> memref<6144xf32, #tpu.memory_space<vmem>>
    tpu.wait_dma2 semaphore(%arg12 : memref<!tpu.dma_semaphore, #tpu.memory_space<semaphore_mem>>) src(%dma_wait3A_449 : memref<6144xf32, #tpu.memory_space<vmem>>) dst(%dma_wait3A_447 : memref<6144xf32, #tpu.memory_space<hbm>>)
    %dma_wait3A_450 = arith.constant 34560 : i32
    %dma_wait3A_451 = tpu.memref_slice %arg10[%dma_wait3A_450] : memref<40704xf32, #tpu.memory_space<vmem>> -> memref<6144xf32, #tpu.memory_space<vmem>>
    %dma_wait3A_452 = arith.constant 0 : i32
    %dma_wait3A_453 = tpu.memref_slice %arg4[%add3A_196, %dma_wait3A_452] : memref<896x6144xf32, #tpu.memory_space<hbm>> -> memref<1x6144xf32, #tpu.memory_space<hbm>>
    %dma_wait3A_454 = tpu.memref_squeeze %dma_wait3A_453 : memref<1x6144xf32, #tpu.memory_space<hbm>> -> memref<6144xf32, #tpu.memory_space<hbm>>
    %dma_wait3A_455 = arith.constant 0 : i32
    %dma_wait3A_456 = tpu.memref_slice %arg4[%add3A_196, %dma_wait3A_455] : memref<896x6144xf32, #tpu.memory_space<hbm>> -> memref<1x6144xf32, #tpu.memory_space<hbm>>
    %dma_wait3A_457 = tpu.memref_squeeze %dma_wait3A_456 : memref<1x6144xf32, #tpu.memory_space<hbm>> -> memref<6144xf32, #tpu.memory_space<hbm>>
    %dma_wait3A_458 = arith.constant 34560 : i32
    %dma_wait3A_459 = tpu.memref_slice %arg10[%dma_wait3A_458] : memref<40704xf32, #tpu.memory_space<vmem>> -> memref<6144xf32, #tpu.memory_space<vmem>>
    tpu.wait_dma2 semaphore(%arg12 : memref<!tpu.dma_semaphore, #tpu.memory_space<semaphore_mem>>) src(%dma_wait3A_459 : memref<6144xf32, #tpu.memory_space<vmem>>) dst(%dma_wait3A_457 : memref<6144xf32, #tpu.memory_space<hbm>>)
    %scan3A_460 = arith.constant 0 : i32
    %scan3A_461 = arith.constant 256 : i32
    %scan3A_462 = arith.addi %scan3A_460, %scan3A_461 : i32
    %scan3A_463 = arith.constant 4 : i32
    scf.for %scan3A_694 = %scan3A_460 to %scan3A_462 step %scan3A_463  : i32 {
      %mul3A_695 = arith.constant 1 : i32
      %mul3A_696 = arith.muli %scan3A_694, %mul3A_695 : i32
      %add3A_697 = arith.constant 0 : i32
      %add3A_698 = arith.addi %add3A_697, %mul3A_696 : i32
      %mul3A_699 = arith.constant 16 : i32
      %mul3A_700 = arith.muli %add3A_698, %mul3A_699 : i32
      %get3A = arith.index_cast %mul3A_700 : i32 to index
      %get3A_701 = tpu.vector_load %arg8[%get3A] {strides = array<i32>} : memref<4096xi32, #tpu.memory_space<vmem>>, vector<16xi32>,
      tpu.vector_store_idx %arg10[%get3A_701], %broadcast_in_dim3A_1 : memref<40704xf32, #tpu.memory_space<vmem>>[vector<16xi32>], vector<16xf32>,
      %scan3A_702 = arith.constant 1 : i32
      %scan3A_703 = arith.addi %scan3A_694, %scan3A_702 : i32
      %mul3A_704 = arith.constant 1 : i32
      %mul3A_705 = arith.muli %scan3A_703, %mul3A_704 : i32
      %add3A_706 = arith.constant 0 : i32
      %add3A_707 = arith.addi %add3A_706, %mul3A_705 : i32
      %mul3A_708 = arith.constant 16 : i32
      %mul3A_709 = arith.muli %add3A_707, %mul3A_708 : i32
      %get3A_710 = arith.index_cast %mul3A_709 : i32 to index
      %get3A_711 = tpu.vector_load %arg8[%get3A_710] {strides = array<i32>} : memref<4096xi32, #tpu.memory_space<vmem>>, vector<16xi32>,
      tpu.vector_store_idx %arg10[%get3A_711], %broadcast_in_dim3A_1 : memref<40704xf32, #tpu.memory_space<vmem>>[vector<16xi32>], vector<16xf32>,
      %scan3A_712 = arith.constant 2 : i32
      %scan3A_713 = arith.addi %scan3A_694, %scan3A_712 : i32
      %mul3A_714 = arith.constant 1 : i32
      %mul3A_715 = arith.muli %scan3A_713, %mul3A_714 : i32
      %add3A_716 = arith.constant 0 : i32
      %add3A_717 = arith.addi %add3A_716, %mul3A_715 : i32
      %mul3A_718 = arith.constant 16 : i32
      %mul3A_719 = arith.muli %add3A_717, %mul3A_718 : i32
      %get3A_720 = arith.index_cast %mul3A_719 : i32 to index
      %get3A_721 = tpu.vector_load %arg8[%get3A_720] {strides = array<i32>} : memref<4096xi32, #tpu.memory_space<vmem>>, vector<16xi32>,
      tpu.vector_store_idx %arg10[%get3A_721], %broadcast_in_dim3A_1 : memref<40704xf32, #tpu.memory_space<vmem>>[vector<16xi32>], vector<16xf32>,
      %scan3A_722 = arith.constant 3 : i32
      %scan3A_723 = arith.addi %scan3A_694, %scan3A_722 : i32
      %mul3A_724 = arith.constant 1 : i32
      %mul3A_725 = arith.muli %scan3A_723, %mul3A_724 : i32
      %add3A_726 = arith.constant 0 : i32
      %add3A_727 = arith.addi %add3A_726, %mul3A_725 : i32
      %mul3A_728 = arith.constant 16 : i32
      %mul3A_729 = arith.muli %add3A_727, %mul3A_728 : i32
      %get3A_730 = arith.index_cast %mul3A_729 : i32 to index
      %get3A_731 = tpu.vector_load %arg8[%get3A_730] {strides = array<i32>} : memref<4096xi32, #tpu.memory_space<vmem>>, vector<16xi32>,
      tpu.vector_store_idx %arg10[%get3A_731], %broadcast_in_dim3A_1 : memref<40704xf32, #tpu.memory_space<vmem>>[vector<16xi32>], vector<16xf32>,
    }
    %scan3A_464 = arith.constant 256 : i32
    %scan3A_465 = arith.constant 0 : i32
    %scan3A_466 = arith.constant 256 : i32
    %scan3A_467 = arith.addi %scan3A_465, %scan3A_466 : i32
    %scan3A_468 = arith.constant 4 : i32
    scf.for %scan3A_694 = %scan3A_465 to %scan3A_467 step %scan3A_468  : i32 {
      %mul3A_695 = arith.constant 1 : i32
      %mul3A_696 = arith.muli %scan3A_694, %mul3A_695 : i32
      %add3A_697 = arith.constant 0 : i32
      %add3A_698 = arith.addi %add3A_697, %mul3A_696 : i32
      %mul3A_699 = arith.constant 16 : i32
      %mul3A_700 = arith.muli %add3A_698, %mul3A_699 : i32
      %get3A = arith.index_cast %mul3A_700 : i32 to index
      %get3A_701 = tpu.vector_load %arg5[%get3A] {strides = array<i32>} : memref<4096xi32, #tpu.memory_space<vmem>>, vector<16xi32>,
      %mul3A_702 = arith.constant 16 : i32
      %mul3A_703 = arith.muli %add3A_698, %mul3A_702 : i32
      %get3A_704 = arith.index_cast %mul3A_703 : i32 to index
      %get3A_705 = tpu.vector_load %arg6[%get3A_704] {strides = array<i32>} : memref<4096xf32, #tpu.memory_space<vmem>>, vector<16xf32>,
      %mul3A_706 = arith.constant 26215 : i32
      %mul3A_707 = vector.broadcast %mul3A_706 : i32 to vector<16xi32>
      %mul3A_708 = arith.muli %get3A_701, %mul3A_707 : vector<16xi32>
      %shift_right_arithmetic3A = arith.constant 22 : i32
      %shift_right_arithmetic3A_709 = vector.broadcast %shift_right_arithmetic3A : i32 to vector<16xi32>
      %shift_right_arithmetic3A_710 = arith.shrsi %mul3A_708, %shift_right_arithmetic3A_709 : vector<16xi32>
      %mul3A_711 = arith.constant 32 : i32
      %mul3A_712 = vector.broadcast %mul3A_711 : i32 to vector<16xi32>
      %mul3A_713 = arith.muli %shift_right_arithmetic3A_710, %mul3A_712 : vector<16xi32>
      %add3A_714 = arith.addi %get3A_701, %mul3A_713 : vector<16xi32>
      %add3A_715 = arith.constant 193 : i32
      %add3A_716 = vector.broadcast %add3A_715 : i32 to vector<16xi32>
      %add3A_717 = arith.addi %add3A_714, %add3A_716 : vector<16xi32>
      %mul3A_718 = arith.constant 16 : i32
      %mul3A_719 = arith.muli %add3A_698, %mul3A_718 : i32
      %swap3A = arith.index_cast %mul3A_719 : i32 to index
      %swap3A_720 = tpu.vector_load %arg8[%swap3A] {strides = array<i32>} : memref<4096xi32, #tpu.memory_space<vmem>>, vector<16xi32>,
      tpu.vector_store %arg8[%swap3A], %add3A_717 {strides = array<i32>} : memref<4096xi32, #tpu.memory_space<vmem>>, vector<16xi32>,
      tpu.vector_store_idx %arg10[%add3A_717], %get3A_705 : memref<40704xf32, #tpu.memory_space<vmem>>[vector<16xi32>], vector<16xf32>,
      %scan3A_721 = arith.constant 1 : i32
      %scan3A_722 = arith.addi %scan3A_694, %scan3A_721 : i32
      %mul3A_723 = arith.constant 1 : i32
      %mul3A_724 = arith.muli %scan3A_722, %mul3A_723 : i32
      %add3A_725 = arith.constant 0 : i32
      %add3A_726 = arith.addi %add3A_725, %mul3A_724 : i32
      %mul3A_727 = arith.constant 16 : i32
      %mul3A_728 = arith.muli %add3A_726, %mul3A_727 : i32
      %get3A_729 = arith.index_cast %mul3A_728 : i32 to index
      %get3A_730 = tpu.vector_load %arg5[%get3A_729] {strides = array<i32>} : memref<4096xi32, #tpu.memory_space<vmem>>, vector<16xi32>,
      %mul3A_731 = arith.constant 16 : i32
      %mul3A_732 = arith.muli %add3A_726, %mul3A_731 : i32
      %get3A_733 = arith.index_cast %mul3A_732 : i32 to index
      %get3A_734 = tpu.vector_load %arg6[%get3A_733] {strides = array<i32>} : memref<4096xf32, #tpu.memory_space<vmem>>, vector<16xf32>,
      %mul3A_735 = arith.constant 26215 : i32
      %mul3A_736 = vector.broadcast %mul3A_735 : i32 to vector<16xi32>
      %mul3A_737 = arith.muli %get3A_730, %mul3A_736 : vector<16xi32>
      %shift_right_arithmetic3A_738 = arith.constant 22 : i32
      %shift_right_arithmetic3A_739 = vector.broadcast %shift_right_arithmetic3A_738 : i32 to vector<16xi32>
      %shift_right_arithmetic3A_740 = arith.shrsi %mul3A_737, %shift_right_arithmetic3A_739 : vector<16xi32>
      %mul3A_741 = arith.constant 32 : i32
      %mul3A_742 = vector.broadcast %mul3A_741 : i32 to vector<16xi32>
      %mul3A_743 = arith.muli %shift_right_arithmetic3A_740, %mul3A_742 : vector<16xi32>
      %add3A_744 = arith.addi %get3A_730, %mul3A_743 : vector<16xi32>
      %add3A_745 = arith.constant 193 : i32
      %add3A_746 = vector.broadcast %add3A_745 : i32 to vector<16xi32>
      %add3A_747 = arith.addi %add3A_744, %add3A_746 : vector<16xi32>
      %mul3A_748 = arith.constant 16 : i32
      %mul3A_749 = arith.muli %add3A_726, %mul3A_748 : i32
      %swap3A_750 = arith.index_cast %mul3A_749 : i32 to index
      %swap3A_751 = tpu.vector_load %arg8[%swap3A_750] {strides = array<i32>} : memref<4096xi32, #tpu.memory_space<vmem>>, vector<16xi32>,
      tpu.vector_store %arg8[%swap3A_750], %add3A_747 {strides = array<i32>} : memref<4096xi32, #tpu.memory_space<vmem>>, vector<16xi32>,
      tpu.vector_store_idx %arg10[%add3A_747], %get3A_734 : memref<40704xf32, #tpu.memory_space<vmem>>[vector<16xi32>], vector<16xf32>,
      %scan3A_752 = arith.constant 2 : i32
      %scan3A_753 = arith.addi %scan3A_694, %scan3A_752 : i32
      %mul3A_754 = arith.constant 1 : i32
      %mul3A_755 = arith.muli %scan3A_753, %mul3A_754 : i32
      %add3A_756 = arith.constant 0 : i32
      %add3A_757 = arith.addi %add3A_756, %mul3A_755 : i32
      %mul3A_758 = arith.constant 16 : i32
      %mul3A_759 = arith.muli %add3A_757, %mul3A_758 : i32
      %get3A_760 = arith.index_cast %mul3A_759 : i32 to index
      %get3A_761 = tpu.vector_load %arg5[%get3A_760] {strides = array<i32>} : memref<4096xi32, #tpu.memory_space<vmem>>, vector<16xi32>,
      %mul3A_762 = arith.constant 16 : i32
      %mul3A_763 = arith.muli %add3A_757, %mul3A_762 : i32
      %get3A_764 = arith.index_cast %mul3A_763 : i32 to index
      %get3A_765 = tpu.vector_load %arg6[%get3A_764] {strides = array<i32>} : memref<4096xf32, #tpu.memory_space<vmem>>, vector<16xf32>,
      %mul3A_766 = arith.constant 26215 : i32
      %mul3A_767 = vector.broadcast %mul3A_766 : i32 to vector<16xi32>
      %mul3A_768 = arith.muli %get3A_761, %mul3A_767 : vector<16xi32>
      %shift_right_arithmetic3A_769 = arith.constant 22 : i32
      %shift_right_arithmetic3A_770 = vector.broadcast %shift_right_arithmetic3A_769 : i32 to vector<16xi32>
      %shift_right_arithmetic3A_771 = arith.shrsi %mul3A_768, %shift_right_arithmetic3A_770 : vector<16xi32>
      %mul3A_772 = arith.constant 32 : i32
      %mul3A_773 = vector.broadcast %mul3A_772 : i32 to vector<16xi32>
      %mul3A_774 = arith.muli %shift_right_arithmetic3A_771, %mul3A_773 : vector<16xi32>
      %add3A_775 = arith.addi %get3A_761, %mul3A_774 : vector<16xi32>
      %add3A_776 = arith.constant 193 : i32
      %add3A_777 = vector.broadcast %add3A_776 : i32 to vector<16xi32>
      %add3A_778 = arith.addi %add3A_775, %add3A_777 : vector<16xi32>
      %mul3A_779 = arith.constant 16 : i32
      %mul3A_780 = arith.muli %add3A_757, %mul3A_779 : i32
      %swap3A_781 = arith.index_cast %mul3A_780 : i32 to index
      %swap3A_782 = tpu.vector_load %arg8[%swap3A_781] {strides = array<i32>} : memref<4096xi32, #tpu.memory_space<vmem>>, vector<16xi32>,
      tpu.vector_store %arg8[%swap3A_781], %add3A_778 {strides = array<i32>} : memref<4096xi32, #tpu.memory_space<vmem>>, vector<16xi32>,
      tpu.vector_store_idx %arg10[%add3A_778], %get3A_765 : memref<40704xf32, #tpu.memory_space<vmem>>[vector<16xi32>], vector<16xf32>,
      %scan3A_783 = arith.constant 3 : i32
      %scan3A_784 = arith.addi %scan3A_694, %scan3A_783 : i32
      %mul3A_785 = arith.constant 1 : i32
      %mul3A_786 = arith.muli %scan3A_784, %mul3A_785 : i32
      %add3A_787 = arith.constant 0 : i32
      %add3A_788 = arith.addi %add3A_787, %mul3A_786 : i32
      %mul3A_789 = arith.constant 16 : i32
      %mul3A_790 = arith.muli %add3A_788, %mul3A_789 : i32
      %get3A_791 = arith.index_cast %mul3A_790 : i32 to index
      %get3A_792 = tpu.vector_load %arg5[%get3A_791] {strides = array<i32>} : memref<4096xi32, #tpu.memory_space<vmem>>, vector<16xi32>,
      %mul3A_793 = arith.constant 16 : i32
      %mul3A_794 = arith.muli %add3A_788, %mul3A_793 : i32
      %get3A_795 = arith.index_cast %mul3A_794 : i32 to index
      %get3A_796 = tpu.vector_load %arg6[%get3A_795] {strides = array<i32>} : memref<4096xf32, #tpu.memory_space<vmem>>, vector<16xf32>,
      %mul3A_797 = arith.constant 26215 : i32
      %mul3A_798 = vector.broadcast %mul3A_797 : i32 to vector<16xi32>
      %mul3A_799 = arith.muli %get3A_792, %mul3A_798 : vector<16xi32>
      %shift_right_arithmetic3A_800 = arith.constant 22 : i32
      %shift_right_arithmetic3A_801 = vector.broadcast %shift_right_arithmetic3A_800 : i32 to vector<16xi32>
      %shift_right_arithmetic3A_802 = arith.shrsi %mul3A_799, %shift_right_arithmetic3A_801 : vector<16xi32>
      %mul3A_803 = arith.constant 32 : i32
      %mul3A_804 = vector.broadcast %mul3A_803 : i32 to vector<16xi32>
      %mul3A_805 = arith.muli %shift_right_arithmetic3A_802, %mul3A_804 : vector<16xi32>
      %add3A_806 = arith.addi %get3A_792, %mul3A_805 : vector<16xi32>
      %add3A_807 = arith.constant 193 : i32
      %add3A_808 = vector.broadcast %add3A_807 : i32 to vector<16xi32>
      %add3A_809 = arith.addi %add3A_806, %add3A_808 : vector<16xi32>
      %mul3A_810 = arith.constant 16 : i32
      %mul3A_811 = arith.muli %add3A_788, %mul3A_810 : i32
      %swap3A_812 = arith.index_cast %mul3A_811 : i32 to index
      %swap3A_813 = tpu.vector_load %arg8[%swap3A_812] {strides = array<i32>} : memref<4096xi32, #tpu.memory_space<vmem>>, vector<16xi32>,
      tpu.vector_store %arg8[%swap3A_812], %add3A_809 {strides = array<i32>} : memref<4096xi32, #tpu.memory_space<vmem>>, vector<16xi32>,
      tpu.vector_store_idx %arg10[%add3A_809], %get3A_796 : memref<40704xf32, #tpu.memory_space<vmem>>[vector<16xi32>], vector<16xf32>,
    }
    %scan3A_469 = arith.constant 256 : i32
    %add3A_470 = arith.constant 0 : i32
    %add3A_471 = arith.addi %add3A_470, %add3A_383 : i32
    %dma_start3A_472 = arith.constant 0 : i32
    %dma_start3A_473 = tpu.memref_slice %arg10[%dma_start3A_472] : memref<40704xf32, #tpu.memory_space<vmem>> -> memref<6144xf32, #tpu.memory_space<vmem>>
    %dma_start3A_474 = arith.constant 0 : i32
    %dma_start3A_475 = tpu.memref_slice %arg4[%add3A_471, %dma_start3A_474] : memref<896x6144xf32, #tpu.memory_space<hbm>> -> memref<1x6144xf32, #tpu.memory_space<hbm>>
    %dma_start3A_476 = tpu.memref_squeeze %dma_start3A_475 : memref<1x6144xf32, #tpu.memory_space<hbm>> -> memref<6144xf32, #tpu.memory_space<hbm>>
    %dma_start3A_477 = arith.constant 0 : i32
    %dma_start3A_478 = tpu.memref_slice %arg4[%add3A_471, %dma_start3A_477] : memref<896x6144xf32, #tpu.memory_space<hbm>> -> memref<1x6144xf32, #tpu.memory_space<hbm>>
    %dma_start3A_479 = tpu.memref_squeeze %dma_start3A_478 : memref<1x6144xf32, #tpu.memory_space<hbm>> -> memref<6144xf32, #tpu.memory_space<hbm>>
    %dma_start3A_480 = arith.constant 0 : i32
    %dma_start3A_481 = tpu.memref_slice %arg10[%dma_start3A_480] : memref<40704xf32, #tpu.memory_space<vmem>> -> memref<6144xf32, #tpu.memory_space<vmem>>
    tpu.enqueue_dma source(%dma_start3A_481 : memref<6144xf32, #tpu.memory_space<vmem>>) target(%dma_start3A_479 : memref<6144xf32, #tpu.memory_space<hbm>>) target_semaphore(%arg12 : memref<!tpu.dma_semaphore, #tpu.memory_space<semaphore_mem>>)
    %add3A_482 = arith.constant 128 : i32
    %add3A_483 = arith.addi %add3A_482, %add3A_383 : i32
    %dma_start3A_484 = arith.constant 5760 : i32
    %dma_start3A_485 = tpu.memref_slice %arg10[%dma_start3A_484] : memref<40704xf32, #tpu.memory_space<vmem>> -> memref<6144xf32, #tpu.memory_space<vmem>>
    %dma_start3A_486 = arith.constant 0 : i32
    %dma_start3A_487 = tpu.memref_slice %arg4[%add3A_483, %dma_start3A_486] : memref<896x6144xf32, #tpu.memory_space<hbm>> -> memref<1x6144xf32, #tpu.memory_space<hbm>>
    %dma_start3A_488 = tpu.memref_squeeze %dma_start3A_487 : memref<1x6144xf32, #tpu.memory_space<hbm>> -> memref<6144xf32, #tpu.memory_space<hbm>>
    %dma_start3A_489 = arith.constant 0 : i32
    %dma_start3A_490 = tpu.memref_slice %arg4[%add3A_483, %dma_start3A_489] : memref<896x6144xf32, #tpu.memory_space<hbm>> -> memref<1x6144xf32, #tpu.memory_space<hbm>>
    %dma_start3A_491 = tpu.memref_squeeze %dma_start3A_490 : memref<1x6144xf32, #tpu.memory_space<hbm>> -> memref<6144xf32, #tpu.memory_space<hbm>>
    %dma_start3A_492 = arith.constant 5760 : i32
    %dma_start3A_493 = tpu.memref_slice %arg10[%dma_start3A_492] : memref<40704xf32, #tpu.memory_space<vmem>> -> memref<6144xf32, #tpu.memory_space<vmem>>
    tpu.enqueue_dma source(%dma_start3A_493 : memref<6144xf32, #tpu.memory_space<vmem>>) target(%dma_start3A_491 : memref<6144xf32, #tpu.memory_space<hbm>>) target_semaphore(%arg12 : memref<!tpu.dma_semaphore, #tpu.memory_space<semaphore_mem>>)
    %add3A_494 = arith.constant 256 : i32
    %add3A_495 = arith.addi %add3A_494, %add3A_383 : i32
    %dma_start3A_496 = arith.constant 11520 : i32
    %dma_start3A_497 = tpu.memref_slice %arg10[%dma_start3A_496] : memref<40704xf32, #tpu.memory_space<vmem>> -> memref<6144xf32, #tpu.memory_space<vmem>>
    %dma_start3A_498 = arith.constant 0 : i32
    %dma_start3A_499 = tpu.memref_slice %arg4[%add3A_495, %dma_start3A_498] : memref<896x6144xf32, #tpu.memory_space<hbm>> -> memref<1x6144xf32, #tpu.memory_space<hbm>>
    %dma_start3A_500 = tpu.memref_squeeze %dma_start3A_499 : memref<1x6144xf32, #tpu.memory_space<hbm>> -> memref<6144xf32, #tpu.memory_space<hbm>>
    %dma_start3A_501 = arith.constant 0 : i32
    %dma_start3A_502 = tpu.memref_slice %arg4[%add3A_495, %dma_start3A_501] : memref<896x6144xf32, #tpu.memory_space<hbm>> -> memref<1x6144xf32, #tpu.memory_space<hbm>>
    %dma_start3A_503 = tpu.memref_squeeze %dma_start3A_502 : memref<1x6144xf32, #tpu.memory_space<hbm>> -> memref<6144xf32, #tpu.memory_space<hbm>>
    %dma_start3A_504 = arith.constant 11520 : i32
    %dma_start3A_505 = tpu.memref_slice %arg10[%dma_start3A_504] : memref<40704xf32, #tpu.memory_space<vmem>> -> memref<6144xf32, #tpu.memory_space<vmem>>
    tpu.enqueue_dma source(%dma_start3A_505 : memref<6144xf32, #tpu.memory_space<vmem>>) target(%dma_start3A_503 : memref<6144xf32, #tpu.memory_space<hbm>>) target_semaphore(%arg12 : memref<!tpu.dma_semaphore, #tpu.memory_space<semaphore_mem>>)
    %add3A_506 = arith.constant 384 : i32
    %add3A_507 = arith.addi %add3A_506, %add3A_383 : i32
    %dma_start3A_508 = arith.constant 17280 : i32
    %dma_start3A_509 = tpu.memref_slice %arg10[%dma_start3A_508] : memref<40704xf32, #tpu.memory_space<vmem>> -> memref<6144xf32, #tpu.memory_space<vmem>>
    %dma_start3A_510 = arith.constant 0 : i32
    %dma_start3A_511 = tpu.memref_slice %arg4[%add3A_507, %dma_start3A_510] : memref<896x6144xf32, #tpu.memory_space<hbm>> -> memref<1x6144xf32, #tpu.memory_space<hbm>>
    %dma_start3A_512 = tpu.memref_squeeze %dma_start3A_511 : memref<1x6144xf32, #tpu.memory_space<hbm>> -> memref<6144xf32, #tpu.memory_space<hbm>>
    %dma_start3A_513 = arith.constant 0 : i32
    %dma_start3A_514 = tpu.memref_slice %arg4[%add3A_507, %dma_start3A_513] : memref<896x6144xf32, #tpu.memory_space<hbm>> -> memref<1x6144xf32, #tpu.memory_space<hbm>>
    %dma_start3A_515 = tpu.memref_squeeze %dma_start3A_514 : memref<1x6144xf32, #tpu.memory_space<hbm>> -> memref<6144xf32, #tpu.memory_space<hbm>>
    %dma_start3A_516 = arith.constant 17280 : i32
    %dma_start3A_517 = tpu.memref_slice %arg10[%dma_start3A_516] : memref<40704xf32, #tpu.memory_space<vmem>> -> memref<6144xf32, #tpu.memory_space<vmem>>
    tpu.enqueue_dma source(%dma_start3A_517 : memref<6144xf32, #tpu.memory_space<vmem>>) target(%dma_start3A_515 : memref<6144xf32, #tpu.memory_space<hbm>>) target_semaphore(%arg12 : memref<!tpu.dma_semaphore, #tpu.memory_space<semaphore_mem>>)
    %add3A_518 = arith.constant 512 : i32
    %add3A_519 = arith.addi %add3A_518, %add3A_383 : i32
    %dma_start3A_520 = arith.constant 23040 : i32
    %dma_start3A_521 = tpu.memref_slice %arg10[%dma_start3A_520] : memref<40704xf32, #tpu.memory_space<vmem>> -> memref<6144xf32, #tpu.memory_space<vmem>>
    %dma_start3A_522 = arith.constant 0 : i32
    %dma_start3A_523 = tpu.memref_slice %arg4[%add3A_519, %dma_start3A_522] : memref<896x6144xf32, #tpu.memory_space<hbm>> -> memref<1x6144xf32, #tpu.memory_space<hbm>>
    %dma_start3A_524 = tpu.memref_squeeze %dma_start3A_523 : memref<1x6144xf32, #tpu.memory_space<hbm>> -> memref<6144xf32, #tpu.memory_space<hbm>>
    %dma_start3A_525 = arith.constant 0 : i32
    %dma_start3A_526 = tpu.memref_slice %arg4[%add3A_519, %dma_start3A_525] : memref<896x6144xf32, #tpu.memory_space<hbm>> -> memref<1x6144xf32, #tpu.memory_space<hbm>>
    %dma_start3A_527 = tpu.memref_squeeze %dma_start3A_526 : memref<1x6144xf32, #tpu.memory_space<hbm>> -> memref<6144xf32, #tpu.memory_space<hbm>>
    %dma_start3A_528 = arith.constant 23040 : i32
    %dma_start3A_529 = tpu.memref_slice %arg10[%dma_start3A_528] : memref<40704xf32, #tpu.memory_space<vmem>> -> memref<6144xf32, #tpu.memory_space<vmem>>
    tpu.enqueue_dma source(%dma_start3A_529 : memref<6144xf32, #tpu.memory_space<vmem>>) target(%dma_start3A_527 : memref<6144xf32, #tpu.memory_space<hbm>>) target_semaphore(%arg12 : memref<!tpu.dma_semaphore, #tpu.memory_space<semaphore_mem>>)
    %add3A_530 = arith.constant 640 : i32
    %add3A_531 = arith.addi %add3A_530, %add3A_383 : i32
    %dma_start3A_532 = arith.constant 28800 : i32
    %dma_start3A_533 = tpu.memref_slice %arg10[%dma_start3A_532] : memref<40704xf32, #tpu.memory_space<vmem>> -> memref<6144xf32, #tpu.memory_space<vmem>>
    %dma_start3A_534 = arith.constant 0 : i32
    %dma_start3A_535 = tpu.memref_slice %arg4[%add3A_531, %dma_start3A_534] : memref<896x6144xf32, #tpu.memory_space<hbm>> -> memref<1x6144xf32, #tpu.memory_space<hbm>>
    %dma_start3A_536 = tpu.memref_squeeze %dma_start3A_535 : memref<1x6144xf32, #tpu.memory_space<hbm>> -> memref<6144xf32, #tpu.memory_space<hbm>>
    %dma_start3A_537 = arith.constant 0 : i32
    %dma_start3A_538 = tpu.memref_slice %arg4[%add3A_531, %dma_start3A_537] : memref<896x6144xf32, #tpu.memory_space<hbm>> -> memref<1x6144xf32, #tpu.memory_space<hbm>>
    %dma_start3A_539 = tpu.memref_squeeze %dma_start3A_538 : memref<1x6144xf32, #tpu.memory_space<hbm>> -> memref<6144xf32, #tpu.memory_space<hbm>>
    %dma_start3A_540 = arith.constant 28800 : i32
    %dma_start3A_541 = tpu.memref_slice %arg10[%dma_start3A_540] : memref<40704xf32, #tpu.memory_space<vmem>> -> memref<6144xf32, #tpu.memory_space<vmem>>
    tpu.enqueue_dma source(%dma_start3A_541 : memref<6144xf32, #tpu.memory_space<vmem>>) target(%dma_start3A_539 : memref<6144xf32, #tpu.memory_space<hbm>>) target_semaphore(%arg12 : memref<!tpu.dma_semaphore, #tpu.memory_space<semaphore_mem>>)
    %add3A_542 = arith.constant 768 : i32
    %add3A_543 = arith.addi %add3A_542, %add3A_383 : i32
    %dma_start3A_544 = arith.constant 34560 : i32
    %dma_start3A_545 = tpu.memref_slice %arg10[%dma_start3A_544] : memref<40704xf32, #tpu.memory_space<vmem>> -> memref<6144xf32, #tpu.memory_space<vmem>>
    %dma_start3A_546 = arith.constant 0 : i32
    %dma_start3A_547 = tpu.memref_slice %arg4[%add3A_543, %dma_start3A_546] : memref<896x6144xf32, #tpu.memory_space<hbm>> -> memref<1x6144xf32, #tpu.memory_space<hbm>>
    %dma_start3A_548 = tpu.memref_squeeze %dma_start3A_547 : memref<1x6144xf32, #tpu.memory_space<hbm>> -> memref<6144xf32, #tpu.memory_space<hbm>>
    %dma_start3A_549 = arith.constant 0 : i32
    %dma_start3A_550 = tpu.memref_slice %arg4[%add3A_543, %dma_start3A_549] : memref<896x6144xf32, #tpu.memory_space<hbm>> -> memref<1x6144xf32, #tpu.memory_space<hbm>>
    %dma_start3A_551 = tpu.memref_squeeze %dma_start3A_550 : memref<1x6144xf32, #tpu.memory_space<hbm>> -> memref<6144xf32, #tpu.memory_space<hbm>>
    %dma_start3A_552 = arith.constant 34560 : i32
    %dma_start3A_553 = tpu.memref_slice %arg10[%dma_start3A_552] : memref<40704xf32, #tpu.memory_space<vmem>> -> memref<6144xf32, #tpu.memory_space<vmem>>
    tpu.enqueue_dma source(%dma_start3A_553 : memref<6144xf32, #tpu.memory_space<vmem>>) target(%dma_start3A_551 : memref<6144xf32, #tpu.memory_space<hbm>>) target_semaphore(%arg12 : memref<!tpu.dma_semaphore, #tpu.memory_space<semaphore_mem>>)
    %dma_wait3A_554 = arith.constant 0 : i32
    %dma_wait3A_555 = tpu.memref_slice %arg9[%dma_wait3A_554] : memref<40704xf32, #tpu.memory_space<vmem>> -> memref<6144xf32, #tpu.memory_space<vmem>>
    %dma_wait3A_556 = arith.constant 0 : i32
    %dma_wait3A_557 = tpu.memref_slice %arg4[%add3A_297, %dma_wait3A_556] : memref<896x6144xf32, #tpu.memory_space<hbm>> -> memref<1x6144xf32, #tpu.memory_space<hbm>>
    %dma_wait3A_558 = tpu.memref_squeeze %dma_wait3A_557 : memref<1x6144xf32, #tpu.memory_space<hbm>> -> memref<6144xf32, #tpu.memory_space<hbm>>
    %dma_wait3A_559 = arith.constant 0 : i32
    %dma_wait3A_560 = tpu.memref_slice %arg4[%add3A_297, %dma_wait3A_559] : memref<896x6144xf32, #tpu.memory_space<hbm>> -> memref<1x6144xf32, #tpu.memory_space<hbm>>
    %dma_wait3A_561 = tpu.memref_squeeze %dma_wait3A_560 : memref<1x6144xf32, #tpu.memory_space<hbm>> -> memref<6144xf32, #tpu.memory_space<hbm>>
    %dma_wait3A_562 = arith.constant 0 : i32
    %dma_wait3A_563 = tpu.memref_slice %arg9[%dma_wait3A_562] : memref<40704xf32, #tpu.memory_space<vmem>> -> memref<6144xf32, #tpu.memory_space<vmem>>
    tpu.wait_dma2 semaphore(%arg11 : memref<!tpu.dma_semaphore, #tpu.memory_space<semaphore_mem>>) src(%dma_wait3A_563 : memref<6144xf32, #tpu.memory_space<vmem>>) dst(%dma_wait3A_561 : memref<6144xf32, #tpu.memory_space<hbm>>)
    %dma_wait3A_564 = arith.constant 5760 : i32
    %dma_wait3A_565 = tpu.memref_slice %arg9[%dma_wait3A_564] : memref<40704xf32, #tpu.memory_space<vmem>> -> memref<6144xf32, #tpu.memory_space<vmem>>
    %dma_wait3A_566 = arith.constant 0 : i32
    %dma_wait3A_567 = tpu.memref_slice %arg4[%add3A_309, %dma_wait3A_566] : memref<896x6144xf32, #tpu.memory_space<hbm>> -> memref<1x6144xf32, #tpu.memory_space<hbm>>
    %dma_wait3A_568 = tpu.memref_squeeze %dma_wait3A_567 : memref<1x6144xf32, #tpu.memory_space<hbm>> -> memref<6144xf32, #tpu.memory_space<hbm>>
    %dma_wait3A_569 = arith.constant 0 : i32
    %dma_wait3A_570 = tpu.memref_slice %arg4[%add3A_309, %dma_wait3A_569] : memref<896x6144xf32, #tpu.memory_space<hbm>> -> memref<1x6144xf32, #tpu.memory_space<hbm>>
    %dma_wait3A_571 = tpu.memref_squeeze %dma_wait3A_570 : memref<1x6144xf32, #tpu.memory_space<hbm>> -> memref<6144xf32, #tpu.memory_space<hbm>>
    %dma_wait3A_572 = arith.constant 5760 : i32
    %dma_wait3A_573 = tpu.memref_slice %arg9[%dma_wait3A_572] : memref<40704xf32, #tpu.memory_space<vmem>> -> memref<6144xf32, #tpu.memory_space<vmem>>
    tpu.wait_dma2 semaphore(%arg11 : memref<!tpu.dma_semaphore, #tpu.memory_space<semaphore_mem>>) src(%dma_wait3A_573 : memref<6144xf32, #tpu.memory_space<vmem>>) dst(%dma_wait3A_571 : memref<6144xf32, #tpu.memory_space<hbm>>)
    %dma_wait3A_574 = arith.constant 11520 : i32
    %dma_wait3A_575 = tpu.memref_slice %arg9[%dma_wait3A_574] : memref<40704xf32, #tpu.memory_space<vmem>> -> memref<6144xf32, #tpu.memory_space<vmem>>
    %dma_wait3A_576 = arith.constant 0 : i32
    %dma_wait3A_577 = tpu.memref_slice %arg4[%add3A_321, %dma_wait3A_576] : memref<896x6144xf32, #tpu.memory_space<hbm>> -> memref<1x6144xf32, #tpu.memory_space<hbm>>
    %dma_wait3A_578 = tpu.memref_squeeze %dma_wait3A_577 : memref<1x6144xf32, #tpu.memory_space<hbm>> -> memref<6144xf32, #tpu.memory_space<hbm>>
    %dma_wait3A_579 = arith.constant 0 : i32
    %dma_wait3A_580 = tpu.memref_slice %arg4[%add3A_321, %dma_wait3A_579] : memref<896x6144xf32, #tpu.memory_space<hbm>> -> memref<1x6144xf32, #tpu.memory_space<hbm>>
    %dma_wait3A_581 = tpu.memref_squeeze %dma_wait3A_580 : memref<1x6144xf32, #tpu.memory_space<hbm>> -> memref<6144xf32, #tpu.memory_space<hbm>>
    %dma_wait3A_582 = arith.constant 11520 : i32
    %dma_wait3A_583 = tpu.memref_slice %arg9[%dma_wait3A_582] : memref<40704xf32, #tpu.memory_space<vmem>> -> memref<6144xf32, #tpu.memory_space<vmem>>
    tpu.wait_dma2 semaphore(%arg11 : memref<!tpu.dma_semaphore, #tpu.memory_space<semaphore_mem>>) src(%dma_wait3A_583 : memref<6144xf32, #tpu.memory_space<vmem>>) dst(%dma_wait3A_581 : memref<6144xf32, #tpu.memory_space<hbm>>)
    %dma_wait3A_584 = arith.constant 17280 : i32
    %dma_wait3A_585 = tpu.memref_slice %arg9[%dma_wait3A_584] : memref<40704xf32, #tpu.memory_space<vmem>> -> memref<6144xf32, #tpu.memory_space<vmem>>
    %dma_wait3A_586 = arith.constant 0 : i32
    %dma_wait3A_587 = tpu.memref_slice %arg4[%add3A_333, %dma_wait3A_586] : memref<896x6144xf32, #tpu.memory_space<hbm>> -> memref<1x6144xf32, #tpu.memory_space<hbm>>
    %dma_wait3A_588 = tpu.memref_squeeze %dma_wait3A_587 : memref<1x6144xf32, #tpu.memory_space<hbm>> -> memref<6144xf32, #tpu.memory_space<hbm>>
    %dma_wait3A_589 = arith.constant 0 : i32
    %dma_wait3A_590 = tpu.memref_slice %arg4[%add3A_333, %dma_wait3A_589] : memref<896x6144xf32, #tpu.memory_space<hbm>> -> memref<1x6144xf32, #tpu.memory_space<hbm>>
    %dma_wait3A_591 = tpu.memref_squeeze %dma_wait3A_590 : memref<1x6144xf32, #tpu.memory_space<hbm>> -> memref<6144xf32, #tpu.memory_space<hbm>>
    %dma_wait3A_592 = arith.constant 17280 : i32
    %dma_wait3A_593 = tpu.memref_slice %arg9[%dma_wait3A_592] : memref<40704xf32, #tpu.memory_space<vmem>> -> memref<6144xf32, #tpu.memory_space<vmem>>
    tpu.wait_dma2 semaphore(%arg11 : memref<!tpu.dma_semaphore, #tpu.memory_space<semaphore_mem>>) src(%dma_wait3A_593 : memref<6144xf32, #tpu.memory_space<vmem>>) dst(%dma_wait3A_591 : memref<6144xf32, #tpu.memory_space<hbm>>)
    %dma_wait3A_594 = arith.constant 23040 : i32
    %dma_wait3A_595 = tpu.memref_slice %arg9[%dma_wait3A_594] : memref<40704xf32, #tpu.memory_space<vmem>> -> memref<6144xf32, #tpu.memory_space<vmem>>
    %dma_wait3A_596 = arith.constant 0 : i32
    %dma_wait3A_597 = tpu.memref_slice %arg4[%add3A_345, %dma_wait3A_596] : memref<896x6144xf32, #tpu.memory_space<hbm>> -> memref<1x6144xf32, #tpu.memory_space<hbm>>
    %dma_wait3A_598 = tpu.memref_squeeze %dma_wait3A_597 : memref<1x6144xf32, #tpu.memory_space<hbm>> -> memref<6144xf32, #tpu.memory_space<hbm>>
    %dma_wait3A_599 = arith.constant 0 : i32
    %dma_wait3A_600 = tpu.memref_slice %arg4[%add3A_345, %dma_wait3A_599] : memref<896x6144xf32, #tpu.memory_space<hbm>> -> memref<1x6144xf32, #tpu.memory_space<hbm>>
    %dma_wait3A_601 = tpu.memref_squeeze %dma_wait3A_600 : memref<1x6144xf32, #tpu.memory_space<hbm>> -> memref<6144xf32, #tpu.memory_space<hbm>>
    %dma_wait3A_602 = arith.constant 23040 : i32
    %dma_wait3A_603 = tpu.memref_slice %arg9[%dma_wait3A_602] : memref<40704xf32, #tpu.memory_space<vmem>> -> memref<6144xf32, #tpu.memory_space<vmem>>
    tpu.wait_dma2 semaphore(%arg11 : memref<!tpu.dma_semaphore, #tpu.memory_space<semaphore_mem>>) src(%dma_wait3A_603 : memref<6144xf32, #tpu.memory_space<vmem>>) dst(%dma_wait3A_601 : memref<6144xf32, #tpu.memory_space<hbm>>)
    %dma_wait3A_604 = arith.constant 28800 : i32
    %dma_wait3A_605 = tpu.memref_slice %arg9[%dma_wait3A_604] : memref<40704xf32, #tpu.memory_space<vmem>> -> memref<6144xf32, #tpu.memory_space<vmem>>
    %dma_wait3A_606 = arith.constant 0 : i32
    %dma_wait3A_607 = tpu.memref_slice %arg4[%add3A_357, %dma_wait3A_606] : memref<896x6144xf32, #tpu.memory_space<hbm>> -> memref<1x6144xf32, #tpu.memory_space<hbm>>
    %dma_wait3A_608 = tpu.memref_squeeze %dma_wait3A_607 : memref<1x6144xf32, #tpu.memory_space<hbm>> -> memref<6144xf32, #tpu.memory_space<hbm>>
    %dma_wait3A_609 = arith.constant 0 : i32
    %dma_wait3A_610 = tpu.memref_slice %arg4[%add3A_357, %dma_wait3A_609] : memref<896x6144xf32, #tpu.memory_space<hbm>> -> memref<1x6144xf32, #tpu.memory_space<hbm>>
    %dma_wait3A_611 = tpu.memref_squeeze %dma_wait3A_610 : memref<1x6144xf32, #tpu.memory_space<hbm>> -> memref<6144xf32, #tpu.memory_space<hbm>>
    %dma_wait3A_612 = arith.constant 28800 : i32
    %dma_wait3A_613 = tpu.memref_slice %arg9[%dma_wait3A_612] : memref<40704xf32, #tpu.memory_space<vmem>> -> memref<6144xf32, #tpu.memory_space<vmem>>
    tpu.wait_dma2 semaphore(%arg11 : memref<!tpu.dma_semaphore, #tpu.memory_space<semaphore_mem>>) src(%dma_wait3A_613 : memref<6144xf32, #tpu.memory_space<vmem>>) dst(%dma_wait3A_611 : memref<6144xf32, #tpu.memory_space<hbm>>)
    %dma_wait3A_614 = arith.constant 34560 : i32
    %dma_wait3A_615 = tpu.memref_slice %arg9[%dma_wait3A_614] : memref<40704xf32, #tpu.memory_space<vmem>> -> memref<6144xf32, #tpu.memory_space<vmem>>
    %dma_wait3A_616 = arith.constant 0 : i32
    %dma_wait3A_617 = tpu.memref_slice %arg4[%add3A_369, %dma_wait3A_616] : memref<896x6144xf32, #tpu.memory_space<hbm>> -> memref<1x6144xf32, #tpu.memory_space<hbm>>
    %dma_wait3A_618 = tpu.memref_squeeze %dma_wait3A_617 : memref<1x6144xf32, #tpu.memory_space<hbm>> -> memref<6144xf32, #tpu.memory_space<hbm>>
    %dma_wait3A_619 = arith.constant 0 : i32
    %dma_wait3A_620 = tpu.memref_slice %arg4[%add3A_369, %dma_wait3A_619] : memref<896x6144xf32, #tpu.memory_space<hbm>> -> memref<1x6144xf32, #tpu.memory_space<hbm>>
    %dma_wait3A_621 = tpu.memref_squeeze %dma_wait3A_620 : memref<1x6144xf32, #tpu.memory_space<hbm>> -> memref<6144xf32, #tpu.memory_space<hbm>>
    %dma_wait3A_622 = arith.constant 34560 : i32
    %dma_wait3A_623 = tpu.memref_slice %arg9[%dma_wait3A_622] : memref<40704xf32, #tpu.memory_space<vmem>> -> memref<6144xf32, #tpu.memory_space<vmem>>
    tpu.wait_dma2 semaphore(%arg11 : memref<!tpu.dma_semaphore, #tpu.memory_space<semaphore_mem>>) src(%dma_wait3A_623 : memref<6144xf32, #tpu.memory_space<vmem>>) dst(%dma_wait3A_621 : memref<6144xf32, #tpu.memory_space<hbm>>)
    %dma_wait3A_624 = arith.constant 0 : i32
    %dma_wait3A_625 = tpu.memref_slice %arg10[%dma_wait3A_624] : memref<40704xf32, #tpu.memory_space<vmem>> -> memref<6144xf32, #tpu.memory_space<vmem>>
    %dma_wait3A_626 = arith.constant 0 : i32
    %dma_wait3A_627 = tpu.memref_slice %arg4[%add3A_471, %dma_wait3A_626] : memref<896x6144xf32, #tpu.memory_space<hbm>> -> memref<1x6144xf32, #tpu.memory_space<hbm>>
    %dma_wait3A_628 = tpu.memref_squeeze %dma_wait3A_627 : memref<1x6144xf32, #tpu.memory_space<hbm>> -> memref<6144xf32, #tpu.memory_space<hbm>>
    %dma_wait3A_629 = arith.constant 0 : i32
    %dma_wait3A_630 = tpu.memref_slice %arg4[%add3A_471, %dma_wait3A_629] : memref<896x6144xf32, #tpu.memory_space<hbm>> -> memref<1x6144xf32, #tpu.memory_space<hbm>>
    %dma_wait3A_631 = tpu.memref_squeeze %dma_wait3A_630 : memref<1x6144xf32, #tpu.memory_space<hbm>> -> memref<6144xf32, #tpu.memory_space<hbm>>
    %dma_wait3A_632 = arith.constant 0 : i32
    %dma_wait3A_633 = tpu.memref_slice %arg10[%dma_wait3A_632] : memref<40704xf32, #tpu.memory_space<vmem>> -> memref<6144xf32, #tpu.memory_space<vmem>>
    tpu.wait_dma2 semaphore(%arg12 : memref<!tpu.dma_semaphore, #tpu.memory_space<semaphore_mem>>) src(%dma_wait3A_633 : memref<6144xf32, #tpu.memory_space<vmem>>) dst(%dma_wait3A_631 : memref<6144xf32, #tpu.memory_space<hbm>>)
    %dma_wait3A_634 = arith.constant 5760 : i32
    %dma_wait3A_635 = tpu.memref_slice %arg10[%dma_wait3A_634] : memref<40704xf32, #tpu.memory_space<vmem>> -> memref<6144xf32, #tpu.memory_space<vmem>>
    %dma_wait3A_636 = arith.constant 0 : i32
    %dma_wait3A_637 = tpu.memref_slice %arg4[%add3A_483, %dma_wait3A_636] : memref<896x6144xf32, #tpu.memory_space<hbm>> -> memref<1x6144xf32, #tpu.memory_space<hbm>>
    %dma_wait3A_638 = tpu.memref_squeeze %dma_wait3A_637 : memref<1x6144xf32, #tpu.memory_space<hbm>> -> memref<6144xf32, #tpu.memory_space<hbm>>
    %dma_wait3A_639 = arith.constant 0 : i32
    %dma_wait3A_640 = tpu.memref_slice %arg4[%add3A_483, %dma_wait3A_639] : memref<896x6144xf32, #tpu.memory_space<hbm>> -> memref<1x6144xf32, #tpu.memory_space<hbm>>
    %dma_wait3A_641 = tpu.memref_squeeze %dma_wait3A_640 : memref<1x6144xf32, #tpu.memory_space<hbm>> -> memref<6144xf32, #tpu.memory_space<hbm>>
    %dma_wait3A_642 = arith.constant 5760 : i32
    %dma_wait3A_643 = tpu.memref_slice %arg10[%dma_wait3A_642] : memref<40704xf32, #tpu.memory_space<vmem>> -> memref<6144xf32, #tpu.memory_space<vmem>>
    tpu.wait_dma2 semaphore(%arg12 : memref<!tpu.dma_semaphore, #tpu.memory_space<semaphore_mem>>) src(%dma_wait3A_643 : memref<6144xf32, #tpu.memory_space<vmem>>) dst(%dma_wait3A_641 : memref<6144xf32, #tpu.memory_space<hbm>>)
    %dma_wait3A_644 = arith.constant 11520 : i32
    %dma_wait3A_645 = tpu.memref_slice %arg10[%dma_wait3A_644] : memref<40704xf32, #tpu.memory_space<vmem>> -> memref<6144xf32, #tpu.memory_space<vmem>>
    %dma_wait3A_646 = arith.constant 0 : i32
    %dma_wait3A_647 = tpu.memref_slice %arg4[%add3A_495, %dma_wait3A_646] : memref<896x6144xf32, #tpu.memory_space<hbm>> -> memref<1x6144xf32, #tpu.memory_space<hbm>>
    %dma_wait3A_648 = tpu.memref_squeeze %dma_wait3A_647 : memref<1x6144xf32, #tpu.memory_space<hbm>> -> memref<6144xf32, #tpu.memory_space<hbm>>
    %dma_wait3A_649 = arith.constant 0 : i32
    %dma_wait3A_650 = tpu.memref_slice %arg4[%add3A_495, %dma_wait3A_649] : memref<896x6144xf32, #tpu.memory_space<hbm>> -> memref<1x6144xf32, #tpu.memory_space<hbm>>
    %dma_wait3A_651 = tpu.memref_squeeze %dma_wait3A_650 : memref<1x6144xf32, #tpu.memory_space<hbm>> -> memref<6144xf32, #tpu.memory_space<hbm>>
    %dma_wait3A_652 = arith.constant 11520 : i32
    %dma_wait3A_653 = tpu.memref_slice %arg10[%dma_wait3A_652] : memref<40704xf32, #tpu.memory_space<vmem>> -> memref<6144xf32, #tpu.memory_space<vmem>>
    tpu.wait_dma2 semaphore(%arg12 : memref<!tpu.dma_semaphore, #tpu.memory_space<semaphore_mem>>) src(%dma_wait3A_653 : memref<6144xf32, #tpu.memory_space<vmem>>) dst(%dma_wait3A_651 : memref<6144xf32, #tpu.memory_space<hbm>>)
    %dma_wait3A_654 = arith.constant 17280 : i32
    %dma_wait3A_655 = tpu.memref_slice %arg10[%dma_wait3A_654] : memref<40704xf32, #tpu.memory_space<vmem>> -> memref<6144xf32, #tpu.memory_space<vmem>>
    %dma_wait3A_656 = arith.constant 0 : i32
    %dma_wait3A_657 = tpu.memref_slice %arg4[%add3A_507, %dma_wait3A_656] : memref<896x6144xf32, #tpu.memory_space<hbm>> -> memref<1x6144xf32, #tpu.memory_space<hbm>>
    %dma_wait3A_658 = tpu.memref_squeeze %dma_wait3A_657 : memref<1x6144xf32, #tpu.memory_space<hbm>> -> memref<6144xf32, #tpu.memory_space<hbm>>
    %dma_wait3A_659 = arith.constant 0 : i32
    %dma_wait3A_660 = tpu.memref_slice %arg4[%add3A_507, %dma_wait3A_659] : memref<896x6144xf32, #tpu.memory_space<hbm>> -> memref<1x6144xf32, #tpu.memory_space<hbm>>
    %dma_wait3A_661 = tpu.memref_squeeze %dma_wait3A_660 : memref<1x6144xf32, #tpu.memory_space<hbm>> -> memref<6144xf32, #tpu.memory_space<hbm>>
    %dma_wait3A_662 = arith.constant 17280 : i32
    %dma_wait3A_663 = tpu.memref_slice %arg10[%dma_wait3A_662] : memref<40704xf32, #tpu.memory_space<vmem>> -> memref<6144xf32, #tpu.memory_space<vmem>>
    tpu.wait_dma2 semaphore(%arg12 : memref<!tpu.dma_semaphore, #tpu.memory_space<semaphore_mem>>) src(%dma_wait3A_663 : memref<6144xf32, #tpu.memory_space<vmem>>) dst(%dma_wait3A_661 : memref<6144xf32, #tpu.memory_space<hbm>>)
    %dma_wait3A_664 = arith.constant 23040 : i32
    %dma_wait3A_665 = tpu.memref_slice %arg10[%dma_wait3A_664] : memref<40704xf32, #tpu.memory_space<vmem>> -> memref<6144xf32, #tpu.memory_space<vmem>>
    %dma_wait3A_666 = arith.constant 0 : i32
    %dma_wait3A_667 = tpu.memref_slice %arg4[%add3A_519, %dma_wait3A_666] : memref<896x6144xf32, #tpu.memory_space<hbm>> -> memref<1x6144xf32, #tpu.memory_space<hbm>>
    %dma_wait3A_668 = tpu.memref_squeeze %dma_wait3A_667 : memref<1x6144xf32, #tpu.memory_space<hbm>> -> memref<6144xf32, #tpu.memory_space<hbm>>
    %dma_wait3A_669 = arith.constant 0 : i32
    %dma_wait3A_670 = tpu.memref_slice %arg4[%add3A_519, %dma_wait3A_669] : memref<896x6144xf32, #tpu.memory_space<hbm>> -> memref<1x6144xf32, #tpu.memory_space<hbm>>
    %dma_wait3A_671 = tpu.memref_squeeze %dma_wait3A_670 : memref<1x6144xf32, #tpu.memory_space<hbm>> -> memref<6144xf32, #tpu.memory_space<hbm>>
    %dma_wait3A_672 = arith.constant 23040 : i32
    %dma_wait3A_673 = tpu.memref_slice %arg10[%dma_wait3A_672] : memref<40704xf32, #tpu.memory_space<vmem>> -> memref<6144xf32, #tpu.memory_space<vmem>>
    tpu.wait_dma2 semaphore(%arg12 : memref<!tpu.dma_semaphore, #tpu.memory_space<semaphore_mem>>) src(%dma_wait3A_673 : memref<6144xf32, #tpu.memory_space<vmem>>) dst(%dma_wait3A_671 : memref<6144xf32, #tpu.memory_space<hbm>>)
    %dma_wait3A_674 = arith.constant 28800 : i32
    %dma_wait3A_675 = tpu.memref_slice %arg10[%dma_wait3A_674] : memref<40704xf32, #tpu.memory_space<vmem>> -> memref<6144xf32, #tpu.memory_space<vmem>>
    %dma_wait3A_676 = arith.constant 0 : i32
    %dma_wait3A_677 = tpu.memref_slice %arg4[%add3A_531, %dma_wait3A_676] : memref<896x6144xf32, #tpu.memory_space<hbm>> -> memref<1x6144xf32, #tpu.memory_space<hbm>>
    %dma_wait3A_678 = tpu.memref_squeeze %dma_wait3A_677 : memref<1x6144xf32, #tpu.memory_space<hbm>> -> memref<6144xf32, #tpu.memory_space<hbm>>
    %dma_wait3A_679 = arith.constant 0 : i32
    %dma_wait3A_680 = tpu.memref_slice %arg4[%add3A_531, %dma_wait3A_679] : memref<896x6144xf32, #tpu.memory_space<hbm>> -> memref<1x6144xf32, #tpu.memory_space<hbm>>
    %dma_wait3A_681 = tpu.memref_squeeze %dma_wait3A_680 : memref<1x6144xf32, #tpu.memory_space<hbm>> -> memref<6144xf32, #tpu.memory_space<hbm>>
    %dma_wait3A_682 = arith.constant 28800 : i32
    %dma_wait3A_683 = tpu.memref_slice %arg10[%dma_wait3A_682] : memref<40704xf32, #tpu.memory_space<vmem>> -> memref<6144xf32, #tpu.memory_space<vmem>>
    tpu.wait_dma2 semaphore(%arg12 : memref<!tpu.dma_semaphore, #tpu.memory_space<semaphore_mem>>) src(%dma_wait3A_683 : memref<6144xf32, #tpu.memory_space<vmem>>) dst(%dma_wait3A_681 : memref<6144xf32, #tpu.memory_space<hbm>>)
    %dma_wait3A_684 = arith.constant 34560 : i32
    %dma_wait3A_685 = tpu.memref_slice %arg10[%dma_wait3A_684] : memref<40704xf32, #tpu.memory_space<vmem>> -> memref<6144xf32, #tpu.memory_space<vmem>>
    %dma_wait3A_686 = arith.constant 0 : i32
    %dma_wait3A_687 = tpu.memref_slice %arg4[%add3A_543, %dma_wait3A_686] : memref<896x6144xf32, #tpu.memory_space<hbm>> -> memref<1x6144xf32, #tpu.memory_space<hbm>>
    %dma_wait3A_688 = tpu.memref_squeeze %dma_wait3A_687 : memref<1x6144xf32, #tpu.memory_space<hbm>> -> memref<6144xf32, #tpu.memory_space<hbm>>
    %dma_wait3A_689 = arith.constant 0 : i32
    %dma_wait3A_690 = tpu.memref_slice %arg4[%add3A_543, %dma_wait3A_689] : memref<896x6144xf32, #tpu.memory_space<hbm>> -> memref<1x6144xf32, #tpu.memory_space<hbm>>
    %dma_wait3A_691 = tpu.memref_squeeze %dma_wait3A_690 : memref<1x6144xf32, #tpu.memory_space<hbm>> -> memref<6144xf32, #tpu.memory_space<hbm>>
    %dma_wait3A_692 = arith.constant 34560 : i32
    %dma_wait3A_693 = tpu.memref_slice %arg10[%dma_wait3A_692] : memref<40704xf32, #tpu.memory_space<vmem>> -> memref<6144xf32, #tpu.memory_space<vmem>>
    tpu.wait_dma2 semaphore(%arg12 : memref<!tpu.dma_semaphore, #tpu.memory_space<semaphore_mem>>) src(%dma_wait3A_693 : memref<6144xf32, #tpu.memory_space<vmem>>) dst(%dma_wait3A_691 : memref<6144xf32, #tpu.memory_space<hbm>>)
    return
  }
}

module attributes {stable_mosaic.version = 14 : i64} {
  func.func @_conv_compute(%arg0: i32, %arg1: memref<128x6144xf32, #tpu.memory_space<vmem>>, %arg2: memref<3x3x3xf32, #tpu.memory_space<smem>>, %arg3: memref<3xf32, #tpu.memory_space<smem>>, %arg4: memref<3x30x160x128xf32, #tpu.memory_space<vmem>>, %arg5: memref<2x32x160x128xf32, #tpu.memory_space<vmem>>) attributes {dimension_semantics = [#tpu.dimension_semantics<arbitrary>], iteration_bounds = array<i64: 7>, scalar_prefetch = 0 : i64, scratch_operands = 1 : i64, tpu.core_type = #tpu.core_type<tc>, window_params = [{transform_indices = @transform_0, window_bounds = array<i64: 128, 6144>}, {transform_indices = @transform_1, window_bounds = array<i64: 3, 3, 3>}, {transform_indices = @transform_2, window_bounds = array<i64: 3>}, {transform_indices = @transform_3, window_bounds = array<i64: 3, 30, 160, 128>}]} {
    %get3A = arith.constant 0 : index
    %get3A_0 = arith.constant 0 : index
    %get3A_1 = vector.load %arg1[%get3A, %get3A_0] : memref<128x6144xf32, #tpu.memory_space<vmem>>, vector<128x6144xf32>
    %transpose3A = tpu.transpose %get3A_1, [1, 0] : vector<128x6144xf32> -> vector<6144x128xf32>
    %reshape3A = vector.shape_cast %transpose3A : vector<6144x128xf32> to vector<32x192x128xf32>
    %slice3A = vector.extract_strided_slice %reshape3A {offsets = [0, 1, 0], sizes = [32, 160, 128], strides = [1, 1, 1]} : vector<32x192x128xf32> to vector<32x160x128xf32>
    %swap3A = arith.constant 0 : index
    %swap3A_2 = arith.constant 0 : index
    %swap3A_3 = arith.constant 0 : index
    %swap3A_4 = arith.constant 0 : index
    %swap3A_5 = vector.load %arg5[%swap3A, %swap3A_2, %swap3A_3, %swap3A_4] : memref<2x32x160x128xf32, #tpu.memory_space<vmem>>, vector<1x32x160x128xf32>
    %swap3A_6 = vector.shape_cast %swap3A_5 : vector<1x32x160x128xf32> to vector<32x160x128xf32>
    %swap3A_7 = vector.shape_cast %slice3A : vector<32x160x128xf32> to vector<1x32x160x128xf32>
    tpu.vector_store %arg5[%swap3A, %swap3A_2, %swap3A_3, %swap3A_4], %swap3A_7 {strides = array<i32>} : memref<2x32x160x128xf32, #tpu.memory_space<vmem>>, vector<1x32x160x128xf32>,
    %slice3A_8 = vector.extract_strided_slice %reshape3A {offsets = [0, 2, 0], sizes = [32, 160, 128], strides = [1, 1, 1]} : vector<32x192x128xf32> to vector<32x160x128xf32>
    %swap3A_9 = arith.constant 1 : index
    %swap3A_10 = arith.constant 0 : index
    %swap3A_11 = arith.constant 0 : index
    %swap3A_12 = arith.constant 0 : index
    %swap3A_13 = vector.load %arg5[%swap3A_9, %swap3A_10, %swap3A_11, %swap3A_12] : memref<2x32x160x128xf32, #tpu.memory_space<vmem>>, vector<1x32x160x128xf32>
    %swap3A_14 = vector.shape_cast %swap3A_13 : vector<1x32x160x128xf32> to vector<32x160x128xf32>
    %swap3A_15 = vector.shape_cast %slice3A_8 : vector<32x160x128xf32> to vector<1x32x160x128xf32>
    tpu.vector_store %arg5[%swap3A_9, %swap3A_10, %swap3A_11, %swap3A_12], %swap3A_15 {strides = array<i32>} : memref<2x32x160x128xf32, #tpu.memory_space<vmem>>, vector<1x32x160x128xf32>,
    %slice3A_16 = vector.extract_strided_slice %reshape3A {offsets = [0, 0, 0], sizes = [32, 160, 128], strides = [1, 1, 1]} : vector<32x192x128xf32> to vector<32x160x128xf32>
    %get3A_17 = arith.constant 0 : index
    %get3A_18 = arith.constant 0 : index
    %get3A_19 = arith.constant 0 : index
    %get3A_20 = memref.load %arg2[%get3A_17, %get3A_18, %get3A_19] : memref<3x3x3xf32, #tpu.memory_space<smem>>
    %slice3A_21 = vector.extract_strided_slice %slice3A_16 {offsets = [0, 0, 0], sizes = [30, 160, 128], strides = [1, 1, 1]} : vector<32x160x128xf32> to vector<30x160x128xf32>
    %mul3A = vector.broadcast %get3A_20 : f32 to vector<30x160x128xf32>
    %mul3A_22 = arith.mulf %mul3A, %slice3A_21 : vector<30x160x128xf32>
    %get3A_23 = arith.constant 0 : index
    %get3A_24 = arith.constant 0 : index
    %get3A_25 = arith.constant 0 : index
    %get3A_26 = arith.constant 0 : index
    %get3A_27 = vector.load %arg5[%get3A_23, %get3A_24, %get3A_25, %get3A_26] : memref<2x32x160x128xf32, #tpu.memory_space<vmem>>, vector<1x32x160x128xf32>
    %get3A_28 = vector.shape_cast %get3A_27 : vector<1x32x160x128xf32> to vector<32x160x128xf32>
    %get3A_29 = arith.constant 0 : index
    %get3A_30 = arith.constant 0 : index
    %get3A_31 = arith.constant 1 : index
    %get3A_32 = memref.load %arg2[%get3A_29, %get3A_30, %get3A_31] : memref<3x3x3xf32, #tpu.memory_space<smem>>
    %slice3A_33 = vector.extract_strided_slice %get3A_28 {offsets = [0, 0, 0], sizes = [30, 160, 128], strides = [1, 1, 1]} : vector<32x160x128xf32> to vector<30x160x128xf32>
    %mul3A_34 = vector.broadcast %get3A_32 : f32 to vector<30x160x128xf32>
    %mul3A_35 = arith.mulf %mul3A_34, %slice3A_33 : vector<30x160x128xf32>
    %add3A = arith.addf %mul3A_22, %mul3A_35 : vector<30x160x128xf32>
    %get3A_36 = arith.constant 1 : index
    %get3A_37 = arith.constant 0 : index
    %get3A_38 = arith.constant 0 : index
    %get3A_39 = arith.constant 0 : index
    %get3A_40 = vector.load %arg5[%get3A_36, %get3A_37, %get3A_38, %get3A_39] : memref<2x32x160x128xf32, #tpu.memory_space<vmem>>, vector<1x32x160x128xf32>
    %get3A_41 = vector.shape_cast %get3A_40 : vector<1x32x160x128xf32> to vector<32x160x128xf32>
    %get3A_42 = arith.constant 0 : index
    %get3A_43 = arith.constant 0 : index
    %get3A_44 = arith.constant 2 : index
    %get3A_45 = memref.load %arg2[%get3A_42, %get3A_43, %get3A_44] : memref<3x3x3xf32, #tpu.memory_space<smem>>
    %slice3A_46 = vector.extract_strided_slice %get3A_41 {offsets = [0, 0, 0], sizes = [30, 160, 128], strides = [1, 1, 1]} : vector<32x160x128xf32> to vector<30x160x128xf32>
    %mul3A_47 = vector.broadcast %get3A_45 : f32 to vector<30x160x128xf32>
    %mul3A_48 = arith.mulf %mul3A_47, %slice3A_46 : vector<30x160x128xf32>
    %add3A_49 = arith.addf %add3A, %mul3A_48 : vector<30x160x128xf32>
    %slice3A_50 = vector.extract_strided_slice %reshape3A {offsets = [0, 0, 0], sizes = [32, 160, 128], strides = [1, 1, 1]} : vector<32x192x128xf32> to vector<32x160x128xf32>
    %get3A_51 = arith.constant 0 : index
    %get3A_52 = arith.constant 1 : index
    %get3A_53 = arith.constant 0 : index
    %get3A_54 = memref.load %arg2[%get3A_51, %get3A_52, %get3A_53] : memref<3x3x3xf32, #tpu.memory_space<smem>>
    %slice3A_55 = vector.extract_strided_slice %slice3A_50 {offsets = [1, 0, 0], sizes = [30, 160, 128], strides = [1, 1, 1]} : vector<32x160x128xf32> to vector<30x160x128xf32>
    %mul3A_56 = vector.broadcast %get3A_54 : f32 to vector<30x160x128xf32>
    %mul3A_57 = arith.mulf %mul3A_56, %slice3A_55 : vector<30x160x128xf32>
    %add3A_58 = arith.addf %add3A_49, %mul3A_57 : vector<30x160x128xf32>
    %get3A_59 = arith.constant 0 : index
    %get3A_60 = arith.constant 0 : index
    %get3A_61 = arith.constant 0 : index
    %get3A_62 = arith.constant 0 : index
    %get3A_63 = vector.load %arg5[%get3A_59, %get3A_60, %get3A_61, %get3A_62] : memref<2x32x160x128xf32, #tpu.memory_space<vmem>>, vector<1x32x160x128xf32>
    %get3A_64 = vector.shape_cast %get3A_63 : vector<1x32x160x128xf32> to vector<32x160x128xf32>
    %get3A_65 = arith.constant 0 : index
    %get3A_66 = arith.constant 1 : index
    %get3A_67 = arith.constant 1 : index
    %get3A_68 = memref.load %arg2[%get3A_65, %get3A_66, %get3A_67] : memref<3x3x3xf32, #tpu.memory_space<smem>>
    %slice3A_69 = vector.extract_strided_slice %get3A_64 {offsets = [1, 0, 0], sizes = [30, 160, 128], strides = [1, 1, 1]} : vector<32x160x128xf32> to vector<30x160x128xf32>
    %mul3A_70 = vector.broadcast %get3A_68 : f32 to vector<30x160x128xf32>
    %mul3A_71 = arith.mulf %mul3A_70, %slice3A_69 : vector<30x160x128xf32>
    %add3A_72 = arith.addf %add3A_58, %mul3A_71 : vector<30x160x128xf32>
    %get3A_73 = arith.constant 1 : index
    %get3A_74 = arith.constant 0 : index
    %get3A_75 = arith.constant 0 : index
    %get3A_76 = arith.constant 0 : index
    %get3A_77 = vector.load %arg5[%get3A_73, %get3A_74, %get3A_75, %get3A_76] : memref<2x32x160x128xf32, #tpu.memory_space<vmem>>, vector<1x32x160x128xf32>
    %get3A_78 = vector.shape_cast %get3A_77 : vector<1x32x160x128xf32> to vector<32x160x128xf32>
    %get3A_79 = arith.constant 0 : index
    %get3A_80 = arith.constant 1 : index
    %get3A_81 = arith.constant 2 : index
    %get3A_82 = memref.load %arg2[%get3A_79, %get3A_80, %get3A_81] : memref<3x3x3xf32, #tpu.memory_space<smem>>
    %slice3A_83 = vector.extract_strided_slice %get3A_78 {offsets = [1, 0, 0], sizes = [30, 160, 128], strides = [1, 1, 1]} : vector<32x160x128xf32> to vector<30x160x128xf32>
    %mul3A_84 = vector.broadcast %get3A_82 : f32 to vector<30x160x128xf32>
    %mul3A_85 = arith.mulf %mul3A_84, %slice3A_83 : vector<30x160x128xf32>
    %add3A_86 = arith.addf %add3A_72, %mul3A_85 : vector<30x160x128xf32>
    %slice3A_87 = vector.extract_strided_slice %reshape3A {offsets = [0, 0, 0], sizes = [32, 160, 128], strides = [1, 1, 1]} : vector<32x192x128xf32> to vector<32x160x128xf32>
    %get3A_88 = arith.constant 0 : index
    %get3A_89 = arith.constant 2 : index
    %get3A_90 = arith.constant 0 : index
    %get3A_91 = memref.load %arg2[%get3A_88, %get3A_89, %get3A_90] : memref<3x3x3xf32, #tpu.memory_space<smem>>
    %slice3A_92 = vector.extract_strided_slice %slice3A_87 {offsets = [2, 0, 0], sizes = [30, 160, 128], strides = [1, 1, 1]} : vector<32x160x128xf32> to vector<30x160x128xf32>
    %mul3A_93 = vector.broadcast %get3A_91 : f32 to vector<30x160x128xf32>
    %mul3A_94 = arith.mulf %mul3A_93, %slice3A_92 : vector<30x160x128xf32>
    %add3A_95 = arith.addf %add3A_86, %mul3A_94 : vector<30x160x128xf32>
    %get3A_96 = arith.constant 0 : index
    %get3A_97 = arith.constant 0 : index
    %get3A_98 = arith.constant 0 : index
    %get3A_99 = arith.constant 0 : index
    %get3A_100 = vector.load %arg5[%get3A_96, %get3A_97, %get3A_98, %get3A_99] : memref<2x32x160x128xf32, #tpu.memory_space<vmem>>, vector<1x32x160x128xf32>
    %get3A_101 = vector.shape_cast %get3A_100 : vector<1x32x160x128xf32> to vector<32x160x128xf32>
    %get3A_102 = arith.constant 0 : index
    %get3A_103 = arith.constant 2 : index
    %get3A_104 = arith.constant 1 : index
    %get3A_105 = memref.load %arg2[%get3A_102, %get3A_103, %get3A_104] : memref<3x3x3xf32, #tpu.memory_space<smem>>
    %slice3A_106 = vector.extract_strided_slice %get3A_101 {offsets = [2, 0, 0], sizes = [30, 160, 128], strides = [1, 1, 1]} : vector<32x160x128xf32> to vector<30x160x128xf32>
    %mul3A_107 = vector.broadcast %get3A_105 : f32 to vector<30x160x128xf32>
    %mul3A_108 = arith.mulf %mul3A_107, %slice3A_106 : vector<30x160x128xf32>
    %add3A_109 = arith.addf %add3A_95, %mul3A_108 : vector<30x160x128xf32>
    %get3A_110 = arith.constant 1 : index
    %get3A_111 = arith.constant 0 : index
    %get3A_112 = arith.constant 0 : index
    %get3A_113 = arith.constant 0 : index
    %get3A_114 = vector.load %arg5[%get3A_110, %get3A_111, %get3A_112, %get3A_113] : memref<2x32x160x128xf32, #tpu.memory_space<vmem>>, vector<1x32x160x128xf32>
    %get3A_115 = vector.shape_cast %get3A_114 : vector<1x32x160x128xf32> to vector<32x160x128xf32>
    %get3A_116 = arith.constant 0 : index
    %get3A_117 = arith.constant 2 : index
    %get3A_118 = arith.constant 2 : index
    %get3A_119 = memref.load %arg2[%get3A_116, %get3A_117, %get3A_118] : memref<3x3x3xf32, #tpu.memory_space<smem>>
    %slice3A_120 = vector.extract_strided_slice %get3A_115 {offsets = [2, 0, 0], sizes = [30, 160, 128], strides = [1, 1, 1]} : vector<32x160x128xf32> to vector<30x160x128xf32>
    %mul3A_121 = vector.broadcast %get3A_119 : f32 to vector<30x160x128xf32>
    %mul3A_122 = arith.mulf %mul3A_121, %slice3A_120 : vector<30x160x128xf32>
    %add3A_123 = arith.addf %add3A_109, %mul3A_122 : vector<30x160x128xf32>
    %get3A_124 = arith.constant 0 : index
    %get3A_125 = memref.load %arg3[%get3A_124] : memref<3xf32, #tpu.memory_space<smem>>
    %add3A_126 = vector.broadcast %get3A_125 : f32 to vector<30x160x128xf32>
    %add3A_127 = arith.addf %add3A_123, %add3A_126 : vector<30x160x128xf32>
    %neg3A = arith.constant 0.000000e+00 : f32
    %neg3A_128 = vector.broadcast %neg3A : f32 to vector<30x160x128xf32>
    %neg3A_129 = arith.subf %neg3A_128, %add3A_127 : vector<30x160x128xf32>
    %exp3A = math.exp %neg3A_129 : vector<30x160x128xf32>
    %add3A_130 = arith.constant 1.000000e+00 : f32
    %add3A_131 = vector.broadcast %add3A_130 : f32 to vector<30x160x128xf32>
    %add3A_132 = arith.addf %add3A_131, %exp3A : vector<30x160x128xf32>
    %div3A = arith.constant 1.000000e+00 : f32
    %div3A_133 = vector.broadcast %div3A : f32 to vector<30x160x128xf32>
    %div3A_134 = arith.divf %div3A_133, %add3A_132 : vector<30x160x128xf32>
    %swap3A_135 = arith.constant 0 : index
    %swap3A_136 = arith.constant 0 : index
    %swap3A_137 = arith.constant 0 : index
    %swap3A_138 = arith.constant 0 : index
    %swap3A_139 = vector.load %arg4[%swap3A_135, %swap3A_136, %swap3A_137, %swap3A_138] : memref<3x30x160x128xf32, #tpu.memory_space<vmem>>, vector<1x30x160x128xf32>
    %swap3A_140 = vector.shape_cast %swap3A_139 : vector<1x30x160x128xf32> to vector<30x160x128xf32>
    %swap3A_141 = vector.shape_cast %div3A_134 : vector<30x160x128xf32> to vector<1x30x160x128xf32>
    tpu.vector_store %arg4[%swap3A_135, %swap3A_136, %swap3A_137, %swap3A_138], %swap3A_141 {strides = array<i32>} : memref<3x30x160x128xf32, #tpu.memory_space<vmem>>, vector<1x30x160x128xf32>,
    %slice3A_142 = vector.extract_strided_slice %reshape3A {offsets = [0, 0, 0], sizes = [32, 160, 128], strides = [1, 1, 1]} : vector<32x192x128xf32> to vector<32x160x128xf32>
    %get3A_143 = arith.constant 1 : index
    %get3A_144 = arith.constant 0 : index
    %get3A_145 = arith.constant 0 : index
    %get3A_146 = memref.load %arg2[%get3A_143, %get3A_144, %get3A_145] : memref<3x3x3xf32, #tpu.memory_space<smem>>
    %slice3A_147 = vector.extract_strided_slice %slice3A_142 {offsets = [0, 0, 0], sizes = [30, 160, 128], strides = [1, 1, 1]} : vector<32x160x128xf32> to vector<30x160x128xf32>
    %mul3A_148 = vector.broadcast %get3A_146 : f32 to vector<30x160x128xf32>
    %mul3A_149 = arith.mulf %mul3A_148, %slice3A_147 : vector<30x160x128xf32>
    %get3A_150 = arith.constant 0 : index
    %get3A_151 = arith.constant 0 : index
    %get3A_152 = arith.constant 0 : index
    %get3A_153 = arith.constant 0 : index
    %get3A_154 = vector.load %arg5[%get3A_150, %get3A_151, %get3A_152, %get3A_153] : memref<2x32x160x128xf32, #tpu.memory_space<vmem>>, vector<1x32x160x128xf32>
    %get3A_155 = vector.shape_cast %get3A_154 : vector<1x32x160x128xf32> to vector<32x160x128xf32>
    %get3A_156 = arith.constant 1 : index
    %get3A_157 = arith.constant 0 : index
    %get3A_158 = arith.constant 1 : index
    %get3A_159 = memref.load %arg2[%get3A_156, %get3A_157, %get3A_158] : memref<3x3x3xf32, #tpu.memory_space<smem>>
    %slice3A_160 = vector.extract_strided_slice %get3A_155 {offsets = [0, 0, 0], sizes = [30, 160, 128], strides = [1, 1, 1]} : vector<32x160x128xf32> to vector<30x160x128xf32>
    %mul3A_161 = vector.broadcast %get3A_159 : f32 to vector<30x160x128xf32>
    %mul3A_162 = arith.mulf %mul3A_161, %slice3A_160 : vector<30x160x128xf32>
    %add3A_163 = arith.addf %mul3A_149, %mul3A_162 : vector<30x160x128xf32>
    %get3A_164 = arith.constant 1 : index
    %get3A_165 = arith.constant 0 : index
    %get3A_166 = arith.constant 0 : index
    %get3A_167 = arith.constant 0 : index
    %get3A_168 = vector.load %arg5[%get3A_164, %get3A_165, %get3A_166, %get3A_167] : memref<2x32x160x128xf32, #tpu.memory_space<vmem>>, vector<1x32x160x128xf32>
    %get3A_169 = vector.shape_cast %get3A_168 : vector<1x32x160x128xf32> to vector<32x160x128xf32>
    %get3A_170 = arith.constant 1 : index
    %get3A_171 = arith.constant 0 : index
    %get3A_172 = arith.constant 2 : index
    %get3A_173 = memref.load %arg2[%get3A_170, %get3A_171, %get3A_172] : memref<3x3x3xf32, #tpu.memory_space<smem>>
    %slice3A_174 = vector.extract_strided_slice %get3A_169 {offsets = [0, 0, 0], sizes = [30, 160, 128], strides = [1, 1, 1]} : vector<32x160x128xf32> to vector<30x160x128xf32>
    %mul3A_175 = vector.broadcast %get3A_173 : f32 to vector<30x160x128xf32>
    %mul3A_176 = arith.mulf %mul3A_175, %slice3A_174 : vector<30x160x128xf32>
    %add3A_177 = arith.addf %add3A_163, %mul3A_176 : vector<30x160x128xf32>
    %slice3A_178 = vector.extract_strided_slice %reshape3A {offsets = [0, 0, 0], sizes = [32, 160, 128], strides = [1, 1, 1]} : vector<32x192x128xf32> to vector<32x160x128xf32>
    %get3A_179 = arith.constant 1 : index
    %get3A_180 = arith.constant 1 : index
    %get3A_181 = arith.constant 0 : index
    %get3A_182 = memref.load %arg2[%get3A_179, %get3A_180, %get3A_181] : memref<3x3x3xf32, #tpu.memory_space<smem>>
    %slice3A_183 = vector.extract_strided_slice %slice3A_178 {offsets = [1, 0, 0], sizes = [30, 160, 128], strides = [1, 1, 1]} : vector<32x160x128xf32> to vector<30x160x128xf32>
    %mul3A_184 = vector.broadcast %get3A_182 : f32 to vector<30x160x128xf32>
    %mul3A_185 = arith.mulf %mul3A_184, %slice3A_183 : vector<30x160x128xf32>
    %add3A_186 = arith.addf %add3A_177, %mul3A_185 : vector<30x160x128xf32>
    %get3A_187 = arith.constant 0 : index
    %get3A_188 = arith.constant 0 : index
    %get3A_189 = arith.constant 0 : index
    %get3A_190 = arith.constant 0 : index
    %get3A_191 = vector.load %arg5[%get3A_187, %get3A_188, %get3A_189, %get3A_190] : memref<2x32x160x128xf32, #tpu.memory_space<vmem>>, vector<1x32x160x128xf32>
    %get3A_192 = vector.shape_cast %get3A_191 : vector<1x32x160x128xf32> to vector<32x160x128xf32>
    %get3A_193 = arith.constant 1 : index
    %get3A_194 = arith.constant 1 : index
    %get3A_195 = arith.constant 1 : index
    %get3A_196 = memref.load %arg2[%get3A_193, %get3A_194, %get3A_195] : memref<3x3x3xf32, #tpu.memory_space<smem>>
    %slice3A_197 = vector.extract_strided_slice %get3A_192 {offsets = [1, 0, 0], sizes = [30, 160, 128], strides = [1, 1, 1]} : vector<32x160x128xf32> to vector<30x160x128xf32>
    %mul3A_198 = vector.broadcast %get3A_196 : f32 to vector<30x160x128xf32>
    %mul3A_199 = arith.mulf %mul3A_198, %slice3A_197 : vector<30x160x128xf32>
    %add3A_200 = arith.addf %add3A_186, %mul3A_199 : vector<30x160x128xf32>
    %get3A_201 = arith.constant 1 : index
    %get3A_202 = arith.constant 0 : index
    %get3A_203 = arith.constant 0 : index
    %get3A_204 = arith.constant 0 : index
    %get3A_205 = vector.load %arg5[%get3A_201, %get3A_202, %get3A_203, %get3A_204] : memref<2x32x160x128xf32, #tpu.memory_space<vmem>>, vector<1x32x160x128xf32>
    %get3A_206 = vector.shape_cast %get3A_205 : vector<1x32x160x128xf32> to vector<32x160x128xf32>
    %get3A_207 = arith.constant 1 : index
    %get3A_208 = arith.constant 1 : index
    %get3A_209 = arith.constant 2 : index
    %get3A_210 = memref.load %arg2[%get3A_207, %get3A_208, %get3A_209] : memref<3x3x3xf32, #tpu.memory_space<smem>>
    %slice3A_211 = vector.extract_strided_slice %get3A_206 {offsets = [1, 0, 0], sizes = [30, 160, 128], strides = [1, 1, 1]} : vector<32x160x128xf32> to vector<30x160x128xf32>
    %mul3A_212 = vector.broadcast %get3A_210 : f32 to vector<30x160x128xf32>
    %mul3A_213 = arith.mulf %mul3A_212, %slice3A_211 : vector<30x160x128xf32>
    %add3A_214 = arith.addf %add3A_200, %mul3A_213 : vector<30x160x128xf32>
    %slice3A_215 = vector.extract_strided_slice %reshape3A {offsets = [0, 0, 0], sizes = [32, 160, 128], strides = [1, 1, 1]} : vector<32x192x128xf32> to vector<32x160x128xf32>
    %get3A_216 = arith.constant 1 : index
    %get3A_217 = arith.constant 2 : index
    %get3A_218 = arith.constant 0 : index
    %get3A_219 = memref.load %arg2[%get3A_216, %get3A_217, %get3A_218] : memref<3x3x3xf32, #tpu.memory_space<smem>>
    %slice3A_220 = vector.extract_strided_slice %slice3A_215 {offsets = [2, 0, 0], sizes = [30, 160, 128], strides = [1, 1, 1]} : vector<32x160x128xf32> to vector<30x160x128xf32>
    %mul3A_221 = vector.broadcast %get3A_219 : f32 to vector<30x160x128xf32>
    %mul3A_222 = arith.mulf %mul3A_221, %slice3A_220 : vector<30x160x128xf32>
    %add3A_223 = arith.addf %add3A_214, %mul3A_222 : vector<30x160x128xf32>
    %get3A_224 = arith.constant 0 : index
    %get3A_225 = arith.constant 0 : index
    %get3A_226 = arith.constant 0 : index
    %get3A_227 = arith.constant 0 : index
    %get3A_228 = vector.load %arg5[%get3A_224, %get3A_225, %get3A_226, %get3A_227] : memref<2x32x160x128xf32, #tpu.memory_space<vmem>>, vector<1x32x160x128xf32>
    %get3A_229 = vector.shape_cast %get3A_228 : vector<1x32x160x128xf32> to vector<32x160x128xf32>
    %get3A_230 = arith.constant 1 : index
    %get3A_231 = arith.constant 2 : index
    %get3A_232 = arith.constant 1 : index
    %get3A_233 = memref.load %arg2[%get3A_230, %get3A_231, %get3A_232] : memref<3x3x3xf32, #tpu.memory_space<smem>>
    %slice3A_234 = vector.extract_strided_slice %get3A_229 {offsets = [2, 0, 0], sizes = [30, 160, 128], strides = [1, 1, 1]} : vector<32x160x128xf32> to vector<30x160x128xf32>
    %mul3A_235 = vector.broadcast %get3A_233 : f32 to vector<30x160x128xf32>
    %mul3A_236 = arith.mulf %mul3A_235, %slice3A_234 : vector<30x160x128xf32>
    %add3A_237 = arith.addf %add3A_223, %mul3A_236 : vector<30x160x128xf32>
    %get3A_238 = arith.constant 1 : index
    %get3A_239 = arith.constant 0 : index
    %get3A_240 = arith.constant 0 : index
    %get3A_241 = arith.constant 0 : index
    %get3A_242 = vector.load %arg5[%get3A_238, %get3A_239, %get3A_240, %get3A_241] : memref<2x32x160x128xf32, #tpu.memory_space<vmem>>, vector<1x32x160x128xf32>
    %get3A_243 = vector.shape_cast %get3A_242 : vector<1x32x160x128xf32> to vector<32x160x128xf32>
    %get3A_244 = arith.constant 1 : index
    %get3A_245 = arith.constant 2 : index
    %get3A_246 = arith.constant 2 : index
    %get3A_247 = memref.load %arg2[%get3A_244, %get3A_245, %get3A_246] : memref<3x3x3xf32, #tpu.memory_space<smem>>
    %slice3A_248 = vector.extract_strided_slice %get3A_243 {offsets = [2, 0, 0], sizes = [30, 160, 128], strides = [1, 1, 1]} : vector<32x160x128xf32> to vector<30x160x128xf32>
    %mul3A_249 = vector.broadcast %get3A_247 : f32 to vector<30x160x128xf32>
    %mul3A_250 = arith.mulf %mul3A_249, %slice3A_248 : vector<30x160x128xf32>
    %add3A_251 = arith.addf %add3A_237, %mul3A_250 : vector<30x160x128xf32>
    %get3A_252 = arith.constant 1 : index
    %get3A_253 = memref.load %arg3[%get3A_252] : memref<3xf32, #tpu.memory_space<smem>>
    %add3A_254 = vector.broadcast %get3A_253 : f32 to vector<30x160x128xf32>
    %add3A_255 = arith.addf %add3A_251, %add3A_254 : vector<30x160x128xf32>
    %neg3A_256 = arith.constant 0.000000e+00 : f32
    %neg3A_257 = vector.broadcast %neg3A_256 : f32 to vector<30x160x128xf32>
    %neg3A_258 = arith.subf %neg3A_257, %add3A_255 : vector<30x160x128xf32>
    %exp3A_259 = math.exp %neg3A_258 : vector<30x160x128xf32>
    %add3A_260 = arith.constant 1.000000e+00 : f32
    %add3A_261 = vector.broadcast %add3A_260 : f32 to vector<30x160x128xf32>
    %add3A_262 = arith.addf %add3A_261, %exp3A_259 : vector<30x160x128xf32>
    %div3A_263 = arith.constant 1.000000e+00 : f32
    %div3A_264 = vector.broadcast %div3A_263 : f32 to vector<30x160x128xf32>
    %div3A_265 = arith.divf %div3A_264, %add3A_262 : vector<30x160x128xf32>
    %swap3A_266 = arith.constant 1 : index
    %swap3A_267 = arith.constant 0 : index
    %swap3A_268 = arith.constant 0 : index
    %swap3A_269 = arith.constant 0 : index
    %swap3A_270 = vector.load %arg4[%swap3A_266, %swap3A_267, %swap3A_268, %swap3A_269] : memref<3x30x160x128xf32, #tpu.memory_space<vmem>>, vector<1x30x160x128xf32>
    %swap3A_271 = vector.shape_cast %swap3A_270 : vector<1x30x160x128xf32> to vector<30x160x128xf32>
    %swap3A_272 = vector.shape_cast %div3A_265 : vector<30x160x128xf32> to vector<1x30x160x128xf32>
    tpu.vector_store %arg4[%swap3A_266, %swap3A_267, %swap3A_268, %swap3A_269], %swap3A_272 {strides = array<i32>} : memref<3x30x160x128xf32, #tpu.memory_space<vmem>>, vector<1x30x160x128xf32>,
    %slice3A_273 = vector.extract_strided_slice %reshape3A {offsets = [0, 0, 0], sizes = [32, 160, 128], strides = [1, 1, 1]} : vector<32x192x128xf32> to vector<32x160x128xf32>
    %get3A_274 = arith.constant 2 : index
    %get3A_275 = arith.constant 0 : index
    %get3A_276 = arith.constant 0 : index
    %get3A_277 = memref.load %arg2[%get3A_274, %get3A_275, %get3A_276] : memref<3x3x3xf32, #tpu.memory_space<smem>>
    %slice3A_278 = vector.extract_strided_slice %slice3A_273 {offsets = [0, 0, 0], sizes = [30, 160, 128], strides = [1, 1, 1]} : vector<32x160x128xf32> to vector<30x160x128xf32>
    %mul3A_279 = vector.broadcast %get3A_277 : f32 to vector<30x160x128xf32>
    %mul3A_280 = arith.mulf %mul3A_279, %slice3A_278 : vector<30x160x128xf32>
    %get3A_281 = arith.constant 0 : index
    %get3A_282 = arith.constant 0 : index
    %get3A_283 = arith.constant 0 : index
    %get3A_284 = arith.constant 0 : index
    %get3A_285 = vector.load %arg5[%get3A_281, %get3A_282, %get3A_283, %get3A_284] : memref<2x32x160x128xf32, #tpu.memory_space<vmem>>, vector<1x32x160x128xf32>
    %get3A_286 = vector.shape_cast %get3A_285 : vector<1x32x160x128xf32> to vector<32x160x128xf32>
    %get3A_287 = arith.constant 2 : index
    %get3A_288 = arith.constant 0 : index
    %get3A_289 = arith.constant 1 : index
    %get3A_290 = memref.load %arg2[%get3A_287, %get3A_288, %get3A_289] : memref<3x3x3xf32, #tpu.memory_space<smem>>
    %slice3A_291 = vector.extract_strided_slice %get3A_286 {offsets = [0, 0, 0], sizes = [30, 160, 128], strides = [1, 1, 1]} : vector<32x160x128xf32> to vector<30x160x128xf32>
    %mul3A_292 = vector.broadcast %get3A_290 : f32 to vector<30x160x128xf32>
    %mul3A_293 = arith.mulf %mul3A_292, %slice3A_291 : vector<30x160x128xf32>
    %add3A_294 = arith.addf %mul3A_280, %mul3A_293 : vector<30x160x128xf32>
    %get3A_295 = arith.constant 1 : index
    %get3A_296 = arith.constant 0 : index
    %get3A_297 = arith.constant 0 : index
    %get3A_298 = arith.constant 0 : index
    %get3A_299 = vector.load %arg5[%get3A_295, %get3A_296, %get3A_297, %get3A_298] : memref<2x32x160x128xf32, #tpu.memory_space<vmem>>, vector<1x32x160x128xf32>
    %get3A_300 = vector.shape_cast %get3A_299 : vector<1x32x160x128xf32> to vector<32x160x128xf32>
    %get3A_301 = arith.constant 2 : index
    %get3A_302 = arith.constant 0 : index
    %get3A_303 = arith.constant 2 : index
    %get3A_304 = memref.load %arg2[%get3A_301, %get3A_302, %get3A_303] : memref<3x3x3xf32, #tpu.memory_space<smem>>
    %slice3A_305 = vector.extract_strided_slice %get3A_300 {offsets = [0, 0, 0], sizes = [30, 160, 128], strides = [1, 1, 1]} : vector<32x160x128xf32> to vector<30x160x128xf32>
    %mul3A_306 = vector.broadcast %get3A_304 : f32 to vector<30x160x128xf32>
    %mul3A_307 = arith.mulf %mul3A_306, %slice3A_305 : vector<30x160x128xf32>
    %add3A_308 = arith.addf %add3A_294, %mul3A_307 : vector<30x160x128xf32>
    %slice3A_309 = vector.extract_strided_slice %reshape3A {offsets = [0, 0, 0], sizes = [32, 160, 128], strides = [1, 1, 1]} : vector<32x192x128xf32> to vector<32x160x128xf32>
    %get3A_310 = arith.constant 2 : index
    %get3A_311 = arith.constant 1 : index
    %get3A_312 = arith.constant 0 : index
    %get3A_313 = memref.load %arg2[%get3A_310, %get3A_311, %get3A_312] : memref<3x3x3xf32, #tpu.memory_space<smem>>
    %slice3A_314 = vector.extract_strided_slice %slice3A_309 {offsets = [1, 0, 0], sizes = [30, 160, 128], strides = [1, 1, 1]} : vector<32x160x128xf32> to vector<30x160x128xf32>
    %mul3A_315 = vector.broadcast %get3A_313 : f32 to vector<30x160x128xf32>
    %mul3A_316 = arith.mulf %mul3A_315, %slice3A_314 : vector<30x160x128xf32>
    %add3A_317 = arith.addf %add3A_308, %mul3A_316 : vector<30x160x128xf32>
    %get3A_318 = arith.constant 0 : index
    %get3A_319 = arith.constant 0 : index
    %get3A_320 = arith.constant 0 : index
    %get3A_321 = arith.constant 0 : index
    %get3A_322 = vector.load %arg5[%get3A_318, %get3A_319, %get3A_320, %get3A_321] : memref<2x32x160x128xf32, #tpu.memory_space<vmem>>, vector<1x32x160x128xf32>
    %get3A_323 = vector.shape_cast %get3A_322 : vector<1x32x160x128xf32> to vector<32x160x128xf32>
    %get3A_324 = arith.constant 2 : index
    %get3A_325 = arith.constant 1 : index
    %get3A_326 = arith.constant 1 : index
    %get3A_327 = memref.load %arg2[%get3A_324, %get3A_325, %get3A_326] : memref<3x3x3xf32, #tpu.memory_space<smem>>
    %slice3A_328 = vector.extract_strided_slice %get3A_323 {offsets = [1, 0, 0], sizes = [30, 160, 128], strides = [1, 1, 1]} : vector<32x160x128xf32> to vector<30x160x128xf32>
    %mul3A_329 = vector.broadcast %get3A_327 : f32 to vector<30x160x128xf32>
    %mul3A_330 = arith.mulf %mul3A_329, %slice3A_328 : vector<30x160x128xf32>
    %add3A_331 = arith.addf %add3A_317, %mul3A_330 : vector<30x160x128xf32>
    %get3A_332 = arith.constant 1 : index
    %get3A_333 = arith.constant 0 : index
    %get3A_334 = arith.constant 0 : index
    %get3A_335 = arith.constant 0 : index
    %get3A_336 = vector.load %arg5[%get3A_332, %get3A_333, %get3A_334, %get3A_335] : memref<2x32x160x128xf32, #tpu.memory_space<vmem>>, vector<1x32x160x128xf32>
    %get3A_337 = vector.shape_cast %get3A_336 : vector<1x32x160x128xf32> to vector<32x160x128xf32>
    %get3A_338 = arith.constant 2 : index
    %get3A_339 = arith.constant 1 : index
    %get3A_340 = arith.constant 2 : index
    %get3A_341 = memref.load %arg2[%get3A_338, %get3A_339, %get3A_340] : memref<3x3x3xf32, #tpu.memory_space<smem>>
    %slice3A_342 = vector.extract_strided_slice %get3A_337 {offsets = [1, 0, 0], sizes = [30, 160, 128], strides = [1, 1, 1]} : vector<32x160x128xf32> to vector<30x160x128xf32>
    %mul3A_343 = vector.broadcast %get3A_341 : f32 to vector<30x160x128xf32>
    %mul3A_344 = arith.mulf %mul3A_343, %slice3A_342 : vector<30x160x128xf32>
    %add3A_345 = arith.addf %add3A_331, %mul3A_344 : vector<30x160x128xf32>
    %slice3A_346 = vector.extract_strided_slice %reshape3A {offsets = [0, 0, 0], sizes = [32, 160, 128], strides = [1, 1, 1]} : vector<32x192x128xf32> to vector<32x160x128xf32>
    %get3A_347 = arith.constant 2 : index
    %get3A_348 = arith.constant 2 : index
    %get3A_349 = arith.constant 0 : index
    %get3A_350 = memref.load %arg2[%get3A_347, %get3A_348, %get3A_349] : memref<3x3x3xf32, #tpu.memory_space<smem>>
    %slice3A_351 = vector.extract_strided_slice %slice3A_346 {offsets = [2, 0, 0], sizes = [30, 160, 128], strides = [1, 1, 1]} : vector<32x160x128xf32> to vector<30x160x128xf32>
    %mul3A_352 = vector.broadcast %get3A_350 : f32 to vector<30x160x128xf32>
    %mul3A_353 = arith.mulf %mul3A_352, %slice3A_351 : vector<30x160x128xf32>
    %add3A_354 = arith.addf %add3A_345, %mul3A_353 : vector<30x160x128xf32>
    %get3A_355 = arith.constant 0 : index
    %get3A_356 = arith.constant 0 : index
    %get3A_357 = arith.constant 0 : index
    %get3A_358 = arith.constant 0 : index
    %get3A_359 = vector.load %arg5[%get3A_355, %get3A_356, %get3A_357, %get3A_358] : memref<2x32x160x128xf32, #tpu.memory_space<vmem>>, vector<1x32x160x128xf32>
    %get3A_360 = vector.shape_cast %get3A_359 : vector<1x32x160x128xf32> to vector<32x160x128xf32>
    %get3A_361 = arith.constant 2 : index
    %get3A_362 = arith.constant 2 : index
    %get3A_363 = arith.constant 1 : index
    %get3A_364 = memref.load %arg2[%get3A_361, %get3A_362, %get3A_363] : memref<3x3x3xf32, #tpu.memory_space<smem>>
    %slice3A_365 = vector.extract_strided_slice %get3A_360 {offsets = [2, 0, 0], sizes = [30, 160, 128], strides = [1, 1, 1]} : vector<32x160x128xf32> to vector<30x160x128xf32>
    %mul3A_366 = vector.broadcast %get3A_364 : f32 to vector<30x160x128xf32>
    %mul3A_367 = arith.mulf %mul3A_366, %slice3A_365 : vector<30x160x128xf32>
    %add3A_368 = arith.addf %add3A_354, %mul3A_367 : vector<30x160x128xf32>
    %get3A_369 = arith.constant 1 : index
    %get3A_370 = arith.constant 0 : index
    %get3A_371 = arith.constant 0 : index
    %get3A_372 = arith.constant 0 : index
    %get3A_373 = vector.load %arg5[%get3A_369, %get3A_370, %get3A_371, %get3A_372] : memref<2x32x160x128xf32, #tpu.memory_space<vmem>>, vector<1x32x160x128xf32>
    %get3A_374 = vector.shape_cast %get3A_373 : vector<1x32x160x128xf32> to vector<32x160x128xf32>
    %get3A_375 = arith.constant 2 : index
    %get3A_376 = arith.constant 2 : index
    %get3A_377 = arith.constant 2 : index
    %get3A_378 = memref.load %arg2[%get3A_375, %get3A_376, %get3A_377] : memref<3x3x3xf32, #tpu.memory_space<smem>>
    %slice3A_379 = vector.extract_strided_slice %get3A_374 {offsets = [2, 0, 0], sizes = [30, 160, 128], strides = [1, 1, 1]} : vector<32x160x128xf32> to vector<30x160x128xf32>
    %mul3A_380 = vector.broadcast %get3A_378 : f32 to vector<30x160x128xf32>
    %mul3A_381 = arith.mulf %mul3A_380, %slice3A_379 : vector<30x160x128xf32>
    %add3A_382 = arith.addf %add3A_368, %mul3A_381 : vector<30x160x128xf32>
    %get3A_383 = arith.constant 2 : index
    %get3A_384 = memref.load %arg3[%get3A_383] : memref<3xf32, #tpu.memory_space<smem>>
    %add3A_385 = vector.broadcast %get3A_384 : f32 to vector<30x160x128xf32>
    %add3A_386 = arith.addf %add3A_382, %add3A_385 : vector<30x160x128xf32>
    %neg3A_387 = arith.constant 0.000000e+00 : f32
    %neg3A_388 = vector.broadcast %neg3A_387 : f32 to vector<30x160x128xf32>
    %neg3A_389 = arith.subf %neg3A_388, %add3A_386 : vector<30x160x128xf32>
    %exp3A_390 = math.exp %neg3A_389 : vector<30x160x128xf32>
    %add3A_391 = arith.constant 1.000000e+00 : f32
    %add3A_392 = vector.broadcast %add3A_391 : f32 to vector<30x160x128xf32>
    %add3A_393 = arith.addf %add3A_392, %exp3A_390 : vector<30x160x128xf32>
    %div3A_394 = arith.constant 1.000000e+00 : f32
    %div3A_395 = vector.broadcast %div3A_394 : f32 to vector<30x160x128xf32>
    %div3A_396 = arith.divf %div3A_395, %add3A_393 : vector<30x160x128xf32>
    %swap3A_397 = arith.constant 2 : index
    %swap3A_398 = arith.constant 0 : index
    %swap3A_399 = arith.constant 0 : index
    %swap3A_400 = arith.constant 0 : index
    %swap3A_401 = vector.load %arg4[%swap3A_397, %swap3A_398, %swap3A_399, %swap3A_400] : memref<3x30x160x128xf32, #tpu.memory_space<vmem>>, vector<1x30x160x128xf32>
    %swap3A_402 = vector.shape_cast %swap3A_401 : vector<1x30x160x128xf32> to vector<30x160x128xf32>
    %swap3A_403 = vector.shape_cast %div3A_396 : vector<30x160x128xf32> to vector<1x30x160x128xf32>
    tpu.vector_store %arg4[%swap3A_397, %swap3A_398, %swap3A_399, %swap3A_400], %swap3A_403 {strides = array<i32>} : memref<3x30x160x128xf32, #tpu.memory_space<vmem>>, vector<1x30x160x128xf32>,
    return
  }
  func.func @transform_0(%arg0: i32) -> (i32, i32) {
    %c0_i32 = arith.constant 0 : i32
    %c0_i32_0 = arith.constant 0 : i32
    return %arg0, %c0_i32 : i32, i32
  }
  func.func @transform_1(%arg0: i32) -> (i32, i32, i32) {
    %c0_i32 = arith.constant 0 : i32
    %c0_i32_0 = arith.constant 0 : i32
    %c0_i32_1 = arith.constant 0 : i32
    %c0_i32_2 = arith.constant 0 : i32
    return %c0_i32, %c0_i32_0, %c0_i32_1 : i32, i32, i32
  }
  func.func @transform_2(%arg0: i32) -> i32 {
    %c0_i32 = arith.constant 0 : i32
    %c0_i32_0 = arith.constant 0 : i32
    return %c0_i32 : i32
  }
  func.func @transform_3(%arg0: i32) -> (i32, i32, i32, i32) {
    %c0_i32 = arith.constant 0 : i32
    %c0_i32_0 = arith.constant 0 : i32
    %c0_i32_1 = arith.constant 0 : i32
    %c0_i32_2 = arith.constant 0 : i32
    return %c0_i32, %arg0, %c0_i32_0, %c0_i32_1 : i32, i32, i32, i32
  }
}

module attributes {stable_mosaic.version = 14 : i64} {
  func.func @body(%arg0: i32, %arg1: memref<128x6144xf32, #tpu.memory_space<vmem>>, %arg2: memref<3x3x3xf32, #tpu.memory_space<smem>>, %arg3: memref<3xf32, #tpu.memory_space<smem>>, %arg4: memref<3x210x160x256xf32, #tpu.memory_space<any>>, %arg5: memref<3x30x160x128xf32, #tpu.memory_space<vmem>>, %arg6: memref<2x32x160x128xf32, #tpu.memory_space<vmem>>) attributes {dimension_semantics = [#tpu.dimension_semantics<arbitrary>], iteration_bounds = array<i64: 7>, scalar_prefetch = 0 : i64, scratch_operands = 1 : i64, tpu.core_type = #tpu.core_type<tc>, window_params = [{transform_indices = @transform_0, window_bounds = array<i64: 128, 6144>}, {transform_indices = @transform_1, window_bounds = array<i64: 3, 3, 3>}, {transform_indices = @transform_2, window_bounds = array<i64: 3>}, {}, {transform_indices = @transform_4, window_bounds = array<i64: 3, 30, 160, 128>}]} {
    %get3A = arith.constant 0 : index
    %get3A_0 = arith.constant 0 : index
    %get3A_1 = vector.load %arg1[%get3A, %get3A_0] : memref<128x6144xf32, #tpu.memory_space<vmem>>, vector<128x6144xf32>
    %transpose3A = tpu.transpose %get3A_1, [1, 0] : vector<128x6144xf32> -> vector<6144x128xf32>
    %reshape3A = vector.shape_cast %transpose3A : vector<6144x128xf32> to vector<32x192x128xf32>
    %slice3A = vector.extract_strided_slice %reshape3A {offsets = [0, 1, 0], sizes = [32, 160, 128], strides = [1, 1, 1]} : vector<32x192x128xf32> to vector<32x160x128xf32>
    %swap3A = arith.constant 0 : index
    %swap3A_2 = arith.constant 0 : index
    %swap3A_3 = arith.constant 0 : index
    %swap3A_4 = arith.constant 0 : index
    %swap3A_5 = vector.load %arg6[%swap3A, %swap3A_2, %swap3A_3, %swap3A_4] : memref<2x32x160x128xf32, #tpu.memory_space<vmem>>, vector<1x32x160x128xf32>
    %swap3A_6 = vector.shape_cast %swap3A_5 : vector<1x32x160x128xf32> to vector<32x160x128xf32>
    %swap3A_7 = vector.shape_cast %slice3A : vector<32x160x128xf32> to vector<1x32x160x128xf32>
    tpu.vector_store %arg6[%swap3A, %swap3A_2, %swap3A_3, %swap3A_4], %swap3A_7 {strides = array<i32>} : memref<2x32x160x128xf32, #tpu.memory_space<vmem>>, vector<1x32x160x128xf32>,
    %slice3A_8 = vector.extract_strided_slice %reshape3A {offsets = [0, 2, 0], sizes = [32, 160, 128], strides = [1, 1, 1]} : vector<32x192x128xf32> to vector<32x160x128xf32>
    %swap3A_9 = arith.constant 1 : index
    %swap3A_10 = arith.constant 0 : index
    %swap3A_11 = arith.constant 0 : index
    %swap3A_12 = arith.constant 0 : index
    %swap3A_13 = vector.load %arg6[%swap3A_9, %swap3A_10, %swap3A_11, %swap3A_12] : memref<2x32x160x128xf32, #tpu.memory_space<vmem>>, vector<1x32x160x128xf32>
    %swap3A_14 = vector.shape_cast %swap3A_13 : vector<1x32x160x128xf32> to vector<32x160x128xf32>
    %swap3A_15 = vector.shape_cast %slice3A_8 : vector<32x160x128xf32> to vector<1x32x160x128xf32>
    tpu.vector_store %arg6[%swap3A_9, %swap3A_10, %swap3A_11, %swap3A_12], %swap3A_15 {strides = array<i32>} : memref<2x32x160x128xf32, #tpu.memory_space<vmem>>, vector<1x32x160x128xf32>,
    %slice3A_16 = vector.extract_strided_slice %reshape3A {offsets = [0, 0, 0], sizes = [32, 160, 128], strides = [1, 1, 1]} : vector<32x192x128xf32> to vector<32x160x128xf32>
    %get3A_17 = arith.constant 0 : index
    %get3A_18 = arith.constant 0 : index
    %get3A_19 = arith.constant 0 : index
    %get3A_20 = memref.load %arg2[%get3A_17, %get3A_18, %get3A_19] : memref<3x3x3xf32, #tpu.memory_space<smem>>
    %slice3A_21 = vector.extract_strided_slice %slice3A_16 {offsets = [0, 0, 0], sizes = [30, 160, 128], strides = [1, 1, 1]} : vector<32x160x128xf32> to vector<30x160x128xf32>
    %mul3A = vector.broadcast %get3A_20 : f32 to vector<30x160x128xf32>
    %mul3A_22 = arith.mulf %mul3A, %slice3A_21 : vector<30x160x128xf32>
    %get3A_23 = arith.constant 0 : index
    %get3A_24 = arith.constant 0 : index
    %get3A_25 = arith.constant 0 : index
    %get3A_26 = arith.constant 0 : index
    %get3A_27 = vector.load %arg6[%get3A_23, %get3A_24, %get3A_25, %get3A_26] : memref<2x32x160x128xf32, #tpu.memory_space<vmem>>, vector<1x32x160x128xf32>
    %get3A_28 = vector.shape_cast %get3A_27 : vector<1x32x160x128xf32> to vector<32x160x128xf32>
    %get3A_29 = arith.constant 0 : index
    %get3A_30 = arith.constant 0 : index
    %get3A_31 = arith.constant 1 : index
    %get3A_32 = memref.load %arg2[%get3A_29, %get3A_30, %get3A_31] : memref<3x3x3xf32, #tpu.memory_space<smem>>
    %slice3A_33 = vector.extract_strided_slice %get3A_28 {offsets = [0, 0, 0], sizes = [30, 160, 128], strides = [1, 1, 1]} : vector<32x160x128xf32> to vector<30x160x128xf32>
    %mul3A_34 = vector.broadcast %get3A_32 : f32 to vector<30x160x128xf32>
    %mul3A_35 = arith.mulf %mul3A_34, %slice3A_33 : vector<30x160x128xf32>
    %add3A = arith.addf %mul3A_22, %mul3A_35 : vector<30x160x128xf32>
    %get3A_36 = arith.constant 1 : index
    %get3A_37 = arith.constant 0 : index
    %get3A_38 = arith.constant 0 : index
    %get3A_39 = arith.constant 0 : index
    %get3A_40 = vector.load %arg6[%get3A_36, %get3A_37, %get3A_38, %get3A_39] : memref<2x32x160x128xf32, #tpu.memory_space<vmem>>, vector<1x32x160x128xf32>
    %get3A_41 = vector.shape_cast %get3A_40 : vector<1x32x160x128xf32> to vector<32x160x128xf32>
    %get3A_42 = arith.constant 0 : index
    %get3A_43 = arith.constant 0 : index
    %get3A_44 = arith.constant 2 : index
    %get3A_45 = memref.load %arg2[%get3A_42, %get3A_43, %get3A_44] : memref<3x3x3xf32, #tpu.memory_space<smem>>
    %slice3A_46 = vector.extract_strided_slice %get3A_41 {offsets = [0, 0, 0], sizes = [30, 160, 128], strides = [1, 1, 1]} : vector<32x160x128xf32> to vector<30x160x128xf32>
    %mul3A_47 = vector.broadcast %get3A_45 : f32 to vector<30x160x128xf32>
    %mul3A_48 = arith.mulf %mul3A_47, %slice3A_46 : vector<30x160x128xf32>
    %add3A_49 = arith.addf %add3A, %mul3A_48 : vector<30x160x128xf32>
    %slice3A_50 = vector.extract_strided_slice %reshape3A {offsets = [0, 0, 0], sizes = [32, 160, 128], strides = [1, 1, 1]} : vector<32x192x128xf32> to vector<32x160x128xf32>
    %get3A_51 = arith.constant 0 : index
    %get3A_52 = arith.constant 1 : index
    %get3A_53 = arith.constant 0 : index
    %get3A_54 = memref.load %arg2[%get3A_51, %get3A_52, %get3A_53] : memref<3x3x3xf32, #tpu.memory_space<smem>>
    %slice3A_55 = vector.extract_strided_slice %slice3A_50 {offsets = [1, 0, 0], sizes = [30, 160, 128], strides = [1, 1, 1]} : vector<32x160x128xf32> to vector<30x160x128xf32>
    %mul3A_56 = vector.broadcast %get3A_54 : f32 to vector<30x160x128xf32>
    %mul3A_57 = arith.mulf %mul3A_56, %slice3A_55 : vector<30x160x128xf32>
    %add3A_58 = arith.addf %add3A_49, %mul3A_57 : vector<30x160x128xf32>
    %get3A_59 = arith.constant 0 : index
    %get3A_60 = arith.constant 0 : index
    %get3A_61 = arith.constant 0 : index
    %get3A_62 = arith.constant 0 : index
    %get3A_63 = vector.load %arg6[%get3A_59, %get3A_60, %get3A_61, %get3A_62] : memref<2x32x160x128xf32, #tpu.memory_space<vmem>>, vector<1x32x160x128xf32>
    %get3A_64 = vector.shape_cast %get3A_63 : vector<1x32x160x128xf32> to vector<32x160x128xf32>
    %get3A_65 = arith.constant 0 : index
    %get3A_66 = arith.constant 1 : index
    %get3A_67 = arith.constant 1 : index
    %get3A_68 = memref.load %arg2[%get3A_65, %get3A_66, %get3A_67] : memref<3x3x3xf32, #tpu.memory_space<smem>>
    %slice3A_69 = vector.extract_strided_slice %get3A_64 {offsets = [1, 0, 0], sizes = [30, 160, 128], strides = [1, 1, 1]} : vector<32x160x128xf32> to vector<30x160x128xf32>
    %mul3A_70 = vector.broadcast %get3A_68 : f32 to vector<30x160x128xf32>
    %mul3A_71 = arith.mulf %mul3A_70, %slice3A_69 : vector<30x160x128xf32>
    %add3A_72 = arith.addf %add3A_58, %mul3A_71 : vector<30x160x128xf32>
    %get3A_73 = arith.constant 1 : index
    %get3A_74 = arith.constant 0 : index
    %get3A_75 = arith.constant 0 : index
    %get3A_76 = arith.constant 0 : index
    %get3A_77 = vector.load %arg6[%get3A_73, %get3A_74, %get3A_75, %get3A_76] : memref<2x32x160x128xf32, #tpu.memory_space<vmem>>, vector<1x32x160x128xf32>
    %get3A_78 = vector.shape_cast %get3A_77 : vector<1x32x160x128xf32> to vector<32x160x128xf32>
    %get3A_79 = arith.constant 0 : index
    %get3A_80 = arith.constant 1 : index
    %get3A_81 = arith.constant 2 : index
    %get3A_82 = memref.load %arg2[%get3A_79, %get3A_80, %get3A_81] : memref<3x3x3xf32, #tpu.memory_space<smem>>
    %slice3A_83 = vector.extract_strided_slice %get3A_78 {offsets = [1, 0, 0], sizes = [30, 160, 128], strides = [1, 1, 1]} : vector<32x160x128xf32> to vector<30x160x128xf32>
    %mul3A_84 = vector.broadcast %get3A_82 : f32 to vector<30x160x128xf32>
    %mul3A_85 = arith.mulf %mul3A_84, %slice3A_83 : vector<30x160x128xf32>
    %add3A_86 = arith.addf %add3A_72, %mul3A_85 : vector<30x160x128xf32>
    %slice3A_87 = vector.extract_strided_slice %reshape3A {offsets = [0, 0, 0], sizes = [32, 160, 128], strides = [1, 1, 1]} : vector<32x192x128xf32> to vector<32x160x128xf32>
    %get3A_88 = arith.constant 0 : index
    %get3A_89 = arith.constant 2 : index
    %get3A_90 = arith.constant 0 : index
    %get3A_91 = memref.load %arg2[%get3A_88, %get3A_89, %get3A_90] : memref<3x3x3xf32, #tpu.memory_space<smem>>
    %slice3A_92 = vector.extract_strided_slice %slice3A_87 {offsets = [2, 0, 0], sizes = [30, 160, 128], strides = [1, 1, 1]} : vector<32x160x128xf32> to vector<30x160x128xf32>
    %mul3A_93 = vector.broadcast %get3A_91 : f32 to vector<30x160x128xf32>
    %mul3A_94 = arith.mulf %mul3A_93, %slice3A_92 : vector<30x160x128xf32>
    %add3A_95 = arith.addf %add3A_86, %mul3A_94 : vector<30x160x128xf32>
    %get3A_96 = arith.constant 0 : index
    %get3A_97 = arith.constant 0 : index
    %get3A_98 = arith.constant 0 : index
    %get3A_99 = arith.constant 0 : index
    %get3A_100 = vector.load %arg6[%get3A_96, %get3A_97, %get3A_98, %get3A_99] : memref<2x32x160x128xf32, #tpu.memory_space<vmem>>, vector<1x32x160x128xf32>
    %get3A_101 = vector.shape_cast %get3A_100 : vector<1x32x160x128xf32> to vector<32x160x128xf32>
    %get3A_102 = arith.constant 0 : index
    %get3A_103 = arith.constant 2 : index
    %get3A_104 = arith.constant 1 : index
    %get3A_105 = memref.load %arg2[%get3A_102, %get3A_103, %get3A_104] : memref<3x3x3xf32, #tpu.memory_space<smem>>
    %slice3A_106 = vector.extract_strided_slice %get3A_101 {offsets = [2, 0, 0], sizes = [30, 160, 128], strides = [1, 1, 1]} : vector<32x160x128xf32> to vector<30x160x128xf32>
    %mul3A_107 = vector.broadcast %get3A_105 : f32 to vector<30x160x128xf32>
    %mul3A_108 = arith.mulf %mul3A_107, %slice3A_106 : vector<30x160x128xf32>
    %add3A_109 = arith.addf %add3A_95, %mul3A_108 : vector<30x160x128xf32>
    %get3A_110 = arith.constant 1 : index
    %get3A_111 = arith.constant 0 : index
    %get3A_112 = arith.constant 0 : index
    %get3A_113 = arith.constant 0 : index
    %get3A_114 = vector.load %arg6[%get3A_110, %get3A_111, %get3A_112, %get3A_113] : memref<2x32x160x128xf32, #tpu.memory_space<vmem>>, vector<1x32x160x128xf32>
    %get3A_115 = vector.shape_cast %get3A_114 : vector<1x32x160x128xf32> to vector<32x160x128xf32>
    %get3A_116 = arith.constant 0 : index
    %get3A_117 = arith.constant 2 : index
    %get3A_118 = arith.constant 2 : index
    %get3A_119 = memref.load %arg2[%get3A_116, %get3A_117, %get3A_118] : memref<3x3x3xf32, #tpu.memory_space<smem>>
    %slice3A_120 = vector.extract_strided_slice %get3A_115 {offsets = [2, 0, 0], sizes = [30, 160, 128], strides = [1, 1, 1]} : vector<32x160x128xf32> to vector<30x160x128xf32>
    %mul3A_121 = vector.broadcast %get3A_119 : f32 to vector<30x160x128xf32>
    %mul3A_122 = arith.mulf %mul3A_121, %slice3A_120 : vector<30x160x128xf32>
    %add3A_123 = arith.addf %add3A_109, %mul3A_122 : vector<30x160x128xf32>
    %get3A_124 = arith.constant 0 : index
    %get3A_125 = memref.load %arg3[%get3A_124] : memref<3xf32, #tpu.memory_space<smem>>
    %add3A_126 = vector.broadcast %get3A_125 : f32 to vector<30x160x128xf32>
    %add3A_127 = arith.addf %add3A_123, %add3A_126 : vector<30x160x128xf32>
    %neg3A = arith.constant 0.000000e+00 : f32
    %neg3A_128 = vector.broadcast %neg3A : f32 to vector<30x160x128xf32>
    %neg3A_129 = arith.subf %neg3A_128, %add3A_127 : vector<30x160x128xf32>
    %exp3A = math.exp %neg3A_129 : vector<30x160x128xf32>
    %add3A_130 = arith.constant 1.000000e+00 : f32
    %add3A_131 = vector.broadcast %add3A_130 : f32 to vector<30x160x128xf32>
    %add3A_132 = arith.addf %add3A_131, %exp3A : vector<30x160x128xf32>
    %div3A = arith.constant 1.000000e+00 : f32
    %div3A_133 = vector.broadcast %div3A : f32 to vector<30x160x128xf32>
    %div3A_134 = arith.divf %div3A_133, %add3A_132 : vector<30x160x128xf32>
    %swap3A_135 = arith.constant 0 : index
    %swap3A_136 = arith.constant 0 : index
    %swap3A_137 = arith.constant 0 : index
    %swap3A_138 = arith.constant 0 : index
    %swap3A_139 = vector.load %arg5[%swap3A_135, %swap3A_136, %swap3A_137, %swap3A_138] : memref<3x30x160x128xf32, #tpu.memory_space<vmem>>, vector<1x30x160x128xf32>
    %swap3A_140 = vector.shape_cast %swap3A_139 : vector<1x30x160x128xf32> to vector<30x160x128xf32>
    %swap3A_141 = vector.shape_cast %div3A_134 : vector<30x160x128xf32> to vector<1x30x160x128xf32>
    tpu.vector_store %arg5[%swap3A_135, %swap3A_136, %swap3A_137, %swap3A_138], %swap3A_141 {strides = array<i32>} : memref<3x30x160x128xf32, #tpu.memory_space<vmem>>, vector<1x30x160x128xf32>,
    %slice3A_142 = vector.extract_strided_slice %reshape3A {offsets = [0, 0, 0], sizes = [32, 160, 128], strides = [1, 1, 1]} : vector<32x192x128xf32> to vector<32x160x128xf32>
    %get3A_143 = arith.constant 1 : index
    %get3A_144 = arith.constant 0 : index
    %get3A_145 = arith.constant 0 : index
    %get3A_146 = memref.load %arg2[%get3A_143, %get3A_144, %get3A_145] : memref<3x3x3xf32, #tpu.memory_space<smem>>
    %slice3A_147 = vector.extract_strided_slice %slice3A_142 {offsets = [0, 0, 0], sizes = [30, 160, 128], strides = [1, 1, 1]} : vector<32x160x128xf32> to vector<30x160x128xf32>
    %mul3A_148 = vector.broadcast %get3A_146 : f32 to vector<30x160x128xf32>
    %mul3A_149 = arith.mulf %mul3A_148, %slice3A_147 : vector<30x160x128xf32>
    %get3A_150 = arith.constant 0 : index
    %get3A_151 = arith.constant 0 : index
    %get3A_152 = arith.constant 0 : index
    %get3A_153 = arith.constant 0 : index
    %get3A_154 = vector.load %arg6[%get3A_150, %get3A_151, %get3A_152, %get3A_153] : memref<2x32x160x128xf32, #tpu.memory_space<vmem>>, vector<1x32x160x128xf32>
    %get3A_155 = vector.shape_cast %get3A_154 : vector<1x32x160x128xf32> to vector<32x160x128xf32>
    %get3A_156 = arith.constant 1 : index
    %get3A_157 = arith.constant 0 : index
    %get3A_158 = arith.constant 1 : index
    %get3A_159 = memref.load %arg2[%get3A_156, %get3A_157, %get3A_158] : memref<3x3x3xf32, #tpu.memory_space<smem>>
    %slice3A_160 = vector.extract_strided_slice %get3A_155 {offsets = [0, 0, 0], sizes = [30, 160, 128], strides = [1, 1, 1]} : vector<32x160x128xf32> to vector<30x160x128xf32>
    %mul3A_161 = vector.broadcast %get3A_159 : f32 to vector<30x160x128xf32>
    %mul3A_162 = arith.mulf %mul3A_161, %slice3A_160 : vector<30x160x128xf32>
    %add3A_163 = arith.addf %mul3A_149, %mul3A_162 : vector<30x160x128xf32>
    %get3A_164 = arith.constant 1 : index
    %get3A_165 = arith.constant 0 : index
    %get3A_166 = arith.constant 0 : index
    %get3A_167 = arith.constant 0 : index
    %get3A_168 = vector.load %arg6[%get3A_164, %get3A_165, %get3A_166, %get3A_167] : memref<2x32x160x128xf32, #tpu.memory_space<vmem>>, vector<1x32x160x128xf32>
    %get3A_169 = vector.shape_cast %get3A_168 : vector<1x32x160x128xf32> to vector<32x160x128xf32>
    %get3A_170 = arith.constant 1 : index
    %get3A_171 = arith.constant 0 : index
    %get3A_172 = arith.constant 2 : index
    %get3A_173 = memref.load %arg2[%get3A_170, %get3A_171, %get3A_172] : memref<3x3x3xf32, #tpu.memory_space<smem>>
    %slice3A_174 = vector.extract_strided_slice %get3A_169 {offsets = [0, 0, 0], sizes = [30, 160, 128], strides = [1, 1, 1]} : vector<32x160x128xf32> to vector<30x160x128xf32>
    %mul3A_175 = vector.broadcast %get3A_173 : f32 to vector<30x160x128xf32>
    %mul3A_176 = arith.mulf %mul3A_175, %slice3A_174 : vector<30x160x128xf32>
    %add3A_177 = arith.addf %add3A_163, %mul3A_176 : vector<30x160x128xf32>
    %slice3A_178 = vector.extract_strided_slice %reshape3A {offsets = [0, 0, 0], sizes = [32, 160, 128], strides = [1, 1, 1]} : vector<32x192x128xf32> to vector<32x160x128xf32>
    %get3A_179 = arith.constant 1 : index
    %get3A_180 = arith.constant 1 : index
    %get3A_181 = arith.constant 0 : index
    %get3A_182 = memref.load %arg2[%get3A_179, %get3A_180, %get3A_181] : memref<3x3x3xf32, #tpu.memory_space<smem>>
    %slice3A_183 = vector.extract_strided_slice %slice3A_178 {offsets = [1, 0, 0], sizes = [30, 160, 128], strides = [1, 1, 1]} : vector<32x160x128xf32> to vector<30x160x128xf32>
    %mul3A_184 = vector.broadcast %get3A_182 : f32 to vector<30x160x128xf32>
    %mul3A_185 = arith.mulf %mul3A_184, %slice3A_183 : vector<30x160x128xf32>
    %add3A_186 = arith.addf %add3A_177, %mul3A_185 : vector<30x160x128xf32>
    %get3A_187 = arith.constant 0 : index
    %get3A_188 = arith.constant 0 : index
    %get3A_189 = arith.constant 0 : index
    %get3A_190 = arith.constant 0 : index
    %get3A_191 = vector.load %arg6[%get3A_187, %get3A_188, %get3A_189, %get3A_190] : memref<2x32x160x128xf32, #tpu.memory_space<vmem>>, vector<1x32x160x128xf32>
    %get3A_192 = vector.shape_cast %get3A_191 : vector<1x32x160x128xf32> to vector<32x160x128xf32>
    %get3A_193 = arith.constant 1 : index
    %get3A_194 = arith.constant 1 : index
    %get3A_195 = arith.constant 1 : index
    %get3A_196 = memref.load %arg2[%get3A_193, %get3A_194, %get3A_195] : memref<3x3x3xf32, #tpu.memory_space<smem>>
    %slice3A_197 = vector.extract_strided_slice %get3A_192 {offsets = [1, 0, 0], sizes = [30, 160, 128], strides = [1, 1, 1]} : vector<32x160x128xf32> to vector<30x160x128xf32>
    %mul3A_198 = vector.broadcast %get3A_196 : f32 to vector<30x160x128xf32>
    %mul3A_199 = arith.mulf %mul3A_198, %slice3A_197 : vector<30x160x128xf32>
    %add3A_200 = arith.addf %add3A_186, %mul3A_199 : vector<30x160x128xf32>
    %get3A_201 = arith.constant 1 : index
    %get3A_202 = arith.constant 0 : index
    %get3A_203 = arith.constant 0 : index
    %get3A_204 = arith.constant 0 : index
    %get3A_205 = vector.load %arg6[%get3A_201, %get3A_202, %get3A_203, %get3A_204] : memref<2x32x160x128xf32, #tpu.memory_space<vmem>>, vector<1x32x160x128xf32>
    %get3A_206 = vector.shape_cast %get3A_205 : vector<1x32x160x128xf32> to vector<32x160x128xf32>
    %get3A_207 = arith.constant 1 : index
    %get3A_208 = arith.constant 1 : index
    %get3A_209 = arith.constant 2 : index
    %get3A_210 = memref.load %arg2[%get3A_207, %get3A_208, %get3A_209] : memref<3x3x3xf32, #tpu.memory_space<smem>>
    %slice3A_211 = vector.extract_strided_slice %get3A_206 {offsets = [1, 0, 0], sizes = [30, 160, 128], strides = [1, 1, 1]} : vector<32x160x128xf32> to vector<30x160x128xf32>
    %mul3A_212 = vector.broadcast %get3A_210 : f32 to vector<30x160x128xf32>
    %mul3A_213 = arith.mulf %mul3A_212, %slice3A_211 : vector<30x160x128xf32>
    %add3A_214 = arith.addf %add3A_200, %mul3A_213 : vector<30x160x128xf32>
    %slice3A_215 = vector.extract_strided_slice %reshape3A {offsets = [0, 0, 0], sizes = [32, 160, 128], strides = [1, 1, 1]} : vector<32x192x128xf32> to vector<32x160x128xf32>
    %get3A_216 = arith.constant 1 : index
    %get3A_217 = arith.constant 2 : index
    %get3A_218 = arith.constant 0 : index
    %get3A_219 = memref.load %arg2[%get3A_216, %get3A_217, %get3A_218] : memref<3x3x3xf32, #tpu.memory_space<smem>>
    %slice3A_220 = vector.extract_strided_slice %slice3A_215 {offsets = [2, 0, 0], sizes = [30, 160, 128], strides = [1, 1, 1]} : vector<32x160x128xf32> to vector<30x160x128xf32>
    %mul3A_221 = vector.broadcast %get3A_219 : f32 to vector<30x160x128xf32>
    %mul3A_222 = arith.mulf %mul3A_221, %slice3A_220 : vector<30x160x128xf32>
    %add3A_223 = arith.addf %add3A_214, %mul3A_222 : vector<30x160x128xf32>
    %get3A_224 = arith.constant 0 : index
    %get3A_225 = arith.constant 0 : index
    %get3A_226 = arith.constant 0 : index
    %get3A_227 = arith.constant 0 : index
    %get3A_228 = vector.load %arg6[%get3A_224, %get3A_225, %get3A_226, %get3A_227] : memref<2x32x160x128xf32, #tpu.memory_space<vmem>>, vector<1x32x160x128xf32>
    %get3A_229 = vector.shape_cast %get3A_228 : vector<1x32x160x128xf32> to vector<32x160x128xf32>
    %get3A_230 = arith.constant 1 : index
    %get3A_231 = arith.constant 2 : index
    %get3A_232 = arith.constant 1 : index
    %get3A_233 = memref.load %arg2[%get3A_230, %get3A_231, %get3A_232] : memref<3x3x3xf32, #tpu.memory_space<smem>>
    %slice3A_234 = vector.extract_strided_slice %get3A_229 {offsets = [2, 0, 0], sizes = [30, 160, 128], strides = [1, 1, 1]} : vector<32x160x128xf32> to vector<30x160x128xf32>
    %mul3A_235 = vector.broadcast %get3A_233 : f32 to vector<30x160x128xf32>
    %mul3A_236 = arith.mulf %mul3A_235, %slice3A_234 : vector<30x160x128xf32>
    %add3A_237 = arith.addf %add3A_223, %mul3A_236 : vector<30x160x128xf32>
    %get3A_238 = arith.constant 1 : index
    %get3A_239 = arith.constant 0 : index
    %get3A_240 = arith.constant 0 : index
    %get3A_241 = arith.constant 0 : index
    %get3A_242 = vector.load %arg6[%get3A_238, %get3A_239, %get3A_240, %get3A_241] : memref<2x32x160x128xf32, #tpu.memory_space<vmem>>, vector<1x32x160x128xf32>
    %get3A_243 = vector.shape_cast %get3A_242 : vector<1x32x160x128xf32> to vector<32x160x128xf32>
    %get3A_244 = arith.constant 1 : index
    %get3A_245 = arith.constant 2 : index
    %get3A_246 = arith.constant 2 : index
    %get3A_247 = memref.load %arg2[%get3A_244, %get3A_245, %get3A_246] : memref<3x3x3xf32, #tpu.memory_space<smem>>
    %slice3A_248 = vector.extract_strided_slice %get3A_243 {offsets = [2, 0, 0], sizes = [30, 160, 128], strides = [1, 1, 1]} : vector<32x160x128xf32> to vector<30x160x128xf32>
    %mul3A_249 = vector.broadcast %get3A_247 : f32 to vector<30x160x128xf32>
    %mul3A_250 = arith.mulf %mul3A_249, %slice3A_248 : vector<30x160x128xf32>
    %add3A_251 = arith.addf %add3A_237, %mul3A_250 : vector<30x160x128xf32>
    %get3A_252 = arith.constant 1 : index
    %get3A_253 = memref.load %arg3[%get3A_252] : memref<3xf32, #tpu.memory_space<smem>>
    %add3A_254 = vector.broadcast %get3A_253 : f32 to vector<30x160x128xf32>
    %add3A_255 = arith.addf %add3A_251, %add3A_254 : vector<30x160x128xf32>
    %neg3A_256 = arith.constant 0.000000e+00 : f32
    %neg3A_257 = vector.broadcast %neg3A_256 : f32 to vector<30x160x128xf32>
    %neg3A_258 = arith.subf %neg3A_257, %add3A_255 : vector<30x160x128xf32>
    %exp3A_259 = math.exp %neg3A_258 : vector<30x160x128xf32>
    %add3A_260 = arith.constant 1.000000e+00 : f32
    %add3A_261 = vector.broadcast %add3A_260 : f32 to vector<30x160x128xf32>
    %add3A_262 = arith.addf %add3A_261, %exp3A_259 : vector<30x160x128xf32>
    %div3A_263 = arith.constant 1.000000e+00 : f32
    %div3A_264 = vector.broadcast %div3A_263 : f32 to vector<30x160x128xf32>
    %div3A_265 = arith.divf %div3A_264, %add3A_262 : vector<30x160x128xf32>
    %swap3A_266 = arith.constant 1 : index
    %swap3A_267 = arith.constant 0 : index
    %swap3A_268 = arith.constant 0 : index
    %swap3A_269 = arith.constant 0 : index
    %swap3A_270 = vector.load %arg5[%swap3A_266, %swap3A_267, %swap3A_268, %swap3A_269] : memref<3x30x160x128xf32, #tpu.memory_space<vmem>>, vector<1x30x160x128xf32>
    %swap3A_271 = vector.shape_cast %swap3A_270 : vector<1x30x160x128xf32> to vector<30x160x128xf32>
    %swap3A_272 = vector.shape_cast %div3A_265 : vector<30x160x128xf32> to vector<1x30x160x128xf32>
    tpu.vector_store %arg5[%swap3A_266, %swap3A_267, %swap3A_268, %swap3A_269], %swap3A_272 {strides = array<i32>} : memref<3x30x160x128xf32, #tpu.memory_space<vmem>>, vector<1x30x160x128xf32>,
    %slice3A_273 = vector.extract_strided_slice %reshape3A {offsets = [0, 0, 0], sizes = [32, 160, 128], strides = [1, 1, 1]} : vector<32x192x128xf32> to vector<32x160x128xf32>
    %get3A_274 = arith.constant 2 : index
    %get3A_275 = arith.constant 0 : index
    %get3A_276 = arith.constant 0 : index
    %get3A_277 = memref.load %arg2[%get3A_274, %get3A_275, %get3A_276] : memref<3x3x3xf32, #tpu.memory_space<smem>>
    %slice3A_278 = vector.extract_strided_slice %slice3A_273 {offsets = [0, 0, 0], sizes = [30, 160, 128], strides = [1, 1, 1]} : vector<32x160x128xf32> to vector<30x160x128xf32>
    %mul3A_279 = vector.broadcast %get3A_277 : f32 to vector<30x160x128xf32>
    %mul3A_280 = arith.mulf %mul3A_279, %slice3A_278 : vector<30x160x128xf32>
    %get3A_281 = arith.constant 0 : index
    %get3A_282 = arith.constant 0 : index
    %get3A_283 = arith.constant 0 : index
    %get3A_284 = arith.constant 0 : index
    %get3A_285 = vector.load %arg6[%get3A_281, %get3A_282, %get3A_283, %get3A_284] : memref<2x32x160x128xf32, #tpu.memory_space<vmem>>, vector<1x32x160x128xf32>
    %get3A_286 = vector.shape_cast %get3A_285 : vector<1x32x160x128xf32> to vector<32x160x128xf32>
    %get3A_287 = arith.constant 2 : index
    %get3A_288 = arith.constant 0 : index
    %get3A_289 = arith.constant 1 : index
    %get3A_290 = memref.load %arg2[%get3A_287, %get3A_288, %get3A_289] : memref<3x3x3xf32, #tpu.memory_space<smem>>
    %slice3A_291 = vector.extract_strided_slice %get3A_286 {offsets = [0, 0, 0], sizes = [30, 160, 128], strides = [1, 1, 1]} : vector<32x160x128xf32> to vector<30x160x128xf32>
    %mul3A_292 = vector.broadcast %get3A_290 : f32 to vector<30x160x128xf32>
    %mul3A_293 = arith.mulf %mul3A_292, %slice3A_291 : vector<30x160x128xf32>
    %add3A_294 = arith.addf %mul3A_280, %mul3A_293 : vector<30x160x128xf32>
    %get3A_295 = arith.constant 1 : index
    %get3A_296 = arith.constant 0 : index
    %get3A_297 = arith.constant 0 : index
    %get3A_298 = arith.constant 0 : index
    %get3A_299 = vector.load %arg6[%get3A_295, %get3A_296, %get3A_297, %get3A_298] : memref<2x32x160x128xf32, #tpu.memory_space<vmem>>, vector<1x32x160x128xf32>
    %get3A_300 = vector.shape_cast %get3A_299 : vector<1x32x160x128xf32> to vector<32x160x128xf32>
    %get3A_301 = arith.constant 2 : index
    %get3A_302 = arith.constant 0 : index
    %get3A_303 = arith.constant 2 : index
    %get3A_304 = memref.load %arg2[%get3A_301, %get3A_302, %get3A_303] : memref<3x3x3xf32, #tpu.memory_space<smem>>
    %slice3A_305 = vector.extract_strided_slice %get3A_300 {offsets = [0, 0, 0], sizes = [30, 160, 128], strides = [1, 1, 1]} : vector<32x160x128xf32> to vector<30x160x128xf32>
    %mul3A_306 = vector.broadcast %get3A_304 : f32 to vector<30x160x128xf32>
    %mul3A_307 = arith.mulf %mul3A_306, %slice3A_305 : vector<30x160x128xf32>
    %add3A_308 = arith.addf %add3A_294, %mul3A_307 : vector<30x160x128xf32>
    %slice3A_309 = vector.extract_strided_slice %reshape3A {offsets = [0, 0, 0], sizes = [32, 160, 128], strides = [1, 1, 1]} : vector<32x192x128xf32> to vector<32x160x128xf32>
    %get3A_310 = arith.constant 2 : index
    %get3A_311 = arith.constant 1 : index
    %get3A_312 = arith.constant 0 : index
    %get3A_313 = memref.load %arg2[%get3A_310, %get3A_311, %get3A_312] : memref<3x3x3xf32, #tpu.memory_space<smem>>
    %slice3A_314 = vector.extract_strided_slice %slice3A_309 {offsets = [1, 0, 0], sizes = [30, 160, 128], strides = [1, 1, 1]} : vector<32x160x128xf32> to vector<30x160x128xf32>
    %mul3A_315 = vector.broadcast %get3A_313 : f32 to vector<30x160x128xf32>
    %mul3A_316 = arith.mulf %mul3A_315, %slice3A_314 : vector<30x160x128xf32>
    %add3A_317 = arith.addf %add3A_308, %mul3A_316 : vector<30x160x128xf32>
    %get3A_318 = arith.constant 0 : index
    %get3A_319 = arith.constant 0 : index
    %get3A_320 = arith.constant 0 : index
    %get3A_321 = arith.constant 0 : index
    %get3A_322 = vector.load %arg6[%get3A_318, %get3A_319, %get3A_320, %get3A_321] : memref<2x32x160x128xf32, #tpu.memory_space<vmem>>, vector<1x32x160x128xf32>
    %get3A_323 = vector.shape_cast %get3A_322 : vector<1x32x160x128xf32> to vector<32x160x128xf32>
    %get3A_324 = arith.constant 2 : index
    %get3A_325 = arith.constant 1 : index
    %get3A_326 = arith.constant 1 : index
    %get3A_327 = memref.load %arg2[%get3A_324, %get3A_325, %get3A_326] : memref<3x3x3xf32, #tpu.memory_space<smem>>
    %slice3A_328 = vector.extract_strided_slice %get3A_323 {offsets = [1, 0, 0], sizes = [30, 160, 128], strides = [1, 1, 1]} : vector<32x160x128xf32> to vector<30x160x128xf32>
    %mul3A_329 = vector.broadcast %get3A_327 : f32 to vector<30x160x128xf32>
    %mul3A_330 = arith.mulf %mul3A_329, %slice3A_328 : vector<30x160x128xf32>
    %add3A_331 = arith.addf %add3A_317, %mul3A_330 : vector<30x160x128xf32>
    %get3A_332 = arith.constant 1 : index
    %get3A_333 = arith.constant 0 : index
    %get3A_334 = arith.constant 0 : index
    %get3A_335 = arith.constant 0 : index
    %get3A_336 = vector.load %arg6[%get3A_332, %get3A_333, %get3A_334, %get3A_335] : memref<2x32x160x128xf32, #tpu.memory_space<vmem>>, vector<1x32x160x128xf32>
    %get3A_337 = vector.shape_cast %get3A_336 : vector<1x32x160x128xf32> to vector<32x160x128xf32>
    %get3A_338 = arith.constant 2 : index
    %get3A_339 = arith.constant 1 : index
    %get3A_340 = arith.constant 2 : index
    %get3A_341 = memref.load %arg2[%get3A_338, %get3A_339, %get3A_340] : memref<3x3x3xf32, #tpu.memory_space<smem>>
    %slice3A_342 = vector.extract_strided_slice %get3A_337 {offsets = [1, 0, 0], sizes = [30, 160, 128], strides = [1, 1, 1]} : vector<32x160x128xf32> to vector<30x160x128xf32>
    %mul3A_343 = vector.broadcast %get3A_341 : f32 to vector<30x160x128xf32>
    %mul3A_344 = arith.mulf %mul3A_343, %slice3A_342 : vector<30x160x128xf32>
    %add3A_345 = arith.addf %add3A_331, %mul3A_344 : vector<30x160x128xf32>
    %slice3A_346 = vector.extract_strided_slice %reshape3A {offsets = [0, 0, 0], sizes = [32, 160, 128], strides = [1, 1, 1]} : vector<32x192x128xf32> to vector<32x160x128xf32>
    %get3A_347 = arith.constant 2 : index
    %get3A_348 = arith.constant 2 : index
    %get3A_349 = arith.constant 0 : index
    %get3A_350 = memref.load %arg2[%get3A_347, %get3A_348, %get3A_349] : memref<3x3x3xf32, #tpu.memory_space<smem>>
    %slice3A_351 = vector.extract_strided_slice %slice3A_346 {offsets = [2, 0, 0], sizes = [30, 160, 128], strides = [1, 1, 1]} : vector<32x160x128xf32> to vector<30x160x128xf32>
    %mul3A_352 = vector.broadcast %get3A_350 : f32 to vector<30x160x128xf32>
    %mul3A_353 = arith.mulf %mul3A_352, %slice3A_351 : vector<30x160x128xf32>
    %add3A_354 = arith.addf %add3A_345, %mul3A_353 : vector<30x160x128xf32>
    %get3A_355 = arith.constant 0 : index
    %get3A_356 = arith.constant 0 : index
    %get3A_357 = arith.constant 0 : index
    %get3A_358 = arith.constant 0 : index
    %get3A_359 = vector.load %arg6[%get3A_355, %get3A_356, %get3A_357, %get3A_358] : memref<2x32x160x128xf32, #tpu.memory_space<vmem>>, vector<1x32x160x128xf32>
    %get3A_360 = vector.shape_cast %get3A_359 : vector<1x32x160x128xf32> to vector<32x160x128xf32>
    %get3A_361 = arith.constant 2 : index
    %get3A_362 = arith.constant 2 : index
    %get3A_363 = arith.constant 1 : index
    %get3A_364 = memref.load %arg2[%get3A_361, %get3A_362, %get3A_363] : memref<3x3x3xf32, #tpu.memory_space<smem>>
    %slice3A_365 = vector.extract_strided_slice %get3A_360 {offsets = [2, 0, 0], sizes = [30, 160, 128], strides = [1, 1, 1]} : vector<32x160x128xf32> to vector<30x160x128xf32>
    %mul3A_366 = vector.broadcast %get3A_364 : f32 to vector<30x160x128xf32>
    %mul3A_367 = arith.mulf %mul3A_366, %slice3A_365 : vector<30x160x128xf32>
    %add3A_368 = arith.addf %add3A_354, %mul3A_367 : vector<30x160x128xf32>
    %get3A_369 = arith.constant 1 : index
    %get3A_370 = arith.constant 0 : index
    %get3A_371 = arith.constant 0 : index
    %get3A_372 = arith.constant 0 : index
    %get3A_373 = vector.load %arg6[%get3A_369, %get3A_370, %get3A_371, %get3A_372] : memref<2x32x160x128xf32, #tpu.memory_space<vmem>>, vector<1x32x160x128xf32>
    %get3A_374 = vector.shape_cast %get3A_373 : vector<1x32x160x128xf32> to vector<32x160x128xf32>
    %get3A_375 = arith.constant 2 : index
    %get3A_376 = arith.constant 2 : index
    %get3A_377 = arith.constant 2 : index
    %get3A_378 = memref.load %arg2[%get3A_375, %get3A_376, %get3A_377] : memref<3x3x3xf32, #tpu.memory_space<smem>>
    %slice3A_379 = vector.extract_strided_slice %get3A_374 {offsets = [2, 0, 0], sizes = [30, 160, 128], strides = [1, 1, 1]} : vector<32x160x128xf32> to vector<30x160x128xf32>
    %mul3A_380 = vector.broadcast %get3A_378 : f32 to vector<30x160x128xf32>
    %mul3A_381 = arith.mulf %mul3A_380, %slice3A_379 : vector<30x160x128xf32>
    %add3A_382 = arith.addf %add3A_368, %mul3A_381 : vector<30x160x128xf32>
    %get3A_383 = arith.constant 2 : index
    %get3A_384 = memref.load %arg3[%get3A_383] : memref<3xf32, #tpu.memory_space<smem>>
    %add3A_385 = vector.broadcast %get3A_384 : f32 to vector<30x160x128xf32>
    %add3A_386 = arith.addf %add3A_382, %add3A_385 : vector<30x160x128xf32>
    %neg3A_387 = arith.constant 0.000000e+00 : f32
    %neg3A_388 = vector.broadcast %neg3A_387 : f32 to vector<30x160x128xf32>
    %neg3A_389 = arith.subf %neg3A_388, %add3A_386 : vector<30x160x128xf32>
    %exp3A_390 = math.exp %neg3A_389 : vector<30x160x128xf32>
    %add3A_391 = arith.constant 1.000000e+00 : f32
    %add3A_392 = vector.broadcast %add3A_391 : f32 to vector<30x160x128xf32>
    %add3A_393 = arith.addf %add3A_392, %exp3A_390 : vector<30x160x128xf32>
    %div3A_394 = arith.constant 1.000000e+00 : f32
    %div3A_395 = vector.broadcast %div3A_394 : f32 to vector<30x160x128xf32>
    %div3A_396 = arith.divf %div3A_395, %add3A_393 : vector<30x160x128xf32>
    %swap3A_397 = arith.constant 2 : index
    %swap3A_398 = arith.constant 0 : index
    %swap3A_399 = arith.constant 0 : index
    %swap3A_400 = arith.constant 0 : index
    %swap3A_401 = vector.load %arg5[%swap3A_397, %swap3A_398, %swap3A_399, %swap3A_400] : memref<3x30x160x128xf32, #tpu.memory_space<vmem>>, vector<1x30x160x128xf32>
    %swap3A_402 = vector.shape_cast %swap3A_401 : vector<1x30x160x128xf32> to vector<30x160x128xf32>
    %swap3A_403 = vector.shape_cast %div3A_396 : vector<30x160x128xf32> to vector<1x30x160x128xf32>
    tpu.vector_store %arg5[%swap3A_397, %swap3A_398, %swap3A_399, %swap3A_400], %swap3A_403 {strides = array<i32>} : memref<3x30x160x128xf32, #tpu.memory_space<vmem>>, vector<1x30x160x128xf32>,
    return
  }
  func.func @transform_0(%arg0: i32) -> (i32, i32) {
    %c0_i32 = arith.constant 0 : i32
    %c0_i32_0 = arith.constant 0 : i32
    return %arg0, %c0_i32 : i32, i32
  }
  func.func @transform_1(%arg0: i32) -> (i32, i32, i32) {
    %c0_i32 = arith.constant 0 : i32
    %c0_i32_0 = arith.constant 0 : i32
    %c0_i32_1 = arith.constant 0 : i32
    %c0_i32_2 = arith.constant 0 : i32
    return %c0_i32, %c0_i32_0, %c0_i32_1 : i32, i32, i32
  }
  func.func @transform_2(%arg0: i32) -> i32 {
    %c0_i32 = arith.constant 0 : i32
    %c0_i32_0 = arith.constant 0 : i32
    return %c0_i32 : i32
  }
  func.func @transform_4(%arg0: i32) -> (i32, i32, i32, i32) {
    %c0_i32 = arith.constant 0 : i32
    %c0_i32_0 = arith.constant 0 : i32
    %c1_i32 = arith.constant 1 : i32
    %c0_i32_1 = arith.constant 0 : i32
    return %c0_i32, %arg0, %c0_i32_0, %c1_i32 : i32, i32, i32, i32
  }
}

</mosaic_0001>

<sc_bundles>
// kernel: kernel.6.cloned.1.call-start
scs
__scs_entry_jumppad:
0x0: {  	(pc) =	sbr.rel $0x88, $3  }
0x1: {  	(tag) =	ssettag $0x0;
	lr =	simm.s32 $0x1  }
0x2: {  	[smem:$0x3F9D] =	sst lr;
	_ =	strace $0xD0000000  }
0x3: {  	_ = 	snop  }
0x4: {  	_ = 	snop  }
0x5: {  	_ = 	snop  }
0x6: {  	_ = 	snop  }
0x7: {  	_ = 	snop  }
__scs_overlays_trampoline_lowered:
0x8: {  	[smem:$0x3FAC] =	sst s0  }
0x9: {  	[smem:$0x3FAD] =	sst s1  }
0xa: {  	[smem:$0x3FAE] =	sst s2  }
0xb: {  	[smem:$0x3FAF] =	sst s3  }
0xc: {  	[smem:$0x3FB0] =	sst s4  }
0xd: {  	[smem:$0x3FB1] =	sst s5  }
0xe: {  	[smem:$0x3FB2] =	sst s6  }
0xf: {  	[smem:$0x3FB3] =	sst s7  }
0x10: {  	[smem:$0x3FB4] =	sst s8  }
0x11: {  	[smem:$0x3FB5] =	sst s9;
	s0 =	simm.s32 @!p0 $0x0  }
0x12: {  	s1 =	sld [smem:$0x3F9B];
	s0 =	simm.s32 @p0 $0x1  }
0x13: {  	[smem:$0x3FB6] =	sst s0;
	s0 =	simm.s32 @!p1 $0x0  }
0x14: {  	s2 =	sld [smem:$0x3F9A];
	s0 =	simm.s32 @p1 $0x1  }
0x15: {  	[smem:$0x3FB7] =	sst s0;
	s0 =	simm.s32 @!p2 $0x0  }
0x16: {  	s3 =	sld [smem:$0x3FDB];
	s0 =	simm.s32 @p2 $0x1  }
0x17: {  	s4 =	simm.s32 $0x1BF5;
	[smem:$0x3FB9] =	sst s0  }
0x18: {  	s0 =	sld [smem:$0x3F9C];
	_ =	swait.ge [sflag:s4], $0x0  }
0x19: {  	s7 =	sld [smem:$0x3F9D]  }
0x1a: {  	s8 =	sadd.s32 $0xFFFFE003, lr  }
0x1b: {  	s9 =	sadd.s32 $0xFFFFFEF7, lr;
	s5 =	simm.s32 $0xFFFFFFFF;
	p2 =	slt.u32 s8, $0xFFFFF086  }
0x1c: {  	p1 =	slt.u32 s9, $0xF7A;
	s5 =	simm.s32 @!p2 $0x0  }
0x1d: {  	s5 =	simm.s32 @p1 $0x1;
	p0 =	seq.s32 s7, s2  }
0x1e: {  	s7 =	smul.u32 @!p0 $0xF7A, s2;
	p2 =	seq.s32 @!p0 s5, $0x0  }
0x1f: {  	s9 =	smul.u32 $0xF7A, s1;
	s8 =	simm.s32 @!p0 $0x1BF5;
	p2 =	por !p2, p0  }
0x20: {  	[sflag:s8] =	ssyncset.s32 @!p0 $0xFFFFF086;
	s6 =	sadd.s32 @!p0 s3, s7;
	s7 =	simm.s32 @!p0 $0x108  }
0x21: {  	s3 =	sadd.s32 s3, s9;
	s6 =	sadd.s32 @!p0 $0x88, s6;
	s7 =	simm.s32 @p2 $0x1082  }
0x22: {  	[simem:s7], [sflag:s8] =	dma.local @!p0 [hbm:s6], $0xF7A  }
0x23: {  	s9 =	sor.u32 $0xD0000000, s2;
	s6 =	simm.s32 $0x108;
	_ =	swait.ge @!p0 [sflag:s8], $0x0  }
0x24: {  	s3 =	sadd.s32 $0x88, s3;
	s6 =	simm.s32 @!p1 $0x1082;
	[sflag:s4] =	ssyncset.s32 $0xFFFFF086  }
0x25: {  	[simem:s6], [sflag:s4] =	dma.local [hbm:s3], $0xF7A  }
0x26: {  	[smem:$0x3F9D] =	sst s1;
	(tag) =	ssettag s2;
	_ =	strace s9  }
0x27: {  	s1 =	sld [smem:$0x3FAD]  }
0x28: {  	s2 =	sld [smem:$0x3FAE]  }
0x29: {  	s4 =	sld [smem:$0x3FB0]  }
0x2a: {  	p0 =	seq.s32 s5, $0x0;
	s5 =	sld [smem:$0x3FB1]  }
0x2b: {  	s6 =	sld [smem:$0x3FB2]  }
0x2c: {  	s7 =	sld [smem:$0x3FB3]  }
0x2d: {  	s3 =	simm.s32 $0x108;
	s8 =	sld [smem:$0x3FB4]  }
0x2e: {  	s3 =	simm.s32 @!p0 $0x1082;
	s9 =	sld [smem:$0x3FB5]  }
0x2f: {  	lr =	sadd.s32 s0, s3;
	s0 =	sld [smem:$0x3FAC]  }
0x30: {  	s3 =	sld [smem:$0x3FAF]  }
0x31: {  	[smem:$0x3FB8] =	sst s10  }
0x32: {  	s10 =	sld [smem:$0x3FB6];
	_ =	sdelay $0x3  }
0x33: {  	p0 =	seq.s32 s10, $0x1;
	s10 =	sld [smem:$0x3FB8];
	_ =	sdelay $0x3  }
0x34: {  	[smem:$0x3FB8] =	sst s10  }
0x35: {  	s10 =	sld [smem:$0x3FB7];
	_ =	sdelay $0x3  }
0x36: {  	p1 =	seq.s32 s10, $0x1;
	s10 =	sld [smem:$0x3FB8];
	_ =	sdelay $0x3  }
0x37: {  	[smem:$0x3FB8] =	sst s10  }
0x38: {  	s10 =	sld [smem:$0x3FB9]  }
0x39: {  	_ = 	snop;
	(pc) =	sbr.ind lr, $3  }
0x3a: {  	_ = 	snop  }
0x3b: {  	_ = 	snop  }
0x3c: {  	p2 =	seq.s32 s10, $0x1;
	s10 =	sld [smem:$0x3FB8]  }
0x3d: {  	_ =	shalt  }
0x3e: {  	_ =	shalt  }
0x3f: {  	_ =	shalt  }
0x40: {  	_ =	shalt  }
0x41: {  	_ =	shalt  }
0x42: {  	_ =	shalt  }
0x43: {  	_ =	shalt  }
0x44: {  	_ =	shalt  }
0x45: {  	_ =	shalt  }
0x46: {  	_ =	shalt  }
0x47: {  	_ =	shalt  }
0x48: {  	_ =	shalt  }
0x49: {  	_ =	shalt  }
0x4a: {  	_ =	shalt  }
0x4b: {  	_ =	shalt  }
0x4c: {  	_ =	shalt  }
0x4d: {  	_ =	shalt  }
0x4e: {  	_ =	shalt  }
0x4f: {  	_ =	shalt  }
0x50: {  	_ =	shalt  }
0x51: {  	_ =	shalt  }
0x52: {  	_ =	shalt  }
0x53: {  	_ =	shalt  }
0x54: {  	_ =	shalt  }
0x55: {  	_ =	shalt  }
0x56: {  	_ =	shalt  }
0x57: {  	_ =	shalt  }
0x58: {  	_ =	shalt  }
0x59: {  	_ =	shalt  }
0x5a: {  	_ =	shalt  }
0x5b: {  	_ =	shalt  }
0x5c: {  	_ =	shalt  }
0x5d: {  	_ =	shalt  }
0x5e: {  	_ =	shalt  }
0x5f: {  	_ =	shalt  }
0x60: {  	_ =	shalt  }
0x61: {  	_ =	shalt  }
0x62: {  	_ =	shalt  }
0x63: {  	_ =	shalt  }
0x64: {  	_ =	shalt  }
0x65: {  	_ =	shalt  }
0x66: {  	_ =	shalt  }
0x67: {  	_ =	shalt  }
0x68: {  	_ =	shalt  }
0x69: {  	_ =	shalt  }
0x6a: {  	_ =	shalt  }
0x6b: {  	_ =	shalt  }
0x6c: {  	_ =	shalt  }
0x6d: {  	_ =	shalt  }
0x6e: {  	_ =	shalt  }
0x6f: {  	_ =	shalt  }
0x70: {  	_ =	shalt  }
0x71: {  	_ =	shalt  }
0x72: {  	_ =	shalt  }
0x73: {  	_ =	shalt  }
0x74: {  	_ =	shalt  }
0x75: {  	_ =	shalt  }
0x76: {  	_ =	shalt  }
0x77: {  	_ =	shalt  }
0x78: {  	_ =	shalt  }
0x79: {  	_ =	shalt  }
0x7a: {  	_ =	shalt  }
0x7b: {  	_ =	shalt  }
0x7c: {  	_ =	shalt  }
0x7d: {  	_ =	shalt  }
0x7e: {  	_ =	shalt  }
0x7f: {  	_ =	shalt  }
0x80: {  	_ =	shalt  }
0x81: {  	_ =	shalt  }
0x82: {  	_ =	shalt  }
0x83: {  	_ =	shalt  }
0x84: {  	_ =	shalt  }
0x85: {  	_ =	shalt  }
0x86: {  	_ =	shalt  }
0x87: {  	_ =	shalt  }
.Lfunc_end0:
.L_simem_size_0:
called_computation_lowered:
.L_overlay_start_0:
0x88: {  	s2 =	sld [smem:$0x3FD9]  }
0x89: {  	s3 =	sld [smem:$0x3FFE];
	_ =	sdelay $0x1  }
0x8a: {  	s1 =	srdreg.scid  }
0x8b: {  	s0 =	sand.u32 $0x1, s1  }
0x8c: {  	s18 =	sshll.u32 s0, $0xA;
	s2 =	sadd.s32 s3, s2  }
0x8d: {  	s2 =	sadd.s32 s2, s18  }
0x8e: {  	[smem:$0x3FC4] =	sst s2  }
0x8f: {  	_ = 	snop  }
0x90: {  	s2 =	sld [smem:$0x3FC9]  }
0x91: {  	s19 =	sld [smem:$0x3FC8]  }
0x92: {  	s4 =	sld [smem:$0x3FD0];
	(tm) =	ssettm $0x1  }
0x93: {  	s5 =	sld [smem:$0x3FFB];
	_ =	sdelay $0x3  }
0x94: {  	_ =	strace s5  }
0x95: {  	s5 =	sld [smem:$0x3FFC];
	_ =	sdelay $0x3  }
0x96: {  	_ =	strace s5  }
0x97: {  	s5 =	sld [smem:$0x3FFD];
	_ =	sdelay $0x3  }
0x98: {  	_ =	strace s5  }
0x99: {  	_ =	strace $0x8FFFFFFF  }
0x9a: {  	s20 =	sld [smem:$0x3FDB];
	_ =	sdelay $0x1  }
0x9b: {  	s6 =	simm.s32 $_scs_section_size  }
0x9c: {  	s7 =	simm.s32 $_size__tile_overlayer_lowered;
	s8 =	simm.s32 $_tile_overlayer_lowered  }
0x9d: {  	s23 =	simm.s32 $0x1BFF;
	s22 =	sshll.u32 s8, $0x1;
	s5 =	sadd.s32 s6, s20  }
0x9e: {  	s9 =	simm.s32 $0x0;
	s21 =	sshll.u32 s7, $0x1;
	s7 =	sadd.s32 s22, s5  }
0x9f: {  	[timem:s9], [sflag:s23] =	dma.local [hbm:s7], s21  }
0xa0: {  	_ =	swait.ge [sflag:s23], s21  }
0xa1: {  	s6 =	ssub.s32 $0x0, s21;
	[sflag:s23] =	ssyncset.done $0x0  }
0xa2: {  	[sflag:s23] =	ssyncadd.s32 s6;
	_ =	sdelay $0x1  }
0xa3: {  	s24 =	simm.s32 $0x1B8B  }
0xa4: {  	_ =	swait.ge [sflag:s24], $0x1  }
0xa5: {  	[sflag:s24] =	ssyncset.done $0x0  }
0xa6: {  	s25 =	simm.s32 $0x1B8E;
	[sflag:s24] =	ssyncadd.s32 $0xFFFFFFFF  }
0xa7: {  	s26 =	simm.s32 $execute0_lowered;
	[smem:$0x3FD2] =	sst s25  }
0xa8: {  	s6 =	sshll.u32 s26, $0x1;
	_ =	strace $0x80000046;
	[dreg:$0x1] =	wrdreg $0xFFFFFFFF  }
0xa9: {  	s28 =	simm.s32 $_size_execute0_lowered;
	s5 =	sadd.s32 s5, s6;
	[dreg:$0x0] =	wrdreg $0x0  }
0xaa: {  	s6 =	sshll.u32 s28, $0x1;
	[dreg:$0x2] =	wrdreg s5  }
0xab: {  	[dreg:$0x3] =	wrdreg s6  }
0xac: {  	[dreg:$0x4] =	wrdreg $0xC0  }
0xad: {  	_ =	task [dreg:s9], $0x5FFFF  }
0xae: {  	[dreg:$0x1] =	wrdreg $0xFFFFFFFF  }
0xaf: {  	[dreg:$0x0] =	wrdreg $0x60  }
0xb0: {  	[dreg:$0x2] =	wrdreg s19  }
0xb1: {  	[dreg:$0x3] =	wrdreg s2  }
0xb2: {  	[dreg:$0x4] =	wrdreg s4  }
0xb3: {  	[dreg:$0x5] =	wrdreg $0x9  }
0xb4: {  	_ =	task.clear_ibuf [dreg:s9], $0x6FFFF;
	_ =	strace $0x90000046  }
0xb5: {  	s29 =	simm.s32 $0x9;
	_ =	strace $0x80000048  }
0xb6: {  	_ =	swait.ge [sflag:s29], $0x1  }
0xb7: {  	[sflag:s29] =	ssyncadd.s32 $0xFFFFFFFF  }
0xb8: {  	_ =	strace $0x90000048  }
0xb9: {  	_ =	sfence  }
0xba: {  	s30 =	sld [smem:$0x0];
	_ =	sdelay $0x2  }
0xbb: {  	s31 =	sshll.u32 s1, $0xD;
	s1 =	sshrl.u32 s1, $0x2  }
0xbc: {  	s3 =	sand.u32 $0x4000, s31;
	s1 =	sadd.s32 s1, s30  }
0xbd: {  	s0 =	sor.u32 s3, s0;
	s1 =	sshll.u32 s1, $0x11  }
0xbe: {  	s0 =	sor.u32 s1, s0  }
0xbf: {  	s0 =	sadd.s32 $0x8F2B, s0  }
0xc0: {  	[sflag:s0] =	ssyncadd.remote.s32 $0x1  }
0xc1: {  	_ =	sfence.sel $0xFFFF  }
0xc2: {  	[dreg:$0x0] =	wrdreg $0xFFFFFFFF;
	(pc) =	sbr.abs _section_cstart, $3  }
0xc3: {  	[dreg:$0x1] =	wrdreg $0xFFFFFFFF  }
0xc4: {  	_ =	task.clear_ibuf [dreg:s9], $0x2FFFF;
	_ =	strace $0x9FFFFFFF  }
0xc5: {  	(tm) =	ssettm $0x7FFFFFFF  }
tec
execute0_lowered:
.L_overlay_start_1:
0x0: {  	(tag) =	ssettag $0x1  }
0x1: {  	s0 =	srdreg.scid  }
0x2: {  	s22 =	stileid.u32;
	s15 =	rddreg [dreg:$0x0]  }
0x3: {  	s16 =	rddreg [dreg:$0x1];
	s30 =	simm.s32 $0x0;
	s9 =	sand.u32 $0x1, s0  }
0x4: {  	s6 =	sshll.u32 s22, $0x3;
	s1 =	sshll.u32 s9, $0x2;
	s2 =	ssub.s32 $0x2, s9  }
0x5: {  	s9 =	sshll.u32 s9, $0x9;
	s4 =	sor.u32 s1, s6;
	s7 =	sshrl.u32 s2, $0x1  }
0x6: {  	s1 =	sshll.u32 s4, $0x9;
	s6 =	ssub.s32 s2, s7;
	s17 =	sor.u32 $0x1, s4  }
0x7: {  	s11 =	sor.u32 $0x81, s4;
	s14 =	sor.u32 $0x101, s4;
	s20 =	sor.u32 $0x181, s4  }
0x8: {  	s5 =	sor.u32 $0x201, s4;
	s24 =	sor.u32 $0x281, s4;
	s31 =	sor.u32 $0x82, s4  }
0x9: {  	s8 =	sadd.s32 s15, s1;
	s10 =	sadd.s32 s16, s1;
	s18 =	sshll.u32 s17, $0x9  }
0xa: {  	s13 =	sshrl.u32 s11, $0x3;
	s0 =	sshll.u32 s11, $0x7;
	s3 =	sshrl.u32 s14, $0x3  }
0xb: {  	s2 =	sshll.u32 s14, $0x7;
	s21 =	sshrl.u32 s20, $0x3;
	s7 =	sshrl.u32 s5, $0x3  }
0xc: {  	s5 =	sshll.u32 s5, $0x7;
	s25 =	sshrl.u32 s24, $0x3;
	s11 =	sor.u32 $0x102, s4  }
0xd: {  	s14 =	sor.u32 $0x182, s4;
	s6 =	smax.u32 s6, $0x1;
	[dreg:$0x4] =	wrdreg s8  }
0xe: {  	[dreg:$0x5] =	wrdreg s10;
	s12 =	sadd.s32 s15, s18;
	s1 =	smul.u32 $0xC000, s13  }
0xf: {  	s0 =	sand.u32 $0x280, s0;
	s3 =	smul.u32 $0xC000, s3;
	s19 =	sand.u32 $0x280, s2  }
0x10: {  	s2 =	sshll.u32 s20, $0x7;
	s7 =	smul.u32 $0xC000, s7;
	s23 =	sand.u32 $0x280, s5  }
0x11: {  	s8 =	sor.u32 $0x301, s4;
	s5 =	sshll.u32 s24, $0x7;
	s18 =	sadd.s32 s16, s18  }
0x12: {  	[dreg:$0x6] =	wrdreg s12;
	s2 =	sand.u32 $0x280, s2;
	s10 =	sshrl.u32 s8, $0x3  }
0x13: {  	s5 =	sand.u32 $0x280, s5;
	s8 =	sshll.u32 s8, $0x7;
	s12 =	sshrl.u32 s31, $0x3  }
0x14: {  	s0 =	sor.u32 s0, s1;
	s1 =	sor.u32 s19, s3;
	s3 =	smul.u32 $0xC000, s21  }
0x15: {  	[dreg:$0x7] =	wrdreg s18;
	s10 =	smul.u32 $0xC000, s10;
	s26 =	sand.u32 $0x280, s8  }
0x16: {  	s2 =	sor.u32 s2, s3;
	s3 =	sor.u32 s23, s7;
	s7 =	smul.u32 $0xC000, s25  }
0x17: {  	s8 =	sshll.u32 s31, $0x7;
	s19 =	sshrl.u32 s14, $0x3;
	s21 =	sor.u32 $0x282, s4  }
0x18: {  	s8 =	sand.u32 $0x300, s8;
	s0 =	sshrl.u32 s0, $0x3;
	s5 =	sor.u32 s5, s7  }
0x19: {  	s7 =	sor.u32 s26, s10;
	s10 =	smul.u32 $0xC000, s12;
	s12 =	sshrl.u32 s11, $0x3  }
0x1a: {  	s1 =	sshrl.u32 s1, $0x3;
	s11 =	sshll.u32 s11, $0x7;
	s12 =	smul.u32 $0xC000, s12  }
0x1b: {  	s23 =	sshrl.u32 s21, $0x3;
	s13 =	sand.u32 $0x300, s11;
	s11 =	sshll.u32 s14, $0x7  }
0x1c: {  	s8 =	sor.u32 s8, s10;
	s10 =	sor.u32 s13, s12;
	s13 =	sor.u32 $0x202, s4  }
0x1d: {  	s11 =	sand.u32 $0x300, s11;
	s12 =	smul.u32 $0xC000, s19;
	s14 =	sshrl.u32 s13, $0x3  }
0x1e: {  	s19 =	sor.u32 $0x302, s4;
	s13 =	sshll.u32 s13, $0x7;
	s14 =	smul.u32 $0xC000, s14  }
0x1f: {  	s20 =	sand.u32 $0x300, s13;
	s13 =	sshll.u32 s21, $0x7;
	s21 =	sor.u32 $0x2, s4  }
0x20: {  	s11 =	sor.u32 s11, s12;
	s13 =	sand.u32 $0x300, s13;
	s25 =	sshll.u32 s21, $0x9  }
0x21: {  	s12 =	sor.u32 s20, s14;
	s14 =	smul.u32 $0xC000, s23;
	s20 =	sshrl.u32 s19, $0x3  }
0x22: {  	s19 =	sshll.u32 s19, $0x7;
	s26 =	sadd.s32 s15, s25;
	s23 =	sshll.u32 s17, $0x7  }
0x23: {  	s17 =	sor.u32 $0x83, s4;
	s20 =	smul.u32 $0xC000, s20;
	s24 =	sand.u32 $0x300, s19  }
0x24: {  	[dreg:$0x8] =	wrdreg s26;
	s19 =	sadd.s32 s16, s25;
	s25 =	sshll.u32 s21, $0x7  }
0x25: {  	s13 =	sor.u32 s13, s14;
	[dreg:$0x9] =	wrdreg s19;
	s19 =	smul.u32 $0xC000, s22  }
0x26: {  	s26 =	sand.u32 $0x300, s25;
	s14 =	sor.u32 s24, s20;
	s20 =	sor.u32 $0x3, s4  }
0x27: {  	s25 =	sor.u32 $0x183, s4;
	s24 =	sand.u32 $0x280, s23;
	s31 =	sshll.u32 s20, $0x9  }
0x28: {  	s22 =	sor.u32 s9, s19;
	s21 =	sor.u32 s19, s24;
	s18 =	sor.u32 s19, s26  }
0x29: {  	s26 =	sshrl.u32 s25, $0x3;
	s15 =	sadd.s32 s15, s31;
	s16 =	sadd.s32 s16, s31  }
0x2a: {  	s31 =	sshll.u32 s20, $0x7;
	s20 =	sor.u32 $0x103, s4;
	[dreg:$0xa] =	wrdreg s15  }
0x2b: {  	s28 =	sadd.s32 $0x180000, s22;
	s21 =	sshrl.u32 s21, $0x3;
	[dreg:$0xb] =	wrdreg s16  }
0x2c: {  	s16 =	sand.u32 $0x380, s31;
	s23 =	sshrl.u32 s20, $0x3;
	s31 =	sor.u32 $0x203, s4  }
0x2d: {  	s15 =	sor.u32 s19, s16;
	s19 =	sshrl.u32 s17, $0x3;
	s16 =	sshll.u32 s17, $0x7  }
0x2e: {  	s17 =	sshll.u32 s20, $0x7;
	s20 =	sshll.u32 s25, $0x7;
	s9 =	smul.u32 $0xC000, s19  }
0x2f: {  	s25 =	sor.u32 $0x283, s4;
	s4 =	sor.u32 $0x303, s4;
	s19 =	smul.u32 $0xC000, s23  }
0x30: {  	s16 =	sand.u32 $0x380, s16;
	s24 =	sand.u32 $0x380, s17;
	s23 =	sshrl.u32 s31, $0x3  }
0x31: {  	s23 =	smul.u32 $0xC000, s23;
	s16 =	sor.u32 s16, s9;
	s17 =	sor.u32 s24, s19  }
0x32: {  	s9 =	smul.u32 $0xC000, s26;
	s24 =	sshll.u32 s31, $0x7;
	s26 =	sshrl.u32 s25, $0x3  }
0x33: {  	s20 =	sand.u32 $0x380, s20;
	s24 =	sand.u32 $0x380, s24;
	s31 =	smul.u32 $0xC000, s26  }
0x34: {  	s26 =	sshrl.u32 s4, $0x3;
	s4 =	sshll.u32 s4, $0x7;
	s16 =	sshrl.u32 s16, $0x3  }
0x35: {  	s19 =	sor.u32 s20, s9;
	s20 =	sor.u32 s24, s23;
	s24 =	sshll.u32 s25, $0x7  }
0x36: {  	s25 =	smul.u32 $0xC000, s26;
	s9 =	simm.s32 $0x0;
	s4 =	sand.u32 $0x380, s4  }
0x37: {  	s26 =	sadd.s32 $0xC0000, s22;
	[smem:$0x7FF] =	sst s9;
	s24 =	sand.u32 $0x380, s24  }
0x38: {  	s26 =	sshrl.u32 s26, $0x3;
	s19 =	sshrl.u32 s19, $0x3;
	s23 =	sor.u32 s24, s31  }
0x39: {  	s4 =	sor.u32 s4, s25;
	s24 =	rddreg [dreg:$0x2];
	s31 =	sshrl.u32 s22, $0x3  }
0x3a: {  	s29 =	sadd.s32 s24, s31;
	s31 =	sshrl.u32 s28, $0x3;
	s25 =	sadd.s32 s24, s26  }
0x3b: {  	s26 =	sadd.s32 $0x240000, s22;
	s21 =	sadd.s32 s24, s21;
	[dreg:$0xc] =	wrdreg s25  }
0x3c: {  	s0 =	sadd.s32 s24, s0;
	s28 =	simm.s32 $0x1;
	[dreg:$0x11] =	wrdreg s21  }
0x3d: {  	s31 =	sadd.s32 s24, s31;
	s25 =	sshrl.u32 s26, $0x3;
	[dreg:$0x12] =	wrdreg s0  }
0x3e: {  	s21 =	sadd.s32 s24, s1;
	s26 =	sshrl.u32 s5, $0x3;
	s1 =	sshrl.u32 s7, $0x3  }
0x3f: {  	s7 =	sshrl.u32 s10, $0x3;
	s10 =	sshrl.u32 s12, $0x3;
	s12 =	sshrl.u32 s13, $0x3  }
0x40: {  	s13 =	sshrl.u32 s14, $0x3;
	s14 =	sshrl.u32 s15, $0x3;
	[dreg:$0xd] =	wrdreg s31  }
0x41: {  	s31 =	sadd.s32 $0x3C0000, s22;
	s22 =	sadd.s32 $0x480000, s22;
	s25 =	sadd.s32 s24, s25  }
0x42: {  	[dreg:$0x13] =	wrdreg s21;
	s15 =	sadd.s32 s24, s14;
	s21 =	sadd.s32 s24, s19  }
0x43: {  	s14 =	simm.s32 $0x400;
	s19 =	simm.s32 $0xC700;
	[dreg:$0xe] =	wrdreg s25  }
0x44: {  	s31 =	sshrl.u32 s31, $0x3;
	s22 =	sshrl.u32 s22, $0x3;
	[dreg:$0x1f] =	wrdreg s15  }
0x45: {  	[smem:$0x7FA] =	sst s21;
	s15 =	simm.s32 $0x5680;
	s25 =	sadd.s32 s24, s31  }
0x46: {  	s21 =	simm.s32 $0xF580;
	s22 =	sadd.s32 s24, s22;
	[dreg:$0xf] =	wrdreg s25  }
0x47: {  	s31 =	sadd.s32 s24, s26;
	s26 =	sshrl.u32 s4, $0x3;
	[dreg:$0x10] =	wrdreg s22  }
0x48: {  	s22 =	sshrl.u32 s2, $0x3;
	s25 =	sshrl.u32 s3, $0x3;
	[dreg:$0x16] =	wrdreg s31  }
0x49: {  	s2 =	sshrl.u32 s18, $0x3;
	s3 =	sshrl.u32 s8, $0x3;
	s8 =	sshrl.u32 s11, $0x3  }
0x4a: {  	s11 =	sadd.s32 s24, s10;
	s18 =	sshrl.u32 s17, $0x3;
	s31 =	sadd.s32 s24, s26  }
0x4b: {  	s10 =	simm.s32 $0x8380;
	s17 =	simm.s32 $0x9A00;
	[dreg:$0x1c] =	wrdreg s11  }
0x4c: {  	s26 =	simm.s32 $0x16600;
	s0 =	sadd.s32 s24, s22;
	[smem:$0x7FD] =	sst s31  }
0x4d: {  	s5 =	sadd.s32 s24, s3;
	s22 =	sshrl.u32 s20, $0x3;
	[dreg:$0x14] =	wrdreg s0  }
0x4e: {  	s11 =	simm.s32 $0x1000;
	s0 =	sadd.s32 s24, s25;
	[dreg:$0x19] =	wrdreg s5  }
0x4f: {  	s20 =	simm.s32 $0xDF00;
	[dreg:$0x15] =	wrdreg s0;
	s0 =	sadd.s32 s24, s1  }
0x50: {  	s25 =	sshrl.u32 s23, $0x3;
	[dreg:$0x17] =	wrdreg s0;
	s0 =	sadd.s32 s24, s2  }
0x51: {  	s5 =	smov.u32 s29;
	[dreg:$0x18] =	wrdreg s0;
	s0 =	sadd.s32 s24, s7  }
0x52: {  	s23 =	simm.s32 $0x12280;
	[dreg:$0x1a] =	wrdreg s0;
	s0 =	sadd.s32 s24, s8  }
0x53: {  	s7 =	sadd.s32 $0x60000, s29;
	[dreg:$0x1b] =	wrdreg s0;
	s0 =	sadd.s32 s24, s12  }
0x54: {  	s29 =	simm.s32 $0x2;
	[dreg:$0x1d] =	wrdreg s0;
	s0 =	sadd.s32 s24, s13  }
0x55: {  	s8 =	simm.s32 $0x3;
	[dreg:$0x1e] =	wrdreg s0;
	s0 =	sadd.s32 s24, s16  }
0x56: {  	s12 =	simm.s32 $0x4000;
	[smem:$0x7F8] =	sst s0;
	s0 =	sadd.s32 s24, s18  }
0x57: {  	s13 =	simm.s32 $0x80;
	[smem:$0x7F9] =	sst s0;
	s0 =	sadd.s32 s24, s22  }
0x58: {  	s16 =	simm.s32 $0x6D00;
	[smem:$0x7FB] =	sst s0;
	s0 =	sadd.s32 s24, s25  }
0x59: {  	s18 =	simm.s32 $0xB080;
	s22 =	simm.s32 $0x10C00;
	[smem:$0x7FC] =	sst s0  }
0x5a: {  	v0 =	vimm.f32 $0.0e+00;
	s24 =	simm.s32 $0x13900;
	s25 =	simm.s32 $0x14F80;
	_ =	strace $0x80000047  }
.LBB2_1:
0x5b: {  	s1 =	simm.s32 $0x4040  }
0x5c: {  	[tilespmem:s1+$0xFFFFFFC0] =	vst v0  }
0x5d: {  	[tilespmem:s1+$0x30] =	vst v0  }
0x5e: {  	[tilespmem:s1+$0x20] =	vst v0  }
0x5f: {  	[tilespmem:s1+$0x10] =	vst v0  }
0x60: {  	[tilespmem:s1+$0x0] =	vst v0  }
0x61: {  	[tilespmem:s1+$0xFFFFFFF0] =	vst v0  }
0x62: {  	s2 =	simm.s32 $0x0;
	[tilespmem:s1+$0xFFFFFFE0] =	vst v0  }
.LBB2_2:
0x63: {  	s2 =	sadd.s32 $0x8, s2;
	[tilespmem:s1+$0xFFFFFFD0] =	vst v0;
	s1 =	sadd.s32 $0x80, s1;
	s0 =	simm.s32 $0xDF40  }
0x64: {  	[tilespmem:s1+$0xFFFFFFC0] =	vst v0;
	p0 =	slt.u32 s2, $0x9E8  }
0x65: {  	[tilespmem:s1+$0x30] =	vst v0  }
.Ltmp0:
0x66: {  	[tilespmem:s1+$0x20] =	vst v0;
	(pc) =	sbr.rel @p0 .LBB2_2-.Ltmp0, $4  }
0x67: {  	[tilespmem:s1+$0x10] =	vst v0  }
0x68: {  	[tilespmem:s1+$0x0] =	vst v0  }
0x69: {  	[tilespmem:s1+$0xFFFFFFF0] =	vst v0  }
0x6a: {  	[tilespmem:s1+$0xFFFFFFE0] =	vst v0  }
0x6b: {  	[tilespmem:s1+$0xFFFFFFD0] =	vst v0  }
0x6c: {  	[tilespmem:s0+$0xFFFFFFC0] =	vst v0  }
0x6d: {  	[tilespmem:s0+$0x30] =	vst v0  }
0x6e: {  	[tilespmem:s0+$0x20] =	vst v0  }
0x6f: {  	[tilespmem:s0+$0x10] =	vst v0  }
0x70: {  	[tilespmem:s0+$0x0] =	vst v0  }
0x71: {  	[tilespmem:s0+$0xFFFFFFF0] =	vst v0  }
0x72: {  	s1 =	simm.s32 $0x0;
	[tilespmem:s0+$0xFFFFFFE0] =	vst v0  }
.LBB2_4:
0x73: {  	s1 =	sadd.s32 $0x8, s1;
	[tilespmem:s0+$0xFFFFFFD0] =	vst v0;
	s0 =	sadd.s32 $0x80, s0  }
0x74: {  	[tilespmem:s0+$0xFFFFFFC0] =	vst v0;
	p0 =	slt.u32 s1, $0x9E8  }
0x75: {  	[tilespmem:s0+$0x30] =	vst v0  }
.Ltmp1:
0x76: {  	[tilespmem:s0+$0x20] =	vst v0;
	(pc) =	sbr.rel @p0 .LBB2_4-.Ltmp1, $4  }
0x77: {  	[tilespmem:s0+$0x10] =	vst v0  }
0x78: {  	[tilespmem:s0+$0x0] =	vst v0  }
0x79: {  	[tilespmem:s0+$0xFFFFFFF0] =	vst v0  }
0x7a: {  	[tilespmem:s0+$0xFFFFFFE0] =	vst v0  }
0x7b: {  	[tilespmem:s0+$0xFFFFFFD0] =	vst v0;
	s3 =	rddreg [dreg:$0x4]  }
0x7c: {  	[tilespmem:s9], [sflag:$0x3] =	stream.linear.gather [hbm4b:s3+s9], $0x1000, $0x38;
	[tilespmem:$0x17E00] =	vst v63  }
0x7d: {  	_ =	swait.ge [sflag:s8], $0x1000  }
0x7e: {  	[sflag:s8] =	ssyncset.done $0x0  }
0x7f: {  	s4 =	rddreg [dreg:$0x5];
	[sflag:s8] =	ssyncadd.s32 $0xFFFFF000  }
0x80: {  	[tilespmem:s11], [sflag:$0x3] =	stream.linear.gather [hbm4b:s4+s9], $0x1000, $0x38;
	[tilespmem:$0x17E00] =	vst v63  }
0x81: {  	_ =	swait.ge [sflag:s8], $0x1000  }
0x82: {  	s0 =	simm.s32 $0xFFFFFFFC;
	s1 =	simm.s32 $0x2020;
	[sflag:s8] =	ssyncset.done $0x0  }
0x83: {  	s2 =	simm.s32 $0x1020;
	s31 =	simm.s32 $0x20;
	[sflag:s8] =	ssyncadd.s32 $0xFFFFF000  }
.LBB2_6:
0x84: {  	v1 =	vld [tilespmem:s31+$0xFFFFFFE0];
	_ =	sdelay $0x4  }
0x85: {  	v2 =	vmul.u32 $0x6667, v1;
	_ =	sdelay $0x1  }
0x86: {  	v2 =	vshra.s32 v2, $0x11  }
0x87: {  	v2 =	vand.u32 $0xFFFFFFE0, v2  }
0x88: {  	v1 =	vadd.s32 v2, v1  }
0x89: {  	v2 =	vld [tilespmem:s2+$0xFFFFFFE0];
	v1 =	vadd.s32 $0xC1, v1;
	_ =	sdelay $0x3  }
0x8a: {  	[tilespmem:s1+$0xFFFFFFE0] =	vst v1  }
0x8b: {  	[tilespmem:v1+s12+$0x0] =	vst.idx.msk $0xffff, v2  }
0x8c: {  	v1 =	vld [tilespmem:s31+$0xFFFFFFF0];
	_ =	sdelay $0x4  }
0x8d: {  	v2 =	vmul.u32 $0x6667, v1;
	_ =	sdelay $0x1  }
0x8e: {  	v2 =	vshra.s32 v2, $0x11  }
0x8f: {  	v2 =	vand.u32 $0xFFFFFFE0, v2  }
0x90: {  	v1 =	vadd.s32 v2, v1  }
0x91: {  	v2 =	vld [tilespmem:s2+$0xFFFFFFF0];
	v1 =	vadd.s32 $0xC1, v1;
	_ =	sdelay $0x3  }
0x92: {  	[tilespmem:s1+$0xFFFFFFF0] =	vst v1  }
0x93: {  	[tilespmem:v1+s12+$0x0] =	vst.idx.msk $0xffff, v2  }
0x94: {  	v1 =	vld [tilespmem:s31+$0x0];
	_ =	sdelay $0x4  }
0x95: {  	v2 =	vmul.u32 $0x6667, v1;
	_ =	sdelay $0x1  }
0x96: {  	v2 =	vshra.s32 v2, $0x11  }
0x97: {  	v2 =	vand.u32 $0xFFFFFFE0, v2  }
0x98: {  	v1 =	vadd.s32 v2, v1  }
0x99: {  	v2 =	vld [tilespmem:s2+$0x0];
	v1 =	vadd.s32 $0xC1, v1;
	_ =	sdelay $0x3  }
0x9a: {  	[tilespmem:s1+$0x0] =	vst v1  }
0x9b: {  	[tilespmem:v1+s12+$0x0] =	vst.idx.msk $0xffff, v2  }
0x9c: {  	v1 =	vld [tilespmem:s31+$0x10];
	_ =	sdelay $0x4  }
0x9d: {  	v2 =	vmul.u32 $0x6667, v1;
	_ =	sdelay $0x1  }
0x9e: {  	v2 =	vshra.s32 v2, $0x11  }
0x9f: {  	v2 =	vand.u32 $0xFFFFFFE0, v2  }
0xa0: {  	s0 =	sadd.s32 $0x4, s0;
	v1 =	vadd.s32 v2, v1  }
0xa1: {  	p0 =	slt.u32 s0, $0xFC;
	v2 =	vld [tilespmem:s2+$0x10];
	v1 =	vadd.s32 $0xC1, v1  }
.Ltmp2:
0xa2: {  	_ = 	snop;
	(pc) =	sbr.rel @p0 .LBB2_6-.Ltmp2, $3  }
0xa3: {  	_ =	sdelay $0x1  }
0xa4: {  	[tilespmem:s1+$0x10] =	vst v1  }
0xa5: {  	s31 =	sadd.s32 $0x40, s31;
	s2 =	sadd.s32 $0x40, s2;
	s1 =	sadd.s32 $0x40, s1;
	[tilespmem:v1+s12+$0x0] =	vst.idx.msk $0xffff, v2  }
0xa6: {  	[hbm4b:s5+s13] =	stream.strided.scatter [tilespmem:s12], [sflag:$0x1], $0x1800, s14, s13, $0x38;
	[tilespmem:$0x17E00] =	vst v63  }
0xa7: {  	s0 =	rddreg [dreg:$0xc]  }
0xa8: {  	[hbm4b:s0+s13] =	stream.strided.scatter [tilespmem:s15], [sflag:$0x1], $0x1800, s14, s13, $0x38;
	[tilespmem:$0x17E00] =	vst v63  }
0xa9: {  	s3 =	rddreg [dreg:$0xd]  }
0xaa: {  	[hbm4b:s3+s13] =	stream.strided.scatter [tilespmem:s16], [sflag:$0x1], $0x1800, s14, s13, $0x38;
	[tilespmem:$0x17E00] =	vst v63  }
0xab: {  	s4 =	rddreg [dreg:$0xe]  }
0xac: {  	[hbm4b:s4+s13] =	stream.strided.scatter [tilespmem:s10], [sflag:$0x1], $0x1800, s14, s13, $0x38;
	[tilespmem:$0x17E00] =	vst v63  }
0xad: {  	_ = 	snop  }
0xae: {  	[hbm4b:s7+s13] =	stream.strided.scatter [tilespmem:s17], [sflag:$0x1], $0x1800, s14, s13, $0x38;
	[tilespmem:$0x17E00] =	vst v63  }
0xaf: {  	s1 =	rddreg [dreg:$0xf]  }
0xb0: {  	[hbm4b:s1+s13] =	stream.strided.scatter [tilespmem:s18], [sflag:$0x1], $0x1800, s14, s13, $0x38;
	[tilespmem:$0x17E00] =	vst v63  }
0xb1: {  	s2 =	rddreg [dreg:$0x10]  }
0xb2: {  	[hbm4b:s2+s13] =	stream.strided.scatter [tilespmem:s19], [sflag:$0x1], $0x1800, s14, s13, $0x38;
	[tilespmem:$0x17E00] =	vst v63  }
0xb3: {  	s3 =	rddreg [dreg:$0x6]  }
0xb4: {  	[tilespmem:s9], [sflag:$0x3] =	stream.linear.gather [hbm4b:s3+s9], $0x1000, $0x38;
	[tilespmem:$0x17E00] =	vst v63  }
0xb5: {  	_ =	swait.ge [sflag:s8], $0x1000  }
0xb6: {  	[sflag:s8] =	ssyncset.done $0x0  }
0xb7: {  	s4 =	rddreg [dreg:$0x7];
	[sflag:s8] =	ssyncadd.s32 $0xFFFFF000  }
0xb8: {  	[tilespmem:s11], [sflag:$0x3] =	stream.linear.gather [hbm4b:s4+s9], $0x1000, $0x38;
	[tilespmem:$0x17E00] =	vst v63  }
0xb9: {  	_ =	swait.ge [sflag:s8], $0x1000  }
0xba: {  	s31 =	simm.s32 $0x20;
	s0 =	simm.s32 $0xFFFFFFFC;
	[sflag:s8] =	ssyncset.done $0x0  }
0xbb: {  	s1 =	simm.s32 $0x3020;
	s2 =	simm.s32 $0x1020;
	[sflag:s8] =	ssyncadd.s32 $0xFFFFF000  }
.LBB2_8:
0xbc: {  	v1 =	vld [tilespmem:s31+$0xFFFFFFE0];
	_ =	sdelay $0x4  }
0xbd: {  	v2 =	vmul.u32 $0x6667, v1;
	_ =	sdelay $0x1  }
0xbe: {  	v2 =	vshra.s32 v2, $0x11  }
0xbf: {  	v2 =	vand.u32 $0xFFFFFFE0, v2  }
0xc0: {  	v1 =	vadd.s32 v2, v1  }
0xc1: {  	v2 =	vld [tilespmem:s2+$0xFFFFFFE0];
	v1 =	vadd.s32 $0xC1, v1;
	_ =	sdelay $0x3  }
0xc2: {  	[tilespmem:s1+$0xFFFFFFE0] =	vst v1  }
0xc3: {  	[tilespmem:v1+s20+$0x0] =	vst.idx.msk $0xffff, v2  }
0xc4: {  	v1 =	vld [tilespmem:s31+$0xFFFFFFF0];
	_ =	sdelay $0x4  }
0xc5: {  	v2 =	vmul.u32 $0x6667, v1;
	_ =	sdelay $0x1  }
0xc6: {  	v2 =	vshra.s32 v2, $0x11  }
0xc7: {  	v2 =	vand.u32 $0xFFFFFFE0, v2  }
0xc8: {  	v1 =	vadd.s32 v2, v1  }
0xc9: {  	v2 =	vld [tilespmem:s2+$0xFFFFFFF0];
	v1 =	vadd.s32 $0xC1, v1;
	_ =	sdelay $0x3  }
0xca: {  	[tilespmem:s1+$0xFFFFFFF0] =	vst v1  }
0xcb: {  	[tilespmem:v1+s20+$0x0] =	vst.idx.msk $0xffff, v2  }
0xcc: {  	v1 =	vld [tilespmem:s31+$0x0];
	_ =	sdelay $0x4  }
0xcd: {  	v2 =	vmul.u32 $0x6667, v1;
	_ =	sdelay $0x1  }
0xce: {  	v2 =	vshra.s32 v2, $0x11  }
0xcf: {  	v2 =	vand.u32 $0xFFFFFFE0, v2  }
0xd0: {  	v1 =	vadd.s32 v2, v1  }
0xd1: {  	v2 =	vld [tilespmem:s2+$0x0];
	v1 =	vadd.s32 $0xC1, v1;
	_ =	sdelay $0x3  }
0xd2: {  	[tilespmem:s1+$0x0] =	vst v1  }
0xd3: {  	[tilespmem:v1+s20+$0x0] =	vst.idx.msk $0xffff, v2  }
0xd4: {  	v1 =	vld [tilespmem:s31+$0x10];
	_ =	sdelay $0x4  }
0xd5: {  	v2 =	vmul.u32 $0x6667, v1;
	_ =	sdelay $0x1  }
0xd6: {  	v2 =	vshra.s32 v2, $0x11  }
0xd7: {  	v2 =	vand.u32 $0xFFFFFFE0, v2  }
0xd8: {  	s0 =	sadd.s32 $0x4, s0;
	v1 =	vadd.s32 v2, v1  }
0xd9: {  	p0 =	slt.u32 s0, $0xFC;
	v2 =	vld [tilespmem:s2+$0x10];
	v1 =	vadd.s32 $0xC1, v1  }
.Ltmp3:
0xda: {  	_ = 	snop;
	(pc) =	sbr.rel @p0 .LBB2_8-.Ltmp3, $3  }
0xdb: {  	_ =	sdelay $0x1  }
0xdc: {  	[tilespmem:s1+$0x10] =	vst v1  }
0xdd: {  	s31 =	sadd.s32 $0x40, s31;
	s2 =	sadd.s32 $0x40, s2;
	s1 =	sadd.s32 $0x40, s1;
	[tilespmem:v1+s20+$0x0] =	vst.idx.msk $0xffff, v2  }
0xde: {  	s0 =	rddreg [dreg:$0x11]  }
0xdf: {  	[hbm4b:s0+s13] =	stream.strided.scatter [tilespmem:s20], [sflag:$0x2], $0x1800, s14, s13, $0x38;
	[tilespmem:$0x17E00] =	vst v63  }
0xe0: {  	s1 =	rddreg [dreg:$0x12]  }
0xe1: {  	[hbm4b:s1+s13] =	stream.strided.scatter [tilespmem:s21], [sflag:$0x2], $0x1800, s14, s13, $0x38;
	[tilespmem:$0x17E00] =	vst v63  }
0xe2: {  	s2 =	rddreg [dreg:$0x13]  }
0xe3: {  	[hbm4b:s2+s13] =	stream.strided.scatter [tilespmem:s22], [sflag:$0x2], $0x1800, s14, s13, $0x38;
	[tilespmem:$0x17E00] =	vst v63  }
0xe4: {  	s3 =	rddreg [dreg:$0x14]  }
0xe5: {  	[hbm4b:s3+s13] =	stream.strided.scatter [tilespmem:s23], [sflag:$0x2], $0x1800, s14, s13, $0x38;
	[tilespmem:$0x17E00] =	vst v63  }
0xe6: {  	s4 =	rddreg [dreg:$0x15]  }
0xe7: {  	[hbm4b:s4+s13] =	stream.strided.scatter [tilespmem:s24], [sflag:$0x2], $0x1800, s14, s13, $0x38;
	[tilespmem:$0x17E00] =	vst v63  }
0xe8: {  	s1 =	rddreg [dreg:$0x16]  }
0xe9: {  	[hbm4b:s1+s13] =	stream.strided.scatter [tilespmem:s25], [sflag:$0x2], $0x1800, s14, s13, $0x38;
	[tilespmem:$0x17E00] =	vst v63  }
0xea: {  	s2 =	rddreg [dreg:$0x17]  }
0xeb: {  	[hbm4b:s2+s13] =	stream.strided.scatter [tilespmem:s26], [sflag:$0x2], $0x1800, s14, s13, $0x38;
	[tilespmem:$0x17E00] =	vst v63  }
0xec: {  	s3 =	rddreg [dreg:$0x8]  }
0xed: {  	[tilespmem:s9], [sflag:$0x3] =	stream.linear.gather [hbm4b:s3+s9], $0x1000, $0x38;
	[tilespmem:$0x17E00] =	vst v63  }
0xee: {  	_ =	swait.ge [sflag:s8], $0x1000  }
0xef: {  	[sflag:s8] =	ssyncset.done $0x0  }
0xf0: {  	s4 =	rddreg [dreg:$0x9];
	[sflag:s8] =	ssyncadd.s32 $0xFFFFF000  }
0xf1: {  	[tilespmem:s11], [sflag:$0x3] =	stream.linear.gather [hbm4b:s4+s9], $0x1000, $0x38;
	[tilespmem:$0x17E00] =	vst v63  }
0xf2: {  	_ =	swait.ge [sflag:s8], $0x1000  }
0xf3: {  	[sflag:s8] =	ssyncset.done $0x0  }
0xf4: {  	[sflag:s8] =	ssyncadd.s32 $0xFFFFF000  }
0xf5: {  	_ =	swait.ge [sflag:s28], $0x1800  }
0xf6: {  	[sflag:s28] =	ssyncset.done $0x0  }
0xf7: {  	[sflag:s28] =	ssyncadd.s32 $0xFFFFE800  }
0xf8: {  	_ =	swait.ge [sflag:s28], $0x1800  }
0xf9: {  	[sflag:s28] =	ssyncset.done $0x0  }
0xfa: {  	[sflag:s28] =	ssyncadd.s32 $0xFFFFE800  }
0xfb: {  	_ =	swait.ge [sflag:s28], $0x1800  }
0xfc: {  	[sflag:s28] =	ssyncset.done $0x0  }
0xfd: {  	[sflag:s28] =	ssyncadd.s32 $0xFFFFE800  }
0xfe: {  	_ =	swait.ge [sflag:s28], $0x1800  }
0xff: {  	[sflag:s28] =	ssyncset.done $0x0  }
0x100: {  	[sflag:s28] =	ssyncadd.s32 $0xFFFFE800  }
0x101: {  	_ =	swait.ge [sflag:s28], $0x1800  }
0x102: {  	[sflag:s28] =	ssyncset.done $0x0  }
0x103: {  	[sflag:s28] =	ssyncadd.s32 $0xFFFFE800  }
0x104: {  	_ =	swait.ge [sflag:s28], $0x1800  }
0x105: {  	[sflag:s28] =	ssyncset.done $0x0  }
0x106: {  	[sflag:s28] =	ssyncadd.s32 $0xFFFFE800  }
0x107: {  	_ =	swait.ge [sflag:s28], $0x1800  }
0x108: {  	s31 =	simm.s32 $0xFFFFFFFC;
	s0 =	simm.s32 $0x2020;
	[sflag:s28] =	ssyncset.done $0x0  }
0x109: {  	s3 =	simm.s32 $0x2020;
	s4 =	simm.s32 $0xFFFFFFFC;
	[sflag:s28] =	ssyncadd.s32 $0xFFFFE800  }
.LBB2_10:
0x10a: {  	v1 =	vld [tilespmem:s3+$0xFFFFFFE0];
	_ =	sdelay $0x7  }
0x10b: {  	[tilespmem:v1+s12+$0x0] =	vst.idx.msk $0xffff, v0  }
0x10c: {  	v1 =	vld [tilespmem:s3+$0xFFFFFFF0];
	_ =	sdelay $0x7  }
0x10d: {  	[tilespmem:v1+s12+$0x0] =	vst.idx.msk $0xffff, v0  }
0x10e: {  	v1 =	vld [tilespmem:s3+$0x0];
	_ =	sdelay $0x7  }
0x10f: {  	[tilespmem:v1+s12+$0x0] =	vst.idx.msk $0xffff, v0  }
0x110: {  	v1 =	vld [tilespmem:s3+$0x10];
	_ =	sdelay $0x1  }
0x111: {  	s4 =	sadd.s32 $0x4, s4  }
0x112: {  	p0 =	slt.u32 s4, $0xFC  }
.Ltmp4:
0x113: {  	_ = 	snop;
	(pc) =	sbr.rel @p0 .LBB2_10-.Ltmp4, $2  }
0x114: {  	_ =	sdelay $0x2  }
0x115: {  	s1 =	simm.s32 $0x1020;
	s2 =	simm.s32 $0x20;
	s3 =	sadd.s32 $0x40, s3;
	[tilespmem:v1+s12+$0x0] =	vst.idx.msk $0xffff, v0  }
.LBB2_11:
0x116: {  	v1 =	vld [tilespmem:s2+$0xFFFFFFE0];
	_ =	sdelay $0x4  }
0x117: {  	v2 =	vmul.u32 $0x6667, v1;
	_ =	sdelay $0x1  }
0x118: {  	v2 =	vshra.s32 v2, $0x11  }
0x119: {  	v2 =	vand.u32 $0xFFFFFFE0, v2  }
0x11a: {  	v1 =	vadd.s32 v2, v1  }
0x11b: {  	v2 =	vld [tilespmem:s1+$0xFFFFFFE0];
	v1 =	vadd.s32 $0xC1, v1;
	_ =	sdelay $0x3  }
0x11c: {  	[tilespmem:s0+$0xFFFFFFE0] =	vst v1  }
0x11d: {  	[tilespmem:v1+s12+$0x0] =	vst.idx.msk $0xffff, v2  }
0x11e: {  	v1 =	vld [tilespmem:s2+$0xFFFFFFF0];
	_ =	sdelay $0x4  }
0x11f: {  	v2 =	vmul.u32 $0x6667, v1;
	_ =	sdelay $0x1  }
0x120: {  	v2 =	vshra.s32 v2, $0x11  }
0x121: {  	v2 =	vand.u32 $0xFFFFFFE0, v2  }
0x122: {  	v1 =	vadd.s32 v2, v1  }
0x123: {  	v2 =	vld [tilespmem:s1+$0xFFFFFFF0];
	v1 =	vadd.s32 $0xC1, v1;
	_ =	sdelay $0x3  }
0x124: {  	[tilespmem:s0+$0xFFFFFFF0] =	vst v1  }
0x125: {  	[tilespmem:v1+s12+$0x0] =	vst.idx.msk $0xffff, v2  }
0x126: {  	v1 =	vld [tilespmem:s2+$0x0];
	_ =	sdelay $0x4  }
0x127: {  	v2 =	vmul.u32 $0x6667, v1;
	_ =	sdelay $0x1  }
0x128: {  	v2 =	vshra.s32 v2, $0x11  }
0x129: {  	v2 =	vand.u32 $0xFFFFFFE0, v2  }
0x12a: {  	v1 =	vadd.s32 v2, v1  }
0x12b: {  	v2 =	vld [tilespmem:s1+$0x0];
	v1 =	vadd.s32 $0xC1, v1;
	_ =	sdelay $0x3  }
0x12c: {  	[tilespmem:s0+$0x0] =	vst v1  }
0x12d: {  	[tilespmem:v1+s12+$0x0] =	vst.idx.msk $0xffff, v2  }
0x12e: {  	v1 =	vld [tilespmem:s2+$0x10];
	_ =	sdelay $0x4  }
0x12f: {  	v2 =	vmul.u32 $0x6667, v1;
	_ =	sdelay $0x1  }
0x130: {  	v2 =	vshra.s32 v2, $0x11  }
0x131: {  	v2 =	vand.u32 $0xFFFFFFE0, v2  }
0x132: {  	s31 =	sadd.s32 $0x4, s31;
	v1 =	vadd.s32 v2, v1  }
0x133: {  	p0 =	slt.u32 s31, $0xFC;
	v2 =	vld [tilespmem:s1+$0x10];
	v1 =	vadd.s32 $0xC1, v1  }
.Ltmp5:
0x134: {  	_ = 	snop;
	(pc) =	sbr.rel @p0 .LBB2_11-.Ltmp5, $3  }
0x135: {  	_ =	sdelay $0x1  }
0x136: {  	[tilespmem:s0+$0x10] =	vst v1  }
0x137: {  	s2 =	sadd.s32 $0x40, s2;
	s1 =	sadd.s32 $0x40, s1;
	s0 =	sadd.s32 $0x40, s0;
	[tilespmem:v1+s12+$0x0] =	vst.idx.msk $0xffff, v2  }
0x138: {  	s0 =	rddreg [dreg:$0x18]  }
0x139: {  	[hbm4b:s0+s13] =	stream.strided.scatter [tilespmem:s12], [sflag:$0x1], $0x1800, s14, s13, $0x38;
	[tilespmem:$0x17E00] =	vst v63  }
0x13a: {  	s1 =	rddreg [dreg:$0x19]  }
0x13b: {  	[hbm4b:s1+s13] =	stream.strided.scatter [tilespmem:s15], [sflag:$0x1], $0x1800, s14, s13, $0x38;
	[tilespmem:$0x17E00] =	vst v63  }
0x13c: {  	s2 =	rddreg [dreg:$0x1a]  }
0x13d: {  	[hbm4b:s2+s13] =	stream.strided.scatter [tilespmem:s16], [sflag:$0x1], $0x1800, s14, s13, $0x38;
	[tilespmem:$0x17E00] =	vst v63  }
0x13e: {  	s3 =	rddreg [dreg:$0x1b]  }
0x13f: {  	[hbm4b:s3+s13] =	stream.strided.scatter [tilespmem:s10], [sflag:$0x1], $0x1800, s14, s13, $0x38;
	[tilespmem:$0x17E00] =	vst v63  }
0x140: {  	s4 =	rddreg [dreg:$0x1c]  }
0x141: {  	[hbm4b:s4+s13] =	stream.strided.scatter [tilespmem:s17], [sflag:$0x1], $0x1800, s14, s13, $0x38;
	[tilespmem:$0x17E00] =	vst v63  }
0x142: {  	s1 =	rddreg [dreg:$0x1d]  }
0x143: {  	[hbm4b:s1+s13] =	stream.strided.scatter [tilespmem:s18], [sflag:$0x1], $0x1800, s14, s13, $0x38;
	[tilespmem:$0x17E00] =	vst v63  }
0x144: {  	s2 =	rddreg [dreg:$0x1e]  }
0x145: {  	[hbm4b:s2+s13] =	stream.strided.scatter [tilespmem:s19], [sflag:$0x1], $0x1800, s14, s13, $0x38;
	[tilespmem:$0x17E00] =	vst v63  }
0x146: {  	s3 =	rddreg [dreg:$0xa]  }
0x147: {  	[tilespmem:s9], [sflag:$0x3] =	stream.linear.gather [hbm4b:s3+s9], $0x1000, $0x38;
	[tilespmem:$0x17E00] =	vst v63  }
0x148: {  	_ =	swait.ge [sflag:s8], $0x1000  }
0x149: {  	[sflag:s8] =	ssyncset.done $0x0  }
0x14a: {  	s4 =	rddreg [dreg:$0xb];
	[sflag:s8] =	ssyncadd.s32 $0xFFFFF000  }
0x14b: {  	[tilespmem:s11], [sflag:$0x3] =	stream.linear.gather [hbm4b:s4+s9], $0x1000, $0x38;
	[tilespmem:$0x17E00] =	vst v63  }
0x14c: {  	_ =	swait.ge [sflag:s8], $0x1000  }
0x14d: {  	[sflag:s8] =	ssyncset.done $0x0  }
0x14e: {  	[sflag:s8] =	ssyncadd.s32 $0xFFFFF000  }
0x14f: {  	_ =	swait.ge [sflag:s29], $0x1800  }
0x150: {  	[sflag:s29] =	ssyncset.done $0x0  }
0x151: {  	[sflag:s29] =	ssyncadd.s32 $0xFFFFE800  }
0x152: {  	_ =	swait.ge [sflag:s29], $0x1800  }
0x153: {  	[sflag:s29] =	ssyncset.done $0x0  }
0x154: {  	[sflag:s29] =	ssyncadd.s32 $0xFFFFE800  }
0x155: {  	_ =	swait.ge [sflag:s29], $0x1800  }
0x156: {  	[sflag:s29] =	ssyncset.done $0x0  }
0x157: {  	[sflag:s29] =	ssyncadd.s32 $0xFFFFE800  }
0x158: {  	_ =	swait.ge [sflag:s29], $0x1800  }
0x159: {  	[sflag:s29] =	ssyncset.done $0x0  }
0x15a: {  	[sflag:s29] =	ssyncadd.s32 $0xFFFFE800  }
0x15b: {  	_ =	swait.ge [sflag:s29], $0x1800  }
0x15c: {  	[sflag:s29] =	ssyncset.done $0x0  }
0x15d: {  	[sflag:s29] =	ssyncadd.s32 $0xFFFFE800  }
0x15e: {  	_ =	swait.ge [sflag:s29], $0x1800  }
0x15f: {  	[sflag:s29] =	ssyncset.done $0x0  }
0x160: {  	[sflag:s29] =	ssyncadd.s32 $0xFFFFE800  }
0x161: {  	_ =	swait.ge [sflag:s29], $0x1800  }
0x162: {  	s31 =	simm.s32 $0xFFFFFFFC;
	s0 =	simm.s32 $0x3020;
	[sflag:s29] =	ssyncset.done $0x0  }
0x163: {  	s3 =	simm.s32 $0x3020;
	s4 =	simm.s32 $0xFFFFFFFC;
	[sflag:s29] =	ssyncadd.s32 $0xFFFFE800  }
.LBB2_13:
0x164: {  	v1 =	vld [tilespmem:s3+$0xFFFFFFE0];
	_ =	sdelay $0x7  }
0x165: {  	[tilespmem:v1+s20+$0x0] =	vst.idx.msk $0xffff, v0  }
0x166: {  	v1 =	vld [tilespmem:s3+$0xFFFFFFF0];
	_ =	sdelay $0x7  }
0x167: {  	[tilespmem:v1+s20+$0x0] =	vst.idx.msk $0xffff, v0  }
0x168: {  	v1 =	vld [tilespmem:s3+$0x0];
	_ =	sdelay $0x7  }
0x169: {  	[tilespmem:v1+s20+$0x0] =	vst.idx.msk $0xffff, v0  }
0x16a: {  	v1 =	vld [tilespmem:s3+$0x10];
	_ =	sdelay $0x1  }
0x16b: {  	s4 =	sadd.s32 $0x4, s4  }
0x16c: {  	p0 =	slt.u32 s4, $0xFC  }
.Ltmp6:
0x16d: {  	_ = 	snop;
	(pc) =	sbr.rel @p0 .LBB2_13-.Ltmp6, $2  }
0x16e: {  	_ =	sdelay $0x2  }
0x16f: {  	s1 =	simm.s32 $0x1020;
	s2 =	simm.s32 $0x20;
	s3 =	sadd.s32 $0x40, s3;
	[tilespmem:v1+s20+$0x0] =	vst.idx.msk $0xffff, v0  }
.LBB2_14:
0x170: {  	v1 =	vld [tilespmem:s2+$0xFFFFFFE0];
	_ =	sdelay $0x4  }
0x171: {  	v2 =	vmul.u32 $0x6667, v1;
	_ =	sdelay $0x1  }
0x172: {  	v2 =	vshra.s32 v2, $0x11  }
0x173: {  	v2 =	vand.u32 $0xFFFFFFE0, v2  }
0x174: {  	v1 =	vadd.s32 v2, v1  }
0x175: {  	v2 =	vld [tilespmem:s1+$0xFFFFFFE0];
	v1 =	vadd.s32 $0xC1, v1;
	_ =	sdelay $0x3  }
0x176: {  	[tilespmem:s0+$0xFFFFFFE0] =	vst v1  }
0x177: {  	[tilespmem:v1+s20+$0x0] =	vst.idx.msk $0xffff, v2  }
0x178: {  	v1 =	vld [tilespmem:s2+$0xFFFFFFF0];
	_ =	sdelay $0x4  }
0x179: {  	v2 =	vmul.u32 $0x6667, v1;
	_ =	sdelay $0x1  }
0x17a: {  	v2 =	vshra.s32 v2, $0x11  }
0x17b: {  	v2 =	vand.u32 $0xFFFFFFE0, v2  }
0x17c: {  	v1 =	vadd.s32 v2, v1  }
0x17d: {  	v2 =	vld [tilespmem:s1+$0xFFFFFFF0];
	v1 =	vadd.s32 $0xC1, v1;
	_ =	sdelay $0x3  }
0x17e: {  	[tilespmem:s0+$0xFFFFFFF0] =	vst v1  }
0x17f: {  	[tilespmem:v1+s20+$0x0] =	vst.idx.msk $0xffff, v2  }
0x180: {  	v1 =	vld [tilespmem:s2+$0x0];
	_ =	sdelay $0x4  }
0x181: {  	v2 =	vmul.u32 $0x6667, v1;
	_ =	sdelay $0x1  }
0x182: {  	v2 =	vshra.s32 v2, $0x11  }
0x183: {  	v2 =	vand.u32 $0xFFFFFFE0, v2  }
0x184: {  	v1 =	vadd.s32 v2, v1  }
0x185: {  	v2 =	vld [tilespmem:s1+$0x0];
	v1 =	vadd.s32 $0xC1, v1;
	_ =	sdelay $0x3  }
0x186: {  	[tilespmem:s0+$0x0] =	vst v1  }
0x187: {  	[tilespmem:v1+s20+$0x0] =	vst.idx.msk $0xffff, v2  }
0x188: {  	v1 =	vld [tilespmem:s2+$0x10];
	_ =	sdelay $0x4  }
0x189: {  	v2 =	vmul.u32 $0x6667, v1;
	_ =	sdelay $0x1  }
0x18a: {  	v2 =	vshra.s32 v2, $0x11  }
0x18b: {  	v2 =	vand.u32 $0xFFFFFFE0, v2  }
0x18c: {  	s31 =	sadd.s32 $0x4, s31;
	v1 =	vadd.s32 v2, v1  }
0x18d: {  	p0 =	slt.u32 s31, $0xFC;
	v2 =	vld [tilespmem:s1+$0x10];
	v1 =	vadd.s32 $0xC1, v1  }
.Ltmp7:
0x18e: {  	_ = 	snop;
	(pc) =	sbr.rel @p0 .LBB2_14-.Ltmp7, $3  }
0x18f: {  	_ =	sdelay $0x1  }
0x190: {  	[tilespmem:s0+$0x10] =	vst v1  }
0x191: {  	s2 =	sadd.s32 $0x40, s2;
	s1 =	sadd.s32 $0x40, s1;
	s0 =	sadd.s32 $0x40, s0;
	[tilespmem:v1+s20+$0x0] =	vst.idx.msk $0xffff, v2  }
0x192: {  	s0 =	rddreg [dreg:$0x1f]  }
0x193: {  	s31 =	sld [smem:$0x7F8]  }
0x194: {  	[hbm4b:s0+s13] =	stream.strided.scatter [tilespmem:s20], [sflag:$0x2], $0x1800, s14, s13, $0x38;
	[tilespmem:$0x17E00] =	vst v63  }
0x195: {  	s1 =	sld [smem:$0x7F9]  }
0x196: {  	[hbm4b:s31+s13] =	stream.strided.scatter [tilespmem:s21], [sflag:$0x2], $0x1800, s14, s13, $0x38;
	[tilespmem:$0x17E00] =	vst v63  }
0x197: {  	s2 =	sld [smem:$0x7FA]  }
0x198: {  	[hbm4b:s1+s13] =	stream.strided.scatter [tilespmem:s22], [sflag:$0x2], $0x1800, s14, s13, $0x38;
	[tilespmem:$0x17E00] =	vst v63  }
0x199: {  	s3 =	sld [smem:$0x7FB]  }
0x19a: {  	[hbm4b:s2+s13] =	stream.strided.scatter [tilespmem:s23], [sflag:$0x2], $0x1800, s14, s13, $0x38;
	[tilespmem:$0x17E00] =	vst v63  }
0x19b: {  	s4 =	sld [smem:$0x7FC]  }
0x19c: {  	[hbm4b:s3+s13] =	stream.strided.scatter [tilespmem:s24], [sflag:$0x2], $0x1800, s14, s13, $0x38;
	[tilespmem:$0x17E00] =	vst v63  }
0x19d: {  	s31 =	sld [smem:$0x7FD]  }
0x19e: {  	[hbm4b:s4+s13] =	stream.strided.scatter [tilespmem:s25], [sflag:$0x2], $0x1800, s14, s13, $0x38;
	[tilespmem:$0x17E00] =	vst v63  }
0x19f: {  	_ = 	snop  }
0x1a0: {  	[hbm4b:s31+s13] =	stream.strided.scatter [tilespmem:s26], [sflag:$0x2], $0x1800, s14, s13, $0x38;
	[tilespmem:$0x17E00] =	vst v63  }
0x1a1: {  	_ =	swait.ge [sflag:s28], $0x1800  }
0x1a2: {  	[sflag:s28] =	ssyncset.done $0x0  }
0x1a3: {  	[sflag:s28] =	ssyncadd.s32 $0xFFFFE800  }
0x1a4: {  	_ =	swait.ge [sflag:s28], $0x1800  }
0x1a5: {  	[sflag:s28] =	ssyncset.done $0x0  }
0x1a6: {  	[sflag:s28] =	ssyncadd.s32 $0xFFFFE800  }
0x1a7: {  	_ =	swait.ge [sflag:s28], $0x1800  }
0x1a8: {  	[sflag:s28] =	ssyncset.done $0x0  }
0x1a9: {  	[sflag:s28] =	ssyncadd.s32 $0xFFFFE800  }
0x1aa: {  	_ =	swait.ge [sflag:s28], $0x1800  }
0x1ab: {  	[sflag:s28] =	ssyncset.done $0x0  }
0x1ac: {  	[sflag:s28] =	ssyncadd.s32 $0xFFFFE800  }
0x1ad: {  	_ =	swait.ge [sflag:s28], $0x1800  }
0x1ae: {  	[sflag:s28] =	ssyncset.done $0x0  }
0x1af: {  	[sflag:s28] =	ssyncadd.s32 $0xFFFFE800  }
0x1b0: {  	_ =	swait.ge [sflag:s28], $0x1800  }
0x1b1: {  	[sflag:s28] =	ssyncset.done $0x0  }
0x1b2: {  	[sflag:s28] =	ssyncadd.s32 $0xFFFFE800  }
0x1b3: {  	_ =	swait.ge [sflag:s28], $0x1800  }
0x1b4: {  	[sflag:s28] =	ssyncset.done $0x0  }
0x1b5: {  	[sflag:s28] =	ssyncadd.s32 $0xFFFFE800  }
0x1b6: {  	_ =	swait.ge [sflag:s29], $0x1800  }
0x1b7: {  	[sflag:s29] =	ssyncset.done $0x0  }
0x1b8: {  	[sflag:s29] =	ssyncadd.s32 $0xFFFFE800  }
0x1b9: {  	_ =	swait.ge [sflag:s29], $0x1800  }
0x1ba: {  	[sflag:s29] =	ssyncset.done $0x0  }
0x1bb: {  	[sflag:s29] =	ssyncadd.s32 $0xFFFFE800  }
0x1bc: {  	_ =	swait.ge [sflag:s29], $0x1800  }
0x1bd: {  	[sflag:s29] =	ssyncset.done $0x0  }
0x1be: {  	[sflag:s29] =	ssyncadd.s32 $0xFFFFE800  }
0x1bf: {  	_ =	swait.ge [sflag:s29], $0x1800  }
0x1c0: {  	[sflag:s29] =	ssyncset.done $0x0  }
0x1c1: {  	[sflag:s29] =	ssyncadd.s32 $0xFFFFE800  }
0x1c2: {  	_ =	swait.ge [sflag:s29], $0x1800  }
0x1c3: {  	[sflag:s29] =	ssyncset.done $0x0  }
0x1c4: {  	s30 =	sadd.s32 $0x1, s30;
	[sflag:s29] =	ssyncadd.s32 $0xFFFFE800  }
0x1c5: {  	p0 =	sne.s32 s30, s6;
	_ =	swait.ge [sflag:s29], $0x1800  }
.Ltmp8:
0x1c6: {  	[sflag:s29] =	ssyncset.done $0x0;
	(pc) =	sbr.rel @p0 .LBB2_1-.Ltmp8, $4  }
0x1c7: {  	[sflag:s29] =	ssyncadd.s32 $0xFFFFE800  }
0x1c8: {  	_ =	swait.ge [sflag:s29], $0x1800  }
0x1c9: {  	[sflag:s29] =	ssyncset.done $0x0  }
0x1ca: {  	[sflag:s29] =	ssyncadd.s32 $0xFFFFE800  }
0x1cb: {  	_ =	sfence.sel $0x180000  }
0x1cc: {  	[bflag:$0x0] =	sbarrier.arrive $0xFFFF  }
0x1cd: {  	_ =	strace $0x90000047  }
0x1ce: {  	s0 =	stileid.u32;
	[bflag:$0x2] =	sbarrier.arrive $0xFFFF  }
0x1cf: {  	p0 =	sne.s32 s0, $0x0;
	s0 =	rddreg [dreg:$0x3]  }
0x1d0: {  	s0 =	sadd.s32 @!p0 $0x100000, s0  }
0x1d1: {  	[sflag:s0] =	ssyncadd.tile.s32 @!p0 $0x1;
	_ =	shalt  }
.Lfunc_end2:
_tile_overlayer_lowered:
.L_overlay_start_2:
0x1d2: {  	(tag) =	ssettag $0x2  }
0x1d3: {  	s0 =	rddreg [dreg:$0x0];
	s2 =	stileid.u32  }
0x1d4: {  	s1 =	rddreg [dreg:$0x1];
	p0 =	sne.s32 s2, $0x0  }
0x1d5: {  	s3 =	rddreg [dreg:$0x2];
	[bflag:$0x3] =	sbarrier.arrive $0xFFFF;
	s2 =	simm.s32 @!p0 $0x1C03  }
0x1d6: {  	[timem:s3], [sflag:s2] =	dma.local @!p0 [hbm:s0], s1  }
0x1d7: {  	s0 =	simm.s32 @!p0 $0x3  }
0x1d8: {  	_ =	swait.ge @!p0 [sflag:s0], s1  }
0x1d9: {  	s1 =	ssub.s32 @!p0 $0x0, s1;
	[sflag:s0] =	ssyncset.done @!p0 $0x0  }
0x1da: {  	[sflag:s0] =	ssyncadd.s32 @!p0 s1  }
0x1db: {  	[bflag:$0x3] =	sbarrier.arrive $0xFFFF  }
0x1dc: {  	_ =	shalt  }

// kernel: kernel.9.cloned.1.call-start
scs
__scs_entry_jumppad:
0x0: {  	(pc) =	sbr.rel $0x88, $3  }
0x1: {  	(tag) =	ssettag $0x0;
	lr =	simm.s32 $0x1  }
0x2: {  	[smem:$0x3F9D] =	sst lr;
	_ =	strace $0xD0000000  }
0x3: {  	_ = 	snop  }
0x4: {  	_ = 	snop  }
0x5: {  	_ = 	snop  }
0x6: {  	_ = 	snop  }
0x7: {  	_ = 	snop  }
__scs_overlays_trampoline_lowered:
0x8: {  	[smem:$0x3FAC] =	sst s0  }
0x9: {  	[smem:$0x3FAD] =	sst s1  }
0xa: {  	[smem:$0x3FAE] =	sst s2  }
0xb: {  	[smem:$0x3FAF] =	sst s3  }
0xc: {  	[smem:$0x3FB0] =	sst s4  }
0xd: {  	[smem:$0x3FB1] =	sst s5  }
0xe: {  	[smem:$0x3FB2] =	sst s6  }
0xf: {  	[smem:$0x3FB3] =	sst s7  }
0x10: {  	[smem:$0x3FB4] =	sst s8  }
0x11: {  	[smem:$0x3FB5] =	sst s9;
	s0 =	simm.s32 @!p0 $0x0  }
0x12: {  	s1 =	sld [smem:$0x3F9B];
	s0 =	simm.s32 @p0 $0x1  }
0x13: {  	[smem:$0x3FB6] =	sst s0;
	s0 =	simm.s32 @!p1 $0x0  }
0x14: {  	s2 =	sld [smem:$0x3F9A];
	s0 =	simm.s32 @p1 $0x1  }
0x15: {  	[smem:$0x3FB7] =	sst s0;
	s0 =	simm.s32 @!p2 $0x0  }
0x16: {  	s3 =	sld [smem:$0x3FDB];
	s0 =	simm.s32 @p2 $0x1  }
0x17: {  	s4 =	simm.s32 $0x1BF5;
	[smem:$0x3FB9] =	sst s0  }
0x18: {  	s0 =	sld [smem:$0x3F9C];
	_ =	swait.ge [sflag:s4], $0x0  }
0x19: {  	s7 =	sld [smem:$0x3F9D]  }
0x1a: {  	s8 =	sadd.s32 $0xFFFFE003, lr  }
0x1b: {  	s9 =	sadd.s32 $0xFFFFFEF7, lr;
	s5 =	simm.s32 $0xFFFFFFFF;
	p2 =	slt.u32 s8, $0xFFFFF086  }
0x1c: {  	p1 =	slt.u32 s9, $0xF7A;
	s5 =	simm.s32 @!p2 $0x0  }
0x1d: {  	s5 =	simm.s32 @p1 $0x1;
	p0 =	seq.s32 s7, s2  }
0x1e: {  	s7 =	smul.u32 @!p0 $0xF7A, s2;
	p2 =	seq.s32 @!p0 s5, $0x0  }
0x1f: {  	s9 =	smul.u32 $0xF7A, s1;
	s8 =	simm.s32 @!p0 $0x1BF5;
	p2 =	por !p2, p0  }
0x20: {  	[sflag:s8] =	ssyncset.s32 @!p0 $0xFFFFF086;
	s6 =	sadd.s32 @!p0 s3, s7;
	s7 =	simm.s32 @!p0 $0x108  }
0x21: {  	s3 =	sadd.s32 s3, s9;
	s6 =	sadd.s32 @!p0 $0x88, s6;
	s7 =	simm.s32 @p2 $0x1082  }
0x22: {  	[simem:s7], [sflag:s8] =	dma.local @!p0 [hbm:s6], $0xF7A  }
0x23: {  	s9 =	sor.u32 $0xD0000000, s2;
	s6 =	simm.s32 $0x108;
	_ =	swait.ge @!p0 [sflag:s8], $0x0  }
0x24: {  	s3 =	sadd.s32 $0x88, s3;
	s6 =	simm.s32 @!p1 $0x1082;
	[sflag:s4] =	ssyncset.s32 $0xFFFFF086  }
0x25: {  	[simem:s6], [sflag:s4] =	dma.local [hbm:s3], $0xF7A  }
0x26: {  	[smem:$0x3F9D] =	sst s1;
	(tag) =	ssettag s2;
	_ =	strace s9  }
0x27: {  	s1 =	sld [smem:$0x3FAD]  }
0x28: {  	s2 =	sld [smem:$0x3FAE]  }
0x29: {  	s4 =	sld [smem:$0x3FB0]  }
0x2a: {  	p0 =	seq.s32 s5, $0x0;
	s5 =	sld [smem:$0x3FB1]  }
0x2b: {  	s6 =	sld [smem:$0x3FB2]  }
0x2c: {  	s7 =	sld [smem:$0x3FB3]  }
0x2d: {  	s3 =	simm.s32 $0x108;
	s8 =	sld [smem:$0x3FB4]  }
0x2e: {  	s3 =	simm.s32 @!p0 $0x1082;
	s9 =	sld [smem:$0x3FB5]  }
0x2f: {  	lr =	sadd.s32 s0, s3;
	s0 =	sld [smem:$0x3FAC]  }
0x30: {  	s3 =	sld [smem:$0x3FAF]  }
0x31: {  	[smem:$0x3FB8] =	sst s10  }
0x32: {  	s10 =	sld [smem:$0x3FB6];
	_ =	sdelay $0x3  }
0x33: {  	p0 =	seq.s32 s10, $0x1;
	s10 =	sld [smem:$0x3FB8];
	_ =	sdelay $0x3  }
0x34: {  	[smem:$0x3FB8] =	sst s10  }
0x35: {  	s10 =	sld [smem:$0x3FB7];
	_ =	sdelay $0x3  }
0x36: {  	p1 =	seq.s32 s10, $0x1;
	s10 =	sld [smem:$0x3FB8];
	_ =	sdelay $0x3  }
0x37: {  	[smem:$0x3FB8] =	sst s10  }
0x38: {  	s10 =	sld [smem:$0x3FB9]  }
0x39: {  	_ = 	snop;
	(pc) =	sbr.ind lr, $3  }
0x3a: {  	_ = 	snop  }
0x3b: {  	_ = 	snop  }
0x3c: {  	p2 =	seq.s32 s10, $0x1;
	s10 =	sld [smem:$0x3FB8]  }
0x3d: {  	_ =	shalt  }
0x3e: {  	_ =	shalt  }
0x3f: {  	_ =	shalt  }
0x40: {  	_ =	shalt  }
0x41: {  	_ =	shalt  }
0x42: {  	_ =	shalt  }
0x43: {  	_ =	shalt  }
0x44: {  	_ =	shalt  }
0x45: {  	_ =	shalt  }
0x46: {  	_ =	shalt  }
0x47: {  	_ =	shalt  }
0x48: {  	_ =	shalt  }
0x49: {  	_ =	shalt  }
0x4a: {  	_ =	shalt  }
0x4b: {  	_ =	shalt  }
0x4c: {  	_ =	shalt  }
0x4d: {  	_ =	shalt  }
0x4e: {  	_ =	shalt  }
0x4f: {  	_ =	shalt  }
0x50: {  	_ =	shalt  }
0x51: {  	_ =	shalt  }
0x52: {  	_ =	shalt  }
0x53: {  	_ =	shalt  }
0x54: {  	_ =	shalt  }
0x55: {  	_ =	shalt  }
0x56: {  	_ =	shalt  }
0x57: {  	_ =	shalt  }
0x58: {  	_ =	shalt  }
0x59: {  	_ =	shalt  }
0x5a: {  	_ =	shalt  }
0x5b: {  	_ =	shalt  }
0x5c: {  	_ =	shalt  }
0x5d: {  	_ =	shalt  }
0x5e: {  	_ =	shalt  }
0x5f: {  	_ =	shalt  }
0x60: {  	_ =	shalt  }
0x61: {  	_ =	shalt  }
0x62: {  	_ =	shalt  }
0x63: {  	_ =	shalt  }
0x64: {  	_ =	shalt  }
0x65: {  	_ =	shalt  }
0x66: {  	_ =	shalt  }
0x67: {  	_ =	shalt  }
0x68: {  	_ =	shalt  }
0x69: {  	_ =	shalt  }
0x6a: {  	_ =	shalt  }
0x6b: {  	_ =	shalt  }
0x6c: {  	_ =	shalt  }
0x6d: {  	_ =	shalt  }
0x6e: {  	_ =	shalt  }
0x6f: {  	_ =	shalt  }
0x70: {  	_ =	shalt  }
0x71: {  	_ =	shalt  }
0x72: {  	_ =	shalt  }
0x73: {  	_ =	shalt  }
0x74: {  	_ =	shalt  }
0x75: {  	_ =	shalt  }
0x76: {  	_ =	shalt  }
0x77: {  	_ =	shalt  }
0x78: {  	_ =	shalt  }
0x79: {  	_ =	shalt  }
0x7a: {  	_ =	shalt  }
0x7b: {  	_ =	shalt  }
0x7c: {  	_ =	shalt  }
0x7d: {  	_ =	shalt  }
0x7e: {  	_ =	shalt  }
0x7f: {  	_ =	shalt  }
0x80: {  	_ =	shalt  }
0x81: {  	_ =	shalt  }
0x82: {  	_ =	shalt  }
0x83: {  	_ =	shalt  }
0x84: {  	_ =	shalt  }
0x85: {  	_ =	shalt  }
0x86: {  	_ =	shalt  }
0x87: {  	_ =	shalt  }
.Lfunc_end0:
.L_simem_size_0:
called_computation.1_lowered:
.L_overlay_start_0:
0x88: {  	s2 =	sld [smem:$0x3FD9]  }
0x89: {  	s3 =	sld [smem:$0x3FFE];
	_ =	sdelay $0x1  }
0x8a: {  	s1 =	srdreg.scid  }
0x8b: {  	s0 =	sand.u32 $0x1, s1  }
0x8c: {  	s17 =	sshll.u32 s0, $0xA;
	s2 =	sadd.s32 s3, s2  }
0x8d: {  	s2 =	sadd.s32 s2, s17  }
0x8e: {  	[smem:$0x3FC4] =	sst s2  }
0x8f: {  	_ = 	snop  }
0x90: {  	s18 =	sld [smem:$0x3FC9]  }
0x91: {  	s4 =	sld [smem:$0x3FC8];
	(tm) =	ssettm $0x1  }
0x92: {  	s19 =	sld [smem:$0x3FFB];
	_ =	sdelay $0x3  }
0x93: {  	_ =	strace s19  }
0x94: {  	s2 =	sld [smem:$0x3FFC];
	_ =	sdelay $0x3  }
0x95: {  	_ =	strace s2  }
0x96: {  	s2 =	sld [smem:$0x3FFD];
	_ =	sdelay $0x3  }
0x97: {  	_ =	strace s2  }
0x98: {  	_ =	strace $0x8FFFFFFF  }
0x99: {  	s20 =	sld [smem:$0x3FDB];
	_ =	sdelay $0x1  }
0x9a: {  	s5 =	simm.s32 $_scs_section_size  }
0x9b: {  	s6 =	simm.s32 $_size__tile_overlayer_lowered;
	s7 =	simm.s32 $_tile_overlayer_lowered  }
0x9c: {  	s8 =	simm.s32 $0x1BFF;
	s21 =	sshll.u32 s7, $0x1;
	s5 =	sadd.s32 s5, s20  }
0x9d: {  	s22 =	simm.s32 $0x0;
	s6 =	sshll.u32 s6, $0x1;
	s7 =	sadd.s32 s21, s5  }
0x9e: {  	[timem:s22], [sflag:s8] =	dma.local [hbm:s7], s6  }
0x9f: {  	_ =	swait.ge [sflag:s8], s6  }
0xa0: {  	s6 =	ssub.s32 $0x0, s6;
	[sflag:s8] =	ssyncset.done $0x0  }
0xa1: {  	[sflag:s8] =	ssyncadd.s32 s6;
	_ =	sdelay $0x1  }
0xa2: {  	s23 =	simm.s32 $0x1B8B  }
0xa3: {  	_ =	swait.ge [sflag:s23], $0x1  }
0xa4: {  	[sflag:s23] =	ssyncset.done $0x0  }
0xa5: {  	[sflag:s23] =	ssyncadd.s32 $0xFFFFFFFF  }
0xa6: {  	s6 =	sld [smem:$0x0]  }
0xa7: {  	s7 =	sand.u32 $0xFFFFFFFE, s1  }
0xa8: {  	p0 =	sne.s32 s1, s7  }
0xa9: {  	s7 =	sshll.u32 @p0 s7, $0xE  }
0xaa: {  	s7 =	sadd.s32 @p0 $0x11B8D, s7;
	s8 =	sshll.u32 @p0 s6, $0x11  }
0xab: {  	s7 =	sor.u32 @p0 s8, s7  }
0xac: {  	[sflag:s7] =	ssyncadd.remote.s32 @p0 $0x1;
	_ =	sdelay $0x1  }
0xad: {  	s7 =	simm.s32 @p0 $0x1B8D  }
0xae: {  	_ =	swait.eq @p0 [sflag:s7], $0x1  }
0xaf: {  	[sflag:s7] =	ssyncadd.s32 @p0 $0xFFFFFFFF  }
0xb0: {  	s8 =	sshll.u32 @!p0 s1, $0xE  }
0xb1: {  	s8 =	sor.u32 @!p0 $0x4000, s8;
	s7 =	simm.s32 @!p0 $0x1B8D  }
0xb2: {  	s6 =	sshll.u32 @!p0 s6, $0x11;
	s8 =	sadd.s32 @!p0 $0x11B8D, s8;
	_ =	swait.eq @!p0 [sflag:s7], $0x1  }
0xb3: {  	s6 =	sor.u32 @!p0 s6, s8;
	[sflag:s7] =	ssyncadd.s32 @!p0 $0xFFFFFFFF  }
0xb4: {  	s25 =	simm.s32 $0x1B8E;
	s24 =	sld [smem:$0x3FFE];
	[sflag:s6] =	ssyncadd.remote.s32 @!p0 $0x1  }
0xb5: {  	s26 =	simm.s32 $execute0_lowered;
	[smem:$0x3FD2] =	sst s25  }
0xb6: {  	s7 =	sshll.u32 s26, $0x1;
	_ =	strace $0x80000049;
	[dreg:$0x1] =	wrdreg $0xFFFFFFFF  }
0xb7: {  	s28 =	simm.s32 $_size_execute0_lowered;
	s5 =	sadd.s32 s5, s7;
	[dreg:$0x0] =	wrdreg $0x0  }
0xb8: {  	s7 =	sshll.u32 s28, $0x1;
	[dreg:$0x2] =	wrdreg s5  }
0xb9: {  	[dreg:$0x3] =	wrdreg s7  }
0xba: {  	[dreg:$0x4] =	wrdreg $0xC0  }
0xbb: {  	_ =	task [dreg:s22], $0x5FFFF  }
0xbc: {  	[dreg:$0x1] =	wrdreg $0xFFFFFFFF  }
0xbd: {  	[dreg:$0x0] =	wrdreg $0x60  }
0xbe: {  	[dreg:$0x2] =	wrdreg s4  }
0xbf: {  	[dreg:$0x3] =	wrdreg s18  }
0xc0: {  	[dreg:$0x4] =	wrdreg s24  }
0xc1: {  	[dreg:$0x5] =	wrdreg $0xA  }
0xc2: {  	_ =	task.clear_ibuf [dreg:s22], $0x6FFFF;
	_ =	strace $0x90000049  }
0xc3: {  	s29 =	simm.s32 $0xA;
	_ =	strace $0x8000004B  }
0xc4: {  	_ =	swait.ge [sflag:s29], $0x1  }
0xc5: {  	[sflag:s29] =	ssyncadd.s32 $0xFFFFFFFF  }
0xc6: {  	_ =	strace $0x9000004B  }
0xc7: {  	_ =	sfence  }
0xc8: {  	s30 =	sld [smem:$0x0];
	_ =	sdelay $0x2  }
0xc9: {  	s31 =	sshll.u32 s1, $0xD;
	s1 =	sshrl.u32 s1, $0x2  }
0xca: {  	s4 =	sand.u32 $0x4000, s31;
	s1 =	sadd.s32 s1, s30  }
0xcb: {  	s0 =	sor.u32 s4, s0;
	s1 =	sshll.u32 s1, $0x11  }
0xcc: {  	s0 =	sor.u32 s1, s0  }
0xcd: {  	s0 =	sadd.s32 $0x8F2B, s0  }
0xce: {  	[sflag:s0] =	ssyncadd.remote.s32 $0x1  }
0xcf: {  	_ =	sfence.sel $0xFFFF  }
0xd0: {  	[dreg:$0x0] =	wrdreg $0xFFFFFFFF;
	(pc) =	sbr.abs _section_cstart, $3  }
0xd1: {  	[dreg:$0x1] =	wrdreg $0xFFFFFFFF  }
0xd2: {  	_ =	task.clear_ibuf [dreg:s22], $0x2FFFF;
	_ =	strace $0x9FFFFFFF  }
0xd3: {  	(tm) =	ssettm $0x7FFFFFFF  }
tec
execute0_lowered:
.L_overlay_start_1:
0x0: {  	(tag) =	ssettag $0x1  }
0x1: {  	s0 =	srdreg.scid  }
0x2: {  	s6 =	stileid.u32;
	s9 =	rddreg [dreg:$0x0]  }
0x3: {  	s10 =	rddreg [dreg:$0x1];
	s28 =	simm.s32 $0x16600;
	s29 =	simm.s32 $0x1  }
0x4: {  	s30 =	simm.s32 $0x2;
	s31 =	simm.s32 $0x0;
	s0 =	sand.u32 $0x1, s0  }
0x5: {  	s2 =	sshll.u32 s6, $0x3;
	s26 =	smul.u32 $0xC000, s6;
	s1 =	ssub.s32 $0x2, s0  }
0x6: {  	s3 =	sshll.u32 s0, $0x2;
	s12 =	sshll.u32 s0, $0x9;
	s4 =	sshrl.u32 s1, $0x1  }
0x7: {  	s5 =	sor.u32 s3, s2;
	s0 =	sor.u32 s12, s26;
	s3 =	ssub.s32 s1, s4  }
0x8: {  	s24 =	sor.u32 $0x80, s5;
	s11 =	sor.u32 $0x81, s5;
	s16 =	sor.u32 $0x101, s5  }
0x9: {  	s18 =	sor.u32 $0x181, s5;
	s21 =	sor.u32 $0x281, s5;
	s26 =	sor.u32 $0x182, s5  }
0xa: {  	s25 =	sshll.u32 s24, $0x9;
	s1 =	sshrl.u32 s24, $0x3;
	s7 =	sshll.u32 s11, $0x9  }
0xb: {  	s15 =	sshrl.u32 s11, $0x3;
	s6 =	sshll.u32 s11, $0x7;
	s17 =	sshrl.u32 s16, $0x3  }
0xc: {  	s19 =	sshrl.u32 s18, $0x3;
	s22 =	sshrl.u32 s21, $0x3;
	s8 =	sadd.s32 s9, s25  }
0xd: {  	s1 =	smul.u32 $0xC000, s1;
	s2 =	sadd.s32 s10, s25;
	[dreg:$0x4] =	wrdreg s8  }
0xe: {  	s13 =	sadd.s32 s9, s7;
	s14 =	sadd.s32 s10, s7;
	[dreg:$0x5] =	wrdreg s2  }
0xf: {  	s6 =	sand.u32 $0x280, s6;
	s7 =	smul.u32 $0xC000, s17;
	[dreg:$0x6] =	wrdreg s13  }
0x10: {  	s17 =	sor.u32 $0x82, s5;
	s25 =	sor.u32 $0x102, s5;
	[dreg:$0x7] =	wrdreg s14  }
0x11: {  	s2 =	sshll.u32 s16, $0x7;
	s8 =	sor.u32 $0x201, s5;
	s24 =	sshrl.u32 s17, $0x3  }
0x12: {  	s14 =	sshll.u32 s17, $0x7;
	s16 =	sor.u32 $0x202, s5;
	s4 =	sor.u32 s12, s1  }
0x13: {  	s1 =	smul.u32 $0xC000, s15;
	s2 =	sand.u32 $0x280, s2;
	s11 =	sshrl.u32 s8, $0x3  }
0x14: {  	s8 =	sshll.u32 s8, $0x7;
	s12 =	sor.u32 $0x301, s5;
	s15 =	sshrl.u32 s25, $0x3  }
0x15: {  	s14 =	sand.u32 $0x300, s14;
	s2 =	sor.u32 s2, s7;
	s7 =	smul.u32 $0xC000, s19  }
0x16: {  	s11 =	smul.u32 $0xC000, s11;
	s20 =	sand.u32 $0x280, s8;
	s8 =	sshll.u32 s21, $0x7  }
0x17: {  	s13 =	sshrl.u32 s12, $0x3;
	s12 =	sshll.u32 s12, $0x7;
	s15 =	smul.u32 $0xC000, s15  }
0x18: {  	s4 =	sshrl.u32 s4, $0x3;
	s1 =	sor.u32 s6, s1;
	s6 =	sshll.u32 s18, $0x7  }
0x19: {  	s8 =	sand.u32 $0x280, s8;
	s13 =	smul.u32 $0xC000, s13;
	s23 =	sand.u32 $0x280, s12  }
0x1a: {  	s12 =	smul.u32 $0xC000, s24;
	s18 =	sshrl.u32 s26, $0x3;
	s6 =	sand.u32 $0x280, s6  }
0x1b: {  	s6 =	sor.u32 s6, s7;
	s7 =	sor.u32 s20, s11;
	s11 =	smul.u32 $0xC000, s22  }
0x1c: {  	s1 =	sshrl.u32 s1, $0x3;
	s12 =	sor.u32 s14, s12;
	s14 =	sshll.u32 s26, $0x7  }
0x1d: {  	s8 =	sor.u32 s8, s11;
	s11 =	sor.u32 s23, s13;
	s13 =	sshll.u32 s25, $0x7  }
0x1e: {  	s20 =	sor.u32 $0x282, s5;
	s14 =	sand.u32 $0x300, s14;
	s13 =	sand.u32 $0x300, s13  }
0x1f: {  	s21 =	sshrl.u32 s20, $0x3;
	s23 =	sor.u32 $0x83, s5;
	s13 =	sor.u32 s13, s15  }
0x20: {  	s15 =	smul.u32 $0xC000, s18;
	s18 =	sshrl.u32 s16, $0x3;
	s16 =	sshll.u32 s16, $0x7  }
0x21: {  	s18 =	smul.u32 $0xC000, s18;
	s19 =	sand.u32 $0x300, s16;
	s16 =	sshll.u32 s20, $0x7  }
0x22: {  	s24 =	sshll.u32 s23, $0x9;
	s14 =	sor.u32 s14, s15;
	s16 =	sand.u32 $0x300, s16  }
0x23: {  	s15 =	sor.u32 s19, s18;
	s19 =	sor.u32 $0x302, s5;
	s18 =	smul.u32 $0xC000, s21  }
0x24: {  	s21 =	sshll.u32 s17, $0x9;
	s20 =	sshrl.u32 s19, $0x3;
	s19 =	sshll.u32 s19, $0x7  }
0x25: {  	s25 =	sadd.s32 s9, s21;
	s26 =	sadd.s32 s10, s21;
	s9 =	sadd.s32 s9, s24  }
0x26: {  	s10 =	sadd.s32 s10, s24;
	s21 =	sshll.u32 s23, $0x7;
	[dreg:$0x8] =	wrdreg s25  }
0x27: {  	s24 =	sor.u32 $0x183, s5;
	s20 =	smul.u32 $0xC000, s20;
	[dreg:$0x9] =	wrdreg s26  }
0x28: {  	s16 =	sor.u32 s16, s18;
	s22 =	sand.u32 $0x300, s19;
	[dreg:$0xa] =	wrdreg s9  }
0x29: {  	[dreg:$0xb] =	wrdreg s10;
	s18 =	sshrl.u32 s23, $0x3;
	s25 =	sshrl.u32 s24, $0x3  }
0x2a: {  	s9 =	smul.u32 $0xC000, s18;
	s17 =	sor.u32 s22, s20;
	s20 =	sor.u32 $0x103, s5  }
0x2b: {  	s26 =	sor.u32 $0x203, s5;
	s18 =	sand.u32 $0x380, s21;
	s22 =	sshrl.u32 s20, $0x3  }
0x2c: {  	s10 =	sshll.u32 s20, $0x7;
	s18 =	sor.u32 s18, s9;
	s9 =	smul.u32 $0xC000, s25  }
0x2d: {  	s20 =	sshll.u32 s26, $0x7;
	s19 =	smul.u32 $0xC000, s22;
	s23 =	sand.u32 $0x380, s10  }
0x2e: {  	s10 =	sshll.u32 s24, $0x7;
	s22 =	sshrl.u32 s26, $0x3;
	s24 =	sor.u32 $0x283, s5  }
0x2f: {  	s5 =	sor.u32 $0x303, s5;
	s10 =	sand.u32 $0x380, s10;
	s21 =	smul.u32 $0xC000, s22  }
0x30: {  	s25 =	sshrl.u32 s24, $0x3;
	s19 =	sor.u32 s23, s19;
	s22 =	sor.u32 s10, s9  }
0x31: {  	s23 =	sand.u32 $0x380, s20;
	s26 =	smul.u32 $0xC000, s25;
	s10 =	sshll.u32 s24, $0x7  }
0x32: {  	s9 =	simm.s32 $0x0;
	s24 =	rddreg [dreg:$0x2];
	s25 =	sshrl.u32 s0, $0x3  }
0x33: {  	s20 =	sor.u32 s23, s21;
	s23 =	sshrl.u32 s5, $0x3;
	s5 =	sshll.u32 s5, $0x7  }
0x34: {  	[smem:$0x7FF] =	sst s9;
	s10 =	sand.u32 $0x380, s10;
	s23 =	smul.u32 $0xC000, s23  }
0x35: {  	s5 =	sand.u32 $0x380, s5;
	s21 =	sor.u32 s10, s26;
	s20 =	sshrl.u32 s20, $0x3  }
0x36: {  	s21 =	sshrl.u32 s21, $0x3;
	s5 =	sor.u32 s5, s23;
	s23 =	sadd.s32 $0x1000, s24  }
0x37: {  	s24 =	sadd.s32 $0x180000, s0;
	s10 =	sadd.s32 s23, s25;
	s4 =	sadd.s32 s23, s4  }
0x38: {  	s24 =	sshrl.u32 s24, $0x3;
	s25 =	sadd.s32 $0x3C0000, s0;
	[dreg:$0xc] =	wrdreg s4  }
0x39: {  	s26 =	sadd.s32 s23, s24;
	s24 =	sadd.s32 $0x240000, s0;
	s0 =	sadd.s32 $0x480000, s0  }
0x3a: {  	[dreg:$0xd] =	wrdreg s26;
	s4 =	sshrl.u32 s24, $0x3;
	s26 =	sshrl.u32 s25, $0x3  }
0x3b: {  	s0 =	sshrl.u32 s0, $0x3;
	s24 =	sshrl.u32 s6, $0x3;
	s4 =	sadd.s32 s23, s4  }
0x3c: {  	s6 =	sshrl.u32 s12, $0x3;
	s0 =	sadd.s32 s23, s0;
	[dreg:$0xe] =	wrdreg s4  }
0x3d: {  	s12 =	sshrl.u32 s15, $0x3;
	s25 =	sadd.s32 s23, s24;
	[dreg:$0x10] =	wrdreg s0  }
0x3e: {  	s4 =	sadd.s32 s23, s26;
	s0 =	sadd.s32 s23, s1;
	[dreg:$0x13] =	wrdreg s25  }
0x3f: {  	s26 =	sshrl.u32 s7, $0x3;
	s1 =	sshrl.u32 s8, $0x3;
	s7 =	sshrl.u32 s13, $0x3  }
0x40: {  	s8 =	sshrl.u32 s14, $0x3;
	s13 =	sshrl.u32 s16, $0x3;
	[dreg:$0xf] =	wrdreg s4  }
0x41: {  	s14 =	sshrl.u32 s17, $0x3;
	s16 =	sshrl.u32 s18, $0x3;
	[dreg:$0x11] =	wrdreg s0  }
0x42: {  	s4 =	sshrl.u32 s2, $0x3;
	s2 =	sshrl.u32 s11, $0x3;
	s11 =	sadd.s32 s23, s8  }
0x43: {  	s18 =	sshrl.u32 s22, $0x3;
	s15 =	sadd.s32 s23, s14;
	[dreg:$0x19] =	wrdreg s11  }
0x44: {  	s17 =	sshrl.u32 s19, $0x3;
	s19 =	sadd.s32 s23, s18;
	[dreg:$0x1c] =	wrdreg s15  }
0x45: {  	s24 =	smax.u32 s3, $0x1;
	s0 =	sadd.s32 s23, s4;
	[dreg:$0x1f] =	wrdreg s19  }
0x46: {  	s22 =	sshrl.u32 s5, $0x3;
	s4 =	sadd.s32 s23, s2;
	[dreg:$0x12] =	wrdreg s0  }
0x47: {  	s25 =	sadd.s32 $0x60000, s10;
	s0 =	sadd.s32 s23, s26;
	[dreg:$0x16] =	wrdreg s4  }
0x48: {  	s8 =	simm.s32 $0x3;
	[dreg:$0x14] =	wrdreg s0;
	s0 =	sadd.s32 s23, s1  }
0x49: {  	s14 =	simm.s32 $0x400;
	[dreg:$0x15] =	wrdreg s0;
	s0 =	sadd.s32 s23, s6  }
0x4a: {  	s18 =	simm.s32 $0x9A00;
	[dreg:$0x17] =	wrdreg s0;
	s0 =	sadd.s32 s23, s7  }
0x4b: {  	s11 =	simm.s32 $0x1000;
	[dreg:$0x18] =	wrdreg s0;
	s0 =	sadd.s32 s23, s12  }
0x4c: {  	s15 =	simm.s32 $0x5680;
	[dreg:$0x1a] =	wrdreg s0;
	s0 =	sadd.s32 s23, s13  }
0x4d: {  	s19 =	simm.s32 $0xB080;
	[dreg:$0x1b] =	wrdreg s0;
	s0 =	sadd.s32 s23, s16  }
0x4e: {  	s26 =	sadd.s32 $0x10, s10;
	[dreg:$0x1d] =	wrdreg s0;
	s0 =	sadd.s32 s23, s17  }
0x4f: {  	s6 =	sadd.s32 $0x20, s10;
	[dreg:$0x1e] =	wrdreg s0;
	s0 =	sadd.s32 s23, s20  }
0x50: {  	s7 =	sadd.s32 $0x30, s10;
	[smem:$0x7F8] =	sst s0;
	s0 =	sadd.s32 s23, s21  }
0x51: {  	s12 =	simm.s32 $0x4000;
	s23 =	sadd.s32 s23, s22;
	[smem:$0x7F9] =	sst s0  }
0x52: {  	s13 =	simm.s32 $0x80;
	s16 =	simm.s32 $0x6D00;
	[smem:$0x7FA] =	sst s23  }
0x53: {  	s17 =	simm.s32 $0x8380;
	_ =	strace $0x8000004A;
	[smem:$0x7FB] =	sst s24  }
0x54: {  	s20 =	simm.s32 $0xC700;
	s21 =	simm.s32 $0xDF00;
	[smem:$0x7FC] =	sst s25  }
0x55: {  	s22 =	simm.s32 $0xF580;
	s23 =	simm.s32 $0x10C00;
	[smem:$0x7FD] =	sst s26  }
0x56: {  	v0 =	vimm.f32 $0.0e+00;
	s24 =	simm.s32 $0x12280;
	s25 =	simm.s32 $0x13900;
	s26 =	simm.s32 $0x14F80  }
.LBB2_1:
0x57: {  	s1 =	simm.s32 $0x4040  }
0x58: {  	[tilespmem:s1+$0xFFFFFFC0] =	vst v0  }
0x59: {  	[tilespmem:s1+$0x30] =	vst v0  }
0x5a: {  	[tilespmem:s1+$0x20] =	vst v0  }
0x5b: {  	[tilespmem:s1+$0x10] =	vst v0  }
0x5c: {  	[tilespmem:s1+$0x0] =	vst v0  }
0x5d: {  	[tilespmem:s1+$0xFFFFFFF0] =	vst v0  }
0x5e: {  	s2 =	simm.s32 $0x0;
	[tilespmem:s1+$0xFFFFFFE0] =	vst v0  }
.LBB2_2:
0x5f: {  	s2 =	sadd.s32 $0x8, s2;
	[tilespmem:s1+$0xFFFFFFD0] =	vst v0;
	s1 =	sadd.s32 $0x80, s1;
	s0 =	simm.s32 $0xDF40  }
0x60: {  	[tilespmem:s1+$0xFFFFFFC0] =	vst v0;
	p0 =	slt.u32 s2, $0x9E8  }
0x61: {  	[tilespmem:s1+$0x30] =	vst v0  }
.Ltmp0:
0x62: {  	[tilespmem:s1+$0x20] =	vst v0;
	(pc) =	sbr.rel @p0 .LBB2_2-.Ltmp0, $4  }
0x63: {  	[tilespmem:s1+$0x10] =	vst v0  }
0x64: {  	[tilespmem:s1+$0x0] =	vst v0  }
0x65: {  	[tilespmem:s1+$0xFFFFFFF0] =	vst v0  }
0x66: {  	[tilespmem:s1+$0xFFFFFFE0] =	vst v0  }
0x67: {  	[tilespmem:s1+$0xFFFFFFD0] =	vst v0  }
0x68: {  	[tilespmem:s0+$0xFFFFFFC0] =	vst v0  }
0x69: {  	[tilespmem:s0+$0x30] =	vst v0  }
0x6a: {  	[tilespmem:s0+$0x20] =	vst v0  }
0x6b: {  	[tilespmem:s0+$0x10] =	vst v0  }
0x6c: {  	[tilespmem:s0+$0x0] =	vst v0  }
0x6d: {  	[tilespmem:s0+$0xFFFFFFF0] =	vst v0  }
0x6e: {  	s1 =	simm.s32 $0x0;
	[tilespmem:s0+$0xFFFFFFE0] =	vst v0  }
.LBB2_4:
0x6f: {  	s1 =	sadd.s32 $0x8, s1;
	[tilespmem:s0+$0xFFFFFFD0] =	vst v0;
	s0 =	sadd.s32 $0x80, s0  }
0x70: {  	[tilespmem:s0+$0xFFFFFFC0] =	vst v0;
	p0 =	slt.u32 s1, $0x9E8  }
0x71: {  	[tilespmem:s0+$0x30] =	vst v0  }
.Ltmp1:
0x72: {  	[tilespmem:s0+$0x20] =	vst v0;
	(pc) =	sbr.rel @p0 .LBB2_4-.Ltmp1, $4  }
0x73: {  	[tilespmem:s0+$0x10] =	vst v0  }
0x74: {  	[tilespmem:s0+$0x0] =	vst v0  }
0x75: {  	[tilespmem:s0+$0xFFFFFFF0] =	vst v0  }
0x76: {  	[tilespmem:s0+$0xFFFFFFE0] =	vst v0  }
0x77: {  	[tilespmem:s0+$0xFFFFFFD0] =	vst v0;
	s4 =	rddreg [dreg:$0x4]  }
0x78: {  	[tilespmem:s9], [sflag:$0x3] =	stream.linear.gather [hbm4b:s4+s9], $0x1000, $0x38;
	[tilespmem:$0x17E00] =	vst v63  }
0x79: {  	_ =	swait.ge [sflag:s8], $0x1000  }
0x7a: {  	[sflag:s8] =	ssyncset.done $0x0  }
0x7b: {  	s5 =	rddreg [dreg:$0x5];
	[sflag:s8] =	ssyncadd.s32 $0xFFFFF000  }
0x7c: {  	[tilespmem:s11], [sflag:$0x3] =	stream.linear.gather [hbm4b:s5+s9], $0x1000, $0x38;
	[tilespmem:$0x17E00] =	vst v63  }
0x7d: {  	_ =	swait.ge [sflag:s8], $0x1000  }
0x7e: {  	s0 =	simm.s32 $0xFFFFFFFC;
	s1 =	simm.s32 $0x2020;
	[sflag:s8] =	ssyncset.done $0x0  }
0x7f: {  	s2 =	simm.s32 $0x1020;
	s3 =	simm.s32 $0x20;
	[sflag:s8] =	ssyncadd.s32 $0xFFFFF000  }
.LBB2_6:
0x80: {  	v1 =	vld [tilespmem:s3+$0xFFFFFFE0];
	_ =	sdelay $0x4  }
0x81: {  	v2 =	vmul.u32 $0x6667, v1;
	_ =	sdelay $0x1  }
0x82: {  	v2 =	vshra.s32 v2, $0x11  }
0x83: {  	v2 =	vand.u32 $0xFFFFFFE0, v2  }
0x84: {  	v1 =	vadd.s32 v2, v1  }
0x85: {  	v2 =	vld [tilespmem:s2+$0xFFFFFFE0];
	v1 =	vadd.s32 $0xC1, v1;
	_ =	sdelay $0x3  }
0x86: {  	[tilespmem:s1+$0xFFFFFFE0] =	vst v1  }
0x87: {  	[tilespmem:v1+s12+$0x0] =	vst.idx.msk $0xffff, v2  }
0x88: {  	v1 =	vld [tilespmem:s3+$0xFFFFFFF0];
	_ =	sdelay $0x4  }
0x89: {  	v2 =	vmul.u32 $0x6667, v1;
	_ =	sdelay $0x1  }
0x8a: {  	v2 =	vshra.s32 v2, $0x11  }
0x8b: {  	v2 =	vand.u32 $0xFFFFFFE0, v2  }
0x8c: {  	v1 =	vadd.s32 v2, v1  }
0x8d: {  	v2 =	vld [tilespmem:s2+$0xFFFFFFF0];
	v1 =	vadd.s32 $0xC1, v1;
	_ =	sdelay $0x3  }
0x8e: {  	[tilespmem:s1+$0xFFFFFFF0] =	vst v1  }
0x8f: {  	[tilespmem:v1+s12+$0x0] =	vst.idx.msk $0xffff, v2  }
0x90: {  	v1 =	vld [tilespmem:s3+$0x0];
	_ =	sdelay $0x4  }
0x91: {  	v2 =	vmul.u32 $0x6667, v1;
	_ =	sdelay $0x1  }
0x92: {  	v2 =	vshra.s32 v2, $0x11  }
0x93: {  	v2 =	vand.u32 $0xFFFFFFE0, v2  }
0x94: {  	v1 =	vadd.s32 v2, v1  }
0x95: {  	v2 =	vld [tilespmem:s2+$0x0];
	v1 =	vadd.s32 $0xC1, v1;
	_ =	sdelay $0x3  }
0x96: {  	[tilespmem:s1+$0x0] =	vst v1  }
0x97: {  	[tilespmem:v1+s12+$0x0] =	vst.idx.msk $0xffff, v2  }
0x98: {  	v1 =	vld [tilespmem:s3+$0x10];
	_ =	sdelay $0x4  }
0x99: {  	v2 =	vmul.u32 $0x6667, v1;
	_ =	sdelay $0x1  }
0x9a: {  	v2 =	vshra.s32 v2, $0x11  }
0x9b: {  	v2 =	vand.u32 $0xFFFFFFE0, v2  }
0x9c: {  	s0 =	sadd.s32 $0x4, s0;
	v1 =	vadd.s32 v2, v1  }
0x9d: {  	p0 =	slt.u32 s0, $0xFC;
	v2 =	vld [tilespmem:s2+$0x10];
	v1 =	vadd.s32 $0xC1, v1  }
.Ltmp2:
0x9e: {  	_ = 	snop;
	(pc) =	sbr.rel @p0 .LBB2_6-.Ltmp2, $3  }
0x9f: {  	_ =	sdelay $0x1  }
0xa0: {  	[tilespmem:s1+$0x10] =	vst v1  }
0xa1: {  	s3 =	sadd.s32 $0x40, s3;
	s2 =	sadd.s32 $0x40, s2;
	s1 =	sadd.s32 $0x40, s1;
	[tilespmem:v1+s12+$0x0] =	vst.idx.msk $0xffff, v2  }
0xa2: {  	[hbm4b:s10+s13] =	stream.strided.scatter [tilespmem:s12], [sflag:$0x1], $0x1800, s14, s13, $0x38;
	[tilespmem:$0x17E00] =	vst v63  }
0xa3: {  	s0 =	rddreg [dreg:$0xc]  }
0xa4: {  	s4 =	rddreg [dreg:$0xd]  }
0xa5: {  	[hbm4b:s0+s13] =	stream.strided.scatter [tilespmem:s15], [sflag:$0x1], $0x1800, s14, s13, $0x38;
	[tilespmem:$0x17E00] =	vst v63  }
0xa6: {  	s5 =	rddreg [dreg:$0xe]  }
0xa7: {  	[hbm4b:s4+s13] =	stream.strided.scatter [tilespmem:s16], [sflag:$0x1], $0x1800, s14, s13, $0x38;
	[tilespmem:$0x17E00] =	vst v63  }
0xa8: {  	s1 =	sld [smem:$0x7FC]  }
0xa9: {  	[hbm4b:s5+s13] =	stream.strided.scatter [tilespmem:s17], [sflag:$0x1], $0x1800, s14, s13, $0x38;
	[tilespmem:$0x17E00] =	vst v63  }
0xaa: {  	_ = 	snop  }
0xab: {  	[hbm4b:s1+s13] =	stream.strided.scatter [tilespmem:s18], [sflag:$0x1], $0x1800, s14, s13, $0x38;
	[tilespmem:$0x17E00] =	vst v63  }
0xac: {  	s2 =	rddreg [dreg:$0xf]  }
0xad: {  	[hbm4b:s2+s13] =	stream.strided.scatter [tilespmem:s19], [sflag:$0x1], $0x1800, s14, s13, $0x38;
	[tilespmem:$0x17E00] =	vst v63  }
0xae: {  	s3 =	rddreg [dreg:$0x10]  }
0xaf: {  	[hbm4b:s3+s13] =	stream.strided.scatter [tilespmem:s20], [sflag:$0x1], $0x1800, s14, s13, $0x38;
	[tilespmem:$0x17E00] =	vst v63  }
0xb0: {  	s4 =	rddreg [dreg:$0x6]  }
0xb1: {  	[tilespmem:s9], [sflag:$0x3] =	stream.linear.gather [hbm4b:s4+s9], $0x1000, $0x38;
	[tilespmem:$0x17E00] =	vst v63  }
0xb2: {  	_ =	swait.ge [sflag:s8], $0x1000  }
0xb3: {  	[sflag:s8] =	ssyncset.done $0x0  }
0xb4: {  	s5 =	rddreg [dreg:$0x7];
	[sflag:s8] =	ssyncadd.s32 $0xFFFFF000  }
0xb5: {  	[tilespmem:s11], [sflag:$0x3] =	stream.linear.gather [hbm4b:s5+s9], $0x1000, $0x38;
	[tilespmem:$0x17E00] =	vst v63  }
0xb6: {  	_ =	swait.ge [sflag:s8], $0x1000  }
0xb7: {  	s0 =	simm.s32 $0xFFFFFFFC;
	s1 =	simm.s32 $0x3020;
	[sflag:s8] =	ssyncset.done $0x0  }
0xb8: {  	s2 =	simm.s32 $0x1020;
	s3 =	simm.s32 $0x20;
	[sflag:s8] =	ssyncadd.s32 $0xFFFFF000  }
.LBB2_8:
0xb9: {  	v1 =	vld [tilespmem:s3+$0xFFFFFFE0];
	_ =	sdelay $0x4  }
0xba: {  	v2 =	vmul.u32 $0x6667, v1;
	_ =	sdelay $0x1  }
0xbb: {  	v2 =	vshra.s32 v2, $0x11  }
0xbc: {  	v2 =	vand.u32 $0xFFFFFFE0, v2  }
0xbd: {  	v1 =	vadd.s32 v2, v1  }
0xbe: {  	v2 =	vld [tilespmem:s2+$0xFFFFFFE0];
	v1 =	vadd.s32 $0xC1, v1;
	_ =	sdelay $0x3  }
0xbf: {  	[tilespmem:s1+$0xFFFFFFE0] =	vst v1  }
0xc0: {  	[tilespmem:v1+s21+$0x0] =	vst.idx.msk $0xffff, v2  }
0xc1: {  	v1 =	vld [tilespmem:s3+$0xFFFFFFF0];
	_ =	sdelay $0x4  }
0xc2: {  	v2 =	vmul.u32 $0x6667, v1;
	_ =	sdelay $0x1  }
0xc3: {  	v2 =	vshra.s32 v2, $0x11  }
0xc4: {  	v2 =	vand.u32 $0xFFFFFFE0, v2  }
0xc5: {  	v1 =	vadd.s32 v2, v1  }
0xc6: {  	v2 =	vld [tilespmem:s2+$0xFFFFFFF0];
	v1 =	vadd.s32 $0xC1, v1;
	_ =	sdelay $0x3  }
0xc7: {  	[tilespmem:s1+$0xFFFFFFF0] =	vst v1  }
0xc8: {  	[tilespmem:v1+s21+$0x0] =	vst.idx.msk $0xffff, v2  }
0xc9: {  	v1 =	vld [tilespmem:s3+$0x0];
	_ =	sdelay $0x4  }
0xca: {  	v2 =	vmul.u32 $0x6667, v1;
	_ =	sdelay $0x1  }
0xcb: {  	v2 =	vshra.s32 v2, $0x11  }
0xcc: {  	v2 =	vand.u32 $0xFFFFFFE0, v2  }
0xcd: {  	v1 =	vadd.s32 v2, v1  }
0xce: {  	v2 =	vld [tilespmem:s2+$0x0];
	v1 =	vadd.s32 $0xC1, v1;
	_ =	sdelay $0x3  }
0xcf: {  	[tilespmem:s1+$0x0] =	vst v1  }
0xd0: {  	[tilespmem:v1+s21+$0x0] =	vst.idx.msk $0xffff, v2  }
0xd1: {  	v1 =	vld [tilespmem:s3+$0x10];
	_ =	sdelay $0x4  }
0xd2: {  	v2 =	vmul.u32 $0x6667, v1;
	_ =	sdelay $0x1  }
0xd3: {  	v2 =	vshra.s32 v2, $0x11  }
0xd4: {  	v2 =	vand.u32 $0xFFFFFFE0, v2  }
0xd5: {  	s0 =	sadd.s32 $0x4, s0;
	v1 =	vadd.s32 v2, v1  }
0xd6: {  	p0 =	slt.u32 s0, $0xFC;
	v2 =	vld [tilespmem:s2+$0x10];
	v1 =	vadd.s32 $0xC1, v1  }
.Ltmp3:
0xd7: {  	_ = 	snop;
	(pc) =	sbr.rel @p0 .LBB2_8-.Ltmp3, $3  }
0xd8: {  	_ =	sdelay $0x1  }
0xd9: {  	[tilespmem:s1+$0x10] =	vst v1  }
0xda: {  	s3 =	sadd.s32 $0x40, s3;
	s2 =	sadd.s32 $0x40, s2;
	s1 =	sadd.s32 $0x40, s1;
	[tilespmem:v1+s21+$0x0] =	vst.idx.msk $0xffff, v2  }
0xdb: {  	s0 =	sld [smem:$0x7FD];
	_ =	sdelay $0x2  }
0xdc: {  	[hbm4b:s0+s13] =	stream.strided.scatter [tilespmem:s21], [sflag:$0x2], $0x1800, s14, s13, $0x38;
	[tilespmem:$0x17E00] =	vst v63  }
0xdd: {  	s3 =	rddreg [dreg:$0x11]  }
0xde: {  	[hbm4b:s3+s13] =	stream.strided.scatter [tilespmem:s22], [sflag:$0x2], $0x1800, s14, s13, $0x38;
	[tilespmem:$0x17E00] =	vst v63  }
0xdf: {  	s4 =	rddreg [dreg:$0x12]  }
0xe0: {  	[hbm4b:s4+s13] =	stream.strided.scatter [tilespmem:s23], [sflag:$0x2], $0x1800, s14, s13, $0x38;
	[tilespmem:$0x17E00] =	vst v63  }
0xe1: {  	s5 =	rddreg [dreg:$0x13]  }
0xe2: {  	[hbm4b:s5+s13] =	stream.strided.scatter [tilespmem:s24], [sflag:$0x2], $0x1800, s14, s13, $0x38;
	[tilespmem:$0x17E00] =	vst v63  }
0xe3: {  	s1 =	rddreg [dreg:$0x14]  }
0xe4: {  	[hbm4b:s1+s13] =	stream.strided.scatter [tilespmem:s25], [sflag:$0x2], $0x1800, s14, s13, $0x38;
	[tilespmem:$0x17E00] =	vst v63  }
0xe5: {  	s2 =	rddreg [dreg:$0x15]  }
0xe6: {  	[hbm4b:s2+s13] =	stream.strided.scatter [tilespmem:s26], [sflag:$0x2], $0x1800, s14, s13, $0x38;
	[tilespmem:$0x17E00] =	vst v63  }
0xe7: {  	s3 =	rddreg [dreg:$0x16]  }
0xe8: {  	[hbm4b:s3+s13] =	stream.strided.scatter [tilespmem:s28], [sflag:$0x2], $0x1800, s14, s13, $0x38;
	[tilespmem:$0x17E00] =	vst v63  }
0xe9: {  	s4 =	rddreg [dreg:$0x8]  }
0xea: {  	[tilespmem:s9], [sflag:$0x3] =	stream.linear.gather [hbm4b:s4+s9], $0x1000, $0x38;
	[tilespmem:$0x17E00] =	vst v63  }
0xeb: {  	_ =	swait.ge [sflag:s8], $0x1000  }
0xec: {  	[sflag:s8] =	ssyncset.done $0x0  }
0xed: {  	s5 =	rddreg [dreg:$0x9];
	[sflag:s8] =	ssyncadd.s32 $0xFFFFF000  }
0xee: {  	[tilespmem:s11], [sflag:$0x3] =	stream.linear.gather [hbm4b:s5+s9], $0x1000, $0x38;
	[tilespmem:$0x17E00] =	vst v63  }
0xef: {  	_ =	swait.ge [sflag:s8], $0x1000  }
0xf0: {  	[sflag:s8] =	ssyncset.done $0x0  }
0xf1: {  	[sflag:s8] =	ssyncadd.s32 $0xFFFFF000  }
0xf2: {  	_ =	swait.ge [sflag:s29], $0x1800  }
0xf3: {  	[sflag:s29] =	ssyncset.done $0x0  }
0xf4: {  	[sflag:s29] =	ssyncadd.s32 $0xFFFFE800  }
0xf5: {  	_ =	swait.ge [sflag:s29], $0x1800  }
0xf6: {  	[sflag:s29] =	ssyncset.done $0x0  }
0xf7: {  	[sflag:s29] =	ssyncadd.s32 $0xFFFFE800  }
0xf8: {  	_ =	swait.ge [sflag:s29], $0x1800  }
0xf9: {  	[sflag:s29] =	ssyncset.done $0x0  }
0xfa: {  	[sflag:s29] =	ssyncadd.s32 $0xFFFFE800  }
0xfb: {  	_ =	swait.ge [sflag:s29], $0x1800  }
0xfc: {  	[sflag:s29] =	ssyncset.done $0x0  }
0xfd: {  	[sflag:s29] =	ssyncadd.s32 $0xFFFFE800  }
0xfe: {  	_ =	swait.ge [sflag:s29], $0x1800  }
0xff: {  	[sflag:s29] =	ssyncset.done $0x0  }
0x100: {  	[sflag:s29] =	ssyncadd.s32 $0xFFFFE800  }
0x101: {  	_ =	swait.ge [sflag:s29], $0x1800  }
0x102: {  	[sflag:s29] =	ssyncset.done $0x0  }
0x103: {  	[sflag:s29] =	ssyncadd.s32 $0xFFFFE800  }
0x104: {  	_ =	swait.ge [sflag:s29], $0x1800  }
0x105: {  	s0 =	simm.s32 $0xFFFFFFFC;
	s1 =	simm.s32 $0x2020;
	[sflag:s29] =	ssyncset.done $0x0  }
0x106: {  	s4 =	simm.s32 $0x2020;
	s5 =	simm.s32 $0xFFFFFFFC;
	[sflag:s29] =	ssyncadd.s32 $0xFFFFE800  }
.LBB2_10:
0x107: {  	v1 =	vld [tilespmem:s4+$0xFFFFFFE0];
	_ =	sdelay $0x7  }
0x108: {  	[tilespmem:v1+s12+$0x0] =	vst.idx.msk $0xffff, v0  }
0x109: {  	v1 =	vld [tilespmem:s4+$0xFFFFFFF0];
	_ =	sdelay $0x7  }
0x10a: {  	[tilespmem:v1+s12+$0x0] =	vst.idx.msk $0xffff, v0  }
0x10b: {  	v1 =	vld [tilespmem:s4+$0x0];
	_ =	sdelay $0x7  }
0x10c: {  	[tilespmem:v1+s12+$0x0] =	vst.idx.msk $0xffff, v0  }
0x10d: {  	v1 =	vld [tilespmem:s4+$0x10];
	_ =	sdelay $0x1  }
0x10e: {  	s5 =	sadd.s32 $0x4, s5  }
0x10f: {  	p0 =	slt.u32 s5, $0xFC  }
.Ltmp4:
0x110: {  	_ = 	snop;
	(pc) =	sbr.rel @p0 .LBB2_10-.Ltmp4, $2  }
0x111: {  	_ =	sdelay $0x2  }
0x112: {  	s2 =	simm.s32 $0x1020;
	s3 =	simm.s32 $0x20;
	s4 =	sadd.s32 $0x40, s4;
	[tilespmem:v1+s12+$0x0] =	vst.idx.msk $0xffff, v0  }
.LBB2_11:
0x113: {  	v1 =	vld [tilespmem:s3+$0xFFFFFFE0];
	_ =	sdelay $0x4  }
0x114: {  	v2 =	vmul.u32 $0x6667, v1;
	_ =	sdelay $0x1  }
0x115: {  	v2 =	vshra.s32 v2, $0x11  }
0x116: {  	v2 =	vand.u32 $0xFFFFFFE0, v2  }
0x117: {  	v1 =	vadd.s32 v2, v1  }
0x118: {  	v2 =	vld [tilespmem:s2+$0xFFFFFFE0];
	v1 =	vadd.s32 $0xC1, v1;
	_ =	sdelay $0x3  }
0x119: {  	[tilespmem:s1+$0xFFFFFFE0] =	vst v1  }
0x11a: {  	[tilespmem:v1+s12+$0x0] =	vst.idx.msk $0xffff, v2  }
0x11b: {  	v1 =	vld [tilespmem:s3+$0xFFFFFFF0];
	_ =	sdelay $0x4  }
0x11c: {  	v2 =	vmul.u32 $0x6667, v1;
	_ =	sdelay $0x1  }
0x11d: {  	v2 =	vshra.s32 v2, $0x11  }
0x11e: {  	v2 =	vand.u32 $0xFFFFFFE0, v2  }
0x11f: {  	v1 =	vadd.s32 v2, v1  }
0x120: {  	v2 =	vld [tilespmem:s2+$0xFFFFFFF0];
	v1 =	vadd.s32 $0xC1, v1;
	_ =	sdelay $0x3  }
0x121: {  	[tilespmem:s1+$0xFFFFFFF0] =	vst v1  }
0x122: {  	[tilespmem:v1+s12+$0x0] =	vst.idx.msk $0xffff, v2  }
0x123: {  	v1 =	vld [tilespmem:s3+$0x0];
	_ =	sdelay $0x4  }
0x124: {  	v2 =	vmul.u32 $0x6667, v1;
	_ =	sdelay $0x1  }
0x125: {  	v2 =	vshra.s32 v2, $0x11  }
0x126: {  	v2 =	vand.u32 $0xFFFFFFE0, v2  }
0x127: {  	v1 =	vadd.s32 v2, v1  }
0x128: {  	v2 =	vld [tilespmem:s2+$0x0];
	v1 =	vadd.s32 $0xC1, v1;
	_ =	sdelay $0x3  }
0x129: {  	[tilespmem:s1+$0x0] =	vst v1  }
0x12a: {  	[tilespmem:v1+s12+$0x0] =	vst.idx.msk $0xffff, v2  }
0x12b: {  	v1 =	vld [tilespmem:s3+$0x10];
	_ =	sdelay $0x4  }
0x12c: {  	v2 =	vmul.u32 $0x6667, v1;
	_ =	sdelay $0x1  }
0x12d: {  	v2 =	vshra.s32 v2, $0x11  }
0x12e: {  	v2 =	vand.u32 $0xFFFFFFE0, v2  }
0x12f: {  	s0 =	sadd.s32 $0x4, s0;
	v1 =	vadd.s32 v2, v1  }
0x130: {  	p0 =	slt.u32 s0, $0xFC;
	v2 =	vld [tilespmem:s2+$0x10];
	v1 =	vadd.s32 $0xC1, v1  }
.Ltmp5:
0x131: {  	_ = 	snop;
	(pc) =	sbr.rel @p0 .LBB2_11-.Ltmp5, $3  }
0x132: {  	_ =	sdelay $0x1  }
0x133: {  	[tilespmem:s1+$0x10] =	vst v1  }
0x134: {  	s3 =	sadd.s32 $0x40, s3;
	s2 =	sadd.s32 $0x40, s2;
	s1 =	sadd.s32 $0x40, s1;
	[tilespmem:v1+s12+$0x0] =	vst.idx.msk $0xffff, v2  }
0x135: {  	[hbm4b:s6+s13] =	stream.strided.scatter [tilespmem:s12], [sflag:$0x1], $0x1800, s14, s13, $0x38;
	[tilespmem:$0x17E00] =	vst v63  }
0x136: {  	s0 =	rddreg [dreg:$0x17]  }
0x137: {  	[hbm4b:s0+s13] =	stream.strided.scatter [tilespmem:s15], [sflag:$0x1], $0x1800, s14, s13, $0x38;
	[tilespmem:$0x17E00] =	vst v63  }
0x138: {  	s4 =	rddreg [dreg:$0x18]  }
0x139: {  	[hbm4b:s4+s13] =	stream.strided.scatter [tilespmem:s16], [sflag:$0x1], $0x1800, s14, s13, $0x38;
	[tilespmem:$0x17E00] =	vst v63  }
0x13a: {  	s5 =	rddreg [dreg:$0x19]  }
0x13b: {  	[hbm4b:s5+s13] =	stream.strided.scatter [tilespmem:s17], [sflag:$0x1], $0x1800, s14, s13, $0x38;
	[tilespmem:$0x17E00] =	vst v63  }
0x13c: {  	s1 =	rddreg [dreg:$0x1a]  }
0x13d: {  	[hbm4b:s1+s13] =	stream.strided.scatter [tilespmem:s18], [sflag:$0x1], $0x1800, s14, s13, $0x38;
	[tilespmem:$0x17E00] =	vst v63  }
0x13e: {  	s2 =	rddreg [dreg:$0x1b]  }
0x13f: {  	[hbm4b:s2+s13] =	stream.strided.scatter [tilespmem:s19], [sflag:$0x1], $0x1800, s14, s13, $0x38;
	[tilespmem:$0x17E00] =	vst v63  }
0x140: {  	s3 =	rddreg [dreg:$0x1c]  }
0x141: {  	[hbm4b:s3+s13] =	stream.strided.scatter [tilespmem:s20], [sflag:$0x1], $0x1800, s14, s13, $0x38;
	[tilespmem:$0x17E00] =	vst v63  }
0x142: {  	s4 =	rddreg [dreg:$0xa]  }
0x143: {  	[tilespmem:s9], [sflag:$0x3] =	stream.linear.gather [hbm4b:s4+s9], $0x1000, $0x38;
	[tilespmem:$0x17E00] =	vst v63  }
0x144: {  	_ =	swait.ge [sflag:s8], $0x1000  }
0x145: {  	[sflag:s8] =	ssyncset.done $0x0  }
0x146: {  	s5 =	rddreg [dreg:$0xb];
	[sflag:s8] =	ssyncadd.s32 $0xFFFFF000  }
0x147: {  	[tilespmem:s11], [sflag:$0x3] =	stream.linear.gather [hbm4b:s5+s9], $0x1000, $0x38;
	[tilespmem:$0x17E00] =	vst v63  }
0x148: {  	_ =	swait.ge [sflag:s8], $0x1000  }
0x149: {  	[sflag:s8] =	ssyncset.done $0x0  }
0x14a: {  	[sflag:s8] =	ssyncadd.s32 $0xFFFFF000  }
0x14b: {  	_ =	swait.ge [sflag:s30], $0x1800  }
0x14c: {  	[sflag:s30] =	ssyncset.done $0x0  }
0x14d: {  	[sflag:s30] =	ssyncadd.s32 $0xFFFFE800  }
0x14e: {  	_ =	swait.ge [sflag:s30], $0x1800  }
0x14f: {  	[sflag:s30] =	ssyncset.done $0x0  }
0x150: {  	[sflag:s30] =	ssyncadd.s32 $0xFFFFE800  }
0x151: {  	_ =	swait.ge [sflag:s30], $0x1800  }
0x152: {  	[sflag:s30] =	ssyncset.done $0x0  }
0x153: {  	[sflag:s30] =	ssyncadd.s32 $0xFFFFE800  }
0x154: {  	_ =	swait.ge [sflag:s30], $0x1800  }
0x155: {  	[sflag:s30] =	ssyncset.done $0x0  }
0x156: {  	[sflag:s30] =	ssyncadd.s32 $0xFFFFE800  }
0x157: {  	_ =	swait.ge [sflag:s30], $0x1800  }
0x158: {  	[sflag:s30] =	ssyncset.done $0x0  }
0x159: {  	[sflag:s30] =	ssyncadd.s32 $0xFFFFE800  }
0x15a: {  	_ =	swait.ge [sflag:s30], $0x1800  }
0x15b: {  	[sflag:s30] =	ssyncset.done $0x0  }
0x15c: {  	[sflag:s30] =	ssyncadd.s32 $0xFFFFE800  }
0x15d: {  	_ =	swait.ge [sflag:s30], $0x1800  }
0x15e: {  	s0 =	simm.s32 $0xFFFFFFFC;
	s1 =	simm.s32 $0x3020;
	[sflag:s30] =	ssyncset.done $0x0  }
0x15f: {  	s4 =	simm.s32 $0x3020;
	s5 =	simm.s32 $0xFFFFFFFC;
	[sflag:s30] =	ssyncadd.s32 $0xFFFFE800  }
.LBB2_13:
0x160: {  	v1 =	vld [tilespmem:s4+$0xFFFFFFE0];
	_ =	sdelay $0x7  }
0x161: {  	[tilespmem:v1+s21+$0x0] =	vst.idx.msk $0xffff, v0  }
0x162: {  	v1 =	vld [tilespmem:s4+$0xFFFFFFF0];
	_ =	sdelay $0x7  }
0x163: {  	[tilespmem:v1+s21+$0x0] =	vst.idx.msk $0xffff, v0  }
0x164: {  	v1 =	vld [tilespmem:s4+$0x0];
	_ =	sdelay $0x7  }
0x165: {  	[tilespmem:v1+s21+$0x0] =	vst.idx.msk $0xffff, v0  }
0x166: {  	v1 =	vld [tilespmem:s4+$0x10];
	_ =	sdelay $0x1  }
0x167: {  	s5 =	sadd.s32 $0x4, s5  }
0x168: {  	p0 =	slt.u32 s5, $0xFC  }
.Ltmp6:
0x169: {  	_ = 	snop;
	(pc) =	sbr.rel @p0 .LBB2_13-.Ltmp6, $2  }
0x16a: {  	_ =	sdelay $0x2  }
0x16b: {  	s2 =	simm.s32 $0x1020;
	s3 =	simm.s32 $0x20;
	s4 =	sadd.s32 $0x40, s4;
	[tilespmem:v1+s21+$0x0] =	vst.idx.msk $0xffff, v0  }
.LBB2_14:
0x16c: {  	v1 =	vld [tilespmem:s3+$0xFFFFFFE0];
	_ =	sdelay $0x4  }
0x16d: {  	v2 =	vmul.u32 $0x6667, v1;
	_ =	sdelay $0x1  }
0x16e: {  	v2 =	vshra.s32 v2, $0x11  }
0x16f: {  	v2 =	vand.u32 $0xFFFFFFE0, v2  }
0x170: {  	v1 =	vadd.s32 v2, v1  }
0x171: {  	v2 =	vld [tilespmem:s2+$0xFFFFFFE0];
	v1 =	vadd.s32 $0xC1, v1;
	_ =	sdelay $0x3  }
0x172: {  	[tilespmem:s1+$0xFFFFFFE0] =	vst v1  }
0x173: {  	[tilespmem:v1+s21+$0x0] =	vst.idx.msk $0xffff, v2  }
0x174: {  	v1 =	vld [tilespmem:s3+$0xFFFFFFF0];
	_ =	sdelay $0x4  }
0x175: {  	v2 =	vmul.u32 $0x6667, v1;
	_ =	sdelay $0x1  }
0x176: {  	v2 =	vshra.s32 v2, $0x11  }
0x177: {  	v2 =	vand.u32 $0xFFFFFFE0, v2  }
0x178: {  	v1 =	vadd.s32 v2, v1  }
0x179: {  	v2 =	vld [tilespmem:s2+$0xFFFFFFF0];
	v1 =	vadd.s32 $0xC1, v1;
	_ =	sdelay $0x3  }
0x17a: {  	[tilespmem:s1+$0xFFFFFFF0] =	vst v1  }
0x17b: {  	[tilespmem:v1+s21+$0x0] =	vst.idx.msk $0xffff, v2  }
0x17c: {  	v1 =	vld [tilespmem:s3+$0x0];
	_ =	sdelay $0x4  }
0x17d: {  	v2 =	vmul.u32 $0x6667, v1;
	_ =	sdelay $0x1  }
0x17e: {  	v2 =	vshra.s32 v2, $0x11  }
0x17f: {  	v2 =	vand.u32 $0xFFFFFFE0, v2  }
0x180: {  	v1 =	vadd.s32 v2, v1  }
0x181: {  	v2 =	vld [tilespmem:s2+$0x0];
	v1 =	vadd.s32 $0xC1, v1;
	_ =	sdelay $0x3  }
0x182: {  	[tilespmem:s1+$0x0] =	vst v1  }
0x183: {  	[tilespmem:v1+s21+$0x0] =	vst.idx.msk $0xffff, v2  }
0x184: {  	v1 =	vld [tilespmem:s3+$0x10];
	_ =	sdelay $0x4  }
0x185: {  	v2 =	vmul.u32 $0x6667, v1;
	_ =	sdelay $0x1  }
0x186: {  	v2 =	vshra.s32 v2, $0x11  }
0x187: {  	v2 =	vand.u32 $0xFFFFFFE0, v2  }
0x188: {  	s0 =	sadd.s32 $0x4, s0;
	v1 =	vadd.s32 v2, v1  }
0x189: {  	p0 =	slt.u32 s0, $0xFC;
	v2 =	vld [tilespmem:s2+$0x10];
	v1 =	vadd.s32 $0xC1, v1  }
.Ltmp7:
0x18a: {  	_ = 	snop;
	(pc) =	sbr.rel @p0 .LBB2_14-.Ltmp7, $3  }
0x18b: {  	_ =	sdelay $0x1  }
0x18c: {  	[tilespmem:s1+$0x10] =	vst v1  }
0x18d: {  	s3 =	sadd.s32 $0x40, s3;
	s2 =	sadd.s32 $0x40, s2;
	s1 =	sadd.s32 $0x40, s1;
	[tilespmem:v1+s21+$0x0] =	vst.idx.msk $0xffff, v2  }
0x18e: {  	[hbm4b:s7+s13] =	stream.strided.scatter [tilespmem:s21], [sflag:$0x2], $0x1800, s14, s13, $0x38;
	[tilespmem:$0x17E00] =	vst v63  }
0x18f: {  	s0 =	rddreg [dreg:$0x1d]  }
0x190: {  	s5 =	rddreg [dreg:$0x1e]  }
0x191: {  	[hbm4b:s0+s13] =	stream.strided.scatter [tilespmem:s22], [sflag:$0x2], $0x1800, s14, s13, $0x38;
	[tilespmem:$0x17E00] =	vst v63  }
0x192: {  	s1 =	rddreg [dreg:$0x1f]  }
0x193: {  	[hbm4b:s5+s13] =	stream.strided.scatter [tilespmem:s23], [sflag:$0x2], $0x1800, s14, s13, $0x38;
	[tilespmem:$0x17E00] =	vst v63  }
0x194: {  	s2 =	sld [smem:$0x7F8]  }
0x195: {  	[hbm4b:s1+s13] =	stream.strided.scatter [tilespmem:s24], [sflag:$0x2], $0x1800, s14, s13, $0x38;
	[tilespmem:$0x17E00] =	vst v63  }
0x196: {  	s3 =	sld [smem:$0x7F9]  }
0x197: {  	[hbm4b:s2+s13] =	stream.strided.scatter [tilespmem:s25], [sflag:$0x2], $0x1800, s14, s13, $0x38;
	[tilespmem:$0x17E00] =	vst v63  }
0x198: {  	s4 =	sld [smem:$0x7FA]  }
0x199: {  	[hbm4b:s3+s13] =	stream.strided.scatter [tilespmem:s26], [sflag:$0x2], $0x1800, s14, s13, $0x38;
	[tilespmem:$0x17E00] =	vst v63  }
0x19a: {  	_ = 	snop  }
0x19b: {  	[hbm4b:s4+s13] =	stream.strided.scatter [tilespmem:s28], [sflag:$0x2], $0x1800, s14, s13, $0x38;
	[tilespmem:$0x17E00] =	vst v63  }
0x19c: {  	_ =	swait.ge [sflag:s29], $0x1800  }
0x19d: {  	[sflag:s29] =	ssyncset.done $0x0  }
0x19e: {  	[sflag:s29] =	ssyncadd.s32 $0xFFFFE800  }
0x19f: {  	_ =	swait.ge [sflag:s29], $0x1800  }
0x1a0: {  	[sflag:s29] =	ssyncset.done $0x0  }
0x1a1: {  	[sflag:s29] =	ssyncadd.s32 $0xFFFFE800  }
0x1a2: {  	_ =	swait.ge [sflag:s29], $0x1800  }
0x1a3: {  	[sflag:s29] =	ssyncset.done $0x0  }
0x1a4: {  	[sflag:s29] =	ssyncadd.s32 $0xFFFFE800  }
0x1a5: {  	_ =	swait.ge [sflag:s29], $0x1800  }
0x1a6: {  	[sflag:s29] =	ssyncset.done $0x0  }
0x1a7: {  	[sflag:s29] =	ssyncadd.s32 $0xFFFFE800  }
0x1a8: {  	_ =	swait.ge [sflag:s29], $0x1800  }
0x1a9: {  	[sflag:s29] =	ssyncset.done $0x0  }
0x1aa: {  	[sflag:s29] =	ssyncadd.s32 $0xFFFFE800  }
0x1ab: {  	_ =	swait.ge [sflag:s29], $0x1800  }
0x1ac: {  	[sflag:s29] =	ssyncset.done $0x0  }
0x1ad: {  	[sflag:s29] =	ssyncadd.s32 $0xFFFFE800  }
0x1ae: {  	_ =	swait.ge [sflag:s29], $0x1800  }
0x1af: {  	[sflag:s29] =	ssyncset.done $0x0  }
0x1b0: {  	[sflag:s29] =	ssyncadd.s32 $0xFFFFE800  }
0x1b1: {  	_ =	swait.ge [sflag:s30], $0x1800  }
0x1b2: {  	[sflag:s30] =	ssyncset.done $0x0  }
0x1b3: {  	[sflag:s30] =	ssyncadd.s32 $0xFFFFE800  }
0x1b4: {  	_ =	swait.ge [sflag:s30], $0x1800  }
0x1b5: {  	[sflag:s30] =	ssyncset.done $0x0  }
0x1b6: {  	[sflag:s30] =	ssyncadd.s32 $0xFFFFE800  }
0x1b7: {  	_ =	swait.ge [sflag:s30], $0x1800  }
0x1b8: {  	[sflag:s30] =	ssyncset.done $0x0  }
0x1b9: {  	[sflag:s30] =	ssyncadd.s32 $0xFFFFE800  }
0x1ba: {  	_ =	swait.ge [sflag:s30], $0x1800  }
0x1bb: {  	[sflag:s30] =	ssyncset.done $0x0  }
0x1bc: {  	[sflag:s30] =	ssyncadd.s32 $0xFFFFE800  }
0x1bd: {  	_ =	swait.ge [sflag:s30], $0x1800  }
0x1be: {  	[sflag:s30] =	ssyncset.done $0x0  }
0x1bf: {  	[sflag:s30] =	ssyncadd.s32 $0xFFFFE800  }
0x1c0: {  	_ =	swait.ge [sflag:s30], $0x1800  }
0x1c1: {  	[sflag:s30] =	ssyncset.done $0x0  }
0x1c2: {  	[sflag:s30] =	ssyncadd.s32 $0xFFFFE800  }
0x1c3: {  	_ =	swait.ge [sflag:s30], $0x1800  }
0x1c4: {  	s5 =	sld [smem:$0x7FB];
	_ =	sdelay $0x1  }
0x1c5: {  	s31 =	sadd.s32 $0x1, s31  }
0x1c6: {  	p0 =	sne.s32 s31, s5  }
.Ltmp8:
0x1c7: {  	_ = 	snop;
	(pc) =	sbr.rel @p0 .LBB2_1-.Ltmp8, $3  }
0x1c8: {  	_ =	sdelay $0x1  }
0x1c9: {  	[sflag:s30] =	ssyncset.done $0x0  }
0x1ca: {  	[sflag:s30] =	ssyncadd.s32 $0xFFFFE800  }
0x1cb: {  	_ =	sfence.sel $0x180000  }
0x1cc: {  	[bflag:$0x0] =	sbarrier.arrive $0xFFFF  }
0x1cd: {  	_ =	strace $0x9000004A  }
0x1ce: {  	s0 =	stileid.u32;
	[bflag:$0x2] =	sbarrier.arrive $0xFFFF  }
0x1cf: {  	p0 =	sne.s32 s0, $0x0;
	s0 =	rddreg [dreg:$0x3]  }
0x1d0: {  	s0 =	sadd.s32 @!p0 $0x100000, s0  }
0x1d1: {  	[sflag:s0] =	ssyncadd.tile.s32 @!p0 $0x1;
	_ =	shalt  }
.Lfunc_end2:
_tile_overlayer_lowered:
.L_overlay_start_2:
0x1d2: {  	(tag) =	ssettag $0x2  }
0x1d3: {  	s0 =	rddreg [dreg:$0x0];
	s2 =	stileid.u32  }
0x1d4: {  	s1 =	rddreg [dreg:$0x1];
	p0 =	sne.s32 s2, $0x0  }
0x1d5: {  	s3 =	rddreg [dreg:$0x2];
	[bflag:$0x3] =	sbarrier.arrive $0xFFFF;
	s2 =	simm.s32 @!p0 $0x1C03  }
0x1d6: {  	[timem:s3], [sflag:s2] =	dma.local @!p0 [hbm:s0], s1  }
0x1d7: {  	s0 =	simm.s32 @!p0 $0x3  }
0x1d8: {  	_ =	swait.ge @!p0 [sflag:s0], s1  }
0x1d9: {  	s1 =	ssub.s32 @!p0 $0x0, s1;
	[sflag:s0] =	ssyncset.done @!p0 $0x0  }
0x1da: {  	[sflag:s0] =	ssyncadd.s32 @!p0 s1  }
0x1db: {  	[bflag:$0x3] =	sbarrier.arrive $0xFFFF  }
0x1dc: {  	_ =	shalt  }

</sc_bundles>
